<compile_context>
chip_gen: v7x
topology: tpu7x:2x2x1
jax: 0.10.2.dev20260603
libtpu: 0.0.44.dev20260713+nightly
codegen_flags: <defaults>
</compile_context>

<pallas_src>
import functools

import jax
import jax.numpy as jnp
from jax import lax
from jax.experimental import pallas as pl
from jax.experimental.pallas import tpu as pltpu
from jax.experimental.pallas import tpu_sc as plsc

N = 10000
D = 128
O_DIM = 40
E = 320000
NW = 32
EPB = 128
NBREAL = E // EPB
AW = -(-NBREAL // NW)
NB = 84
NP = 10000
RPT = 632
RPT_LAST = NP - 15 * RPT
BLK = 1000
GRID = N // BLK

def _dot(a, b):
    return jnp.dot(a, b, preferred_element_type=jnp.float32)


def _sc_mesh():
    return plsc.VectorSubcoreMesh(core_axis_name="c", subcore_axis_name="s",
                                  num_cores=2, num_subcores=16)


def _zero_slice(zeros, accum, s):
    @pl.when(s < 15)
    def _():
        pltpu.sync_copy(zeros.at[pl.ds(s * RPT, RPT)],
                        accum.at[pl.ds(s * RPT, RPT)])

    @pl.when(s == 15)
    def _():
        pltpu.sync_copy(zeros.at[pl.ds(15 * RPT, RPT_LAST)],
                        accum.at[pl.ds(15 * RPT, RPT_LAST)])


def _drain_slice(accum, out, c, s):
    @pl.when(s < 15)
    def _():
        pltpu.sync_copy(accum.at[pl.ds(s * RPT, RPT)],
                        out.at[c, pl.ds(s * RPT, RPT)])

    @pl.when(s == 15)
    def _():
        pltpu.sync_copy(accum.at[pl.ds(15 * RPT, RPT_LAST)],
                        out.at[c, pl.ds(15 * RPT, RPT_LAST)])


@functools.lru_cache(maxsize=None)
def _make_seg_scatter():

    @functools.partial(
        pl.kernel,
        out_type=jax.ShapeDtypeStruct((2, NP, D), jnp.float32),
        mesh=_sc_mesh(),
        scratch_types=[
            pltpu.VMEM((6, 2, EPB), jnp.int32),
            pltpu.VMEM((3, EPB, D), jnp.float32),
            pltpu.VMEM_SHARED((NP, D), jnp.float32),
            pltpu.SemaphoreType.DMA((6,)),
            pltpu.SemaphoreType.DMA((6,)),
            pltpu.SemaphoreType.DMA((3,)),
            pltpu.SemaphoreType.DMA((3,)),
        ],
        compiler_params=pltpu.CompilerParams(use_tc_tiling_on_sc=False),
    )
    def seg(table, eidx, zeros, out, ib, rows, accum, isems, isemd, gsem,
            ssem):
        c = lax.axis_index("c")
        s = lax.axis_index("s")
        wid = c * 16 + s
        fb0 = wid * AW
        lim = jnp.minimum(AW, NBREAL - fb0)

        def i_issue(k, m):
            pltpu.async_copy(eidx.at[0, fb0 + k], ib.at[m, 0], isems.at[m])
            pltpu.async_copy(eidx.at[1, fb0 + k], ib.at[m, 1], isemd.at[m])

        def i_wait(k, m):
            pltpu.make_async_copy(eidx.at[0, fb0 + k], ib.at[m, 0],
                                  isems.at[m]).wait()
            pltpu.make_async_copy(eidx.at[1, fb0 + k], ib.at[m, 1],
                                  isemd.at[m]).wait()

        def g_issue(m, r):
            pltpu.async_copy(table.at[ib.at[m, 0]], rows.at[r], gsem.at[r])

        def g_wait(m, r):
            pltpu.make_async_copy(table.at[ib.at[m, 0]], rows.at[r],
                                  gsem.at[r]).wait()

        def s_issue(m, r):
            pltpu.async_copy(rows.at[r], accum.at[ib.at[m, 1]], ssem.at[r],
                             add=True)

        def s_wait(m, r):
            pltpu.make_async_copy(rows.at[r], accum.at[ib.at[m, 1]],
                                  ssem.at[r]).wait()

        for m in range(5):
            @pl.when(m < lim)
            def _():
                i_issue(m, m)
        for m in range(2):
            @pl.when(m < lim)
            def _():
                i_wait(m, m)
                g_issue(m, m)
        _zero_slice(zeros, accum, s)
        plsc.subcore_barrier()

        @pl.loop(0, NB, step=6)
        def _(j):
            for b in range(6):
                k = j + b

                @pl.when(k < lim)
                def _():
                    g_wait(b, b % 3)
                    s_issue(b, b % 3)

                @pl.when((k >= 1) & (k - 1 < lim))
                def _():
                    s_wait((b - 1) % 6, (b - 1) % 3)

                @pl.when(k + 2 < lim)
                def _():
                    i_wait(k + 2, (b + 2) % 6)
                    g_issue((b + 2) % 6, (b + 2) % 3)

                @pl.when(k + 5 < lim)
                def _():
                    i_issue(k + 5, (b + 5) % 6)

        plsc.subcore_barrier()
        _drain_slice(accum, out, c, s)

    return seg


@functools.lru_cache(maxsize=None)
def _make_edge_count():

    @functools.partial(
        pl.kernel,
        out_type=jax.ShapeDtypeStruct((2, NP, 16), jnp.float32),
        mesh=_sc_mesh(),
        scratch_types=[
            pltpu.VMEM((AW, EPB), jnp.int32),
            pltpu.VMEM((EPB, 16), jnp.float32),
            pltpu.VMEM_SHARED((NP, 16), jnp.float32),
            pltpu.SemaphoreType.DMA,
        ],
        compiler_params=pltpu.CompilerParams(use_tc_tiling_on_sc=False),
    )
    def cntk(eidxp, zeros16, ones_hbm, out, dst_v, ones_v, accum, s0):
        c = lax.axis_index("c")
        s = lax.axis_index("s")
        wid = c * 16 + s
        fb0 = wid * AW
        lim = jnp.minimum(AW, NBREAL - fb0)
        _zero_slice(zeros16, accum, s)
        pltpu.sync_copy(eidxp.at[1, pl.ds(fb0, AW)], dst_v)
        pltpu.sync_copy(ones_hbm, ones_v)
        plsc.subcore_barrier()

        @pl.loop(0, AW)
        def _(j):
            @pl.when(j < lim)
            def _():
                pltpu.async_copy(ones_v, accum.at[dst_v.at[j]], s0,
                                 add=True)

        @pl.loop(0, AW)
        def _(j):
            @pl.when(j < lim)
            def _():
                pltpu.make_async_copy(ones_v, accum.at[dst_v.at[j]],
                                      s0).wait()

        plsc.subcore_barrier()
        _drain_slice(accum, out, c, s)

    return cntk


def _tc_a_body(x_ref, w_ref, b_ref, o_ref):
    o_ref[...] = jnp.maximum(_dot(x_ref[...], w_ref[...]) + b_ref[...], 0.0)


def _tc_a(x, w, b):
    return pl.pallas_call(
        _tc_a_body,
        grid=(GRID,),
        in_specs=[
            pl.BlockSpec((BLK, D), lambda i: (i, 0)),
            pl.BlockSpec((D, D), lambda i: (0, 0)),
            pl.BlockSpec((1, D), lambda i: (0, 0)),
        ],
        out_specs=pl.BlockSpec((BLK, D), lambda i: (i, 0)),
        out_shape=jax.ShapeDtypeStruct((N, D), jnp.float32),
    )(x, w, b)


def _tc_b_body(x_ref, p_ref, c_ref, awx_ref, awm_ref, ab_ref, lw_ref, lb_ref,
               h1_ref, t_ref, inv_ref):
    p = p_ref[0] + p_ref[1]
    inv = 1.0 / jnp.maximum(c_ref[...], 1.0)
    mean = p * inv
    h = jnp.maximum(_dot(x_ref[...], awx_ref[...])
                    + _dot(mean, awm_ref[...]) + ab_ref[...], 0.0)
    nrm = jnp.sqrt(jnp.sum(h * h, axis=1, keepdims=True))
    h1 = h / jnp.maximum(nrm, 1e-12)
    h1_ref[...] = h1
    t_ref[...] = jnp.maximum(_dot(h1, lw_ref[...]) + lb_ref[...], 0.0)
    inv_ref[...] = inv


def _tc_b(x, partials, cnt_partials, awx, awm, ab, lw, lb):
    return pl.pallas_call(
        _tc_b_body,
        grid=(GRID,),
        in_specs=[
            pl.BlockSpec((BLK, D), lambda i: (i, 0)),
            pl.BlockSpec((2, BLK, D), lambda i: (0, i, 0)),
            pl.BlockSpec((BLK, 1), lambda i: (i, 0)),
            pl.BlockSpec((D, D), lambda i: (0, 0)),
            pl.BlockSpec((D, D), lambda i: (0, 0)),
            pl.BlockSpec((1, D), lambda i: (0, 0)),
            pl.BlockSpec((D, D), lambda i: (0, 0)),
            pl.BlockSpec((1, D), lambda i: (0, 0)),
        ],
        out_specs=[
            pl.BlockSpec((BLK, D), lambda i: (i, 0)),
            pl.BlockSpec((BLK, D), lambda i: (i, 0)),
            pl.BlockSpec((BLK, 1), lambda i: (i, 0)),
        ],
        out_shape=[
            jax.ShapeDtypeStruct((N, D), jnp.float32),
            jax.ShapeDtypeStruct((N, D), jnp.float32),
            jax.ShapeDtypeStruct((N, 1), jnp.float32),
        ],
    )(x, partials, cnt_partials, awx, awm, ab, lw, lb)


def _tc_c_body(h1_ref, p_ref, inv_ref, awx_ref, awm_ref, ab_ref,
               pw1_ref, pb1_ref, pw2_ref, pb2_ref, o_ref):
    mean = (p_ref[0] + p_ref[1]) * inv_ref[...]
    h = jnp.maximum(_dot(h1_ref[...], awx_ref[...])
                    + _dot(mean, awm_ref[...]) + ab_ref[...], 0.0)
    nrm = jnp.sqrt(jnp.sum(h * h, axis=1, keepdims=True))
    h2 = h / jnp.maximum(nrm, 1e-12)
    h3 = _dot(h2, pw1_ref[...]) + pb1_ref[...]
    z = _dot(h3, pw2_ref[...]) + pb2_ref[...]
    m = jnp.max(z, axis=1, keepdims=True)
    lse = m + jnp.log(jnp.sum(jnp.exp(z - m), axis=1, keepdims=True))
    o_ref[...] = (z - lse)[:, :O_DIM]


def _tc_c(h1, partials, inv, awx, awm, ab, pw1, pb1, pw2, pb2):
    return pl.pallas_call(
        _tc_c_body,
        grid=(GRID,),
        in_specs=[
            pl.BlockSpec((BLK, D), lambda i: (i, 0)),
            pl.BlockSpec((2, BLK, D), lambda i: (0, i, 0)),
            pl.BlockSpec((BLK, 1), lambda i: (i, 0)),
            pl.BlockSpec((D, D), lambda i: (0, 0)),
            pl.BlockSpec((D, D), lambda i: (0, 0)),
            pl.BlockSpec((1, D), lambda i: (0, 0)),
            pl.BlockSpec((D, D), lambda i: (0, 0)),
            pl.BlockSpec((1, D), lambda i: (0, 0)),
            pl.BlockSpec((D, D), lambda i: (0, 0)),
            pl.BlockSpec((1, D), lambda i: (0, 0)),
        ],
        out_specs=pl.BlockSpec((BLK, O_DIM), lambda i: (i, 0)),
        out_shape=jax.ShapeDtypeStruct((N, O_DIM), jnp.float32),
    )(h1, partials, inv, awx, awm, ab, pw1, pb1, pw2, pb2)


def kernel(x, edge_index, lin_W0, lin_b0, agg_W0, agg_b0,
           lin_W1, lin_b1, agg_W1, agg_b1,
           post_W1, post_b1, post_W2, post_b2):
    eidx = edge_index.astype(jnp.int32).reshape(2, NBREAL, EPB)
    eidxp = jnp.pad(eidx, ((0, 0), (0, NW * AW - NBREAL), (0, 0)))
    zeros128 = jnp.zeros((NP, D), jnp.float32)
    zeros16 = jnp.zeros((NP, 16), jnp.float32)
    ones16 = jnp.ones((EPB, 16), jnp.float32)

    lb0 = lin_b0.reshape(1, D)
    lb1 = lin_b1.reshape(1, D)
    ab0 = agg_b0.reshape(1, D)
    ab1 = agg_b1.reshape(1, D)
    pb1 = post_b1.reshape(1, D)
    pw2 = jnp.pad(post_W2, ((0, 0), (0, D - O_DIM)))
    pb2 = jnp.concatenate([post_b2,
                           jnp.full((D - O_DIM,), -1e30, jnp.float32)]
                          ).reshape(1, D)

    cntp = _make_edge_count()(eidxp, zeros16, ones16)
    cnt_col = cntp[0, :, 0:1] + cntp[1, :, 0:1]
    table0 = _tc_a(x, lin_W0, lb0)
    part0 = _make_seg_scatter()(table0, eidx, zeros128)
    h1, table1, inv = _tc_b(x, part0, cnt_col, agg_W0[:D], agg_W0[D:], ab0,
                            lin_W1, lb1)
    part1 = _make_seg_scatter()(table1, eidx, zeros128)
    return _tc_c(h1, part1, inv, agg_W1[:D], agg_W1[D:], ab1,
                 post_W1, pb1, pw2, pb2)

# --- scband reference (transcript-rebuilt; emitter-appended) ---
"""Pipeline reference for scband-gnnstack-58634893525189 (READ-ONLY COPY).

The authoritative reference and input builder live on the scoring server;
editing this copy changes nothing except your own understanding.
"""

import jax, jax.numpy as jnp
import numpy as np


def setup_inputs(seed: int = 0) -> dict:
    key = jax.random.key(seed)
    ks = jax.random.split(key, 16)
    N, D, H, O, E = 10000, 128, 128, 40, 320000
    inp = {}
    inp['x'] = jax.random.normal(ks[0], (N, D), dtype=jnp.float32)
    inp['edge_index'] = jax.random.randint(ks[1], (2, E), 0, N, dtype=jnp.int64)
    # GraphSage layer 0: lin(D->H), agg_lin(D+H -> H)
    inp['lin_W0'] = jax.random.normal(ks[2], (D, H), dtype=jnp.float32) * 0.05
    inp['lin_b0'] = jnp.zeros((H,), dtype=jnp.float32)
    inp['agg_W0'] = jax.random.normal(ks[3], (D + H, H), dtype=jnp.float32) * 0.05
    inp['agg_b0'] = jnp.zeros((H,), dtype=jnp.float32)
    # GraphSage layer 1: lin(H->H), agg_lin(H+H -> H)
    inp['lin_W1'] = jax.random.normal(ks[4], (H, H), dtype=jnp.float32) * 0.05
    inp['lin_b1'] = jnp.zeros((H,), dtype=jnp.float32)
    inp['agg_W1'] = jax.random.normal(ks[5], (H + H, H), dtype=jnp.float32) * 0.05
    inp['agg_b1'] = jnp.zeros((H,), dtype=jnp.float32)
    # post_mp: Linear(H,H), Dropout (eval no-op), Linear(H,O)
    inp['post_W1'] = jax.random.normal(ks[6], (H, H), dtype=jnp.float32) * 0.05
    inp['post_b1'] = jnp.zeros((H,), dtype=jnp.float32)
    inp['post_W2'] = jax.random.normal(ks[7], (H, O), dtype=jnp.float32) * 0.05
    inp['post_b2'] = jnp.zeros((O,), dtype=jnp.float32)
    return inp


def _graphsage_conv(x, edge_index, lW, lb, aW, ab):
    N = x.shape[0]
    src = edge_index[0]
    dst = edge_index[1]
    # message: relu(lin(x_j)) where x_j is gathered from source nodes
    msg = jax.nn.relu(x[src] @ lW + lb)
    # aggr='mean' at destination nodes
    summed = jax.ops.segment_sum(msg, dst, num_segments=N)
    cnt = jax.ops.segment_sum(jnp.ones((edge_index.shape[1],), dtype=x.dtype), dst, num_segments=N)
    mean = summed / jnp.maximum(cnt, 1.0)[:, None]
    # update: relu(agg_lin(cat(x, aggr_out))) then L2 normalize
    h = jnp.concatenate([x, mean], axis=1)
    h = jax.nn.relu(h @ aW + ab)
    norm = jnp.maximum(jnp.linalg.norm(h, axis=-1, keepdims=True), 1e-12)
    return h / norm


def reference(x, edge_index, lin_W0, lin_b0, agg_W0, agg_b0,
              lin_W1, lin_b1, agg_W1, agg_b1,
              post_W1, post_b1, post_W2, post_b2):
    # GNNStack.forward (eval mode: dropout is identity)
    h = x
    h = jax.nn.relu(_graphsage_conv(h, edge_index, lin_W0, lin_b0, agg_W0, agg_b0))
    h = jax.nn.relu(_graphsage_conv(h, edge_index, lin_W1, lin_b1, agg_W1, agg_b1))
    h = h @ post_W1 + post_b1
    h = h @ post_W2 + post_b2
    # log_softmax over dim=1
    return h - jax.scipy.special.logsumexp(h, axis=1, keepdims=True)

if __name__ == "__main__":
    import jax
    _d = setup_inputs()
    print(jax.jit(kernel)(*tuple(_d.values())))

</pallas_src>

<mosaic_0001>
#map = affine_map<(d0, d1) -> (0, 0, 0)>
#map1 = affine_map<(d0, d1) -> (0, 0)>
module attributes {stable_mosaic.version = 14 : i64} {
  func.func @cntk(%arg0: i32, %arg1: i32, %arg2: memref<2x2528x128xi32, #tpu.memory_space<hbm>>, %arg3: memref<10000x16xf32, #tpu.memory_space<hbm>>, %arg4: memref<128x16xf32, #tpu.memory_space<hbm>>, %arg5: memref<2x10000x16xf32, #tpu.memory_space<hbm>>, %arg6: memref<79x128xi32, #tpu.memory_space<vmem>>, %arg7: memref<128x16xf32, #tpu.memory_space<vmem>>, %arg8: memref<10000x16xf32, #tpu.memory_space<vmem_shared>>, %arg9: memref<!tpu.dma_semaphore, #tpu.memory_space<semaphore_mem>>) attributes {dimension_semantics = [#tpu.dimension_semantics<core_parallel>, #tpu.dimension_semantics<subcore_parallel>], iteration_bounds = array<i64: 2, 16>, scalar_prefetch = 0 : i64, scratch_operands = 4 : i64, tpu.core_type = #tpu.core_type<sc_vector_subcore>, window_params = [{transform_indices = #map}, {transform_indices = #map1}, {transform_indices = #map1}, {transform_indices = #map}]} {
    %mul3A = arith.constant 16 : i32
    %mul3A_0 = arith.muli %arg0, %mul3A : i32
    %add3A = arith.addi %mul3A_0, %arg1 : i32
    %mul3A_1 = arith.constant 79 : i32
    %mul3A_2 = arith.muli %add3A, %mul3A_1 : i32
    %sub3A = arith.constant 2500 : i32
    %sub3A_3 = arith.subi %sub3A, %mul3A_2 : i32
    %min3A = arith.constant 79 : i32
    %min3A_4 = arith.minsi %min3A, %sub3A_3 : i32
    %lt3A = arith.constant 15 : i32
    %lt3A_5 = arith.cmpi slt, %arg1, %lt3A : i32
    %convert_element_type3A = arith.extui %lt3A_5 : i1 to i32
    %cond3A = arith.constant 0 : i32
    %cond3A_6 = arith.cmpi ne, %convert_element_type3A, %cond3A : i32
    scf.if %cond3A_6 {
      %mul3A_31 = arith.constant 632 : i32
      %mul3A_32 = arith.muli %arg1, %mul3A_31 : i32
      %mul3A_33 = arith.constant 632 : i32
      %mul3A_34 = arith.muli %arg1, %mul3A_33 : i32
      "tpu.region"() ({
        %run_scoped3A_35 = tpu.sem_alloc : memref<!tpu.dma_semaphore, #tpu.memory_space<semaphore_mem>>
        %dma_start3A = arith.constant 0 : i32
        %dma_start3A_36 = tpu.memref_slice %arg8[%mul3A_34, %dma_start3A] : memref<10000x16xf32, #tpu.memory_space<vmem_shared>> -> memref<632x16xf32, #tpu.memory_space<vmem_shared>>
        %dma_start3A_37 = arith.constant 0 : i32
        %dma_start3A_38 = tpu.memref_slice %arg3[%mul3A_32, %dma_start3A_37] : memref<10000x16xf32, #tpu.memory_space<hbm>> -> memref<632x16xf32, #tpu.memory_space<hbm>>
        tpu.enqueue_dma source(%dma_start3A_38 : memref<632x16xf32, #tpu.memory_space<hbm>>) target(%dma_start3A_36 : memref<632x16xf32, #tpu.memory_space<vmem_shared>>) target_semaphore(%run_scoped3A_35 : memref<!tpu.dma_semaphore, #tpu.memory_space<semaphore_mem>>)
        %dma_wait3A = arith.constant 0 : i32
        %dma_wait3A_39 = tpu.memref_slice %arg8[%mul3A_34, %dma_wait3A] : memref<10000x16xf32, #tpu.memory_space<vmem_shared>> -> memref<632x16xf32, #tpu.memory_space<vmem_shared>>
        %dma_wait3A_40 = arith.constant 0 : i32
        %dma_wait3A_41 = tpu.memref_slice %arg3[%mul3A_32, %dma_wait3A_40] : memref<10000x16xf32, #tpu.memory_space<hbm>> -> memref<632x16xf32, #tpu.memory_space<hbm>>
        tpu.wait_dma2 semaphore(%run_scoped3A_35 : memref<!tpu.dma_semaphore, #tpu.memory_space<semaphore_mem>>) src(%dma_wait3A_41 : memref<632x16xf32, #tpu.memory_space<hbm>>) dst(%dma_wait3A_39 : memref<632x16xf32, #tpu.memory_space<vmem_shared>>)
        tpu.yield
      }) : () -> ()
    } else {
    }
    %eq3A = arith.constant 15 : i32
    %eq3A_7 = arith.cmpi eq, %arg1, %eq3A : i32
    %convert_element_type3A_8 = arith.extui %eq3A_7 : i1 to i32
    %cond3A_9 = arith.constant 0 : i32
    %cond3A_10 = arith.cmpi ne, %convert_element_type3A_8, %cond3A_9 : i32
    scf.if %cond3A_10 {
      "tpu.region"() ({
        %run_scoped3A_31 = tpu.sem_alloc : memref<!tpu.dma_semaphore, #tpu.memory_space<semaphore_mem>>
        %dma_start3A = arith.constant 9480 : i32
        %dma_start3A_32 = arith.constant 0 : i32
        %dma_start3A_33 = tpu.memref_slice %arg8[%dma_start3A, %dma_start3A_32] : memref<10000x16xf32, #tpu.memory_space<vmem_shared>> -> memref<520x16xf32, #tpu.memory_space<vmem_shared>>
        %dma_start3A_34 = arith.constant 9480 : i32
        %dma_start3A_35 = arith.constant 0 : i32
        %dma_start3A_36 = tpu.memref_slice %arg3[%dma_start3A_34, %dma_start3A_35] : memref<10000x16xf32, #tpu.memory_space<hbm>> -> memref<520x16xf32, #tpu.memory_space<hbm>>
        tpu.enqueue_dma source(%dma_start3A_36 : memref<520x16xf32, #tpu.memory_space<hbm>>) target(%dma_start3A_33 : memref<520x16xf32, #tpu.memory_space<vmem_shared>>) target_semaphore(%run_scoped3A_31 : memref<!tpu.dma_semaphore, #tpu.memory_space<semaphore_mem>>)
        %dma_wait3A = arith.constant 9480 : i32
        %dma_wait3A_37 = arith.constant 0 : i32
        %dma_wait3A_38 = tpu.memref_slice %arg8[%dma_wait3A, %dma_wait3A_37] : memref<10000x16xf32, #tpu.memory_space<vmem_shared>> -> memref<520x16xf32, #tpu.memory_space<vmem_shared>>
        %dma_wait3A_39 = arith.constant 9480 : i32
        %dma_wait3A_40 = arith.constant 0 : i32
        %dma_wait3A_41 = tpu.memref_slice %arg3[%dma_wait3A_39, %dma_wait3A_40] : memref<10000x16xf32, #tpu.memory_space<hbm>> -> memref<520x16xf32, #tpu.memory_space<hbm>>
        tpu.wait_dma2 semaphore(%run_scoped3A_31 : memref<!tpu.dma_semaphore, #tpu.memory_space<semaphore_mem>>) src(%dma_wait3A_41 : memref<520x16xf32, #tpu.memory_space<hbm>>) dst(%dma_wait3A_38 : memref<520x16xf32, #tpu.memory_space<vmem_shared>>)
        tpu.yield
      }) : () -> ()
    } else {
    }
    %run_scoped3A = arith.constant 1 : i32
    "tpu.region"() ({
      %run_scoped3A_31 = tpu.sem_alloc : memref<!tpu.dma_semaphore, #tpu.memory_space<semaphore_mem>>
      %dma_start3A = arith.constant 0 : i32
      %dma_start3A_32 = tpu.memref_slice %arg2[%run_scoped3A, %mul3A_2, %dma_start3A] : memref<2x2528x128xi32, #tpu.memory_space<hbm>> -> memref<1x79x128xi32, #tpu.memory_space<hbm>>
      %dma_start3A_33 = tpu.memref_squeeze %dma_start3A_32 : memref<1x79x128xi32, #tpu.memory_space<hbm>> -> memref<79x128xi32, #tpu.memory_space<hbm>>
      %dma_start3A_34 = arith.constant 0 : i32
      %dma_start3A_35 = tpu.memref_slice %arg2[%run_scoped3A, %mul3A_2, %dma_start3A_34] : memref<2x2528x128xi32, #tpu.memory_space<hbm>> -> memref<1x79x128xi32, #tpu.memory_space<hbm>>
      %dma_start3A_36 = tpu.memref_squeeze %dma_start3A_35 : memref<1x79x128xi32, #tpu.memory_space<hbm>> -> memref<79x128xi32, #tpu.memory_space<hbm>>
      tpu.enqueue_dma source(%dma_start3A_36 : memref<79x128xi32, #tpu.memory_space<hbm>>) target(%arg6 : memref<79x128xi32, #tpu.memory_space<vmem>>) target_semaphore(%run_scoped3A_31 : memref<!tpu.dma_semaphore, #tpu.memory_space<semaphore_mem>>)
      %dma_wait3A = arith.constant 0 : i32
      %dma_wait3A_37 = tpu.memref_slice %arg2[%run_scoped3A, %mul3A_2, %dma_wait3A] : memref<2x2528x128xi32, #tpu.memory_space<hbm>> -> memref<1x79x128xi32, #tpu.memory_space<hbm>>
      %dma_wait3A_38 = tpu.memref_squeeze %dma_wait3A_37 : memref<1x79x128xi32, #tpu.memory_space<hbm>> -> memref<79x128xi32, #tpu.memory_space<hbm>>
      %dma_wait3A_39 = arith.constant 0 : i32
      %dma_wait3A_40 = tpu.memref_slice %arg2[%run_scoped3A, %mul3A_2, %dma_wait3A_39] : memref<2x2528x128xi32, #tpu.memory_space<hbm>> -> memref<1x79x128xi32, #tpu.memory_space<hbm>>
      %dma_wait3A_41 = tpu.memref_squeeze %dma_wait3A_40 : memref<1x79x128xi32, #tpu.memory_space<hbm>> -> memref<79x128xi32, #tpu.memory_space<hbm>>
      tpu.wait_dma2 semaphore(%run_scoped3A_31 : memref<!tpu.dma_semaphore, #tpu.memory_space<semaphore_mem>>) src(%dma_wait3A_41 : memref<79x128xi32, #tpu.memory_space<hbm>>) dst(%arg6 : memref<79x128xi32, #tpu.memory_space<vmem>>)
      tpu.yield
    }) : () -> ()
    "tpu.region"() ({
      %run_scoped3A_31 = tpu.sem_alloc : memref<!tpu.dma_semaphore, #tpu.memory_space<semaphore_mem>>
      tpu.enqueue_dma source(%arg4 : memref<128x16xf32, #tpu.memory_space<hbm>>) target(%arg7 : memref<128x16xf32, #tpu.memory_space<vmem>>) target_semaphore(%run_scoped3A_31 : memref<!tpu.dma_semaphore, #tpu.memory_space<semaphore_mem>>)
      tpu.wait_dma2 semaphore(%run_scoped3A_31 : memref<!tpu.dma_semaphore, #tpu.memory_space<semaphore_mem>>) src(%arg4 : memref<128x16xf32, #tpu.memory_space<hbm>>) dst(%arg7 : memref<128x16xf32, #tpu.memory_space<vmem>>)
      tpu.yield
    }) : () -> ()
    %barrier3A = arith.constant 0 : index
    tpu.barrier barrier_id(%barrier3A)
    %scan3A = arith.constant 0 : i32
    %scan3A_11 = arith.constant 79 : i32
    %scan3A_12 = arith.addi %scan3A, %scan3A_11 : i32
    %scan3A_13 = arith.constant 1 : i32
    scf.for %scan3A_31 = %scan3A to %scan3A_12 step %scan3A_13  : i32 {
      %mul3A_32 = arith.constant 1 : i32
      %mul3A_33 = arith.muli %scan3A_31, %mul3A_32 : i32
      %add3A_34 = arith.constant 0 : i32
      %add3A_35 = arith.addi %add3A_34, %mul3A_33 : i32
      %lt3A_36 = arith.cmpi slt, %add3A_35, %min3A_4 : i32
      %convert_element_type3A_37 = arith.extui %lt3A_36 : i1 to i32
      %cond3A_38 = arith.constant 0 : i32
      %cond3A_39 = arith.cmpi ne, %convert_element_type3A_37, %cond3A_38 : i32
      scf.if %cond3A_39 {
        %dma_start3A = arith.constant 0 : i32
        %dma_start3A_40 = tpu.memref_slice %arg6[%add3A_35, %dma_start3A] : memref<79x128xi32, #tpu.memory_space<vmem>> -> memref<1x128xi32, #tpu.memory_space<vmem>>
        %dma_start3A_41 = tpu.memref_squeeze %dma_start3A_40 : memref<1x128xi32, #tpu.memory_space<vmem>> -> memref<128xi32, #tpu.memory_space<vmem>>
        %dma_start3A_42 = arith.constant 0 : i32
        %dma_start3A_43 = arith.constant 0 : i32
        %dma_start3A_44 = tpu.memref_slice %arg8[%dma_start3A_42, %dma_start3A_43] : memref<10000x16xf32, #tpu.memory_space<vmem_shared>> -> memref<10000x16xf32, #tpu.memory_space<vmem_shared>>
        tpu.enqueue_indirect_dma source(%arg7 : memref<128x16xf32, #tpu.memory_space<vmem>>) target(%dma_start3A_44 : memref<10000x16xf32, #tpu.memory_space<vmem_shared>>) offsets(%dma_start3A_41 : memref<128xi32, #tpu.memory_space<vmem>>) semaphore(%arg9 : memref<!tpu.dma_semaphore, #tpu.memory_space<semaphore_mem>>) {add = true}
      } else {
      }
    }
    %scan3A_14 = arith.constant 79 : i32
    %scan3A_15 = arith.constant 0 : i32
    %scan3A_16 = arith.constant 79 : i32
    %scan3A_17 = arith.addi %scan3A_15, %scan3A_16 : i32
    %scan3A_18 = arith.constant 1 : i32
    scf.for %scan3A_31 = %scan3A_15 to %scan3A_17 step %scan3A_18  : i32 {
      %mul3A_32 = arith.constant 1 : i32
      %mul3A_33 = arith.muli %scan3A_31, %mul3A_32 : i32
      %add3A_34 = arith.constant 0 : i32
      %add3A_35 = arith.addi %add3A_34, %mul3A_33 : i32
      %lt3A_36 = arith.cmpi slt, %add3A_35, %min3A_4 : i32
      %convert_element_type3A_37 = arith.extui %lt3A_36 : i1 to i32
      %cond3A_38 = arith.constant 0 : i32
      %cond3A_39 = arith.cmpi ne, %convert_element_type3A_37, %cond3A_38 : i32
      scf.if %cond3A_39 {
        %dma_wait3A = arith.constant 0 : i32
        %dma_wait3A_40 = tpu.memref_slice %arg6[%add3A_35, %dma_wait3A] : memref<79x128xi32, #tpu.memory_space<vmem>> -> memref<1x128xi32, #tpu.memory_space<vmem>>
        %dma_wait3A_41 = tpu.memref_squeeze %dma_wait3A_40 : memref<1x128xi32, #tpu.memory_space<vmem>> -> memref<128xi32, #tpu.memory_space<vmem>>
        %dma_wait3A_42 = arith.constant 0 : i32
        %dma_wait3A_43 = arith.constant 0 : i32
        %dma_wait3A_44 = tpu.memref_slice %arg8[%dma_wait3A_42, %dma_wait3A_43] : memref<10000x16xf32, #tpu.memory_space<vmem_shared>> -> memref<10000x16xf32, #tpu.memory_space<vmem_shared>>
        tpu.wait_indirect_dma semaphore(%arg9 : memref<!tpu.dma_semaphore, #tpu.memory_space<semaphore_mem>>) src(%arg7 : memref<128x16xf32, #tpu.memory_space<vmem>>) dst(%dma_wait3A_44 : memref<10000x16xf32, #tpu.memory_space<vmem_shared>>)
      } else {
      }
    }
    %scan3A_19 = arith.constant 79 : i32
    %barrier3A_20 = arith.constant 0 : index
    tpu.barrier barrier_id(%barrier3A_20)
    %lt3A_21 = arith.constant 15 : i32
    %lt3A_22 = arith.cmpi slt, %arg1, %lt3A_21 : i32
    %convert_element_type3A_23 = arith.extui %lt3A_22 : i1 to i32
    %cond3A_24 = arith.constant 0 : i32
    %cond3A_25 = arith.cmpi ne, %convert_element_type3A_23, %cond3A_24 : i32
    scf.if %cond3A_25 {
      %mul3A_31 = arith.constant 632 : i32
      %mul3A_32 = arith.muli %arg1, %mul3A_31 : i32
      %mul3A_33 = arith.constant 632 : i32
      %mul3A_34 = arith.muli %arg1, %mul3A_33 : i32
      "tpu.region"() ({
        %run_scoped3A_35 = tpu.sem_alloc : memref<!tpu.dma_semaphore, #tpu.memory_space<semaphore_mem>>
        %dma_start3A = arith.constant 0 : i32
        %dma_start3A_36 = tpu.memref_slice %arg5[%arg0, %mul3A_34, %dma_start3A] : memref<2x10000x16xf32, #tpu.memory_space<hbm>> -> memref<1x632x16xf32, #tpu.memory_space<hbm>>
        %dma_start3A_37 = tpu.memref_squeeze %dma_start3A_36 : memref<1x632x16xf32, #tpu.memory_space<hbm>> -> memref<632x16xf32, #tpu.memory_space<hbm>>
        %dma_start3A_38 = arith.constant 0 : i32
        %dma_start3A_39 = tpu.memref_slice %arg8[%mul3A_32, %dma_start3A_38] : memref<10000x16xf32, #tpu.memory_space<vmem_shared>> -> memref<632x16xf32, #tpu.memory_space<vmem_shared>>
        tpu.enqueue_dma source(%dma_start3A_39 : memref<632x16xf32, #tpu.memory_space<vmem_shared>>) target(%dma_start3A_37 : memref<632x16xf32, #tpu.memory_space<hbm>>) target_semaphore(%run_scoped3A_35 : memref<!tpu.dma_semaphore, #tpu.memory_space<semaphore_mem>>)
        %dma_wait3A = arith.constant 0 : i32
        %dma_wait3A_40 = tpu.memref_slice %arg5[%arg0, %mul3A_34, %dma_wait3A] : memref<2x10000x16xf32, #tpu.memory_space<hbm>> -> memref<1x632x16xf32, #tpu.memory_space<hbm>>
        %dma_wait3A_41 = tpu.memref_squeeze %dma_wait3A_40 : memref<1x632x16xf32, #tpu.memory_space<hbm>> -> memref<632x16xf32, #tpu.memory_space<hbm>>
        %dma_wait3A_42 = arith.constant 0 : i32
        %dma_wait3A_43 = tpu.memref_slice %arg8[%mul3A_32, %dma_wait3A_42] : memref<10000x16xf32, #tpu.memory_space<vmem_shared>> -> memref<632x16xf32, #tpu.memory_space<vmem_shared>>
        tpu.wait_dma2 semaphore(%run_scoped3A_35 : memref<!tpu.dma_semaphore, #tpu.memory_space<semaphore_mem>>) src(%dma_wait3A_43 : memref<632x16xf32, #tpu.memory_space<vmem_shared>>) dst(%dma_wait3A_41 : memref<632x16xf32, #tpu.memory_space<hbm>>)
        tpu.yield
      }) : () -> ()
    } else {
    }
    %eq3A_26 = arith.constant 15 : i32
    %eq3A_27 = arith.cmpi eq, %arg1, %eq3A_26 : i32
    %convert_element_type3A_28 = arith.extui %eq3A_27 : i1 to i32
    %cond3A_29 = arith.constant 0 : i32
    %cond3A_30 = arith.cmpi ne, %convert_element_type3A_28, %cond3A_29 : i32
    scf.if %cond3A_30 {
      "tpu.region"() ({
        %run_scoped3A_31 = tpu.sem_alloc : memref<!tpu.dma_semaphore, #tpu.memory_space<semaphore_mem>>
        %dma_start3A = arith.constant 9480 : i32
        %dma_start3A_32 = arith.constant 0 : i32
        %dma_start3A_33 = tpu.memref_slice %arg5[%arg0, %dma_start3A, %dma_start3A_32] : memref<2x10000x16xf32, #tpu.memory_space<hbm>> -> memref<1x520x16xf32, #tpu.memory_space<hbm>>
        %dma_start3A_34 = tpu.memref_squeeze %dma_start3A_33 : memref<1x520x16xf32, #tpu.memory_space<hbm>> -> memref<520x16xf32, #tpu.memory_space<hbm>>
        %dma_start3A_35 = arith.constant 9480 : i32
        %dma_start3A_36 = arith.constant 0 : i32
        %dma_start3A_37 = tpu.memref_slice %arg8[%dma_start3A_35, %dma_start3A_36] : memref<10000x16xf32, #tpu.memory_space<vmem_shared>> -> memref<520x16xf32, #tpu.memory_space<vmem_shared>>
        tpu.enqueue_dma source(%dma_start3A_37 : memref<520x16xf32, #tpu.memory_space<vmem_shared>>) target(%dma_start3A_34 : memref<520x16xf32, #tpu.memory_space<hbm>>) target_semaphore(%run_scoped3A_31 : memref<!tpu.dma_semaphore, #tpu.memory_space<semaphore_mem>>)
        %dma_wait3A = arith.constant 9480 : i32
        %dma_wait3A_38 = arith.constant 0 : i32
        %dma_wait3A_39 = tpu.memref_slice %arg5[%arg0, %dma_wait3A, %dma_wait3A_38] : memref<2x10000x16xf32, #tpu.memory_space<hbm>> -> memref<1x520x16xf32, #tpu.memory_space<hbm>>
        %dma_wait3A_40 = tpu.memref_squeeze %dma_wait3A_39 : memref<1x520x16xf32, #tpu.memory_space<hbm>> -> memref<520x16xf32, #tpu.memory_space<hbm>>
        %dma_wait3A_41 = arith.constant 9480 : i32
        %dma_wait3A_42 = arith.constant 0 : i32
        %dma_wait3A_43 = tpu.memref_slice %arg8[%dma_wait3A_41, %dma_wait3A_42] : memref<10000x16xf32, #tpu.memory_space<vmem_shared>> -> memref<520x16xf32, #tpu.memory_space<vmem_shared>>
        tpu.wait_dma2 semaphore(%run_scoped3A_31 : memref<!tpu.dma_semaphore, #tpu.memory_space<semaphore_mem>>) src(%dma_wait3A_43 : memref<520x16xf32, #tpu.memory_space<vmem_shared>>) dst(%dma_wait3A_40 : memref<520x16xf32, #tpu.memory_space<hbm>>)
        tpu.yield
      }) : () -> ()
    } else {
    }
    return
  }
}

#map = affine_map<(d0, d1) -> (0, 0)>
#map1 = affine_map<(d0, d1) -> (0, 0, 0)>
module attributes {stable_mosaic.version = 14 : i64} {
  func.func @seg(%arg0: i32, %arg1: i32, %arg2: memref<10000x128xf32, #tpu.memory_space<hbm>>, %arg3: memref<2x2500x128xi32, #tpu.memory_space<hbm>>, %arg4: memref<10000x128xf32, #tpu.memory_space<hbm>>, %arg5: memref<2x10000x128xf32, #tpu.memory_space<hbm>>, %arg6: memref<6x2x128xi32, #tpu.memory_space<vmem>>, %arg7: memref<3x128x128xf32, #tpu.memory_space<vmem>>, %arg8: memref<10000x128xf32, #tpu.memory_space<vmem_shared>>, %arg9: memref<6x!tpu.dma_semaphore, #tpu.memory_space<semaphore_mem>>, %arg10: memref<6x!tpu.dma_semaphore, #tpu.memory_space<semaphore_mem>>, %arg11: memref<3x!tpu.dma_semaphore, #tpu.memory_space<semaphore_mem>>, %arg12: memref<3x!tpu.dma_semaphore, #tpu.memory_space<semaphore_mem>>) attributes {dimension_semantics = [#tpu.dimension_semantics<core_parallel>, #tpu.dimension_semantics<subcore_parallel>], iteration_bounds = array<i64: 2, 16>, scalar_prefetch = 0 : i64, scratch_operands = 7 : i64, tpu.core_type = #tpu.core_type<sc_vector_subcore>, window_params = [{transform_indices = #map}, {transform_indices = #map1}, {transform_indices = #map}, {transform_indices = #map1}]} {
    %mul3A = arith.constant 16 : i32
    %mul3A_0 = arith.muli %arg0, %mul3A : i32
    %add3A = arith.addi %mul3A_0, %arg1 : i32
    %mul3A_1 = arith.constant 79 : i32
    %mul3A_2 = arith.muli %add3A, %mul3A_1 : i32
    %sub3A = arith.constant 2500 : i32
    %sub3A_3 = arith.subi %sub3A, %mul3A_2 : i32
    %min3A = arith.constant 79 : i32
    %min3A_4 = arith.minsi %min3A, %sub3A_3 : i32
    %gt3A = arith.constant 0 : i32
    %gt3A_5 = arith.cmpi sgt, %min3A_4, %gt3A : i32
    %convert_element_type3A = arith.extui %gt3A_5 : i1 to i32
    %cond3A = arith.constant 0 : i32
    %cond3A_6 = arith.cmpi ne, %convert_element_type3A, %cond3A : i32
    scf.if %cond3A_6 {
      %add3A_60 = arith.constant 0 : i32
      %add3A_61 = arith.addi %mul3A_2, %add3A_60 : i32
      %dma_start3A = arith.constant 0 : i32
      %dma_start3A_62 = arith.constant 0 : i32
      %dma_start3A_63 = arith.constant 0 : i32
      %dma_start3A_64 = arith.constant 0 : i32
      %dma_start3A_65 = arith.constant 0 : i32
      %dma_start3A_66 = tpu.memref_slice %arg6[%dma_start3A_62, %dma_start3A_63, %dma_start3A_65] : memref<6x2x128xi32, #tpu.memory_space<vmem>> -> memref<1x1x128xi32, #tpu.memory_space<vmem>>
      %dma_start3A_67 = tpu.memref_squeeze %dma_start3A_66 : memref<1x1x128xi32, #tpu.memory_space<vmem>> -> memref<128xi32, #tpu.memory_space<vmem>>
      %dma_start3A_68 = arith.constant 0 : i32
      %dma_start3A_69 = tpu.memref_slice %arg3[%dma_start3A, %add3A_61, %dma_start3A_68] : memref<2x2500x128xi32, #tpu.memory_space<hbm>> -> memref<1x1x128xi32, #tpu.memory_space<hbm>>
      %dma_start3A_70 = tpu.memref_squeeze %dma_start3A_69 : memref<1x1x128xi32, #tpu.memory_space<hbm>> -> memref<128xi32, #tpu.memory_space<hbm>>
      %dma_start3A_71 = tpu.memref_slice %arg9[%dma_start3A_64] : memref<6x!tpu.dma_semaphore, #tpu.memory_space<semaphore_mem>> -> memref<1x!tpu.dma_semaphore, #tpu.memory_space<semaphore_mem>>
      %dma_start3A_72 = tpu.memref_squeeze %dma_start3A_71 : memref<1x!tpu.dma_semaphore, #tpu.memory_space<semaphore_mem>> -> memref<!tpu.dma_semaphore, #tpu.memory_space<semaphore_mem>>
      %dma_start3A_73 = arith.constant 0 : i32
      %dma_start3A_74 = tpu.memref_slice %arg6[%dma_start3A_62, %dma_start3A_63, %dma_start3A_73] : memref<6x2x128xi32, #tpu.memory_space<vmem>> -> memref<1x1x128xi32, #tpu.memory_space<vmem>>
      %dma_start3A_75 = tpu.memref_squeeze %dma_start3A_74 : memref<1x1x128xi32, #tpu.memory_space<vmem>> -> memref<128xi32, #tpu.memory_space<vmem>>
      %dma_start3A_76 = arith.constant 0 : i32
      %dma_start3A_77 = tpu.memref_slice %arg3[%dma_start3A, %add3A_61, %dma_start3A_76] : memref<2x2500x128xi32, #tpu.memory_space<hbm>> -> memref<1x1x128xi32, #tpu.memory_space<hbm>>
      %dma_start3A_78 = tpu.memref_squeeze %dma_start3A_77 : memref<1x1x128xi32, #tpu.memory_space<hbm>> -> memref<128xi32, #tpu.memory_space<hbm>>
      tpu.enqueue_dma source(%dma_start3A_78 : memref<128xi32, #tpu.memory_space<hbm>>) target(%dma_start3A_75 : memref<128xi32, #tpu.memory_space<vmem>>) target_semaphore(%dma_start3A_72 : memref<!tpu.dma_semaphore, #tpu.memory_space<semaphore_mem>>)
      %add3A_79 = arith.constant 0 : i32
      %add3A_80 = arith.addi %mul3A_2, %add3A_79 : i32
      %dma_start3A_81 = arith.constant 1 : i32
      %dma_start3A_82 = arith.constant 0 : i32
      %dma_start3A_83 = arith.constant 1 : i32
      %dma_start3A_84 = arith.constant 0 : i32
      %dma_start3A_85 = arith.constant 0 : i32
      %dma_start3A_86 = tpu.memref_slice %arg6[%dma_start3A_82, %dma_start3A_83, %dma_start3A_85] : memref<6x2x128xi32, #tpu.memory_space<vmem>> -> memref<1x1x128xi32, #tpu.memory_space<vmem>>
      %dma_start3A_87 = tpu.memref_squeeze %dma_start3A_86 : memref<1x1x128xi32, #tpu.memory_space<vmem>> -> memref<128xi32, #tpu.memory_space<vmem>>
      %dma_start3A_88 = arith.constant 0 : i32
      %dma_start3A_89 = tpu.memref_slice %arg3[%dma_start3A_81, %add3A_80, %dma_start3A_88] : memref<2x2500x128xi32, #tpu.memory_space<hbm>> -> memref<1x1x128xi32, #tpu.memory_space<hbm>>
      %dma_start3A_90 = tpu.memref_squeeze %dma_start3A_89 : memref<1x1x128xi32, #tpu.memory_space<hbm>> -> memref<128xi32, #tpu.memory_space<hbm>>
      %dma_start3A_91 = tpu.memref_slice %arg10[%dma_start3A_84] : memref<6x!tpu.dma_semaphore, #tpu.memory_space<semaphore_mem>> -> memref<1x!tpu.dma_semaphore, #tpu.memory_space<semaphore_mem>>
      %dma_start3A_92 = tpu.memref_squeeze %dma_start3A_91 : memref<1x!tpu.dma_semaphore, #tpu.memory_space<semaphore_mem>> -> memref<!tpu.dma_semaphore, #tpu.memory_space<semaphore_mem>>
      %dma_start3A_93 = arith.constant 0 : i32
      %dma_start3A_94 = tpu.memref_slice %arg6[%dma_start3A_82, %dma_start3A_83, %dma_start3A_93] : memref<6x2x128xi32, #tpu.memory_space<vmem>> -> memref<1x1x128xi32, #tpu.memory_space<vmem>>
      %dma_start3A_95 = tpu.memref_squeeze %dma_start3A_94 : memref<1x1x128xi32, #tpu.memory_space<vmem>> -> memref<128xi32, #tpu.memory_space<vmem>>
      %dma_start3A_96 = arith.constant 0 : i32
      %dma_start3A_97 = tpu.memref_slice %arg3[%dma_start3A_81, %add3A_80, %dma_start3A_96] : memref<2x2500x128xi32, #tpu.memory_space<hbm>> -> memref<1x1x128xi32, #tpu.memory_space<hbm>>
      %dma_start3A_98 = tpu.memref_squeeze %dma_start3A_97 : memref<1x1x128xi32, #tpu.memory_space<hbm>> -> memref<128xi32, #tpu.memory_space<hbm>>
      tpu.enqueue_dma source(%dma_start3A_98 : memref<128xi32, #tpu.memory_space<hbm>>) target(%dma_start3A_95 : memref<128xi32, #tpu.memory_space<vmem>>) target_semaphore(%dma_start3A_92 : memref<!tpu.dma_semaphore, #tpu.memory_space<semaphore_mem>>)
    } else {
    }
    %gt3A_7 = arith.constant 1 : i32
    %gt3A_8 = arith.cmpi sgt, %min3A_4, %gt3A_7 : i32
    %convert_element_type3A_9 = arith.extui %gt3A_8 : i1 to i32
    %cond3A_10 = arith.constant 0 : i32
    %cond3A_11 = arith.cmpi ne, %convert_element_type3A_9, %cond3A_10 : i32
    scf.if %cond3A_11 {
      %add3A_60 = arith.constant 1 : i32
      %add3A_61 = arith.addi %mul3A_2, %add3A_60 : i32
      %dma_start3A = arith.constant 0 : i32
      %dma_start3A_62 = arith.constant 1 : i32
      %dma_start3A_63 = arith.constant 0 : i32
      %dma_start3A_64 = arith.constant 1 : i32
      %dma_start3A_65 = arith.constant 0 : i32
      %dma_start3A_66 = tpu.memref_slice %arg6[%dma_start3A_62, %dma_start3A_63, %dma_start3A_65] : memref<6x2x128xi32, #tpu.memory_space<vmem>> -> memref<1x1x128xi32, #tpu.memory_space<vmem>>
      %dma_start3A_67 = tpu.memref_squeeze %dma_start3A_66 : memref<1x1x128xi32, #tpu.memory_space<vmem>> -> memref<128xi32, #tpu.memory_space<vmem>>
      %dma_start3A_68 = arith.constant 0 : i32
      %dma_start3A_69 = tpu.memref_slice %arg3[%dma_start3A, %add3A_61, %dma_start3A_68] : memref<2x2500x128xi32, #tpu.memory_space<hbm>> -> memref<1x1x128xi32, #tpu.memory_space<hbm>>
      %dma_start3A_70 = tpu.memref_squeeze %dma_start3A_69 : memref<1x1x128xi32, #tpu.memory_space<hbm>> -> memref<128xi32, #tpu.memory_space<hbm>>
      %dma_start3A_71 = tpu.memref_slice %arg9[%dma_start3A_64] : memref<6x!tpu.dma_semaphore, #tpu.memory_space<semaphore_mem>> -> memref<1x!tpu.dma_semaphore, #tpu.memory_space<semaphore_mem>>
      %dma_start3A_72 = tpu.memref_squeeze %dma_start3A_71 : memref<1x!tpu.dma_semaphore, #tpu.memory_space<semaphore_mem>> -> memref<!tpu.dma_semaphore, #tpu.memory_space<semaphore_mem>>
      %dma_start3A_73 = arith.constant 0 : i32
      %dma_start3A_74 = tpu.memref_slice %arg6[%dma_start3A_62, %dma_start3A_63, %dma_start3A_73] : memref<6x2x128xi32, #tpu.memory_space<vmem>> -> memref<1x1x128xi32, #tpu.memory_space<vmem>>
      %dma_start3A_75 = tpu.memref_squeeze %dma_start3A_74 : memref<1x1x128xi32, #tpu.memory_space<vmem>> -> memref<128xi32, #tpu.memory_space<vmem>>
      %dma_start3A_76 = arith.constant 0 : i32
      %dma_start3A_77 = tpu.memref_slice %arg3[%dma_start3A, %add3A_61, %dma_start3A_76] : memref<2x2500x128xi32, #tpu.memory_space<hbm>> -> memref<1x1x128xi32, #tpu.memory_space<hbm>>
      %dma_start3A_78 = tpu.memref_squeeze %dma_start3A_77 : memref<1x1x128xi32, #tpu.memory_space<hbm>> -> memref<128xi32, #tpu.memory_space<hbm>>
      tpu.enqueue_dma source(%dma_start3A_78 : memref<128xi32, #tpu.memory_space<hbm>>) target(%dma_start3A_75 : memref<128xi32, #tpu.memory_space<vmem>>) target_semaphore(%dma_start3A_72 : memref<!tpu.dma_semaphore, #tpu.memory_space<semaphore_mem>>)
      %add3A_79 = arith.constant 1 : i32
      %add3A_80 = arith.addi %mul3A_2, %add3A_79 : i32
      %dma_start3A_81 = arith.constant 1 : i32
      %dma_start3A_82 = arith.constant 1 : i32
      %dma_start3A_83 = arith.constant 1 : i32
      %dma_start3A_84 = arith.constant 1 : i32
      %dma_start3A_85 = arith.constant 0 : i32
      %dma_start3A_86 = tpu.memref_slice %arg6[%dma_start3A_82, %dma_start3A_83, %dma_start3A_85] : memref<6x2x128xi32, #tpu.memory_space<vmem>> -> memref<1x1x128xi32, #tpu.memory_space<vmem>>
      %dma_start3A_87 = tpu.memref_squeeze %dma_start3A_86 : memref<1x1x128xi32, #tpu.memory_space<vmem>> -> memref<128xi32, #tpu.memory_space<vmem>>
      %dma_start3A_88 = arith.constant 0 : i32
      %dma_start3A_89 = tpu.memref_slice %arg3[%dma_start3A_81, %add3A_80, %dma_start3A_88] : memref<2x2500x128xi32, #tpu.memory_space<hbm>> -> memref<1x1x128xi32, #tpu.memory_space<hbm>>
      %dma_start3A_90 = tpu.memref_squeeze %dma_start3A_89 : memref<1x1x128xi32, #tpu.memory_space<hbm>> -> memref<128xi32, #tpu.memory_space<hbm>>
      %dma_start3A_91 = tpu.memref_slice %arg10[%dma_start3A_84] : memref<6x!tpu.dma_semaphore, #tpu.memory_space<semaphore_mem>> -> memref<1x!tpu.dma_semaphore, #tpu.memory_space<semaphore_mem>>
      %dma_start3A_92 = tpu.memref_squeeze %dma_start3A_91 : memref<1x!tpu.dma_semaphore, #tpu.memory_space<semaphore_mem>> -> memref<!tpu.dma_semaphore, #tpu.memory_space<semaphore_mem>>
      %dma_start3A_93 = arith.constant 0 : i32
      %dma_start3A_94 = tpu.memref_slice %arg6[%dma_start3A_82, %dma_start3A_83, %dma_start3A_93] : memref<6x2x128xi32, #tpu.memory_space<vmem>> -> memref<1x1x128xi32, #tpu.memory_space<vmem>>
      %dma_start3A_95 = tpu.memref_squeeze %dma_start3A_94 : memref<1x1x128xi32, #tpu.memory_space<vmem>> -> memref<128xi32, #tpu.memory_space<vmem>>
      %dma_start3A_96 = arith.constant 0 : i32
      %dma_start3A_97 = tpu.memref_slice %arg3[%dma_start3A_81, %add3A_80, %dma_start3A_96] : memref<2x2500x128xi32, #tpu.memory_space<hbm>> -> memref<1x1x128xi32, #tpu.memory_space<hbm>>
      %dma_start3A_98 = tpu.memref_squeeze %dma_start3A_97 : memref<1x1x128xi32, #tpu.memory_space<hbm>> -> memref<128xi32, #tpu.memory_space<hbm>>
      tpu.enqueue_dma source(%dma_start3A_98 : memref<128xi32, #tpu.memory_space<hbm>>) target(%dma_start3A_95 : memref<128xi32, #tpu.memory_space<vmem>>) target_semaphore(%dma_start3A_92 : memref<!tpu.dma_semaphore, #tpu.memory_space<semaphore_mem>>)
    } else {
    }
    %gt3A_12 = arith.constant 2 : i32
    %gt3A_13 = arith.cmpi sgt, %min3A_4, %gt3A_12 : i32
    %convert_element_type3A_14 = arith.extui %gt3A_13 : i1 to i32
    %cond3A_15 = arith.constant 0 : i32
    %cond3A_16 = arith.cmpi ne, %convert_element_type3A_14, %cond3A_15 : i32
    scf.if %cond3A_16 {
      %add3A_60 = arith.constant 2 : i32
      %add3A_61 = arith.addi %mul3A_2, %add3A_60 : i32
      %dma_start3A = arith.constant 0 : i32
      %dma_start3A_62 = arith.constant 2 : i32
      %dma_start3A_63 = arith.constant 0 : i32
      %dma_start3A_64 = arith.constant 2 : i32
      %dma_start3A_65 = arith.constant 0 : i32
      %dma_start3A_66 = tpu.memref_slice %arg6[%dma_start3A_62, %dma_start3A_63, %dma_start3A_65] : memref<6x2x128xi32, #tpu.memory_space<vmem>> -> memref<1x1x128xi32, #tpu.memory_space<vmem>>
      %dma_start3A_67 = tpu.memref_squeeze %dma_start3A_66 : memref<1x1x128xi32, #tpu.memory_space<vmem>> -> memref<128xi32, #tpu.memory_space<vmem>>
      %dma_start3A_68 = arith.constant 0 : i32
      %dma_start3A_69 = tpu.memref_slice %arg3[%dma_start3A, %add3A_61, %dma_start3A_68] : memref<2x2500x128xi32, #tpu.memory_space<hbm>> -> memref<1x1x128xi32, #tpu.memory_space<hbm>>
      %dma_start3A_70 = tpu.memref_squeeze %dma_start3A_69 : memref<1x1x128xi32, #tpu.memory_space<hbm>> -> memref<128xi32, #tpu.memory_space<hbm>>
      %dma_start3A_71 = tpu.memref_slice %arg9[%dma_start3A_64] : memref<6x!tpu.dma_semaphore, #tpu.memory_space<semaphore_mem>> -> memref<1x!tpu.dma_semaphore, #tpu.memory_space<semaphore_mem>>
      %dma_start3A_72 = tpu.memref_squeeze %dma_start3A_71 : memref<1x!tpu.dma_semaphore, #tpu.memory_space<semaphore_mem>> -> memref<!tpu.dma_semaphore, #tpu.memory_space<semaphore_mem>>
      %dma_start3A_73 = arith.constant 0 : i32
      %dma_start3A_74 = tpu.memref_slice %arg6[%dma_start3A_62, %dma_start3A_63, %dma_start3A_73] : memref<6x2x128xi32, #tpu.memory_space<vmem>> -> memref<1x1x128xi32, #tpu.memory_space<vmem>>
      %dma_start3A_75 = tpu.memref_squeeze %dma_start3A_74 : memref<1x1x128xi32, #tpu.memory_space<vmem>> -> memref<128xi32, #tpu.memory_space<vmem>>
      %dma_start3A_76 = arith.constant 0 : i32
      %dma_start3A_77 = tpu.memref_slice %arg3[%dma_start3A, %add3A_61, %dma_start3A_76] : memref<2x2500x128xi32, #tpu.memory_space<hbm>> -> memref<1x1x128xi32, #tpu.memory_space<hbm>>
      %dma_start3A_78 = tpu.memref_squeeze %dma_start3A_77 : memref<1x1x128xi32, #tpu.memory_space<hbm>> -> memref<128xi32, #tpu.memory_space<hbm>>
      tpu.enqueue_dma source(%dma_start3A_78 : memref<128xi32, #tpu.memory_space<hbm>>) target(%dma_start3A_75 : memref<128xi32, #tpu.memory_space<vmem>>) target_semaphore(%dma_start3A_72 : memref<!tpu.dma_semaphore, #tpu.memory_space<semaphore_mem>>)
      %add3A_79 = arith.constant 2 : i32
      %add3A_80 = arith.addi %mul3A_2, %add3A_79 : i32
      %dma_start3A_81 = arith.constant 1 : i32
      %dma_start3A_82 = arith.constant 2 : i32
      %dma_start3A_83 = arith.constant 1 : i32
      %dma_start3A_84 = arith.constant 2 : i32
      %dma_start3A_85 = arith.constant 0 : i32
      %dma_start3A_86 = tpu.memref_slice %arg6[%dma_start3A_82, %dma_start3A_83, %dma_start3A_85] : memref<6x2x128xi32, #tpu.memory_space<vmem>> -> memref<1x1x128xi32, #tpu.memory_space<vmem>>
      %dma_start3A_87 = tpu.memref_squeeze %dma_start3A_86 : memref<1x1x128xi32, #tpu.memory_space<vmem>> -> memref<128xi32, #tpu.memory_space<vmem>>
      %dma_start3A_88 = arith.constant 0 : i32
      %dma_start3A_89 = tpu.memref_slice %arg3[%dma_start3A_81, %add3A_80, %dma_start3A_88] : memref<2x2500x128xi32, #tpu.memory_space<hbm>> -> memref<1x1x128xi32, #tpu.memory_space<hbm>>
      %dma_start3A_90 = tpu.memref_squeeze %dma_start3A_89 : memref<1x1x128xi32, #tpu.memory_space<hbm>> -> memref<128xi32, #tpu.memory_space<hbm>>
      %dma_start3A_91 = tpu.memref_slice %arg10[%dma_start3A_84] : memref<6x!tpu.dma_semaphore, #tpu.memory_space<semaphore_mem>> -> memref<1x!tpu.dma_semaphore, #tpu.memory_space<semaphore_mem>>
      %dma_start3A_92 = tpu.memref_squeeze %dma_start3A_91 : memref<1x!tpu.dma_semaphore, #tpu.memory_space<semaphore_mem>> -> memref<!tpu.dma_semaphore, #tpu.memory_space<semaphore_mem>>
      %dma_start3A_93 = arith.constant 0 : i32
      %dma_start3A_94 = tpu.memref_slice %arg6[%dma_start3A_82, %dma_start3A_83, %dma_start3A_93] : memref<6x2x128xi32, #tpu.memory_space<vmem>> -> memref<1x1x128xi32, #tpu.memory_space<vmem>>
      %dma_start3A_95 = tpu.memref_squeeze %dma_start3A_94 : memref<1x1x128xi32, #tpu.memory_space<vmem>> -> memref<128xi32, #tpu.memory_space<vmem>>
      %dma_start3A_96 = arith.constant 0 : i32
      %dma_start3A_97 = tpu.memref_slice %arg3[%dma_start3A_81, %add3A_80, %dma_start3A_96] : memref<2x2500x128xi32, #tpu.memory_space<hbm>> -> memref<1x1x128xi32, #tpu.memory_space<hbm>>
      %dma_start3A_98 = tpu.memref_squeeze %dma_start3A_97 : memref<1x1x128xi32, #tpu.memory_space<hbm>> -> memref<128xi32, #tpu.memory_space<hbm>>
      tpu.enqueue_dma source(%dma_start3A_98 : memref<128xi32, #tpu.memory_space<hbm>>) target(%dma_start3A_95 : memref<128xi32, #tpu.memory_space<vmem>>) target_semaphore(%dma_start3A_92 : memref<!tpu.dma_semaphore, #tpu.memory_space<semaphore_mem>>)
    } else {
    }
    %gt3A_17 = arith.constant 3 : i32
    %gt3A_18 = arith.cmpi sgt, %min3A_4, %gt3A_17 : i32
    %convert_element_type3A_19 = arith.extui %gt3A_18 : i1 to i32
    %cond3A_20 = arith.constant 0 : i32
    %cond3A_21 = arith.cmpi ne, %convert_element_type3A_19, %cond3A_20 : i32
    scf.if %cond3A_21 {
      %add3A_60 = arith.constant 3 : i32
      %add3A_61 = arith.addi %mul3A_2, %add3A_60 : i32
      %dma_start3A = arith.constant 0 : i32
      %dma_start3A_62 = arith.constant 3 : i32
      %dma_start3A_63 = arith.constant 0 : i32
      %dma_start3A_64 = arith.constant 3 : i32
      %dma_start3A_65 = arith.constant 0 : i32
      %dma_start3A_66 = tpu.memref_slice %arg6[%dma_start3A_62, %dma_start3A_63, %dma_start3A_65] : memref<6x2x128xi32, #tpu.memory_space<vmem>> -> memref<1x1x128xi32, #tpu.memory_space<vmem>>
      %dma_start3A_67 = tpu.memref_squeeze %dma_start3A_66 : memref<1x1x128xi32, #tpu.memory_space<vmem>> -> memref<128xi32, #tpu.memory_space<vmem>>
      %dma_start3A_68 = arith.constant 0 : i32
      %dma_start3A_69 = tpu.memref_slice %arg3[%dma_start3A, %add3A_61, %dma_start3A_68] : memref<2x2500x128xi32, #tpu.memory_space<hbm>> -> memref<1x1x128xi32, #tpu.memory_space<hbm>>
      %dma_start3A_70 = tpu.memref_squeeze %dma_start3A_69 : memref<1x1x128xi32, #tpu.memory_space<hbm>> -> memref<128xi32, #tpu.memory_space<hbm>>
      %dma_start3A_71 = tpu.memref_slice %arg9[%dma_start3A_64] : memref<6x!tpu.dma_semaphore, #tpu.memory_space<semaphore_mem>> -> memref<1x!tpu.dma_semaphore, #tpu.memory_space<semaphore_mem>>
      %dma_start3A_72 = tpu.memref_squeeze %dma_start3A_71 : memref<1x!tpu.dma_semaphore, #tpu.memory_space<semaphore_mem>> -> memref<!tpu.dma_semaphore, #tpu.memory_space<semaphore_mem>>
      %dma_start3A_73 = arith.constant 0 : i32
      %dma_start3A_74 = tpu.memref_slice %arg6[%dma_start3A_62, %dma_start3A_63, %dma_start3A_73] : memref<6x2x128xi32, #tpu.memory_space<vmem>> -> memref<1x1x128xi32, #tpu.memory_space<vmem>>
      %dma_start3A_75 = tpu.memref_squeeze %dma_start3A_74 : memref<1x1x128xi32, #tpu.memory_space<vmem>> -> memref<128xi32, #tpu.memory_space<vmem>>
      %dma_start3A_76 = arith.constant 0 : i32
      %dma_start3A_77 = tpu.memref_slice %arg3[%dma_start3A, %add3A_61, %dma_start3A_76] : memref<2x2500x128xi32, #tpu.memory_space<hbm>> -> memref<1x1x128xi32, #tpu.memory_space<hbm>>
      %dma_start3A_78 = tpu.memref_squeeze %dma_start3A_77 : memref<1x1x128xi32, #tpu.memory_space<hbm>> -> memref<128xi32, #tpu.memory_space<hbm>>
      tpu.enqueue_dma source(%dma_start3A_78 : memref<128xi32, #tpu.memory_space<hbm>>) target(%dma_start3A_75 : memref<128xi32, #tpu.memory_space<vmem>>) target_semaphore(%dma_start3A_72 : memref<!tpu.dma_semaphore, #tpu.memory_space<semaphore_mem>>)
      %add3A_79 = arith.constant 3 : i32
      %add3A_80 = arith.addi %mul3A_2, %add3A_79 : i32
      %dma_start3A_81 = arith.constant 1 : i32
      %dma_start3A_82 = arith.constant 3 : i32
      %dma_start3A_83 = arith.constant 1 : i32
      %dma_start3A_84 = arith.constant 3 : i32
      %dma_start3A_85 = arith.constant 0 : i32
      %dma_start3A_86 = tpu.memref_slice %arg6[%dma_start3A_82, %dma_start3A_83, %dma_start3A_85] : memref<6x2x128xi32, #tpu.memory_space<vmem>> -> memref<1x1x128xi32, #tpu.memory_space<vmem>>
      %dma_start3A_87 = tpu.memref_squeeze %dma_start3A_86 : memref<1x1x128xi32, #tpu.memory_space<vmem>> -> memref<128xi32, #tpu.memory_space<vmem>>
      %dma_start3A_88 = arith.constant 0 : i32
      %dma_start3A_89 = tpu.memref_slice %arg3[%dma_start3A_81, %add3A_80, %dma_start3A_88] : memref<2x2500x128xi32, #tpu.memory_space<hbm>> -> memref<1x1x128xi32, #tpu.memory_space<hbm>>
      %dma_start3A_90 = tpu.memref_squeeze %dma_start3A_89 : memref<1x1x128xi32, #tpu.memory_space<hbm>> -> memref<128xi32, #tpu.memory_space<hbm>>
      %dma_start3A_91 = tpu.memref_slice %arg10[%dma_start3A_84] : memref<6x!tpu.dma_semaphore, #tpu.memory_space<semaphore_mem>> -> memref<1x!tpu.dma_semaphore, #tpu.memory_space<semaphore_mem>>
      %dma_start3A_92 = tpu.memref_squeeze %dma_start3A_91 : memref<1x!tpu.dma_semaphore, #tpu.memory_space<semaphore_mem>> -> memref<!tpu.dma_semaphore, #tpu.memory_space<semaphore_mem>>
      %dma_start3A_93 = arith.constant 0 : i32
      %dma_start3A_94 = tpu.memref_slice %arg6[%dma_start3A_82, %dma_start3A_83, %dma_start3A_93] : memref<6x2x128xi32, #tpu.memory_space<vmem>> -> memref<1x1x128xi32, #tpu.memory_space<vmem>>
      %dma_start3A_95 = tpu.memref_squeeze %dma_start3A_94 : memref<1x1x128xi32, #tpu.memory_space<vmem>> -> memref<128xi32, #tpu.memory_space<vmem>>
      %dma_start3A_96 = arith.constant 0 : i32
      %dma_start3A_97 = tpu.memref_slice %arg3[%dma_start3A_81, %add3A_80, %dma_start3A_96] : memref<2x2500x128xi32, #tpu.memory_space<hbm>> -> memref<1x1x128xi32, #tpu.memory_space<hbm>>
      %dma_start3A_98 = tpu.memref_squeeze %dma_start3A_97 : memref<1x1x128xi32, #tpu.memory_space<hbm>> -> memref<128xi32, #tpu.memory_space<hbm>>
      tpu.enqueue_dma source(%dma_start3A_98 : memref<128xi32, #tpu.memory_space<hbm>>) target(%dma_start3A_95 : memref<128xi32, #tpu.memory_space<vmem>>) target_semaphore(%dma_start3A_92 : memref<!tpu.dma_semaphore, #tpu.memory_space<semaphore_mem>>)
    } else {
    }
    %gt3A_22 = arith.constant 4 : i32
    %gt3A_23 = arith.cmpi sgt, %min3A_4, %gt3A_22 : i32
    %convert_element_type3A_24 = arith.extui %gt3A_23 : i1 to i32
    %cond3A_25 = arith.constant 0 : i32
    %cond3A_26 = arith.cmpi ne, %convert_element_type3A_24, %cond3A_25 : i32
    scf.if %cond3A_26 {
      %add3A_60 = arith.constant 4 : i32
      %add3A_61 = arith.addi %mul3A_2, %add3A_60 : i32
      %dma_start3A = arith.constant 0 : i32
      %dma_start3A_62 = arith.constant 4 : i32
      %dma_start3A_63 = arith.constant 0 : i32
      %dma_start3A_64 = arith.constant 4 : i32
      %dma_start3A_65 = arith.constant 0 : i32
      %dma_start3A_66 = tpu.memref_slice %arg6[%dma_start3A_62, %dma_start3A_63, %dma_start3A_65] : memref<6x2x128xi32, #tpu.memory_space<vmem>> -> memref<1x1x128xi32, #tpu.memory_space<vmem>>
      %dma_start3A_67 = tpu.memref_squeeze %dma_start3A_66 : memref<1x1x128xi32, #tpu.memory_space<vmem>> -> memref<128xi32, #tpu.memory_space<vmem>>
      %dma_start3A_68 = arith.constant 0 : i32
      %dma_start3A_69 = tpu.memref_slice %arg3[%dma_start3A, %add3A_61, %dma_start3A_68] : memref<2x2500x128xi32, #tpu.memory_space<hbm>> -> memref<1x1x128xi32, #tpu.memory_space<hbm>>
      %dma_start3A_70 = tpu.memref_squeeze %dma_start3A_69 : memref<1x1x128xi32, #tpu.memory_space<hbm>> -> memref<128xi32, #tpu.memory_space<hbm>>
      %dma_start3A_71 = tpu.memref_slice %arg9[%dma_start3A_64] : memref<6x!tpu.dma_semaphore, #tpu.memory_space<semaphore_mem>> -> memref<1x!tpu.dma_semaphore, #tpu.memory_space<semaphore_mem>>
      %dma_start3A_72 = tpu.memref_squeeze %dma_start3A_71 : memref<1x!tpu.dma_semaphore, #tpu.memory_space<semaphore_mem>> -> memref<!tpu.dma_semaphore, #tpu.memory_space<semaphore_mem>>
      %dma_start3A_73 = arith.constant 0 : i32
      %dma_start3A_74 = tpu.memref_slice %arg6[%dma_start3A_62, %dma_start3A_63, %dma_start3A_73] : memref<6x2x128xi32, #tpu.memory_space<vmem>> -> memref<1x1x128xi32, #tpu.memory_space<vmem>>
      %dma_start3A_75 = tpu.memref_squeeze %dma_start3A_74 : memref<1x1x128xi32, #tpu.memory_space<vmem>> -> memref<128xi32, #tpu.memory_space<vmem>>
      %dma_start3A_76 = arith.constant 0 : i32
      %dma_start3A_77 = tpu.memref_slice %arg3[%dma_start3A, %add3A_61, %dma_start3A_76] : memref<2x2500x128xi32, #tpu.memory_space<hbm>> -> memref<1x1x128xi32, #tpu.memory_space<hbm>>
      %dma_start3A_78 = tpu.memref_squeeze %dma_start3A_77 : memref<1x1x128xi32, #tpu.memory_space<hbm>> -> memref<128xi32, #tpu.memory_space<hbm>>
      tpu.enqueue_dma source(%dma_start3A_78 : memref<128xi32, #tpu.memory_space<hbm>>) target(%dma_start3A_75 : memref<128xi32, #tpu.memory_space<vmem>>) target_semaphore(%dma_start3A_72 : memref<!tpu.dma_semaphore, #tpu.memory_space<semaphore_mem>>)
      %add3A_79 = arith.constant 4 : i32
      %add3A_80 = arith.addi %mul3A_2, %add3A_79 : i32
      %dma_start3A_81 = arith.constant 1 : i32
      %dma_start3A_82 = arith.constant 4 : i32
      %dma_start3A_83 = arith.constant 1 : i32
      %dma_start3A_84 = arith.constant 4 : i32
      %dma_start3A_85 = arith.constant 0 : i32
      %dma_start3A_86 = tpu.memref_slice %arg6[%dma_start3A_82, %dma_start3A_83, %dma_start3A_85] : memref<6x2x128xi32, #tpu.memory_space<vmem>> -> memref<1x1x128xi32, #tpu.memory_space<vmem>>
      %dma_start3A_87 = tpu.memref_squeeze %dma_start3A_86 : memref<1x1x128xi32, #tpu.memory_space<vmem>> -> memref<128xi32, #tpu.memory_space<vmem>>
      %dma_start3A_88 = arith.constant 0 : i32
      %dma_start3A_89 = tpu.memref_slice %arg3[%dma_start3A_81, %add3A_80, %dma_start3A_88] : memref<2x2500x128xi32, #tpu.memory_space<hbm>> -> memref<1x1x128xi32, #tpu.memory_space<hbm>>
      %dma_start3A_90 = tpu.memref_squeeze %dma_start3A_89 : memref<1x1x128xi32, #tpu.memory_space<hbm>> -> memref<128xi32, #tpu.memory_space<hbm>>
      %dma_start3A_91 = tpu.memref_slice %arg10[%dma_start3A_84] : memref<6x!tpu.dma_semaphore, #tpu.memory_space<semaphore_mem>> -> memref<1x!tpu.dma_semaphore, #tpu.memory_space<semaphore_mem>>
      %dma_start3A_92 = tpu.memref_squeeze %dma_start3A_91 : memref<1x!tpu.dma_semaphore, #tpu.memory_space<semaphore_mem>> -> memref<!tpu.dma_semaphore, #tpu.memory_space<semaphore_mem>>
      %dma_start3A_93 = arith.constant 0 : i32
      %dma_start3A_94 = tpu.memref_slice %arg6[%dma_start3A_82, %dma_start3A_83, %dma_start3A_93] : memref<6x2x128xi32, #tpu.memory_space<vmem>> -> memref<1x1x128xi32, #tpu.memory_space<vmem>>
      %dma_start3A_95 = tpu.memref_squeeze %dma_start3A_94 : memref<1x1x128xi32, #tpu.memory_space<vmem>> -> memref<128xi32, #tpu.memory_space<vmem>>
      %dma_start3A_96 = arith.constant 0 : i32
      %dma_start3A_97 = tpu.memref_slice %arg3[%dma_start3A_81, %add3A_80, %dma_start3A_96] : memref<2x2500x128xi32, #tpu.memory_space<hbm>> -> memref<1x1x128xi32, #tpu.memory_space<hbm>>
      %dma_start3A_98 = tpu.memref_squeeze %dma_start3A_97 : memref<1x1x128xi32, #tpu.memory_space<hbm>> -> memref<128xi32, #tpu.memory_space<hbm>>
      tpu.enqueue_dma source(%dma_start3A_98 : memref<128xi32, #tpu.memory_space<hbm>>) target(%dma_start3A_95 : memref<128xi32, #tpu.memory_space<vmem>>) target_semaphore(%dma_start3A_92 : memref<!tpu.dma_semaphore, #tpu.memory_space<semaphore_mem>>)
    } else {
    }
    %gt3A_27 = arith.constant 0 : i32
    %gt3A_28 = arith.cmpi sgt, %min3A_4, %gt3A_27 : i32
    %convert_element_type3A_29 = arith.extui %gt3A_28 : i1 to i32
    %cond3A_30 = arith.constant 0 : i32
    %cond3A_31 = arith.cmpi ne, %convert_element_type3A_29, %cond3A_30 : i32
    scf.if %cond3A_31 {
      %add3A_60 = arith.constant 0 : i32
      %add3A_61 = arith.addi %mul3A_2, %add3A_60 : i32
      %dma_wait3A = arith.constant 0 : i32
      %dma_wait3A_62 = arith.constant 0 : i32
      %dma_wait3A_63 = arith.constant 0 : i32
      %dma_wait3A_64 = arith.constant 0 : i32
      %dma_wait3A_65 = arith.constant 0 : i32
      %dma_wait3A_66 = tpu.memref_slice %arg6[%dma_wait3A_62, %dma_wait3A_63, %dma_wait3A_65] : memref<6x2x128xi32, #tpu.memory_space<vmem>> -> memref<1x1x128xi32, #tpu.memory_space<vmem>>
      %dma_wait3A_67 = tpu.memref_squeeze %dma_wait3A_66 : memref<1x1x128xi32, #tpu.memory_space<vmem>> -> memref<128xi32, #tpu.memory_space<vmem>>
      %dma_wait3A_68 = arith.constant 0 : i32
      %dma_wait3A_69 = tpu.memref_slice %arg3[%dma_wait3A, %add3A_61, %dma_wait3A_68] : memref<2x2500x128xi32, #tpu.memory_space<hbm>> -> memref<1x1x128xi32, #tpu.memory_space<hbm>>
      %dma_wait3A_70 = tpu.memref_squeeze %dma_wait3A_69 : memref<1x1x128xi32, #tpu.memory_space<hbm>> -> memref<128xi32, #tpu.memory_space<hbm>>
      %dma_wait3A_71 = tpu.memref_slice %arg9[%dma_wait3A_64] : memref<6x!tpu.dma_semaphore, #tpu.memory_space<semaphore_mem>> -> memref<1x!tpu.dma_semaphore, #tpu.memory_space<semaphore_mem>>
      %dma_wait3A_72 = tpu.memref_squeeze %dma_wait3A_71 : memref<1x!tpu.dma_semaphore, #tpu.memory_space<semaphore_mem>> -> memref<!tpu.dma_semaphore, #tpu.memory_space<semaphore_mem>>
      %dma_wait3A_73 = arith.constant 0 : i32
      %dma_wait3A_74 = tpu.memref_slice %arg6[%dma_wait3A_62, %dma_wait3A_63, %dma_wait3A_73] : memref<6x2x128xi32, #tpu.memory_space<vmem>> -> memref<1x1x128xi32, #tpu.memory_space<vmem>>
      %dma_wait3A_75 = tpu.memref_squeeze %dma_wait3A_74 : memref<1x1x128xi32, #tpu.memory_space<vmem>> -> memref<128xi32, #tpu.memory_space<vmem>>
      %dma_wait3A_76 = arith.constant 0 : i32
      %dma_wait3A_77 = tpu.memref_slice %arg3[%dma_wait3A, %add3A_61, %dma_wait3A_76] : memref<2x2500x128xi32, #tpu.memory_space<hbm>> -> memref<1x1x128xi32, #tpu.memory_space<hbm>>
      %dma_wait3A_78 = tpu.memref_squeeze %dma_wait3A_77 : memref<1x1x128xi32, #tpu.memory_space<hbm>> -> memref<128xi32, #tpu.memory_space<hbm>>
      tpu.wait_dma2 semaphore(%dma_wait3A_72 : memref<!tpu.dma_semaphore, #tpu.memory_space<semaphore_mem>>) src(%dma_wait3A_78 : memref<128xi32, #tpu.memory_space<hbm>>) dst(%dma_wait3A_75 : memref<128xi32, #tpu.memory_space<vmem>>)
      %add3A_79 = arith.constant 0 : i32
      %add3A_80 = arith.addi %mul3A_2, %add3A_79 : i32
      %dma_wait3A_81 = arith.constant 1 : i32
      %dma_wait3A_82 = arith.constant 0 : i32
      %dma_wait3A_83 = arith.constant 1 : i32
      %dma_wait3A_84 = arith.constant 0 : i32
      %dma_wait3A_85 = arith.constant 0 : i32
      %dma_wait3A_86 = tpu.memref_slice %arg6[%dma_wait3A_82, %dma_wait3A_83, %dma_wait3A_85] : memref<6x2x128xi32, #tpu.memory_space<vmem>> -> memref<1x1x128xi32, #tpu.memory_space<vmem>>
      %dma_wait3A_87 = tpu.memref_squeeze %dma_wait3A_86 : memref<1x1x128xi32, #tpu.memory_space<vmem>> -> memref<128xi32, #tpu.memory_space<vmem>>
      %dma_wait3A_88 = arith.constant 0 : i32
      %dma_wait3A_89 = tpu.memref_slice %arg3[%dma_wait3A_81, %add3A_80, %dma_wait3A_88] : memref<2x2500x128xi32, #tpu.memory_space<hbm>> -> memref<1x1x128xi32, #tpu.memory_space<hbm>>
      %dma_wait3A_90 = tpu.memref_squeeze %dma_wait3A_89 : memref<1x1x128xi32, #tpu.memory_space<hbm>> -> memref<128xi32, #tpu.memory_space<hbm>>
      %dma_wait3A_91 = tpu.memref_slice %arg10[%dma_wait3A_84] : memref<6x!tpu.dma_semaphore, #tpu.memory_space<semaphore_mem>> -> memref<1x!tpu.dma_semaphore, #tpu.memory_space<semaphore_mem>>
      %dma_wait3A_92 = tpu.memref_squeeze %dma_wait3A_91 : memref<1x!tpu.dma_semaphore, #tpu.memory_space<semaphore_mem>> -> memref<!tpu.dma_semaphore, #tpu.memory_space<semaphore_mem>>
      %dma_wait3A_93 = arith.constant 0 : i32
      %dma_wait3A_94 = tpu.memref_slice %arg6[%dma_wait3A_82, %dma_wait3A_83, %dma_wait3A_93] : memref<6x2x128xi32, #tpu.memory_space<vmem>> -> memref<1x1x128xi32, #tpu.memory_space<vmem>>
      %dma_wait3A_95 = tpu.memref_squeeze %dma_wait3A_94 : memref<1x1x128xi32, #tpu.memory_space<vmem>> -> memref<128xi32, #tpu.memory_space<vmem>>
      %dma_wait3A_96 = arith.constant 0 : i32
      %dma_wait3A_97 = tpu.memref_slice %arg3[%dma_wait3A_81, %add3A_80, %dma_wait3A_96] : memref<2x2500x128xi32, #tpu.memory_space<hbm>> -> memref<1x1x128xi32, #tpu.memory_space<hbm>>
      %dma_wait3A_98 = tpu.memref_squeeze %dma_wait3A_97 : memref<1x1x128xi32, #tpu.memory_space<hbm>> -> memref<128xi32, #tpu.memory_space<hbm>>
      tpu.wait_dma2 semaphore(%dma_wait3A_92 : memref<!tpu.dma_semaphore, #tpu.memory_space<semaphore_mem>>) src(%dma_wait3A_98 : memref<128xi32, #tpu.memory_space<hbm>>) dst(%dma_wait3A_95 : memref<128xi32, #tpu.memory_space<vmem>>)
      %dma_start3A = arith.constant 0 : i32
      %dma_start3A_99 = arith.constant 0 : i32
      %dma_start3A_100 = arith.constant 0 : i32
      %dma_start3A_101 = arith.constant 0 : i32
      %dma_start3A_102 = arith.constant 0 : i32
      %dma_start3A_103 = arith.constant 0 : i32
      %dma_start3A_104 = tpu.memref_slice %arg7[%dma_start3A_100, %dma_start3A_102, %dma_start3A_103] : memref<3x128x128xf32, #tpu.memory_space<vmem>> -> memref<1x128x128xf32, #tpu.memory_space<vmem>>
      %dma_start3A_105 = tpu.memref_squeeze %dma_start3A_104 : memref<1x128x128xf32, #tpu.memory_space<vmem>> -> memref<128x128xf32, #tpu.memory_space<vmem>>
      %dma_start3A_106 = arith.constant 0 : i32
      %dma_start3A_107 = tpu.memref_slice %arg6[%dma_start3A, %dma_start3A_99, %dma_start3A_106] : memref<6x2x128xi32, #tpu.memory_space<vmem>> -> memref<1x1x128xi32, #tpu.memory_space<vmem>>
      %dma_start3A_108 = tpu.memref_squeeze %dma_start3A_107 : memref<1x1x128xi32, #tpu.memory_space<vmem>> -> memref<128xi32, #tpu.memory_space<vmem>>
      %dma_start3A_109 = arith.constant 0 : i32
      %dma_start3A_110 = arith.constant 0 : i32
      %dma_start3A_111 = tpu.memref_slice %arg2[%dma_start3A_109, %dma_start3A_110] : memref<10000x128xf32, #tpu.memory_space<hbm>> -> memref<10000x128xf32, #tpu.memory_space<hbm>>
      %dma_start3A_112 = tpu.memref_slice %arg11[%dma_start3A_101] : memref<3x!tpu.dma_semaphore, #tpu.memory_space<semaphore_mem>> -> memref<1x!tpu.dma_semaphore, #tpu.memory_space<semaphore_mem>>
      %dma_start3A_113 = tpu.memref_squeeze %dma_start3A_112 : memref<1x!tpu.dma_semaphore, #tpu.memory_space<semaphore_mem>> -> memref<!tpu.dma_semaphore, #tpu.memory_space<semaphore_mem>>
      tpu.enqueue_indirect_dma source(%dma_start3A_111 : memref<10000x128xf32, #tpu.memory_space<hbm>>) target(%dma_start3A_105 : memref<128x128xf32, #tpu.memory_space<vmem>>) offsets(%dma_start3A_108 : memref<128xi32, #tpu.memory_space<vmem>>) semaphore(%dma_start3A_113 : memref<!tpu.dma_semaphore, #tpu.memory_space<semaphore_mem>>)
    } else {
    }
    %gt3A_32 = arith.constant 1 : i32
    %gt3A_33 = arith.cmpi sgt, %min3A_4, %gt3A_32 : i32
    %convert_element_type3A_34 = arith.extui %gt3A_33 : i1 to i32
    %cond3A_35 = arith.constant 0 : i32
    %cond3A_36 = arith.cmpi ne, %convert_element_type3A_34, %cond3A_35 : i32
    scf.if %cond3A_36 {
      %add3A_60 = arith.constant 1 : i32
      %add3A_61 = arith.addi %mul3A_2, %add3A_60 : i32
      %dma_wait3A = arith.constant 0 : i32
      %dma_wait3A_62 = arith.constant 1 : i32
      %dma_wait3A_63 = arith.constant 0 : i32
      %dma_wait3A_64 = arith.constant 1 : i32
      %dma_wait3A_65 = arith.constant 0 : i32
      %dma_wait3A_66 = tpu.memref_slice %arg6[%dma_wait3A_62, %dma_wait3A_63, %dma_wait3A_65] : memref<6x2x128xi32, #tpu.memory_space<vmem>> -> memref<1x1x128xi32, #tpu.memory_space<vmem>>
      %dma_wait3A_67 = tpu.memref_squeeze %dma_wait3A_66 : memref<1x1x128xi32, #tpu.memory_space<vmem>> -> memref<128xi32, #tpu.memory_space<vmem>>
      %dma_wait3A_68 = arith.constant 0 : i32
      %dma_wait3A_69 = tpu.memref_slice %arg3[%dma_wait3A, %add3A_61, %dma_wait3A_68] : memref<2x2500x128xi32, #tpu.memory_space<hbm>> -> memref<1x1x128xi32, #tpu.memory_space<hbm>>
      %dma_wait3A_70 = tpu.memref_squeeze %dma_wait3A_69 : memref<1x1x128xi32, #tpu.memory_space<hbm>> -> memref<128xi32, #tpu.memory_space<hbm>>
      %dma_wait3A_71 = tpu.memref_slice %arg9[%dma_wait3A_64] : memref<6x!tpu.dma_semaphore, #tpu.memory_space<semaphore_mem>> -> memref<1x!tpu.dma_semaphore, #tpu.memory_space<semaphore_mem>>
      %dma_wait3A_72 = tpu.memref_squeeze %dma_wait3A_71 : memref<1x!tpu.dma_semaphore, #tpu.memory_space<semaphore_mem>> -> memref<!tpu.dma_semaphore, #tpu.memory_space<semaphore_mem>>
      %dma_wait3A_73 = arith.constant 0 : i32
      %dma_wait3A_74 = tpu.memref_slice %arg6[%dma_wait3A_62, %dma_wait3A_63, %dma_wait3A_73] : memref<6x2x128xi32, #tpu.memory_space<vmem>> -> memref<1x1x128xi32, #tpu.memory_space<vmem>>
      %dma_wait3A_75 = tpu.memref_squeeze %dma_wait3A_74 : memref<1x1x128xi32, #tpu.memory_space<vmem>> -> memref<128xi32, #tpu.memory_space<vmem>>
      %dma_wait3A_76 = arith.constant 0 : i32
      %dma_wait3A_77 = tpu.memref_slice %arg3[%dma_wait3A, %add3A_61, %dma_wait3A_76] : memref<2x2500x128xi32, #tpu.memory_space<hbm>> -> memref<1x1x128xi32, #tpu.memory_space<hbm>>
      %dma_wait3A_78 = tpu.memref_squeeze %dma_wait3A_77 : memref<1x1x128xi32, #tpu.memory_space<hbm>> -> memref<128xi32, #tpu.memory_space<hbm>>
      tpu.wait_dma2 semaphore(%dma_wait3A_72 : memref<!tpu.dma_semaphore, #tpu.memory_space<semaphore_mem>>) src(%dma_wait3A_78 : memref<128xi32, #tpu.memory_space<hbm>>) dst(%dma_wait3A_75 : memref<128xi32, #tpu.memory_space<vmem>>)
      %add3A_79 = arith.constant 1 : i32
      %add3A_80 = arith.addi %mul3A_2, %add3A_79 : i32
      %dma_wait3A_81 = arith.constant 1 : i32
      %dma_wait3A_82 = arith.constant 1 : i32
      %dma_wait3A_83 = arith.constant 1 : i32
      %dma_wait3A_84 = arith.constant 1 : i32
      %dma_wait3A_85 = arith.constant 0 : i32
      %dma_wait3A_86 = tpu.memref_slice %arg6[%dma_wait3A_82, %dma_wait3A_83, %dma_wait3A_85] : memref<6x2x128xi32, #tpu.memory_space<vmem>> -> memref<1x1x128xi32, #tpu.memory_space<vmem>>
      %dma_wait3A_87 = tpu.memref_squeeze %dma_wait3A_86 : memref<1x1x128xi32, #tpu.memory_space<vmem>> -> memref<128xi32, #tpu.memory_space<vmem>>
      %dma_wait3A_88 = arith.constant 0 : i32
      %dma_wait3A_89 = tpu.memref_slice %arg3[%dma_wait3A_81, %add3A_80, %dma_wait3A_88] : memref<2x2500x128xi32, #tpu.memory_space<hbm>> -> memref<1x1x128xi32, #tpu.memory_space<hbm>>
      %dma_wait3A_90 = tpu.memref_squeeze %dma_wait3A_89 : memref<1x1x128xi32, #tpu.memory_space<hbm>> -> memref<128xi32, #tpu.memory_space<hbm>>
      %dma_wait3A_91 = tpu.memref_slice %arg10[%dma_wait3A_84] : memref<6x!tpu.dma_semaphore, #tpu.memory_space<semaphore_mem>> -> memref<1x!tpu.dma_semaphore, #tpu.memory_space<semaphore_mem>>
      %dma_wait3A_92 = tpu.memref_squeeze %dma_wait3A_91 : memref<1x!tpu.dma_semaphore, #tpu.memory_space<semaphore_mem>> -> memref<!tpu.dma_semaphore, #tpu.memory_space<semaphore_mem>>
      %dma_wait3A_93 = arith.constant 0 : i32
      %dma_wait3A_94 = tpu.memref_slice %arg6[%dma_wait3A_82, %dma_wait3A_83, %dma_wait3A_93] : memref<6x2x128xi32, #tpu.memory_space<vmem>> -> memref<1x1x128xi32, #tpu.memory_space<vmem>>
      %dma_wait3A_95 = tpu.memref_squeeze %dma_wait3A_94 : memref<1x1x128xi32, #tpu.memory_space<vmem>> -> memref<128xi32, #tpu.memory_space<vmem>>
      %dma_wait3A_96 = arith.constant 0 : i32
      %dma_wait3A_97 = tpu.memref_slice %arg3[%dma_wait3A_81, %add3A_80, %dma_wait3A_96] : memref<2x2500x128xi32, #tpu.memory_space<hbm>> -> memref<1x1x128xi32, #tpu.memory_space<hbm>>
      %dma_wait3A_98 = tpu.memref_squeeze %dma_wait3A_97 : memref<1x1x128xi32, #tpu.memory_space<hbm>> -> memref<128xi32, #tpu.memory_space<hbm>>
      tpu.wait_dma2 semaphore(%dma_wait3A_92 : memref<!tpu.dma_semaphore, #tpu.memory_space<semaphore_mem>>) src(%dma_wait3A_98 : memref<128xi32, #tpu.memory_space<hbm>>) dst(%dma_wait3A_95 : memref<128xi32, #tpu.memory_space<vmem>>)
      %dma_start3A = arith.constant 1 : i32
      %dma_start3A_99 = arith.constant 0 : i32
      %dma_start3A_100 = arith.constant 1 : i32
      %dma_start3A_101 = arith.constant 1 : i32
      %dma_start3A_102 = arith.constant 0 : i32
      %dma_start3A_103 = arith.constant 0 : i32
      %dma_start3A_104 = tpu.memref_slice %arg7[%dma_start3A_100, %dma_start3A_102, %dma_start3A_103] : memref<3x128x128xf32, #tpu.memory_space<vmem>> -> memref<1x128x128xf32, #tpu.memory_space<vmem>>
      %dma_start3A_105 = tpu.memref_squeeze %dma_start3A_104 : memref<1x128x128xf32, #tpu.memory_space<vmem>> -> memref<128x128xf32, #tpu.memory_space<vmem>>
      %dma_start3A_106 = arith.constant 0 : i32
      %dma_start3A_107 = tpu.memref_slice %arg6[%dma_start3A, %dma_start3A_99, %dma_start3A_106] : memref<6x2x128xi32, #tpu.memory_space<vmem>> -> memref<1x1x128xi32, #tpu.memory_space<vmem>>
      %dma_start3A_108 = tpu.memref_squeeze %dma_start3A_107 : memref<1x1x128xi32, #tpu.memory_space<vmem>> -> memref<128xi32, #tpu.memory_space<vmem>>
      %dma_start3A_109 = arith.constant 0 : i32
      %dma_start3A_110 = arith.constant 0 : i32
      %dma_start3A_111 = tpu.memref_slice %arg2[%dma_start3A_109, %dma_start3A_110] : memref<10000x128xf32, #tpu.memory_space<hbm>> -> memref<10000x128xf32, #tpu.memory_space<hbm>>
      %dma_start3A_112 = tpu.memref_slice %arg11[%dma_start3A_101] : memref<3x!tpu.dma_semaphore, #tpu.memory_space<semaphore_mem>> -> memref<1x!tpu.dma_semaphore, #tpu.memory_space<semaphore_mem>>
      %dma_start3A_113 = tpu.memref_squeeze %dma_start3A_112 : memref<1x!tpu.dma_semaphore, #tpu.memory_space<semaphore_mem>> -> memref<!tpu.dma_semaphore, #tpu.memory_space<semaphore_mem>>
      tpu.enqueue_indirect_dma source(%dma_start3A_111 : memref<10000x128xf32, #tpu.memory_space<hbm>>) target(%dma_start3A_105 : memref<128x128xf32, #tpu.memory_space<vmem>>) offsets(%dma_start3A_108 : memref<128xi32, #tpu.memory_space<vmem>>) semaphore(%dma_start3A_113 : memref<!tpu.dma_semaphore, #tpu.memory_space<semaphore_mem>>)
    } else {
    }
    %lt3A = arith.constant 15 : i32
    %lt3A_37 = arith.cmpi slt, %arg1, %lt3A : i32
    %convert_element_type3A_38 = arith.extui %lt3A_37 : i1 to i32
    %cond3A_39 = arith.constant 0 : i32
    %cond3A_40 = arith.cmpi ne, %convert_element_type3A_38, %cond3A_39 : i32
    scf.if %cond3A_40 {
      %mul3A_60 = arith.constant 632 : i32
      %mul3A_61 = arith.muli %arg1, %mul3A_60 : i32
      %mul3A_62 = arith.constant 632 : i32
      %mul3A_63 = arith.muli %arg1, %mul3A_62 : i32
      "tpu.region"() ({
        %run_scoped3A = tpu.sem_alloc : memref<!tpu.dma_semaphore, #tpu.memory_space<semaphore_mem>>
        %dma_start3A = arith.constant 0 : i32
        %dma_start3A_64 = tpu.memref_slice %arg8[%mul3A_63, %dma_start3A] : memref<10000x128xf32, #tpu.memory_space<vmem_shared>> -> memref<632x128xf32, #tpu.memory_space<vmem_shared>>
        %dma_start3A_65 = arith.constant 0 : i32
        %dma_start3A_66 = tpu.memref_slice %arg4[%mul3A_61, %dma_start3A_65] : memref<10000x128xf32, #tpu.memory_space<hbm>> -> memref<632x128xf32, #tpu.memory_space<hbm>>
        tpu.enqueue_dma source(%dma_start3A_66 : memref<632x128xf32, #tpu.memory_space<hbm>>) target(%dma_start3A_64 : memref<632x128xf32, #tpu.memory_space<vmem_shared>>) target_semaphore(%run_scoped3A : memref<!tpu.dma_semaphore, #tpu.memory_space<semaphore_mem>>)
        %dma_wait3A = arith.constant 0 : i32
        %dma_wait3A_67 = tpu.memref_slice %arg8[%mul3A_63, %dma_wait3A] : memref<10000x128xf32, #tpu.memory_space<vmem_shared>> -> memref<632x128xf32, #tpu.memory_space<vmem_shared>>
        %dma_wait3A_68 = arith.constant 0 : i32
        %dma_wait3A_69 = tpu.memref_slice %arg4[%mul3A_61, %dma_wait3A_68] : memref<10000x128xf32, #tpu.memory_space<hbm>> -> memref<632x128xf32, #tpu.memory_space<hbm>>
        tpu.wait_dma2 semaphore(%run_scoped3A : memref<!tpu.dma_semaphore, #tpu.memory_space<semaphore_mem>>) src(%dma_wait3A_69 : memref<632x128xf32, #tpu.memory_space<hbm>>) dst(%dma_wait3A_67 : memref<632x128xf32, #tpu.memory_space<vmem_shared>>)
        tpu.yield
      }) : () -> ()
    } else {
    }
    %eq3A = arith.constant 15 : i32
    %eq3A_41 = arith.cmpi eq, %arg1, %eq3A : i32
    %convert_element_type3A_42 = arith.extui %eq3A_41 : i1 to i32
    %cond3A_43 = arith.constant 0 : i32
    %cond3A_44 = arith.cmpi ne, %convert_element_type3A_42, %cond3A_43 : i32
    scf.if %cond3A_44 {
      "tpu.region"() ({
        %run_scoped3A = tpu.sem_alloc : memref<!tpu.dma_semaphore, #tpu.memory_space<semaphore_mem>>
        %dma_start3A = arith.constant 9480 : i32
        %dma_start3A_60 = arith.constant 0 : i32
        %dma_start3A_61 = tpu.memref_slice %arg8[%dma_start3A, %dma_start3A_60] : memref<10000x128xf32, #tpu.memory_space<vmem_shared>> -> memref<520x128xf32, #tpu.memory_space<vmem_shared>>
        %dma_start3A_62 = arith.constant 9480 : i32
        %dma_start3A_63 = arith.constant 0 : i32
        %dma_start3A_64 = tpu.memref_slice %arg4[%dma_start3A_62, %dma_start3A_63] : memref<10000x128xf32, #tpu.memory_space<hbm>> -> memref<520x128xf32, #tpu.memory_space<hbm>>
        tpu.enqueue_dma source(%dma_start3A_64 : memref<520x128xf32, #tpu.memory_space<hbm>>) target(%dma_start3A_61 : memref<520x128xf32, #tpu.memory_space<vmem_shared>>) target_semaphore(%run_scoped3A : memref<!tpu.dma_semaphore, #tpu.memory_space<semaphore_mem>>)
        %dma_wait3A = arith.constant 9480 : i32
        %dma_wait3A_65 = arith.constant 0 : i32
        %dma_wait3A_66 = tpu.memref_slice %arg8[%dma_wait3A, %dma_wait3A_65] : memref<10000x128xf32, #tpu.memory_space<vmem_shared>> -> memref<520x128xf32, #tpu.memory_space<vmem_shared>>
        %dma_wait3A_67 = arith.constant 9480 : i32
        %dma_wait3A_68 = arith.constant 0 : i32
        %dma_wait3A_69 = tpu.memref_slice %arg4[%dma_wait3A_67, %dma_wait3A_68] : memref<10000x128xf32, #tpu.memory_space<hbm>> -> memref<520x128xf32, #tpu.memory_space<hbm>>
        tpu.wait_dma2 semaphore(%run_scoped3A : memref<!tpu.dma_semaphore, #tpu.memory_space<semaphore_mem>>) src(%dma_wait3A_69 : memref<520x128xf32, #tpu.memory_space<hbm>>) dst(%dma_wait3A_66 : memref<520x128xf32, #tpu.memory_space<vmem_shared>>)
        tpu.yield
      }) : () -> ()
    } else {
    }
    %barrier3A = arith.constant 0 : index
    tpu.barrier barrier_id(%barrier3A)
    %scan3A = arith.constant 0 : i32
    %scan3A_45 = arith.constant 14 : i32
    %scan3A_46 = arith.addi %scan3A, %scan3A_45 : i32
    %scan3A_47 = arith.constant 1 : i32
    scf.for %scan3A_60 = %scan3A to %scan3A_46 step %scan3A_47  : i32 {
      %mul3A_61 = arith.constant 6 : i32
      %mul3A_62 = arith.muli %scan3A_60, %mul3A_61 : i32
      %add3A_63 = arith.constant 0 : i32
      %add3A_64 = arith.addi %add3A_63, %mul3A_62 : i32
      %add3A_65 = arith.constant 0 : i32
      %add3A_66 = arith.addi %add3A_64, %add3A_65 : i32
      %lt3A_67 = arith.cmpi slt, %add3A_66, %min3A_4 : i32
      %convert_element_type3A_68 = arith.extui %lt3A_67 : i1 to i32
      %cond3A_69 = arith.constant 0 : i32
      %cond3A_70 = arith.cmpi ne, %convert_element_type3A_68, %cond3A_69 : i32
      scf.if %cond3A_70 {
        %dma_wait3A = arith.constant 0 : i32
        %dma_wait3A_225 = arith.constant 0 : i32
        %dma_wait3A_226 = arith.constant 0 : i32
        %dma_wait3A_227 = arith.constant 0 : i32
        %dma_wait3A_228 = arith.constant 0 : i32
        %dma_wait3A_229 = arith.constant 0 : i32
        %dma_wait3A_230 = tpu.memref_slice %arg7[%dma_wait3A_226, %dma_wait3A_228, %dma_wait3A_229] : memref<3x128x128xf32, #tpu.memory_space<vmem>> -> memref<1x128x128xf32, #tpu.memory_space<vmem>>
        %dma_wait3A_231 = tpu.memref_squeeze %dma_wait3A_230 : memref<1x128x128xf32, #tpu.memory_space<vmem>> -> memref<128x128xf32, #tpu.memory_space<vmem>>
        %dma_wait3A_232 = arith.constant 0 : i32
        %dma_wait3A_233 = tpu.memref_slice %arg6[%dma_wait3A, %dma_wait3A_225, %dma_wait3A_232] : memref<6x2x128xi32, #tpu.memory_space<vmem>> -> memref<1x1x128xi32, #tpu.memory_space<vmem>>
        %dma_wait3A_234 = tpu.memref_squeeze %dma_wait3A_233 : memref<1x1x128xi32, #tpu.memory_space<vmem>> -> memref<128xi32, #tpu.memory_space<vmem>>
        %dma_wait3A_235 = arith.constant 0 : i32
        %dma_wait3A_236 = arith.constant 0 : i32
        %dma_wait3A_237 = tpu.memref_slice %arg2[%dma_wait3A_235, %dma_wait3A_236] : memref<10000x128xf32, #tpu.memory_space<hbm>> -> memref<10000x128xf32, #tpu.memory_space<hbm>>
        %dma_wait3A_238 = tpu.memref_slice %arg11[%dma_wait3A_227] : memref<3x!tpu.dma_semaphore, #tpu.memory_space<semaphore_mem>> -> memref<1x!tpu.dma_semaphore, #tpu.memory_space<semaphore_mem>>
        %dma_wait3A_239 = tpu.memref_squeeze %dma_wait3A_238 : memref<1x!tpu.dma_semaphore, #tpu.memory_space<semaphore_mem>> -> memref<!tpu.dma_semaphore, #tpu.memory_space<semaphore_mem>>
        tpu.wait_indirect_dma semaphore(%dma_wait3A_239 : memref<!tpu.dma_semaphore, #tpu.memory_space<semaphore_mem>>) src(%dma_wait3A_237 : memref<10000x128xf32, #tpu.memory_space<hbm>>) dst(%dma_wait3A_231 : memref<128x128xf32, #tpu.memory_space<vmem>>)
        %dma_start3A = arith.constant 0 : i32
        %dma_start3A_240 = arith.constant 0 : i32
        %dma_start3A_241 = arith.constant 1 : i32
        %dma_start3A_242 = arith.constant 0 : i32
        %dma_start3A_243 = arith.constant 0 : i32
        %dma_start3A_244 = arith.constant 0 : i32
        %dma_start3A_245 = tpu.memref_slice %arg7[%dma_start3A, %dma_start3A_243, %dma_start3A_244] : memref<3x128x128xf32, #tpu.memory_space<vmem>> -> memref<1x128x128xf32, #tpu.memory_space<vmem>>
        %dma_start3A_246 = tpu.memref_squeeze %dma_start3A_245 : memref<1x128x128xf32, #tpu.memory_space<vmem>> -> memref<128x128xf32, #tpu.memory_space<vmem>>
        %dma_start3A_247 = arith.constant 0 : i32
        %dma_start3A_248 = tpu.memref_slice %arg6[%dma_start3A_240, %dma_start3A_241, %dma_start3A_247] : memref<6x2x128xi32, #tpu.memory_space<vmem>> -> memref<1x1x128xi32, #tpu.memory_space<vmem>>
        %dma_start3A_249 = tpu.memref_squeeze %dma_start3A_248 : memref<1x1x128xi32, #tpu.memory_space<vmem>> -> memref<128xi32, #tpu.memory_space<vmem>>
        %dma_start3A_250 = arith.constant 0 : i32
        %dma_start3A_251 = arith.constant 0 : i32
        %dma_start3A_252 = tpu.memref_slice %arg8[%dma_start3A_250, %dma_start3A_251] : memref<10000x128xf32, #tpu.memory_space<vmem_shared>> -> memref<10000x128xf32, #tpu.memory_space<vmem_shared>>
        %dma_start3A_253 = tpu.memref_slice %arg12[%dma_start3A_242] : memref<3x!tpu.dma_semaphore, #tpu.memory_space<semaphore_mem>> -> memref<1x!tpu.dma_semaphore, #tpu.memory_space<semaphore_mem>>
        %dma_start3A_254 = tpu.memref_squeeze %dma_start3A_253 : memref<1x!tpu.dma_semaphore, #tpu.memory_space<semaphore_mem>> -> memref<!tpu.dma_semaphore, #tpu.memory_space<semaphore_mem>>
        tpu.enqueue_indirect_dma source(%dma_start3A_246 : memref<128x128xf32, #tpu.memory_space<vmem>>) target(%dma_start3A_252 : memref<10000x128xf32, #tpu.memory_space<vmem_shared>>) offsets(%dma_start3A_249 : memref<128xi32, #tpu.memory_space<vmem>>) semaphore(%dma_start3A_254 : memref<!tpu.dma_semaphore, #tpu.memory_space<semaphore_mem>>) {add = true}
      } else {
      }
      %ge3A = arith.constant 1 : i32
      %ge3A_71 = arith.cmpi sge, %add3A_66, %ge3A : i32
      %sub3A_72 = arith.constant 1 : i32
      %sub3A_73 = arith.subi %add3A_66, %sub3A_72 : i32
      %lt3A_74 = arith.cmpi slt, %sub3A_73, %min3A_4 : i32
      %and3A = arith.andi %ge3A_71, %lt3A_74 : i1
      %convert_element_type3A_75 = arith.extui %and3A : i1 to i32
      %cond3A_76 = arith.constant 0 : i32
      %cond3A_77 = arith.cmpi ne, %convert_element_type3A_75, %cond3A_76 : i32
      scf.if %cond3A_77 {
        %dma_wait3A = arith.constant 2 : i32
        %dma_wait3A_225 = arith.constant 5 : i32
        %dma_wait3A_226 = arith.constant 1 : i32
        %dma_wait3A_227 = arith.constant 2 : i32
        %dma_wait3A_228 = arith.constant 0 : i32
        %dma_wait3A_229 = arith.constant 0 : i32
        %dma_wait3A_230 = tpu.memref_slice %arg7[%dma_wait3A, %dma_wait3A_228, %dma_wait3A_229] : memref<3x128x128xf32, #tpu.memory_space<vmem>> -> memref<1x128x128xf32, #tpu.memory_space<vmem>>
        %dma_wait3A_231 = tpu.memref_squeeze %dma_wait3A_230 : memref<1x128x128xf32, #tpu.memory_space<vmem>> -> memref<128x128xf32, #tpu.memory_space<vmem>>
        %dma_wait3A_232 = arith.constant 0 : i32
        %dma_wait3A_233 = tpu.memref_slice %arg6[%dma_wait3A_225, %dma_wait3A_226, %dma_wait3A_232] : memref<6x2x128xi32, #tpu.memory_space<vmem>> -> memref<1x1x128xi32, #tpu.memory_space<vmem>>
        %dma_wait3A_234 = tpu.memref_squeeze %dma_wait3A_233 : memref<1x1x128xi32, #tpu.memory_space<vmem>> -> memref<128xi32, #tpu.memory_space<vmem>>
        %dma_wait3A_235 = arith.constant 0 : i32
        %dma_wait3A_236 = arith.constant 0 : i32
        %dma_wait3A_237 = tpu.memref_slice %arg8[%dma_wait3A_235, %dma_wait3A_236] : memref<10000x128xf32, #tpu.memory_space<vmem_shared>> -> memref<10000x128xf32, #tpu.memory_space<vmem_shared>>
        %dma_wait3A_238 = tpu.memref_slice %arg12[%dma_wait3A_227] : memref<3x!tpu.dma_semaphore, #tpu.memory_space<semaphore_mem>> -> memref<1x!tpu.dma_semaphore, #tpu.memory_space<semaphore_mem>>
        %dma_wait3A_239 = tpu.memref_squeeze %dma_wait3A_238 : memref<1x!tpu.dma_semaphore, #tpu.memory_space<semaphore_mem>> -> memref<!tpu.dma_semaphore, #tpu.memory_space<semaphore_mem>>
        tpu.wait_indirect_dma semaphore(%dma_wait3A_239 : memref<!tpu.dma_semaphore, #tpu.memory_space<semaphore_mem>>) src(%dma_wait3A_231 : memref<128x128xf32, #tpu.memory_space<vmem>>) dst(%dma_wait3A_237 : memref<10000x128xf32, #tpu.memory_space<vmem_shared>>)
      } else {
      }
      %add3A_78 = arith.constant 2 : i32
      %add3A_79 = arith.addi %add3A_66, %add3A_78 : i32
      %lt3A_80 = arith.cmpi slt, %add3A_79, %min3A_4 : i32
      %convert_element_type3A_81 = arith.extui %lt3A_80 : i1 to i32
      %cond3A_82 = arith.constant 0 : i32
      %cond3A_83 = arith.cmpi ne, %convert_element_type3A_81, %cond3A_82 : i32
      scf.if %cond3A_83 {
        %add3A_225 = arith.constant 2 : i32
        %add3A_226 = arith.addi %add3A_66, %add3A_225 : i32
        %add3A_227 = arith.addi %mul3A_2, %add3A_226 : i32
        %dma_wait3A = arith.constant 0 : i32
        %dma_wait3A_228 = arith.constant 2 : i32
        %dma_wait3A_229 = arith.constant 0 : i32
        %dma_wait3A_230 = arith.constant 2 : i32
        %dma_wait3A_231 = arith.constant 0 : i32
        %dma_wait3A_232 = tpu.memref_slice %arg6[%dma_wait3A_228, %dma_wait3A_229, %dma_wait3A_231] : memref<6x2x128xi32, #tpu.memory_space<vmem>> -> memref<1x1x128xi32, #tpu.memory_space<vmem>>
        %dma_wait3A_233 = tpu.memref_squeeze %dma_wait3A_232 : memref<1x1x128xi32, #tpu.memory_space<vmem>> -> memref<128xi32, #tpu.memory_space<vmem>>
        %dma_wait3A_234 = arith.constant 0 : i32
        %dma_wait3A_235 = tpu.memref_slice %arg3[%dma_wait3A, %add3A_227, %dma_wait3A_234] : memref<2x2500x128xi32, #tpu.memory_space<hbm>> -> memref<1x1x128xi32, #tpu.memory_space<hbm>>
        %dma_wait3A_236 = tpu.memref_squeeze %dma_wait3A_235 : memref<1x1x128xi32, #tpu.memory_space<hbm>> -> memref<128xi32, #tpu.memory_space<hbm>>
        %dma_wait3A_237 = tpu.memref_slice %arg9[%dma_wait3A_230] : memref<6x!tpu.dma_semaphore, #tpu.memory_space<semaphore_mem>> -> memref<1x!tpu.dma_semaphore, #tpu.memory_space<semaphore_mem>>
        %dma_wait3A_238 = tpu.memref_squeeze %dma_wait3A_237 : memref<1x!tpu.dma_semaphore, #tpu.memory_space<semaphore_mem>> -> memref<!tpu.dma_semaphore, #tpu.memory_space<semaphore_mem>>
        %dma_wait3A_239 = arith.constant 0 : i32
        %dma_wait3A_240 = tpu.memref_slice %arg6[%dma_wait3A_228, %dma_wait3A_229, %dma_wait3A_239] : memref<6x2x128xi32, #tpu.memory_space<vmem>> -> memref<1x1x128xi32, #tpu.memory_space<vmem>>
        %dma_wait3A_241 = tpu.memref_squeeze %dma_wait3A_240 : memref<1x1x128xi32, #tpu.memory_space<vmem>> -> memref<128xi32, #tpu.memory_space<vmem>>
        %dma_wait3A_242 = arith.constant 0 : i32
        %dma_wait3A_243 = tpu.memref_slice %arg3[%dma_wait3A, %add3A_227, %dma_wait3A_242] : memref<2x2500x128xi32, #tpu.memory_space<hbm>> -> memref<1x1x128xi32, #tpu.memory_space<hbm>>
        %dma_wait3A_244 = tpu.memref_squeeze %dma_wait3A_243 : memref<1x1x128xi32, #tpu.memory_space<hbm>> -> memref<128xi32, #tpu.memory_space<hbm>>
        tpu.wait_dma2 semaphore(%dma_wait3A_238 : memref<!tpu.dma_semaphore, #tpu.memory_space<semaphore_mem>>) src(%dma_wait3A_244 : memref<128xi32, #tpu.memory_space<hbm>>) dst(%dma_wait3A_241 : memref<128xi32, #tpu.memory_space<vmem>>)
        %add3A_245 = arith.addi %mul3A_2, %add3A_226 : i32
        %dma_wait3A_246 = arith.constant 1 : i32
        %dma_wait3A_247 = arith.constant 2 : i32
        %dma_wait3A_248 = arith.constant 1 : i32
        %dma_wait3A_249 = arith.constant 2 : i32
        %dma_wait3A_250 = arith.constant 0 : i32
        %dma_wait3A_251 = tpu.memref_slice %arg6[%dma_wait3A_247, %dma_wait3A_248, %dma_wait3A_250] : memref<6x2x128xi32, #tpu.memory_space<vmem>> -> memref<1x1x128xi32, #tpu.memory_space<vmem>>
        %dma_wait3A_252 = tpu.memref_squeeze %dma_wait3A_251 : memref<1x1x128xi32, #tpu.memory_space<vmem>> -> memref<128xi32, #tpu.memory_space<vmem>>
        %dma_wait3A_253 = arith.constant 0 : i32
        %dma_wait3A_254 = tpu.memref_slice %arg3[%dma_wait3A_246, %add3A_245, %dma_wait3A_253] : memref<2x2500x128xi32, #tpu.memory_space<hbm>> -> memref<1x1x128xi32, #tpu.memory_space<hbm>>
        %dma_wait3A_255 = tpu.memref_squeeze %dma_wait3A_254 : memref<1x1x128xi32, #tpu.memory_space<hbm>> -> memref<128xi32, #tpu.memory_space<hbm>>
        %dma_wait3A_256 = tpu.memref_slice %arg10[%dma_wait3A_249] : memref<6x!tpu.dma_semaphore, #tpu.memory_space<semaphore_mem>> -> memref<1x!tpu.dma_semaphore, #tpu.memory_space<semaphore_mem>>
        %dma_wait3A_257 = tpu.memref_squeeze %dma_wait3A_256 : memref<1x!tpu.dma_semaphore, #tpu.memory_space<semaphore_mem>> -> memref<!tpu.dma_semaphore, #tpu.memory_space<semaphore_mem>>
        %dma_wait3A_258 = arith.constant 0 : i32
        %dma_wait3A_259 = tpu.memref_slice %arg6[%dma_wait3A_247, %dma_wait3A_248, %dma_wait3A_258] : memref<6x2x128xi32, #tpu.memory_space<vmem>> -> memref<1x1x128xi32, #tpu.memory_space<vmem>>
        %dma_wait3A_260 = tpu.memref_squeeze %dma_wait3A_259 : memref<1x1x128xi32, #tpu.memory_space<vmem>> -> memref<128xi32, #tpu.memory_space<vmem>>
        %dma_wait3A_261 = arith.constant 0 : i32
        %dma_wait3A_262 = tpu.memref_slice %arg3[%dma_wait3A_246, %add3A_245, %dma_wait3A_261] : memref<2x2500x128xi32, #tpu.memory_space<hbm>> -> memref<1x1x128xi32, #tpu.memory_space<hbm>>
        %dma_wait3A_263 = tpu.memref_squeeze %dma_wait3A_262 : memref<1x1x128xi32, #tpu.memory_space<hbm>> -> memref<128xi32, #tpu.memory_space<hbm>>
        tpu.wait_dma2 semaphore(%dma_wait3A_257 : memref<!tpu.dma_semaphore, #tpu.memory_space<semaphore_mem>>) src(%dma_wait3A_263 : memref<128xi32, #tpu.memory_space<hbm>>) dst(%dma_wait3A_260 : memref<128xi32, #tpu.memory_space<vmem>>)
        %dma_start3A = arith.constant 2 : i32
        %dma_start3A_264 = arith.constant 0 : i32
        %dma_start3A_265 = arith.constant 2 : i32
        %dma_start3A_266 = arith.constant 2 : i32
        %dma_start3A_267 = arith.constant 0 : i32
        %dma_start3A_268 = arith.constant 0 : i32
        %dma_start3A_269 = tpu.memref_slice %arg7[%dma_start3A_265, %dma_start3A_267, %dma_start3A_268] : memref<3x128x128xf32, #tpu.memory_space<vmem>> -> memref<1x128x128xf32, #tpu.memory_space<vmem>>
        %dma_start3A_270 = tpu.memref_squeeze %dma_start3A_269 : memref<1x128x128xf32, #tpu.memory_space<vmem>> -> memref<128x128xf32, #tpu.memory_space<vmem>>
        %dma_start3A_271 = arith.constant 0 : i32
        %dma_start3A_272 = tpu.memref_slice %arg6[%dma_start3A, %dma_start3A_264, %dma_start3A_271] : memref<6x2x128xi32, #tpu.memory_space<vmem>> -> memref<1x1x128xi32, #tpu.memory_space<vmem>>
        %dma_start3A_273 = tpu.memref_squeeze %dma_start3A_272 : memref<1x1x128xi32, #tpu.memory_space<vmem>> -> memref<128xi32, #tpu.memory_space<vmem>>
        %dma_start3A_274 = arith.constant 0 : i32
        %dma_start3A_275 = arith.constant 0 : i32
        %dma_start3A_276 = tpu.memref_slice %arg2[%dma_start3A_274, %dma_start3A_275] : memref<10000x128xf32, #tpu.memory_space<hbm>> -> memref<10000x128xf32, #tpu.memory_space<hbm>>
        %dma_start3A_277 = tpu.memref_slice %arg11[%dma_start3A_266] : memref<3x!tpu.dma_semaphore, #tpu.memory_space<semaphore_mem>> -> memref<1x!tpu.dma_semaphore, #tpu.memory_space<semaphore_mem>>
        %dma_start3A_278 = tpu.memref_squeeze %dma_start3A_277 : memref<1x!tpu.dma_semaphore, #tpu.memory_space<semaphore_mem>> -> memref<!tpu.dma_semaphore, #tpu.memory_space<semaphore_mem>>
        tpu.enqueue_indirect_dma source(%dma_start3A_276 : memref<10000x128xf32, #tpu.memory_space<hbm>>) target(%dma_start3A_270 : memref<128x128xf32, #tpu.memory_space<vmem>>) offsets(%dma_start3A_273 : memref<128xi32, #tpu.memory_space<vmem>>) semaphore(%dma_start3A_278 : memref<!tpu.dma_semaphore, #tpu.memory_space<semaphore_mem>>)
      } else {
      }
      %add3A_84 = arith.constant 5 : i32
      %add3A_85 = arith.addi %add3A_66, %add3A_84 : i32
      %lt3A_86 = arith.cmpi slt, %add3A_85, %min3A_4 : i32
      %convert_element_type3A_87 = arith.extui %lt3A_86 : i1 to i32
      %cond3A_88 = arith.constant 0 : i32
      %cond3A_89 = arith.cmpi ne, %convert_element_type3A_87, %cond3A_88 : i32
      scf.if %cond3A_89 {
        %add3A_225 = arith.constant 5 : i32
        %add3A_226 = arith.addi %add3A_66, %add3A_225 : i32
        %add3A_227 = arith.addi %mul3A_2, %add3A_226 : i32
        %dma_start3A = arith.constant 0 : i32
        %dma_start3A_228 = arith.constant 5 : i32
        %dma_start3A_229 = arith.constant 0 : i32
        %dma_start3A_230 = arith.constant 5 : i32
        %dma_start3A_231 = arith.constant 0 : i32
        %dma_start3A_232 = tpu.memref_slice %arg6[%dma_start3A_228, %dma_start3A_229, %dma_start3A_231] : memref<6x2x128xi32, #tpu.memory_space<vmem>> -> memref<1x1x128xi32, #tpu.memory_space<vmem>>
        %dma_start3A_233 = tpu.memref_squeeze %dma_start3A_232 : memref<1x1x128xi32, #tpu.memory_space<vmem>> -> memref<128xi32, #tpu.memory_space<vmem>>
        %dma_start3A_234 = arith.constant 0 : i32
        %dma_start3A_235 = tpu.memref_slice %arg3[%dma_start3A, %add3A_227, %dma_start3A_234] : memref<2x2500x128xi32, #tpu.memory_space<hbm>> -> memref<1x1x128xi32, #tpu.memory_space<hbm>>
        %dma_start3A_236 = tpu.memref_squeeze %dma_start3A_235 : memref<1x1x128xi32, #tpu.memory_space<hbm>> -> memref<128xi32, #tpu.memory_space<hbm>>
        %dma_start3A_237 = tpu.memref_slice %arg9[%dma_start3A_230] : memref<6x!tpu.dma_semaphore, #tpu.memory_space<semaphore_mem>> -> memref<1x!tpu.dma_semaphore, #tpu.memory_space<semaphore_mem>>
        %dma_start3A_238 = tpu.memref_squeeze %dma_start3A_237 : memref<1x!tpu.dma_semaphore, #tpu.memory_space<semaphore_mem>> -> memref<!tpu.dma_semaphore, #tpu.memory_space<semaphore_mem>>
        %dma_start3A_239 = arith.constant 0 : i32
        %dma_start3A_240 = tpu.memref_slice %arg6[%dma_start3A_228, %dma_start3A_229, %dma_start3A_239] : memref<6x2x128xi32, #tpu.memory_space<vmem>> -> memref<1x1x128xi32, #tpu.memory_space<vmem>>
        %dma_start3A_241 = tpu.memref_squeeze %dma_start3A_240 : memref<1x1x128xi32, #tpu.memory_space<vmem>> -> memref<128xi32, #tpu.memory_space<vmem>>
        %dma_start3A_242 = arith.constant 0 : i32
        %dma_start3A_243 = tpu.memref_slice %arg3[%dma_start3A, %add3A_227, %dma_start3A_242] : memref<2x2500x128xi32, #tpu.memory_space<hbm>> -> memref<1x1x128xi32, #tpu.memory_space<hbm>>
        %dma_start3A_244 = tpu.memref_squeeze %dma_start3A_243 : memref<1x1x128xi32, #tpu.memory_space<hbm>> -> memref<128xi32, #tpu.memory_space<hbm>>
        tpu.enqueue_dma source(%dma_start3A_244 : memref<128xi32, #tpu.memory_space<hbm>>) target(%dma_start3A_241 : memref<128xi32, #tpu.memory_space<vmem>>) target_semaphore(%dma_start3A_238 : memref<!tpu.dma_semaphore, #tpu.memory_space<semaphore_mem>>)
        %add3A_245 = arith.addi %mul3A_2, %add3A_226 : i32
        %dma_start3A_246 = arith.constant 1 : i32
        %dma_start3A_247 = arith.constant 5 : i32
        %dma_start3A_248 = arith.constant 1 : i32
        %dma_start3A_249 = arith.constant 5 : i32
        %dma_start3A_250 = arith.constant 0 : i32
        %dma_start3A_251 = tpu.memref_slice %arg6[%dma_start3A_247, %dma_start3A_248, %dma_start3A_250] : memref<6x2x128xi32, #tpu.memory_space<vmem>> -> memref<1x1x128xi32, #tpu.memory_space<vmem>>
        %dma_start3A_252 = tpu.memref_squeeze %dma_start3A_251 : memref<1x1x128xi32, #tpu.memory_space<vmem>> -> memref<128xi32, #tpu.memory_space<vmem>>
        %dma_start3A_253 = arith.constant 0 : i32
        %dma_start3A_254 = tpu.memref_slice %arg3[%dma_start3A_246, %add3A_245, %dma_start3A_253] : memref<2x2500x128xi32, #tpu.memory_space<hbm>> -> memref<1x1x128xi32, #tpu.memory_space<hbm>>
        %dma_start3A_255 = tpu.memref_squeeze %dma_start3A_254 : memref<1x1x128xi32, #tpu.memory_space<hbm>> -> memref<128xi32, #tpu.memory_space<hbm>>
        %dma_start3A_256 = tpu.memref_slice %arg10[%dma_start3A_249] : memref<6x!tpu.dma_semaphore, #tpu.memory_space<semaphore_mem>> -> memref<1x!tpu.dma_semaphore, #tpu.memory_space<semaphore_mem>>
        %dma_start3A_257 = tpu.memref_squeeze %dma_start3A_256 : memref<1x!tpu.dma_semaphore, #tpu.memory_space<semaphore_mem>> -> memref<!tpu.dma_semaphore, #tpu.memory_space<semaphore_mem>>
        %dma_start3A_258 = arith.constant 0 : i32
        %dma_start3A_259 = tpu.memref_slice %arg6[%dma_start3A_247, %dma_start3A_248, %dma_start3A_258] : memref<6x2x128xi32, #tpu.memory_space<vmem>> -> memref<1x1x128xi32, #tpu.memory_space<vmem>>
        %dma_start3A_260 = tpu.memref_squeeze %dma_start3A_259 : memref<1x1x128xi32, #tpu.memory_space<vmem>> -> memref<128xi32, #tpu.memory_space<vmem>>
        %dma_start3A_261 = arith.constant 0 : i32
        %dma_start3A_262 = tpu.memref_slice %arg3[%dma_start3A_246, %add3A_245, %dma_start3A_261] : memref<2x2500x128xi32, #tpu.memory_space<hbm>> -> memref<1x1x128xi32, #tpu.memory_space<hbm>>
        %dma_start3A_263 = tpu.memref_squeeze %dma_start3A_262 : memref<1x1x128xi32, #tpu.memory_space<hbm>> -> memref<128xi32, #tpu.memory_space<hbm>>
        tpu.enqueue_dma source(%dma_start3A_263 : memref<128xi32, #tpu.memory_space<hbm>>) target(%dma_start3A_260 : memref<128xi32, #tpu.memory_space<vmem>>) target_semaphore(%dma_start3A_257 : memref<!tpu.dma_semaphore, #tpu.memory_space<semaphore_mem>>)
      } else {
      }
      %add3A_90 = arith.constant 1 : i32
      %add3A_91 = arith.addi %add3A_64, %add3A_90 : i32
      %lt3A_92 = arith.cmpi slt, %add3A_91, %min3A_4 : i32
      %convert_element_type3A_93 = arith.extui %lt3A_92 : i1 to i32
      %cond3A_94 = arith.constant 0 : i32
      %cond3A_95 = arith.cmpi ne, %convert_element_type3A_93, %cond3A_94 : i32
      scf.if %cond3A_95 {
        %dma_wait3A = arith.constant 1 : i32
        %dma_wait3A_225 = arith.constant 0 : i32
        %dma_wait3A_226 = arith.constant 1 : i32
        %dma_wait3A_227 = arith.constant 1 : i32
        %dma_wait3A_228 = arith.constant 0 : i32
        %dma_wait3A_229 = arith.constant 0 : i32
        %dma_wait3A_230 = tpu.memref_slice %arg7[%dma_wait3A_226, %dma_wait3A_228, %dma_wait3A_229] : memref<3x128x128xf32, #tpu.memory_space<vmem>> -> memref<1x128x128xf32, #tpu.memory_space<vmem>>
        %dma_wait3A_231 = tpu.memref_squeeze %dma_wait3A_230 : memref<1x128x128xf32, #tpu.memory_space<vmem>> -> memref<128x128xf32, #tpu.memory_space<vmem>>
        %dma_wait3A_232 = arith.constant 0 : i32
        %dma_wait3A_233 = tpu.memref_slice %arg6[%dma_wait3A, %dma_wait3A_225, %dma_wait3A_232] : memref<6x2x128xi32, #tpu.memory_space<vmem>> -> memref<1x1x128xi32, #tpu.memory_space<vmem>>
        %dma_wait3A_234 = tpu.memref_squeeze %dma_wait3A_233 : memref<1x1x128xi32, #tpu.memory_space<vmem>> -> memref<128xi32, #tpu.memory_space<vmem>>
        %dma_wait3A_235 = arith.constant 0 : i32
        %dma_wait3A_236 = arith.constant 0 : i32
        %dma_wait3A_237 = tpu.memref_slice %arg2[%dma_wait3A_235, %dma_wait3A_236] : memref<10000x128xf32, #tpu.memory_space<hbm>> -> memref<10000x128xf32, #tpu.memory_space<hbm>>
        %dma_wait3A_238 = tpu.memref_slice %arg11[%dma_wait3A_227] : memref<3x!tpu.dma_semaphore, #tpu.memory_space<semaphore_mem>> -> memref<1x!tpu.dma_semaphore, #tpu.memory_space<semaphore_mem>>
        %dma_wait3A_239 = tpu.memref_squeeze %dma_wait3A_238 : memref<1x!tpu.dma_semaphore, #tpu.memory_space<semaphore_mem>> -> memref<!tpu.dma_semaphore, #tpu.memory_space<semaphore_mem>>
        tpu.wait_indirect_dma semaphore(%dma_wait3A_239 : memref<!tpu.dma_semaphore, #tpu.memory_space<semaphore_mem>>) src(%dma_wait3A_237 : memref<10000x128xf32, #tpu.memory_space<hbm>>) dst(%dma_wait3A_231 : memref<128x128xf32, #tpu.memory_space<vmem>>)
        %dma_start3A = arith.constant 1 : i32
        %dma_start3A_240 = arith.constant 1 : i32
        %dma_start3A_241 = arith.constant 1 : i32
        %dma_start3A_242 = arith.constant 1 : i32
        %dma_start3A_243 = arith.constant 0 : i32
        %dma_start3A_244 = arith.constant 0 : i32
        %dma_start3A_245 = tpu.memref_slice %arg7[%dma_start3A, %dma_start3A_243, %dma_start3A_244] : memref<3x128x128xf32, #tpu.memory_space<vmem>> -> memref<1x128x128xf32, #tpu.memory_space<vmem>>
        %dma_start3A_246 = tpu.memref_squeeze %dma_start3A_245 : memref<1x128x128xf32, #tpu.memory_space<vmem>> -> memref<128x128xf32, #tpu.memory_space<vmem>>
        %dma_start3A_247 = arith.constant 0 : i32
        %dma_start3A_248 = tpu.memref_slice %arg6[%dma_start3A_240, %dma_start3A_241, %dma_start3A_247] : memref<6x2x128xi32, #tpu.memory_space<vmem>> -> memref<1x1x128xi32, #tpu.memory_space<vmem>>
        %dma_start3A_249 = tpu.memref_squeeze %dma_start3A_248 : memref<1x1x128xi32, #tpu.memory_space<vmem>> -> memref<128xi32, #tpu.memory_space<vmem>>
        %dma_start3A_250 = arith.constant 0 : i32
        %dma_start3A_251 = arith.constant 0 : i32
        %dma_start3A_252 = tpu.memref_slice %arg8[%dma_start3A_250, %dma_start3A_251] : memref<10000x128xf32, #tpu.memory_space<vmem_shared>> -> memref<10000x128xf32, #tpu.memory_space<vmem_shared>>
        %dma_start3A_253 = tpu.memref_slice %arg12[%dma_start3A_242] : memref<3x!tpu.dma_semaphore, #tpu.memory_space<semaphore_mem>> -> memref<1x!tpu.dma_semaphore, #tpu.memory_space<semaphore_mem>>
        %dma_start3A_254 = tpu.memref_squeeze %dma_start3A_253 : memref<1x!tpu.dma_semaphore, #tpu.memory_space<semaphore_mem>> -> memref<!tpu.dma_semaphore, #tpu.memory_space<semaphore_mem>>
        tpu.enqueue_indirect_dma source(%dma_start3A_246 : memref<128x128xf32, #tpu.memory_space<vmem>>) target(%dma_start3A_252 : memref<10000x128xf32, #tpu.memory_space<vmem_shared>>) offsets(%dma_start3A_249 : memref<128xi32, #tpu.memory_space<vmem>>) semaphore(%dma_start3A_254 : memref<!tpu.dma_semaphore, #tpu.memory_space<semaphore_mem>>) {add = true}
      } else {
      }
      %ge3A_96 = arith.constant 1 : i32
      %ge3A_97 = arith.cmpi sge, %add3A_91, %ge3A_96 : i32
      %sub3A_98 = arith.constant 1 : i32
      %sub3A_99 = arith.subi %add3A_91, %sub3A_98 : i32
      %lt3A_100 = arith.cmpi slt, %sub3A_99, %min3A_4 : i32
      %and3A_101 = arith.andi %ge3A_97, %lt3A_100 : i1
      %convert_element_type3A_102 = arith.extui %and3A_101 : i1 to i32
      %cond3A_103 = arith.constant 0 : i32
      %cond3A_104 = arith.cmpi ne, %convert_element_type3A_102, %cond3A_103 : i32
      scf.if %cond3A_104 {
        %dma_wait3A = arith.constant 0 : i32
        %dma_wait3A_225 = arith.constant 0 : i32
        %dma_wait3A_226 = arith.constant 1 : i32
        %dma_wait3A_227 = arith.constant 0 : i32
        %dma_wait3A_228 = arith.constant 0 : i32
        %dma_wait3A_229 = arith.constant 0 : i32
        %dma_wait3A_230 = tpu.memref_slice %arg7[%dma_wait3A, %dma_wait3A_228, %dma_wait3A_229] : memref<3x128x128xf32, #tpu.memory_space<vmem>> -> memref<1x128x128xf32, #tpu.memory_space<vmem>>
        %dma_wait3A_231 = tpu.memref_squeeze %dma_wait3A_230 : memref<1x128x128xf32, #tpu.memory_space<vmem>> -> memref<128x128xf32, #tpu.memory_space<vmem>>
        %dma_wait3A_232 = arith.constant 0 : i32
        %dma_wait3A_233 = tpu.memref_slice %arg6[%dma_wait3A_225, %dma_wait3A_226, %dma_wait3A_232] : memref<6x2x128xi32, #tpu.memory_space<vmem>> -> memref<1x1x128xi32, #tpu.memory_space<vmem>>
        %dma_wait3A_234 = tpu.memref_squeeze %dma_wait3A_233 : memref<1x1x128xi32, #tpu.memory_space<vmem>> -> memref<128xi32, #tpu.memory_space<vmem>>
        %dma_wait3A_235 = arith.constant 0 : i32
        %dma_wait3A_236 = arith.constant 0 : i32
        %dma_wait3A_237 = tpu.memref_slice %arg8[%dma_wait3A_235, %dma_wait3A_236] : memref<10000x128xf32, #tpu.memory_space<vmem_shared>> -> memref<10000x128xf32, #tpu.memory_space<vmem_shared>>
        %dma_wait3A_238 = tpu.memref_slice %arg12[%dma_wait3A_227] : memref<3x!tpu.dma_semaphore, #tpu.memory_space<semaphore_mem>> -> memref<1x!tpu.dma_semaphore, #tpu.memory_space<semaphore_mem>>
        %dma_wait3A_239 = tpu.memref_squeeze %dma_wait3A_238 : memref<1x!tpu.dma_semaphore, #tpu.memory_space<semaphore_mem>> -> memref<!tpu.dma_semaphore, #tpu.memory_space<semaphore_mem>>
        tpu.wait_indirect_dma semaphore(%dma_wait3A_239 : memref<!tpu.dma_semaphore, #tpu.memory_space<semaphore_mem>>) src(%dma_wait3A_231 : memref<128x128xf32, #tpu.memory_space<vmem>>) dst(%dma_wait3A_237 : memref<10000x128xf32, #tpu.memory_space<vmem_shared>>)
      } else {
      }
      %add3A_105 = arith.constant 2 : i32
      %add3A_106 = arith.addi %add3A_91, %add3A_105 : i32
      %lt3A_107 = arith.cmpi slt, %add3A_106, %min3A_4 : i32
      %convert_element_type3A_108 = arith.extui %lt3A_107 : i1 to i32
      %cond3A_109 = arith.constant 0 : i32
      %cond3A_110 = arith.cmpi ne, %convert_element_type3A_108, %cond3A_109 : i32
      scf.if %cond3A_110 {
        %add3A_225 = arith.constant 2 : i32
        %add3A_226 = arith.addi %add3A_91, %add3A_225 : i32
        %add3A_227 = arith.addi %mul3A_2, %add3A_226 : i32
        %dma_wait3A = arith.constant 0 : i32
        %dma_wait3A_228 = arith.constant 3 : i32
        %dma_wait3A_229 = arith.constant 0 : i32
        %dma_wait3A_230 = arith.constant 3 : i32
        %dma_wait3A_231 = arith.constant 0 : i32
        %dma_wait3A_232 = tpu.memref_slice %arg6[%dma_wait3A_228, %dma_wait3A_229, %dma_wait3A_231] : memref<6x2x128xi32, #tpu.memory_space<vmem>> -> memref<1x1x128xi32, #tpu.memory_space<vmem>>
        %dma_wait3A_233 = tpu.memref_squeeze %dma_wait3A_232 : memref<1x1x128xi32, #tpu.memory_space<vmem>> -> memref<128xi32, #tpu.memory_space<vmem>>
        %dma_wait3A_234 = arith.constant 0 : i32
        %dma_wait3A_235 = tpu.memref_slice %arg3[%dma_wait3A, %add3A_227, %dma_wait3A_234] : memref<2x2500x128xi32, #tpu.memory_space<hbm>> -> memref<1x1x128xi32, #tpu.memory_space<hbm>>
        %dma_wait3A_236 = tpu.memref_squeeze %dma_wait3A_235 : memref<1x1x128xi32, #tpu.memory_space<hbm>> -> memref<128xi32, #tpu.memory_space<hbm>>
        %dma_wait3A_237 = tpu.memref_slice %arg9[%dma_wait3A_230] : memref<6x!tpu.dma_semaphore, #tpu.memory_space<semaphore_mem>> -> memref<1x!tpu.dma_semaphore, #tpu.memory_space<semaphore_mem>>
        %dma_wait3A_238 = tpu.memref_squeeze %dma_wait3A_237 : memref<1x!tpu.dma_semaphore, #tpu.memory_space<semaphore_mem>> -> memref<!tpu.dma_semaphore, #tpu.memory_space<semaphore_mem>>
        %dma_wait3A_239 = arith.constant 0 : i32
        %dma_wait3A_240 = tpu.memref_slice %arg6[%dma_wait3A_228, %dma_wait3A_229, %dma_wait3A_239] : memref<6x2x128xi32, #tpu.memory_space<vmem>> -> memref<1x1x128xi32, #tpu.memory_space<vmem>>
        %dma_wait3A_241 = tpu.memref_squeeze %dma_wait3A_240 : memref<1x1x128xi32, #tpu.memory_space<vmem>> -> memref<128xi32, #tpu.memory_space<vmem>>
        %dma_wait3A_242 = arith.constant 0 : i32
        %dma_wait3A_243 = tpu.memref_slice %arg3[%dma_wait3A, %add3A_227, %dma_wait3A_242] : memref<2x2500x128xi32, #tpu.memory_space<hbm>> -> memref<1x1x128xi32, #tpu.memory_space<hbm>>
        %dma_wait3A_244 = tpu.memref_squeeze %dma_wait3A_243 : memref<1x1x128xi32, #tpu.memory_space<hbm>> -> memref<128xi32, #tpu.memory_space<hbm>>
        tpu.wait_dma2 semaphore(%dma_wait3A_238 : memref<!tpu.dma_semaphore, #tpu.memory_space<semaphore_mem>>) src(%dma_wait3A_244 : memref<128xi32, #tpu.memory_space<hbm>>) dst(%dma_wait3A_241 : memref<128xi32, #tpu.memory_space<vmem>>)
        %add3A_245 = arith.addi %mul3A_2, %add3A_226 : i32
        %dma_wait3A_246 = arith.constant 1 : i32
        %dma_wait3A_247 = arith.constant 3 : i32
        %dma_wait3A_248 = arith.constant 1 : i32
        %dma_wait3A_249 = arith.constant 3 : i32
        %dma_wait3A_250 = arith.constant 0 : i32
        %dma_wait3A_251 = tpu.memref_slice %arg6[%dma_wait3A_247, %dma_wait3A_248, %dma_wait3A_250] : memref<6x2x128xi32, #tpu.memory_space<vmem>> -> memref<1x1x128xi32, #tpu.memory_space<vmem>>
        %dma_wait3A_252 = tpu.memref_squeeze %dma_wait3A_251 : memref<1x1x128xi32, #tpu.memory_space<vmem>> -> memref<128xi32, #tpu.memory_space<vmem>>
        %dma_wait3A_253 = arith.constant 0 : i32
        %dma_wait3A_254 = tpu.memref_slice %arg3[%dma_wait3A_246, %add3A_245, %dma_wait3A_253] : memref<2x2500x128xi32, #tpu.memory_space<hbm>> -> memref<1x1x128xi32, #tpu.memory_space<hbm>>
        %dma_wait3A_255 = tpu.memref_squeeze %dma_wait3A_254 : memref<1x1x128xi32, #tpu.memory_space<hbm>> -> memref<128xi32, #tpu.memory_space<hbm>>
        %dma_wait3A_256 = tpu.memref_slice %arg10[%dma_wait3A_249] : memref<6x!tpu.dma_semaphore, #tpu.memory_space<semaphore_mem>> -> memref<1x!tpu.dma_semaphore, #tpu.memory_space<semaphore_mem>>
        %dma_wait3A_257 = tpu.memref_squeeze %dma_wait3A_256 : memref<1x!tpu.dma_semaphore, #tpu.memory_space<semaphore_mem>> -> memref<!tpu.dma_semaphore, #tpu.memory_space<semaphore_mem>>
        %dma_wait3A_258 = arith.constant 0 : i32
        %dma_wait3A_259 = tpu.memref_slice %arg6[%dma_wait3A_247, %dma_wait3A_248, %dma_wait3A_258] : memref<6x2x128xi32, #tpu.memory_space<vmem>> -> memref<1x1x128xi32, #tpu.memory_space<vmem>>
        %dma_wait3A_260 = tpu.memref_squeeze %dma_wait3A_259 : memref<1x1x128xi32, #tpu.memory_space<vmem>> -> memref<128xi32, #tpu.memory_space<vmem>>
        %dma_wait3A_261 = arith.constant 0 : i32
        %dma_wait3A_262 = tpu.memref_slice %arg3[%dma_wait3A_246, %add3A_245, %dma_wait3A_261] : memref<2x2500x128xi32, #tpu.memory_space<hbm>> -> memref<1x1x128xi32, #tpu.memory_space<hbm>>
        %dma_wait3A_263 = tpu.memref_squeeze %dma_wait3A_262 : memref<1x1x128xi32, #tpu.memory_space<hbm>> -> memref<128xi32, #tpu.memory_space<hbm>>
        tpu.wait_dma2 semaphore(%dma_wait3A_257 : memref<!tpu.dma_semaphore, #tpu.memory_space<semaphore_mem>>) src(%dma_wait3A_263 : memref<128xi32, #tpu.memory_space<hbm>>) dst(%dma_wait3A_260 : memref<128xi32, #tpu.memory_space<vmem>>)
        %dma_start3A = arith.constant 3 : i32
        %dma_start3A_264 = arith.constant 0 : i32
        %dma_start3A_265 = arith.constant 0 : i32
        %dma_start3A_266 = arith.constant 0 : i32
        %dma_start3A_267 = arith.constant 0 : i32
        %dma_start3A_268 = arith.constant 0 : i32
        %dma_start3A_269 = tpu.memref_slice %arg7[%dma_start3A_265, %dma_start3A_267, %dma_start3A_268] : memref<3x128x128xf32, #tpu.memory_space<vmem>> -> memref<1x128x128xf32, #tpu.memory_space<vmem>>
        %dma_start3A_270 = tpu.memref_squeeze %dma_start3A_269 : memref<1x128x128xf32, #tpu.memory_space<vmem>> -> memref<128x128xf32, #tpu.memory_space<vmem>>
        %dma_start3A_271 = arith.constant 0 : i32
        %dma_start3A_272 = tpu.memref_slice %arg6[%dma_start3A, %dma_start3A_264, %dma_start3A_271] : memref<6x2x128xi32, #tpu.memory_space<vmem>> -> memref<1x1x128xi32, #tpu.memory_space<vmem>>
        %dma_start3A_273 = tpu.memref_squeeze %dma_start3A_272 : memref<1x1x128xi32, #tpu.memory_space<vmem>> -> memref<128xi32, #tpu.memory_space<vmem>>
        %dma_start3A_274 = arith.constant 0 : i32
        %dma_start3A_275 = arith.constant 0 : i32
        %dma_start3A_276 = tpu.memref_slice %arg2[%dma_start3A_274, %dma_start3A_275] : memref<10000x128xf32, #tpu.memory_space<hbm>> -> memref<10000x128xf32, #tpu.memory_space<hbm>>
        %dma_start3A_277 = tpu.memref_slice %arg11[%dma_start3A_266] : memref<3x!tpu.dma_semaphore, #tpu.memory_space<semaphore_mem>> -> memref<1x!tpu.dma_semaphore, #tpu.memory_space<semaphore_mem>>
        %dma_start3A_278 = tpu.memref_squeeze %dma_start3A_277 : memref<1x!tpu.dma_semaphore, #tpu.memory_space<semaphore_mem>> -> memref<!tpu.dma_semaphore, #tpu.memory_space<semaphore_mem>>
        tpu.enqueue_indirect_dma source(%dma_start3A_276 : memref<10000x128xf32, #tpu.memory_space<hbm>>) target(%dma_start3A_270 : memref<128x128xf32, #tpu.memory_space<vmem>>) offsets(%dma_start3A_273 : memref<128xi32, #tpu.memory_space<vmem>>) semaphore(%dma_start3A_278 : memref<!tpu.dma_semaphore, #tpu.memory_space<semaphore_mem>>)
      } else {
      }
      %add3A_111 = arith.constant 5 : i32
      %add3A_112 = arith.addi %add3A_91, %add3A_111 : i32
      %lt3A_113 = arith.cmpi slt, %add3A_112, %min3A_4 : i32
      %convert_element_type3A_114 = arith.extui %lt3A_113 : i1 to i32
      %cond3A_115 = arith.constant 0 : i32
      %cond3A_116 = arith.cmpi ne, %convert_element_type3A_114, %cond3A_115 : i32
      scf.if %cond3A_116 {
        %add3A_225 = arith.constant 5 : i32
        %add3A_226 = arith.addi %add3A_91, %add3A_225 : i32
        %add3A_227 = arith.addi %mul3A_2, %add3A_226 : i32
        %dma_start3A = arith.constant 0 : i32
        %dma_start3A_228 = arith.constant 0 : i32
        %dma_start3A_229 = arith.constant 0 : i32
        %dma_start3A_230 = arith.constant 0 : i32
        %dma_start3A_231 = arith.constant 0 : i32
        %dma_start3A_232 = tpu.memref_slice %arg6[%dma_start3A_228, %dma_start3A_229, %dma_start3A_231] : memref<6x2x128xi32, #tpu.memory_space<vmem>> -> memref<1x1x128xi32, #tpu.memory_space<vmem>>
        %dma_start3A_233 = tpu.memref_squeeze %dma_start3A_232 : memref<1x1x128xi32, #tpu.memory_space<vmem>> -> memref<128xi32, #tpu.memory_space<vmem>>
        %dma_start3A_234 = arith.constant 0 : i32
        %dma_start3A_235 = tpu.memref_slice %arg3[%dma_start3A, %add3A_227, %dma_start3A_234] : memref<2x2500x128xi32, #tpu.memory_space<hbm>> -> memref<1x1x128xi32, #tpu.memory_space<hbm>>
        %dma_start3A_236 = tpu.memref_squeeze %dma_start3A_235 : memref<1x1x128xi32, #tpu.memory_space<hbm>> -> memref<128xi32, #tpu.memory_space<hbm>>
        %dma_start3A_237 = tpu.memref_slice %arg9[%dma_start3A_230] : memref<6x!tpu.dma_semaphore, #tpu.memory_space<semaphore_mem>> -> memref<1x!tpu.dma_semaphore, #tpu.memory_space<semaphore_mem>>
        %dma_start3A_238 = tpu.memref_squeeze %dma_start3A_237 : memref<1x!tpu.dma_semaphore, #tpu.memory_space<semaphore_mem>> -> memref<!tpu.dma_semaphore, #tpu.memory_space<semaphore_mem>>
        %dma_start3A_239 = arith.constant 0 : i32
        %dma_start3A_240 = tpu.memref_slice %arg6[%dma_start3A_228, %dma_start3A_229, %dma_start3A_239] : memref<6x2x128xi32, #tpu.memory_space<vmem>> -> memref<1x1x128xi32, #tpu.memory_space<vmem>>
        %dma_start3A_241 = tpu.memref_squeeze %dma_start3A_240 : memref<1x1x128xi32, #tpu.memory_space<vmem>> -> memref<128xi32, #tpu.memory_space<vmem>>
        %dma_start3A_242 = arith.constant 0 : i32
        %dma_start3A_243 = tpu.memref_slice %arg3[%dma_start3A, %add3A_227, %dma_start3A_242] : memref<2x2500x128xi32, #tpu.memory_space<hbm>> -> memref<1x1x128xi32, #tpu.memory_space<hbm>>
        %dma_start3A_244 = tpu.memref_squeeze %dma_start3A_243 : memref<1x1x128xi32, #tpu.memory_space<hbm>> -> memref<128xi32, #tpu.memory_space<hbm>>
        tpu.enqueue_dma source(%dma_start3A_244 : memref<128xi32, #tpu.memory_space<hbm>>) target(%dma_start3A_241 : memref<128xi32, #tpu.memory_space<vmem>>) target_semaphore(%dma_start3A_238 : memref<!tpu.dma_semaphore, #tpu.memory_space<semaphore_mem>>)
        %add3A_245 = arith.addi %mul3A_2, %add3A_226 : i32
        %dma_start3A_246 = arith.constant 1 : i32
        %dma_start3A_247 = arith.constant 0 : i32
        %dma_start3A_248 = arith.constant 1 : i32
        %dma_start3A_249 = arith.constant 0 : i32
        %dma_start3A_250 = arith.constant 0 : i32
        %dma_start3A_251 = tpu.memref_slice %arg6[%dma_start3A_247, %dma_start3A_248, %dma_start3A_250] : memref<6x2x128xi32, #tpu.memory_space<vmem>> -> memref<1x1x128xi32, #tpu.memory_space<vmem>>
        %dma_start3A_252 = tpu.memref_squeeze %dma_start3A_251 : memref<1x1x128xi32, #tpu.memory_space<vmem>> -> memref<128xi32, #tpu.memory_space<vmem>>
        %dma_start3A_253 = arith.constant 0 : i32
        %dma_start3A_254 = tpu.memref_slice %arg3[%dma_start3A_246, %add3A_245, %dma_start3A_253] : memref<2x2500x128xi32, #tpu.memory_space<hbm>> -> memref<1x1x128xi32, #tpu.memory_space<hbm>>
        %dma_start3A_255 = tpu.memref_squeeze %dma_start3A_254 : memref<1x1x128xi32, #tpu.memory_space<hbm>> -> memref<128xi32, #tpu.memory_space<hbm>>
        %dma_start3A_256 = tpu.memref_slice %arg10[%dma_start3A_249] : memref<6x!tpu.dma_semaphore, #tpu.memory_space<semaphore_mem>> -> memref<1x!tpu.dma_semaphore, #tpu.memory_space<semaphore_mem>>
        %dma_start3A_257 = tpu.memref_squeeze %dma_start3A_256 : memref<1x!tpu.dma_semaphore, #tpu.memory_space<semaphore_mem>> -> memref<!tpu.dma_semaphore, #tpu.memory_space<semaphore_mem>>
        %dma_start3A_258 = arith.constant 0 : i32
        %dma_start3A_259 = tpu.memref_slice %arg6[%dma_start3A_247, %dma_start3A_248, %dma_start3A_258] : memref<6x2x128xi32, #tpu.memory_space<vmem>> -> memref<1x1x128xi32, #tpu.memory_space<vmem>>
        %dma_start3A_260 = tpu.memref_squeeze %dma_start3A_259 : memref<1x1x128xi32, #tpu.memory_space<vmem>> -> memref<128xi32, #tpu.memory_space<vmem>>
        %dma_start3A_261 = arith.constant 0 : i32
        %dma_start3A_262 = tpu.memref_slice %arg3[%dma_start3A_246, %add3A_245, %dma_start3A_261] : memref<2x2500x128xi32, #tpu.memory_space<hbm>> -> memref<1x1x128xi32, #tpu.memory_space<hbm>>
        %dma_start3A_263 = tpu.memref_squeeze %dma_start3A_262 : memref<1x1x128xi32, #tpu.memory_space<hbm>> -> memref<128xi32, #tpu.memory_space<hbm>>
        tpu.enqueue_dma source(%dma_start3A_263 : memref<128xi32, #tpu.memory_space<hbm>>) target(%dma_start3A_260 : memref<128xi32, #tpu.memory_space<vmem>>) target_semaphore(%dma_start3A_257 : memref<!tpu.dma_semaphore, #tpu.memory_space<semaphore_mem>>)
      } else {
      }
      %add3A_117 = arith.constant 2 : i32
      %add3A_118 = arith.addi %add3A_64, %add3A_117 : i32
      %lt3A_119 = arith.cmpi slt, %add3A_118, %min3A_4 : i32
      %convert_element_type3A_120 = arith.extui %lt3A_119 : i1 to i32
      %cond3A_121 = arith.constant 0 : i32
      %cond3A_122 = arith.cmpi ne, %convert_element_type3A_120, %cond3A_121 : i32
      scf.if %cond3A_122 {
        %dma_wait3A = arith.constant 2 : i32
        %dma_wait3A_225 = arith.constant 0 : i32
        %dma_wait3A_226 = arith.constant 2 : i32
        %dma_wait3A_227 = arith.constant 2 : i32
        %dma_wait3A_228 = arith.constant 0 : i32
        %dma_wait3A_229 = arith.constant 0 : i32
        %dma_wait3A_230 = tpu.memref_slice %arg7[%dma_wait3A_226, %dma_wait3A_228, %dma_wait3A_229] : memref<3x128x128xf32, #tpu.memory_space<vmem>> -> memref<1x128x128xf32, #tpu.memory_space<vmem>>
        %dma_wait3A_231 = tpu.memref_squeeze %dma_wait3A_230 : memref<1x128x128xf32, #tpu.memory_space<vmem>> -> memref<128x128xf32, #tpu.memory_space<vmem>>
        %dma_wait3A_232 = arith.constant 0 : i32
        %dma_wait3A_233 = tpu.memref_slice %arg6[%dma_wait3A, %dma_wait3A_225, %dma_wait3A_232] : memref<6x2x128xi32, #tpu.memory_space<vmem>> -> memref<1x1x128xi32, #tpu.memory_space<vmem>>
        %dma_wait3A_234 = tpu.memref_squeeze %dma_wait3A_233 : memref<1x1x128xi32, #tpu.memory_space<vmem>> -> memref<128xi32, #tpu.memory_space<vmem>>
        %dma_wait3A_235 = arith.constant 0 : i32
        %dma_wait3A_236 = arith.constant 0 : i32
        %dma_wait3A_237 = tpu.memref_slice %arg2[%dma_wait3A_235, %dma_wait3A_236] : memref<10000x128xf32, #tpu.memory_space<hbm>> -> memref<10000x128xf32, #tpu.memory_space<hbm>>
        %dma_wait3A_238 = tpu.memref_slice %arg11[%dma_wait3A_227] : memref<3x!tpu.dma_semaphore, #tpu.memory_space<semaphore_mem>> -> memref<1x!tpu.dma_semaphore, #tpu.memory_space<semaphore_mem>>
        %dma_wait3A_239 = tpu.memref_squeeze %dma_wait3A_238 : memref<1x!tpu.dma_semaphore, #tpu.memory_space<semaphore_mem>> -> memref<!tpu.dma_semaphore, #tpu.memory_space<semaphore_mem>>
        tpu.wait_indirect_dma semaphore(%dma_wait3A_239 : memref<!tpu.dma_semaphore, #tpu.memory_space<semaphore_mem>>) src(%dma_wait3A_237 : memref<10000x128xf32, #tpu.memory_space<hbm>>) dst(%dma_wait3A_231 : memref<128x128xf32, #tpu.memory_space<vmem>>)
        %dma_start3A = arith.constant 2 : i32
        %dma_start3A_240 = arith.constant 2 : i32
        %dma_start3A_241 = arith.constant 1 : i32
        %dma_start3A_242 = arith.constant 2 : i32
        %dma_start3A_243 = arith.constant 0 : i32
        %dma_start3A_244 = arith.constant 0 : i32
        %dma_start3A_245 = tpu.memref_slice %arg7[%dma_start3A, %dma_start3A_243, %dma_start3A_244] : memref<3x128x128xf32, #tpu.memory_space<vmem>> -> memref<1x128x128xf32, #tpu.memory_space<vmem>>
        %dma_start3A_246 = tpu.memref_squeeze %dma_start3A_245 : memref<1x128x128xf32, #tpu.memory_space<vmem>> -> memref<128x128xf32, #tpu.memory_space<vmem>>
        %dma_start3A_247 = arith.constant 0 : i32
        %dma_start3A_248 = tpu.memref_slice %arg6[%dma_start3A_240, %dma_start3A_241, %dma_start3A_247] : memref<6x2x128xi32, #tpu.memory_space<vmem>> -> memref<1x1x128xi32, #tpu.memory_space<vmem>>
        %dma_start3A_249 = tpu.memref_squeeze %dma_start3A_248 : memref<1x1x128xi32, #tpu.memory_space<vmem>> -> memref<128xi32, #tpu.memory_space<vmem>>
        %dma_start3A_250 = arith.constant 0 : i32
        %dma_start3A_251 = arith.constant 0 : i32
        %dma_start3A_252 = tpu.memref_slice %arg8[%dma_start3A_250, %dma_start3A_251] : memref<10000x128xf32, #tpu.memory_space<vmem_shared>> -> memref<10000x128xf32, #tpu.memory_space<vmem_shared>>
        %dma_start3A_253 = tpu.memref_slice %arg12[%dma_start3A_242] : memref<3x!tpu.dma_semaphore, #tpu.memory_space<semaphore_mem>> -> memref<1x!tpu.dma_semaphore, #tpu.memory_space<semaphore_mem>>
        %dma_start3A_254 = tpu.memref_squeeze %dma_start3A_253 : memref<1x!tpu.dma_semaphore, #tpu.memory_space<semaphore_mem>> -> memref<!tpu.dma_semaphore, #tpu.memory_space<semaphore_mem>>
        tpu.enqueue_indirect_dma source(%dma_start3A_246 : memref<128x128xf32, #tpu.memory_space<vmem>>) target(%dma_start3A_252 : memref<10000x128xf32, #tpu.memory_space<vmem_shared>>) offsets(%dma_start3A_249 : memref<128xi32, #tpu.memory_space<vmem>>) semaphore(%dma_start3A_254 : memref<!tpu.dma_semaphore, #tpu.memory_space<semaphore_mem>>) {add = true}
      } else {
      }
      %ge3A_123 = arith.constant 1 : i32
      %ge3A_124 = arith.cmpi sge, %add3A_118, %ge3A_123 : i32
      %sub3A_125 = arith.constant 1 : i32
      %sub3A_126 = arith.subi %add3A_118, %sub3A_125 : i32
      %lt3A_127 = arith.cmpi slt, %sub3A_126, %min3A_4 : i32
      %and3A_128 = arith.andi %ge3A_124, %lt3A_127 : i1
      %convert_element_type3A_129 = arith.extui %and3A_128 : i1 to i32
      %cond3A_130 = arith.constant 0 : i32
      %cond3A_131 = arith.cmpi ne, %convert_element_type3A_129, %cond3A_130 : i32
      scf.if %cond3A_131 {
        %dma_wait3A = arith.constant 1 : i32
        %dma_wait3A_225 = arith.constant 1 : i32
        %dma_wait3A_226 = arith.constant 1 : i32
        %dma_wait3A_227 = arith.constant 1 : i32
        %dma_wait3A_228 = arith.constant 0 : i32
        %dma_wait3A_229 = arith.constant 0 : i32
        %dma_wait3A_230 = tpu.memref_slice %arg7[%dma_wait3A, %dma_wait3A_228, %dma_wait3A_229] : memref<3x128x128xf32, #tpu.memory_space<vmem>> -> memref<1x128x128xf32, #tpu.memory_space<vmem>>
        %dma_wait3A_231 = tpu.memref_squeeze %dma_wait3A_230 : memref<1x128x128xf32, #tpu.memory_space<vmem>> -> memref<128x128xf32, #tpu.memory_space<vmem>>
        %dma_wait3A_232 = arith.constant 0 : i32
        %dma_wait3A_233 = tpu.memref_slice %arg6[%dma_wait3A_225, %dma_wait3A_226, %dma_wait3A_232] : memref<6x2x128xi32, #tpu.memory_space<vmem>> -> memref<1x1x128xi32, #tpu.memory_space<vmem>>
        %dma_wait3A_234 = tpu.memref_squeeze %dma_wait3A_233 : memref<1x1x128xi32, #tpu.memory_space<vmem>> -> memref<128xi32, #tpu.memory_space<vmem>>
        %dma_wait3A_235 = arith.constant 0 : i32
        %dma_wait3A_236 = arith.constant 0 : i32
        %dma_wait3A_237 = tpu.memref_slice %arg8[%dma_wait3A_235, %dma_wait3A_236] : memref<10000x128xf32, #tpu.memory_space<vmem_shared>> -> memref<10000x128xf32, #tpu.memory_space<vmem_shared>>
        %dma_wait3A_238 = tpu.memref_slice %arg12[%dma_wait3A_227] : memref<3x!tpu.dma_semaphore, #tpu.memory_space<semaphore_mem>> -> memref<1x!tpu.dma_semaphore, #tpu.memory_space<semaphore_mem>>
        %dma_wait3A_239 = tpu.memref_squeeze %dma_wait3A_238 : memref<1x!tpu.dma_semaphore, #tpu.memory_space<semaphore_mem>> -> memref<!tpu.dma_semaphore, #tpu.memory_space<semaphore_mem>>
        tpu.wait_indirect_dma semaphore(%dma_wait3A_239 : memref<!tpu.dma_semaphore, #tpu.memory_space<semaphore_mem>>) src(%dma_wait3A_231 : memref<128x128xf32, #tpu.memory_space<vmem>>) dst(%dma_wait3A_237 : memref<10000x128xf32, #tpu.memory_space<vmem_shared>>)
      } else {
      }
      %add3A_132 = arith.constant 2 : i32
      %add3A_133 = arith.addi %add3A_118, %add3A_132 : i32
      %lt3A_134 = arith.cmpi slt, %add3A_133, %min3A_4 : i32
      %convert_element_type3A_135 = arith.extui %lt3A_134 : i1 to i32
      %cond3A_136 = arith.constant 0 : i32
      %cond3A_137 = arith.cmpi ne, %convert_element_type3A_135, %cond3A_136 : i32
      scf.if %cond3A_137 {
        %add3A_225 = arith.constant 2 : i32
        %add3A_226 = arith.addi %add3A_118, %add3A_225 : i32
        %add3A_227 = arith.addi %mul3A_2, %add3A_226 : i32
        %dma_wait3A = arith.constant 0 : i32
        %dma_wait3A_228 = arith.constant 4 : i32
        %dma_wait3A_229 = arith.constant 0 : i32
        %dma_wait3A_230 = arith.constant 4 : i32
        %dma_wait3A_231 = arith.constant 0 : i32
        %dma_wait3A_232 = tpu.memref_slice %arg6[%dma_wait3A_228, %dma_wait3A_229, %dma_wait3A_231] : memref<6x2x128xi32, #tpu.memory_space<vmem>> -> memref<1x1x128xi32, #tpu.memory_space<vmem>>
        %dma_wait3A_233 = tpu.memref_squeeze %dma_wait3A_232 : memref<1x1x128xi32, #tpu.memory_space<vmem>> -> memref<128xi32, #tpu.memory_space<vmem>>
        %dma_wait3A_234 = arith.constant 0 : i32
        %dma_wait3A_235 = tpu.memref_slice %arg3[%dma_wait3A, %add3A_227, %dma_wait3A_234] : memref<2x2500x128xi32, #tpu.memory_space<hbm>> -> memref<1x1x128xi32, #tpu.memory_space<hbm>>
        %dma_wait3A_236 = tpu.memref_squeeze %dma_wait3A_235 : memref<1x1x128xi32, #tpu.memory_space<hbm>> -> memref<128xi32, #tpu.memory_space<hbm>>
        %dma_wait3A_237 = tpu.memref_slice %arg9[%dma_wait3A_230] : memref<6x!tpu.dma_semaphore, #tpu.memory_space<semaphore_mem>> -> memref<1x!tpu.dma_semaphore, #tpu.memory_space<semaphore_mem>>
        %dma_wait3A_238 = tpu.memref_squeeze %dma_wait3A_237 : memref<1x!tpu.dma_semaphore, #tpu.memory_space<semaphore_mem>> -> memref<!tpu.dma_semaphore, #tpu.memory_space<semaphore_mem>>
        %dma_wait3A_239 = arith.constant 0 : i32
        %dma_wait3A_240 = tpu.memref_slice %arg6[%dma_wait3A_228, %dma_wait3A_229, %dma_wait3A_239] : memref<6x2x128xi32, #tpu.memory_space<vmem>> -> memref<1x1x128xi32, #tpu.memory_space<vmem>>
        %dma_wait3A_241 = tpu.memref_squeeze %dma_wait3A_240 : memref<1x1x128xi32, #tpu.memory_space<vmem>> -> memref<128xi32, #tpu.memory_space<vmem>>
        %dma_wait3A_242 = arith.constant 0 : i32
        %dma_wait3A_243 = tpu.memref_slice %arg3[%dma_wait3A, %add3A_227, %dma_wait3A_242] : memref<2x2500x128xi32, #tpu.memory_space<hbm>> -> memref<1x1x128xi32, #tpu.memory_space<hbm>>
        %dma_wait3A_244 = tpu.memref_squeeze %dma_wait3A_243 : memref<1x1x128xi32, #tpu.memory_space<hbm>> -> memref<128xi32, #tpu.memory_space<hbm>>
        tpu.wait_dma2 semaphore(%dma_wait3A_238 : memref<!tpu.dma_semaphore, #tpu.memory_space<semaphore_mem>>) src(%dma_wait3A_244 : memref<128xi32, #tpu.memory_space<hbm>>) dst(%dma_wait3A_241 : memref<128xi32, #tpu.memory_space<vmem>>)
        %add3A_245 = arith.addi %mul3A_2, %add3A_226 : i32
        %dma_wait3A_246 = arith.constant 1 : i32
        %dma_wait3A_247 = arith.constant 4 : i32
        %dma_wait3A_248 = arith.constant 1 : i32
        %dma_wait3A_249 = arith.constant 4 : i32
        %dma_wait3A_250 = arith.constant 0 : i32
        %dma_wait3A_251 = tpu.memref_slice %arg6[%dma_wait3A_247, %dma_wait3A_248, %dma_wait3A_250] : memref<6x2x128xi32, #tpu.memory_space<vmem>> -> memref<1x1x128xi32, #tpu.memory_space<vmem>>
        %dma_wait3A_252 = tpu.memref_squeeze %dma_wait3A_251 : memref<1x1x128xi32, #tpu.memory_space<vmem>> -> memref<128xi32, #tpu.memory_space<vmem>>
        %dma_wait3A_253 = arith.constant 0 : i32
        %dma_wait3A_254 = tpu.memref_slice %arg3[%dma_wait3A_246, %add3A_245, %dma_wait3A_253] : memref<2x2500x128xi32, #tpu.memory_space<hbm>> -> memref<1x1x128xi32, #tpu.memory_space<hbm>>
        %dma_wait3A_255 = tpu.memref_squeeze %dma_wait3A_254 : memref<1x1x128xi32, #tpu.memory_space<hbm>> -> memref<128xi32, #tpu.memory_space<hbm>>
        %dma_wait3A_256 = tpu.memref_slice %arg10[%dma_wait3A_249] : memref<6x!tpu.dma_semaphore, #tpu.memory_space<semaphore_mem>> -> memref<1x!tpu.dma_semaphore, #tpu.memory_space<semaphore_mem>>
        %dma_wait3A_257 = tpu.memref_squeeze %dma_wait3A_256 : memref<1x!tpu.dma_semaphore, #tpu.memory_space<semaphore_mem>> -> memref<!tpu.dma_semaphore, #tpu.memory_space<semaphore_mem>>
        %dma_wait3A_258 = arith.constant 0 : i32
        %dma_wait3A_259 = tpu.memref_slice %arg6[%dma_wait3A_247, %dma_wait3A_248, %dma_wait3A_258] : memref<6x2x128xi32, #tpu.memory_space<vmem>> -> memref<1x1x128xi32, #tpu.memory_space<vmem>>
        %dma_wait3A_260 = tpu.memref_squeeze %dma_wait3A_259 : memref<1x1x128xi32, #tpu.memory_space<vmem>> -> memref<128xi32, #tpu.memory_space<vmem>>
        %dma_wait3A_261 = arith.constant 0 : i32
        %dma_wait3A_262 = tpu.memref_slice %arg3[%dma_wait3A_246, %add3A_245, %dma_wait3A_261] : memref<2x2500x128xi32, #tpu.memory_space<hbm>> -> memref<1x1x128xi32, #tpu.memory_space<hbm>>
        %dma_wait3A_263 = tpu.memref_squeeze %dma_wait3A_262 : memref<1x1x128xi32, #tpu.memory_space<hbm>> -> memref<128xi32, #tpu.memory_space<hbm>>
        tpu.wait_dma2 semaphore(%dma_wait3A_257 : memref<!tpu.dma_semaphore, #tpu.memory_space<semaphore_mem>>) src(%dma_wait3A_263 : memref<128xi32, #tpu.memory_space<hbm>>) dst(%dma_wait3A_260 : memref<128xi32, #tpu.memory_space<vmem>>)
        %dma_start3A = arith.constant 4 : i32
        %dma_start3A_264 = arith.constant 0 : i32
        %dma_start3A_265 = arith.constant 1 : i32
        %dma_start3A_266 = arith.constant 1 : i32
        %dma_start3A_267 = arith.constant 0 : i32
        %dma_start3A_268 = arith.constant 0 : i32
        %dma_start3A_269 = tpu.memref_slice %arg7[%dma_start3A_265, %dma_start3A_267, %dma_start3A_268] : memref<3x128x128xf32, #tpu.memory_space<vmem>> -> memref<1x128x128xf32, #tpu.memory_space<vmem>>
        %dma_start3A_270 = tpu.memref_squeeze %dma_start3A_269 : memref<1x128x128xf32, #tpu.memory_space<vmem>> -> memref<128x128xf32, #tpu.memory_space<vmem>>
        %dma_start3A_271 = arith.constant 0 : i32
        %dma_start3A_272 = tpu.memref_slice %arg6[%dma_start3A, %dma_start3A_264, %dma_start3A_271] : memref<6x2x128xi32, #tpu.memory_space<vmem>> -> memref<1x1x128xi32, #tpu.memory_space<vmem>>
        %dma_start3A_273 = tpu.memref_squeeze %dma_start3A_272 : memref<1x1x128xi32, #tpu.memory_space<vmem>> -> memref<128xi32, #tpu.memory_space<vmem>>
        %dma_start3A_274 = arith.constant 0 : i32
        %dma_start3A_275 = arith.constant 0 : i32
        %dma_start3A_276 = tpu.memref_slice %arg2[%dma_start3A_274, %dma_start3A_275] : memref<10000x128xf32, #tpu.memory_space<hbm>> -> memref<10000x128xf32, #tpu.memory_space<hbm>>
        %dma_start3A_277 = tpu.memref_slice %arg11[%dma_start3A_266] : memref<3x!tpu.dma_semaphore, #tpu.memory_space<semaphore_mem>> -> memref<1x!tpu.dma_semaphore, #tpu.memory_space<semaphore_mem>>
        %dma_start3A_278 = tpu.memref_squeeze %dma_start3A_277 : memref<1x!tpu.dma_semaphore, #tpu.memory_space<semaphore_mem>> -> memref<!tpu.dma_semaphore, #tpu.memory_space<semaphore_mem>>
        tpu.enqueue_indirect_dma source(%dma_start3A_276 : memref<10000x128xf32, #tpu.memory_space<hbm>>) target(%dma_start3A_270 : memref<128x128xf32, #tpu.memory_space<vmem>>) offsets(%dma_start3A_273 : memref<128xi32, #tpu.memory_space<vmem>>) semaphore(%dma_start3A_278 : memref<!tpu.dma_semaphore, #tpu.memory_space<semaphore_mem>>)
      } else {
      }
      %add3A_138 = arith.constant 5 : i32
      %add3A_139 = arith.addi %add3A_118, %add3A_138 : i32
      %lt3A_140 = arith.cmpi slt, %add3A_139, %min3A_4 : i32
      %convert_element_type3A_141 = arith.extui %lt3A_140 : i1 to i32
      %cond3A_142 = arith.constant 0 : i32
      %cond3A_143 = arith.cmpi ne, %convert_element_type3A_141, %cond3A_142 : i32
      scf.if %cond3A_143 {
        %add3A_225 = arith.constant 5 : i32
        %add3A_226 = arith.addi %add3A_118, %add3A_225 : i32
        %add3A_227 = arith.addi %mul3A_2, %add3A_226 : i32
        %dma_start3A = arith.constant 0 : i32
        %dma_start3A_228 = arith.constant 1 : i32
        %dma_start3A_229 = arith.constant 0 : i32
        %dma_start3A_230 = arith.constant 1 : i32
        %dma_start3A_231 = arith.constant 0 : i32
        %dma_start3A_232 = tpu.memref_slice %arg6[%dma_start3A_228, %dma_start3A_229, %dma_start3A_231] : memref<6x2x128xi32, #tpu.memory_space<vmem>> -> memref<1x1x128xi32, #tpu.memory_space<vmem>>
        %dma_start3A_233 = tpu.memref_squeeze %dma_start3A_232 : memref<1x1x128xi32, #tpu.memory_space<vmem>> -> memref<128xi32, #tpu.memory_space<vmem>>
        %dma_start3A_234 = arith.constant 0 : i32
        %dma_start3A_235 = tpu.memref_slice %arg3[%dma_start3A, %add3A_227, %dma_start3A_234] : memref<2x2500x128xi32, #tpu.memory_space<hbm>> -> memref<1x1x128xi32, #tpu.memory_space<hbm>>
        %dma_start3A_236 = tpu.memref_squeeze %dma_start3A_235 : memref<1x1x128xi32, #tpu.memory_space<hbm>> -> memref<128xi32, #tpu.memory_space<hbm>>
        %dma_start3A_237 = tpu.memref_slice %arg9[%dma_start3A_230] : memref<6x!tpu.dma_semaphore, #tpu.memory_space<semaphore_mem>> -> memref<1x!tpu.dma_semaphore, #tpu.memory_space<semaphore_mem>>
        %dma_start3A_238 = tpu.memref_squeeze %dma_start3A_237 : memref<1x!tpu.dma_semaphore, #tpu.memory_space<semaphore_mem>> -> memref<!tpu.dma_semaphore, #tpu.memory_space<semaphore_mem>>
        %dma_start3A_239 = arith.constant 0 : i32
        %dma_start3A_240 = tpu.memref_slice %arg6[%dma_start3A_228, %dma_start3A_229, %dma_start3A_239] : memref<6x2x128xi32, #tpu.memory_space<vmem>> -> memref<1x1x128xi32, #tpu.memory_space<vmem>>
        %dma_start3A_241 = tpu.memref_squeeze %dma_start3A_240 : memref<1x1x128xi32, #tpu.memory_space<vmem>> -> memref<128xi32, #tpu.memory_space<vmem>>
        %dma_start3A_242 = arith.constant 0 : i32
        %dma_start3A_243 = tpu.memref_slice %arg3[%dma_start3A, %add3A_227, %dma_start3A_242] : memref<2x2500x128xi32, #tpu.memory_space<hbm>> -> memref<1x1x128xi32, #tpu.memory_space<hbm>>
        %dma_start3A_244 = tpu.memref_squeeze %dma_start3A_243 : memref<1x1x128xi32, #tpu.memory_space<hbm>> -> memref<128xi32, #tpu.memory_space<hbm>>
        tpu.enqueue_dma source(%dma_start3A_244 : memref<128xi32, #tpu.memory_space<hbm>>) target(%dma_start3A_241 : memref<128xi32, #tpu.memory_space<vmem>>) target_semaphore(%dma_start3A_238 : memref<!tpu.dma_semaphore, #tpu.memory_space<semaphore_mem>>)
        %add3A_245 = arith.addi %mul3A_2, %add3A_226 : i32
        %dma_start3A_246 = arith.constant 1 : i32
        %dma_start3A_247 = arith.constant 1 : i32
        %dma_start3A_248 = arith.constant 1 : i32
        %dma_start3A_249 = arith.constant 1 : i32
        %dma_start3A_250 = arith.constant 0 : i32
        %dma_start3A_251 = tpu.memref_slice %arg6[%dma_start3A_247, %dma_start3A_248, %dma_start3A_250] : memref<6x2x128xi32, #tpu.memory_space<vmem>> -> memref<1x1x128xi32, #tpu.memory_space<vmem>>
        %dma_start3A_252 = tpu.memref_squeeze %dma_start3A_251 : memref<1x1x128xi32, #tpu.memory_space<vmem>> -> memref<128xi32, #tpu.memory_space<vmem>>
        %dma_start3A_253 = arith.constant 0 : i32
        %dma_start3A_254 = tpu.memref_slice %arg3[%dma_start3A_246, %add3A_245, %dma_start3A_253] : memref<2x2500x128xi32, #tpu.memory_space<hbm>> -> memref<1x1x128xi32, #tpu.memory_space<hbm>>
        %dma_start3A_255 = tpu.memref_squeeze %dma_start3A_254 : memref<1x1x128xi32, #tpu.memory_space<hbm>> -> memref<128xi32, #tpu.memory_space<hbm>>
        %dma_start3A_256 = tpu.memref_slice %arg10[%dma_start3A_249] : memref<6x!tpu.dma_semaphore, #tpu.memory_space<semaphore_mem>> -> memref<1x!tpu.dma_semaphore, #tpu.memory_space<semaphore_mem>>
        %dma_start3A_257 = tpu.memref_squeeze %dma_start3A_256 : memref<1x!tpu.dma_semaphore, #tpu.memory_space<semaphore_mem>> -> memref<!tpu.dma_semaphore, #tpu.memory_space<semaphore_mem>>
        %dma_start3A_258 = arith.constant 0 : i32
        %dma_start3A_259 = tpu.memref_slice %arg6[%dma_start3A_247, %dma_start3A_248, %dma_start3A_258] : memref<6x2x128xi32, #tpu.memory_space<vmem>> -> memref<1x1x128xi32, #tpu.memory_space<vmem>>
        %dma_start3A_260 = tpu.memref_squeeze %dma_start3A_259 : memref<1x1x128xi32, #tpu.memory_space<vmem>> -> memref<128xi32, #tpu.memory_space<vmem>>
        %dma_start3A_261 = arith.constant 0 : i32
        %dma_start3A_262 = tpu.memref_slice %arg3[%dma_start3A_246, %add3A_245, %dma_start3A_261] : memref<2x2500x128xi32, #tpu.memory_space<hbm>> -> memref<1x1x128xi32, #tpu.memory_space<hbm>>
        %dma_start3A_263 = tpu.memref_squeeze %dma_start3A_262 : memref<1x1x128xi32, #tpu.memory_space<hbm>> -> memref<128xi32, #tpu.memory_space<hbm>>
        tpu.enqueue_dma source(%dma_start3A_263 : memref<128xi32, #tpu.memory_space<hbm>>) target(%dma_start3A_260 : memref<128xi32, #tpu.memory_space<vmem>>) target_semaphore(%dma_start3A_257 : memref<!tpu.dma_semaphore, #tpu.memory_space<semaphore_mem>>)
      } else {
      }
      %add3A_144 = arith.constant 3 : i32
      %add3A_145 = arith.addi %add3A_64, %add3A_144 : i32
      %lt3A_146 = arith.cmpi slt, %add3A_145, %min3A_4 : i32
      %convert_element_type3A_147 = arith.extui %lt3A_146 : i1 to i32
      %cond3A_148 = arith.constant 0 : i32
      %cond3A_149 = arith.cmpi ne, %convert_element_type3A_147, %cond3A_148 : i32
      scf.if %cond3A_149 {
        %dma_wait3A = arith.constant 3 : i32
        %dma_wait3A_225 = arith.constant 0 : i32
        %dma_wait3A_226 = arith.constant 0 : i32
        %dma_wait3A_227 = arith.constant 0 : i32
        %dma_wait3A_228 = arith.constant 0 : i32
        %dma_wait3A_229 = arith.constant 0 : i32
        %dma_wait3A_230 = tpu.memref_slice %arg7[%dma_wait3A_226, %dma_wait3A_228, %dma_wait3A_229] : memref<3x128x128xf32, #tpu.memory_space<vmem>> -> memref<1x128x128xf32, #tpu.memory_space<vmem>>
        %dma_wait3A_231 = tpu.memref_squeeze %dma_wait3A_230 : memref<1x128x128xf32, #tpu.memory_space<vmem>> -> memref<128x128xf32, #tpu.memory_space<vmem>>
        %dma_wait3A_232 = arith.constant 0 : i32
        %dma_wait3A_233 = tpu.memref_slice %arg6[%dma_wait3A, %dma_wait3A_225, %dma_wait3A_232] : memref<6x2x128xi32, #tpu.memory_space<vmem>> -> memref<1x1x128xi32, #tpu.memory_space<vmem>>
        %dma_wait3A_234 = tpu.memref_squeeze %dma_wait3A_233 : memref<1x1x128xi32, #tpu.memory_space<vmem>> -> memref<128xi32, #tpu.memory_space<vmem>>
        %dma_wait3A_235 = arith.constant 0 : i32
        %dma_wait3A_236 = arith.constant 0 : i32
        %dma_wait3A_237 = tpu.memref_slice %arg2[%dma_wait3A_235, %dma_wait3A_236] : memref<10000x128xf32, #tpu.memory_space<hbm>> -> memref<10000x128xf32, #tpu.memory_space<hbm>>
        %dma_wait3A_238 = tpu.memref_slice %arg11[%dma_wait3A_227] : memref<3x!tpu.dma_semaphore, #tpu.memory_space<semaphore_mem>> -> memref<1x!tpu.dma_semaphore, #tpu.memory_space<semaphore_mem>>
        %dma_wait3A_239 = tpu.memref_squeeze %dma_wait3A_238 : memref<1x!tpu.dma_semaphore, #tpu.memory_space<semaphore_mem>> -> memref<!tpu.dma_semaphore, #tpu.memory_space<semaphore_mem>>
        tpu.wait_indirect_dma semaphore(%dma_wait3A_239 : memref<!tpu.dma_semaphore, #tpu.memory_space<semaphore_mem>>) src(%dma_wait3A_237 : memref<10000x128xf32, #tpu.memory_space<hbm>>) dst(%dma_wait3A_231 : memref<128x128xf32, #tpu.memory_space<vmem>>)
        %dma_start3A = arith.constant 0 : i32
        %dma_start3A_240 = arith.constant 3 : i32
        %dma_start3A_241 = arith.constant 1 : i32
        %dma_start3A_242 = arith.constant 0 : i32
        %dma_start3A_243 = arith.constant 0 : i32
        %dma_start3A_244 = arith.constant 0 : i32
        %dma_start3A_245 = tpu.memref_slice %arg7[%dma_start3A, %dma_start3A_243, %dma_start3A_244] : memref<3x128x128xf32, #tpu.memory_space<vmem>> -> memref<1x128x128xf32, #tpu.memory_space<vmem>>
        %dma_start3A_246 = tpu.memref_squeeze %dma_start3A_245 : memref<1x128x128xf32, #tpu.memory_space<vmem>> -> memref<128x128xf32, #tpu.memory_space<vmem>>
        %dma_start3A_247 = arith.constant 0 : i32
        %dma_start3A_248 = tpu.memref_slice %arg6[%dma_start3A_240, %dma_start3A_241, %dma_start3A_247] : memref<6x2x128xi32, #tpu.memory_space<vmem>> -> memref<1x1x128xi32, #tpu.memory_space<vmem>>
        %dma_start3A_249 = tpu.memref_squeeze %dma_start3A_248 : memref<1x1x128xi32, #tpu.memory_space<vmem>> -> memref<128xi32, #tpu.memory_space<vmem>>
        %dma_start3A_250 = arith.constant 0 : i32
        %dma_start3A_251 = arith.constant 0 : i32
        %dma_start3A_252 = tpu.memref_slice %arg8[%dma_start3A_250, %dma_start3A_251] : memref<10000x128xf32, #tpu.memory_space<vmem_shared>> -> memref<10000x128xf32, #tpu.memory_space<vmem_shared>>
        %dma_start3A_253 = tpu.memref_slice %arg12[%dma_start3A_242] : memref<3x!tpu.dma_semaphore, #tpu.memory_space<semaphore_mem>> -> memref<1x!tpu.dma_semaphore, #tpu.memory_space<semaphore_mem>>
        %dma_start3A_254 = tpu.memref_squeeze %dma_start3A_253 : memref<1x!tpu.dma_semaphore, #tpu.memory_space<semaphore_mem>> -> memref<!tpu.dma_semaphore, #tpu.memory_space<semaphore_mem>>
        tpu.enqueue_indirect_dma source(%dma_start3A_246 : memref<128x128xf32, #tpu.memory_space<vmem>>) target(%dma_start3A_252 : memref<10000x128xf32, #tpu.memory_space<vmem_shared>>) offsets(%dma_start3A_249 : memref<128xi32, #tpu.memory_space<vmem>>) semaphore(%dma_start3A_254 : memref<!tpu.dma_semaphore, #tpu.memory_space<semaphore_mem>>) {add = true}
      } else {
      }
      %ge3A_150 = arith.constant 1 : i32
      %ge3A_151 = arith.cmpi sge, %add3A_145, %ge3A_150 : i32
      %sub3A_152 = arith.constant 1 : i32
      %sub3A_153 = arith.subi %add3A_145, %sub3A_152 : i32
      %lt3A_154 = arith.cmpi slt, %sub3A_153, %min3A_4 : i32
      %and3A_155 = arith.andi %ge3A_151, %lt3A_154 : i1
      %convert_element_type3A_156 = arith.extui %and3A_155 : i1 to i32
      %cond3A_157 = arith.constant 0 : i32
      %cond3A_158 = arith.cmpi ne, %convert_element_type3A_156, %cond3A_157 : i32
      scf.if %cond3A_158 {
        %dma_wait3A = arith.constant 2 : i32
        %dma_wait3A_225 = arith.constant 2 : i32
        %dma_wait3A_226 = arith.constant 1 : i32
        %dma_wait3A_227 = arith.constant 2 : i32
        %dma_wait3A_228 = arith.constant 0 : i32
        %dma_wait3A_229 = arith.constant 0 : i32
        %dma_wait3A_230 = tpu.memref_slice %arg7[%dma_wait3A, %dma_wait3A_228, %dma_wait3A_229] : memref<3x128x128xf32, #tpu.memory_space<vmem>> -> memref<1x128x128xf32, #tpu.memory_space<vmem>>
        %dma_wait3A_231 = tpu.memref_squeeze %dma_wait3A_230 : memref<1x128x128xf32, #tpu.memory_space<vmem>> -> memref<128x128xf32, #tpu.memory_space<vmem>>
        %dma_wait3A_232 = arith.constant 0 : i32
        %dma_wait3A_233 = tpu.memref_slice %arg6[%dma_wait3A_225, %dma_wait3A_226, %dma_wait3A_232] : memref<6x2x128xi32, #tpu.memory_space<vmem>> -> memref<1x1x128xi32, #tpu.memory_space<vmem>>
        %dma_wait3A_234 = tpu.memref_squeeze %dma_wait3A_233 : memref<1x1x128xi32, #tpu.memory_space<vmem>> -> memref<128xi32, #tpu.memory_space<vmem>>
        %dma_wait3A_235 = arith.constant 0 : i32
        %dma_wait3A_236 = arith.constant 0 : i32
        %dma_wait3A_237 = tpu.memref_slice %arg8[%dma_wait3A_235, %dma_wait3A_236] : memref<10000x128xf32, #tpu.memory_space<vmem_shared>> -> memref<10000x128xf32, #tpu.memory_space<vmem_shared>>
        %dma_wait3A_238 = tpu.memref_slice %arg12[%dma_wait3A_227] : memref<3x!tpu.dma_semaphore, #tpu.memory_space<semaphore_mem>> -> memref<1x!tpu.dma_semaphore, #tpu.memory_space<semaphore_mem>>
        %dma_wait3A_239 = tpu.memref_squeeze %dma_wait3A_238 : memref<1x!tpu.dma_semaphore, #tpu.memory_space<semaphore_mem>> -> memref<!tpu.dma_semaphore, #tpu.memory_space<semaphore_mem>>
        tpu.wait_indirect_dma semaphore(%dma_wait3A_239 : memref<!tpu.dma_semaphore, #tpu.memory_space<semaphore_mem>>) src(%dma_wait3A_231 : memref<128x128xf32, #tpu.memory_space<vmem>>) dst(%dma_wait3A_237 : memref<10000x128xf32, #tpu.memory_space<vmem_shared>>)
      } else {
      }
      %add3A_159 = arith.constant 2 : i32
      %add3A_160 = arith.addi %add3A_145, %add3A_159 : i32
      %lt3A_161 = arith.cmpi slt, %add3A_160, %min3A_4 : i32
      %convert_element_type3A_162 = arith.extui %lt3A_161 : i1 to i32
      %cond3A_163 = arith.constant 0 : i32
      %cond3A_164 = arith.cmpi ne, %convert_element_type3A_162, %cond3A_163 : i32
      scf.if %cond3A_164 {
        %add3A_225 = arith.constant 2 : i32
        %add3A_226 = arith.addi %add3A_145, %add3A_225 : i32
        %add3A_227 = arith.addi %mul3A_2, %add3A_226 : i32
        %dma_wait3A = arith.constant 0 : i32
        %dma_wait3A_228 = arith.constant 5 : i32
        %dma_wait3A_229 = arith.constant 0 : i32
        %dma_wait3A_230 = arith.constant 5 : i32
        %dma_wait3A_231 = arith.constant 0 : i32
        %dma_wait3A_232 = tpu.memref_slice %arg6[%dma_wait3A_228, %dma_wait3A_229, %dma_wait3A_231] : memref<6x2x128xi32, #tpu.memory_space<vmem>> -> memref<1x1x128xi32, #tpu.memory_space<vmem>>
        %dma_wait3A_233 = tpu.memref_squeeze %dma_wait3A_232 : memref<1x1x128xi32, #tpu.memory_space<vmem>> -> memref<128xi32, #tpu.memory_space<vmem>>
        %dma_wait3A_234 = arith.constant 0 : i32
        %dma_wait3A_235 = tpu.memref_slice %arg3[%dma_wait3A, %add3A_227, %dma_wait3A_234] : memref<2x2500x128xi32, #tpu.memory_space<hbm>> -> memref<1x1x128xi32, #tpu.memory_space<hbm>>
        %dma_wait3A_236 = tpu.memref_squeeze %dma_wait3A_235 : memref<1x1x128xi32, #tpu.memory_space<hbm>> -> memref<128xi32, #tpu.memory_space<hbm>>
        %dma_wait3A_237 = tpu.memref_slice %arg9[%dma_wait3A_230] : memref<6x!tpu.dma_semaphore, #tpu.memory_space<semaphore_mem>> -> memref<1x!tpu.dma_semaphore, #tpu.memory_space<semaphore_mem>>
        %dma_wait3A_238 = tpu.memref_squeeze %dma_wait3A_237 : memref<1x!tpu.dma_semaphore, #tpu.memory_space<semaphore_mem>> -> memref<!tpu.dma_semaphore, #tpu.memory_space<semaphore_mem>>
        %dma_wait3A_239 = arith.constant 0 : i32
        %dma_wait3A_240 = tpu.memref_slice %arg6[%dma_wait3A_228, %dma_wait3A_229, %dma_wait3A_239] : memref<6x2x128xi32, #tpu.memory_space<vmem>> -> memref<1x1x128xi32, #tpu.memory_space<vmem>>
        %dma_wait3A_241 = tpu.memref_squeeze %dma_wait3A_240 : memref<1x1x128xi32, #tpu.memory_space<vmem>> -> memref<128xi32, #tpu.memory_space<vmem>>
        %dma_wait3A_242 = arith.constant 0 : i32
        %dma_wait3A_243 = tpu.memref_slice %arg3[%dma_wait3A, %add3A_227, %dma_wait3A_242] : memref<2x2500x128xi32, #tpu.memory_space<hbm>> -> memref<1x1x128xi32, #tpu.memory_space<hbm>>
        %dma_wait3A_244 = tpu.memref_squeeze %dma_wait3A_243 : memref<1x1x128xi32, #tpu.memory_space<hbm>> -> memref<128xi32, #tpu.memory_space<hbm>>
        tpu.wait_dma2 semaphore(%dma_wait3A_238 : memref<!tpu.dma_semaphore, #tpu.memory_space<semaphore_mem>>) src(%dma_wait3A_244 : memref<128xi32, #tpu.memory_space<hbm>>) dst(%dma_wait3A_241 : memref<128xi32, #tpu.memory_space<vmem>>)
        %add3A_245 = arith.addi %mul3A_2, %add3A_226 : i32
        %dma_wait3A_246 = arith.constant 1 : i32
        %dma_wait3A_247 = arith.constant 5 : i32
        %dma_wait3A_248 = arith.constant 1 : i32
        %dma_wait3A_249 = arith.constant 5 : i32
        %dma_wait3A_250 = arith.constant 0 : i32
        %dma_wait3A_251 = tpu.memref_slice %arg6[%dma_wait3A_247, %dma_wait3A_248, %dma_wait3A_250] : memref<6x2x128xi32, #tpu.memory_space<vmem>> -> memref<1x1x128xi32, #tpu.memory_space<vmem>>
        %dma_wait3A_252 = tpu.memref_squeeze %dma_wait3A_251 : memref<1x1x128xi32, #tpu.memory_space<vmem>> -> memref<128xi32, #tpu.memory_space<vmem>>
        %dma_wait3A_253 = arith.constant 0 : i32
        %dma_wait3A_254 = tpu.memref_slice %arg3[%dma_wait3A_246, %add3A_245, %dma_wait3A_253] : memref<2x2500x128xi32, #tpu.memory_space<hbm>> -> memref<1x1x128xi32, #tpu.memory_space<hbm>>
        %dma_wait3A_255 = tpu.memref_squeeze %dma_wait3A_254 : memref<1x1x128xi32, #tpu.memory_space<hbm>> -> memref<128xi32, #tpu.memory_space<hbm>>
        %dma_wait3A_256 = tpu.memref_slice %arg10[%dma_wait3A_249] : memref<6x!tpu.dma_semaphore, #tpu.memory_space<semaphore_mem>> -> memref<1x!tpu.dma_semaphore, #tpu.memory_space<semaphore_mem>>
        %dma_wait3A_257 = tpu.memref_squeeze %dma_wait3A_256 : memref<1x!tpu.dma_semaphore, #tpu.memory_space<semaphore_mem>> -> memref<!tpu.dma_semaphore, #tpu.memory_space<semaphore_mem>>
        %dma_wait3A_258 = arith.constant 0 : i32
        %dma_wait3A_259 = tpu.memref_slice %arg6[%dma_wait3A_247, %dma_wait3A_248, %dma_wait3A_258] : memref<6x2x128xi32, #tpu.memory_space<vmem>> -> memref<1x1x128xi32, #tpu.memory_space<vmem>>
        %dma_wait3A_260 = tpu.memref_squeeze %dma_wait3A_259 : memref<1x1x128xi32, #tpu.memory_space<vmem>> -> memref<128xi32, #tpu.memory_space<vmem>>
        %dma_wait3A_261 = arith.constant 0 : i32
        %dma_wait3A_262 = tpu.memref_slice %arg3[%dma_wait3A_246, %add3A_245, %dma_wait3A_261] : memref<2x2500x128xi32, #tpu.memory_space<hbm>> -> memref<1x1x128xi32, #tpu.memory_space<hbm>>
        %dma_wait3A_263 = tpu.memref_squeeze %dma_wait3A_262 : memref<1x1x128xi32, #tpu.memory_space<hbm>> -> memref<128xi32, #tpu.memory_space<hbm>>
        tpu.wait_dma2 semaphore(%dma_wait3A_257 : memref<!tpu.dma_semaphore, #tpu.memory_space<semaphore_mem>>) src(%dma_wait3A_263 : memref<128xi32, #tpu.memory_space<hbm>>) dst(%dma_wait3A_260 : memref<128xi32, #tpu.memory_space<vmem>>)
        %dma_start3A = arith.constant 5 : i32
        %dma_start3A_264 = arith.constant 0 : i32
        %dma_start3A_265 = arith.constant 2 : i32
        %dma_start3A_266 = arith.constant 2 : i32
        %dma_start3A_267 = arith.constant 0 : i32
        %dma_start3A_268 = arith.constant 0 : i32
        %dma_start3A_269 = tpu.memref_slice %arg7[%dma_start3A_265, %dma_start3A_267, %dma_start3A_268] : memref<3x128x128xf32, #tpu.memory_space<vmem>> -> memref<1x128x128xf32, #tpu.memory_space<vmem>>
        %dma_start3A_270 = tpu.memref_squeeze %dma_start3A_269 : memref<1x128x128xf32, #tpu.memory_space<vmem>> -> memref<128x128xf32, #tpu.memory_space<vmem>>
        %dma_start3A_271 = arith.constant 0 : i32
        %dma_start3A_272 = tpu.memref_slice %arg6[%dma_start3A, %dma_start3A_264, %dma_start3A_271] : memref<6x2x128xi32, #tpu.memory_space<vmem>> -> memref<1x1x128xi32, #tpu.memory_space<vmem>>
        %dma_start3A_273 = tpu.memref_squeeze %dma_start3A_272 : memref<1x1x128xi32, #tpu.memory_space<vmem>> -> memref<128xi32, #tpu.memory_space<vmem>>
        %dma_start3A_274 = arith.constant 0 : i32
        %dma_start3A_275 = arith.constant 0 : i32
        %dma_start3A_276 = tpu.memref_slice %arg2[%dma_start3A_274, %dma_start3A_275] : memref<10000x128xf32, #tpu.memory_space<hbm>> -> memref<10000x128xf32, #tpu.memory_space<hbm>>
        %dma_start3A_277 = tpu.memref_slice %arg11[%dma_start3A_266] : memref<3x!tpu.dma_semaphore, #tpu.memory_space<semaphore_mem>> -> memref<1x!tpu.dma_semaphore, #tpu.memory_space<semaphore_mem>>
        %dma_start3A_278 = tpu.memref_squeeze %dma_start3A_277 : memref<1x!tpu.dma_semaphore, #tpu.memory_space<semaphore_mem>> -> memref<!tpu.dma_semaphore, #tpu.memory_space<semaphore_mem>>
        tpu.enqueue_indirect_dma source(%dma_start3A_276 : memref<10000x128xf32, #tpu.memory_space<hbm>>) target(%dma_start3A_270 : memref<128x128xf32, #tpu.memory_space<vmem>>) offsets(%dma_start3A_273 : memref<128xi32, #tpu.memory_space<vmem>>) semaphore(%dma_start3A_278 : memref<!tpu.dma_semaphore, #tpu.memory_space<semaphore_mem>>)
      } else {
      }
      %add3A_165 = arith.constant 5 : i32
      %add3A_166 = arith.addi %add3A_145, %add3A_165 : i32
      %lt3A_167 = arith.cmpi slt, %add3A_166, %min3A_4 : i32
      %convert_element_type3A_168 = arith.extui %lt3A_167 : i1 to i32
      %cond3A_169 = arith.constant 0 : i32
      %cond3A_170 = arith.cmpi ne, %convert_element_type3A_168, %cond3A_169 : i32
      scf.if %cond3A_170 {
        %add3A_225 = arith.constant 5 : i32
        %add3A_226 = arith.addi %add3A_145, %add3A_225 : i32
        %add3A_227 = arith.addi %mul3A_2, %add3A_226 : i32
        %dma_start3A = arith.constant 0 : i32
        %dma_start3A_228 = arith.constant 2 : i32
        %dma_start3A_229 = arith.constant 0 : i32
        %dma_start3A_230 = arith.constant 2 : i32
        %dma_start3A_231 = arith.constant 0 : i32
        %dma_start3A_232 = tpu.memref_slice %arg6[%dma_start3A_228, %dma_start3A_229, %dma_start3A_231] : memref<6x2x128xi32, #tpu.memory_space<vmem>> -> memref<1x1x128xi32, #tpu.memory_space<vmem>>
        %dma_start3A_233 = tpu.memref_squeeze %dma_start3A_232 : memref<1x1x128xi32, #tpu.memory_space<vmem>> -> memref<128xi32, #tpu.memory_space<vmem>>
        %dma_start3A_234 = arith.constant 0 : i32
        %dma_start3A_235 = tpu.memref_slice %arg3[%dma_start3A, %add3A_227, %dma_start3A_234] : memref<2x2500x128xi32, #tpu.memory_space<hbm>> -> memref<1x1x128xi32, #tpu.memory_space<hbm>>
        %dma_start3A_236 = tpu.memref_squeeze %dma_start3A_235 : memref<1x1x128xi32, #tpu.memory_space<hbm>> -> memref<128xi32, #tpu.memory_space<hbm>>
        %dma_start3A_237 = tpu.memref_slice %arg9[%dma_start3A_230] : memref<6x!tpu.dma_semaphore, #tpu.memory_space<semaphore_mem>> -> memref<1x!tpu.dma_semaphore, #tpu.memory_space<semaphore_mem>>
        %dma_start3A_238 = tpu.memref_squeeze %dma_start3A_237 : memref<1x!tpu.dma_semaphore, #tpu.memory_space<semaphore_mem>> -> memref<!tpu.dma_semaphore, #tpu.memory_space<semaphore_mem>>
        %dma_start3A_239 = arith.constant 0 : i32
        %dma_start3A_240 = tpu.memref_slice %arg6[%dma_start3A_228, %dma_start3A_229, %dma_start3A_239] : memref<6x2x128xi32, #tpu.memory_space<vmem>> -> memref<1x1x128xi32, #tpu.memory_space<vmem>>
        %dma_start3A_241 = tpu.memref_squeeze %dma_start3A_240 : memref<1x1x128xi32, #tpu.memory_space<vmem>> -> memref<128xi32, #tpu.memory_space<vmem>>
        %dma_start3A_242 = arith.constant 0 : i32
        %dma_start3A_243 = tpu.memref_slice %arg3[%dma_start3A, %add3A_227, %dma_start3A_242] : memref<2x2500x128xi32, #tpu.memory_space<hbm>> -> memref<1x1x128xi32, #tpu.memory_space<hbm>>
        %dma_start3A_244 = tpu.memref_squeeze %dma_start3A_243 : memref<1x1x128xi32, #tpu.memory_space<hbm>> -> memref<128xi32, #tpu.memory_space<hbm>>
        tpu.enqueue_dma source(%dma_start3A_244 : memref<128xi32, #tpu.memory_space<hbm>>) target(%dma_start3A_241 : memref<128xi32, #tpu.memory_space<vmem>>) target_semaphore(%dma_start3A_238 : memref<!tpu.dma_semaphore, #tpu.memory_space<semaphore_mem>>)
        %add3A_245 = arith.addi %mul3A_2, %add3A_226 : i32
        %dma_start3A_246 = arith.constant 1 : i32
        %dma_start3A_247 = arith.constant 2 : i32
        %dma_start3A_248 = arith.constant 1 : i32
        %dma_start3A_249 = arith.constant 2 : i32
        %dma_start3A_250 = arith.constant 0 : i32
        %dma_start3A_251 = tpu.memref_slice %arg6[%dma_start3A_247, %dma_start3A_248, %dma_start3A_250] : memref<6x2x128xi32, #tpu.memory_space<vmem>> -> memref<1x1x128xi32, #tpu.memory_space<vmem>>
        %dma_start3A_252 = tpu.memref_squeeze %dma_start3A_251 : memref<1x1x128xi32, #tpu.memory_space<vmem>> -> memref<128xi32, #tpu.memory_space<vmem>>
        %dma_start3A_253 = arith.constant 0 : i32
        %dma_start3A_254 = tpu.memref_slice %arg3[%dma_start3A_246, %add3A_245, %dma_start3A_253] : memref<2x2500x128xi32, #tpu.memory_space<hbm>> -> memref<1x1x128xi32, #tpu.memory_space<hbm>>
        %dma_start3A_255 = tpu.memref_squeeze %dma_start3A_254 : memref<1x1x128xi32, #tpu.memory_space<hbm>> -> memref<128xi32, #tpu.memory_space<hbm>>
        %dma_start3A_256 = tpu.memref_slice %arg10[%dma_start3A_249] : memref<6x!tpu.dma_semaphore, #tpu.memory_space<semaphore_mem>> -> memref<1x!tpu.dma_semaphore, #tpu.memory_space<semaphore_mem>>
        %dma_start3A_257 = tpu.memref_squeeze %dma_start3A_256 : memref<1x!tpu.dma_semaphore, #tpu.memory_space<semaphore_mem>> -> memref<!tpu.dma_semaphore, #tpu.memory_space<semaphore_mem>>
        %dma_start3A_258 = arith.constant 0 : i32
        %dma_start3A_259 = tpu.memref_slice %arg6[%dma_start3A_247, %dma_start3A_248, %dma_start3A_258] : memref<6x2x128xi32, #tpu.memory_space<vmem>> -> memref<1x1x128xi32, #tpu.memory_space<vmem>>
        %dma_start3A_260 = tpu.memref_squeeze %dma_start3A_259 : memref<1x1x128xi32, #tpu.memory_space<vmem>> -> memref<128xi32, #tpu.memory_space<vmem>>
        %dma_start3A_261 = arith.constant 0 : i32
        %dma_start3A_262 = tpu.memref_slice %arg3[%dma_start3A_246, %add3A_245, %dma_start3A_261] : memref<2x2500x128xi32, #tpu.memory_space<hbm>> -> memref<1x1x128xi32, #tpu.memory_space<hbm>>
        %dma_start3A_263 = tpu.memref_squeeze %dma_start3A_262 : memref<1x1x128xi32, #tpu.memory_space<hbm>> -> memref<128xi32, #tpu.memory_space<hbm>>
        tpu.enqueue_dma source(%dma_start3A_263 : memref<128xi32, #tpu.memory_space<hbm>>) target(%dma_start3A_260 : memref<128xi32, #tpu.memory_space<vmem>>) target_semaphore(%dma_start3A_257 : memref<!tpu.dma_semaphore, #tpu.memory_space<semaphore_mem>>)
      } else {
      }
      %add3A_171 = arith.constant 4 : i32
      %add3A_172 = arith.addi %add3A_64, %add3A_171 : i32
      %lt3A_173 = arith.cmpi slt, %add3A_172, %min3A_4 : i32
      %convert_element_type3A_174 = arith.extui %lt3A_173 : i1 to i32
      %cond3A_175 = arith.constant 0 : i32
      %cond3A_176 = arith.cmpi ne, %convert_element_type3A_174, %cond3A_175 : i32
      scf.if %cond3A_176 {
        %dma_wait3A = arith.constant 4 : i32
        %dma_wait3A_225 = arith.constant 0 : i32
        %dma_wait3A_226 = arith.constant 1 : i32
        %dma_wait3A_227 = arith.constant 1 : i32
        %dma_wait3A_228 = arith.constant 0 : i32
        %dma_wait3A_229 = arith.constant 0 : i32
        %dma_wait3A_230 = tpu.memref_slice %arg7[%dma_wait3A_226, %dma_wait3A_228, %dma_wait3A_229] : memref<3x128x128xf32, #tpu.memory_space<vmem>> -> memref<1x128x128xf32, #tpu.memory_space<vmem>>
        %dma_wait3A_231 = tpu.memref_squeeze %dma_wait3A_230 : memref<1x128x128xf32, #tpu.memory_space<vmem>> -> memref<128x128xf32, #tpu.memory_space<vmem>>
        %dma_wait3A_232 = arith.constant 0 : i32
        %dma_wait3A_233 = tpu.memref_slice %arg6[%dma_wait3A, %dma_wait3A_225, %dma_wait3A_232] : memref<6x2x128xi32, #tpu.memory_space<vmem>> -> memref<1x1x128xi32, #tpu.memory_space<vmem>>
        %dma_wait3A_234 = tpu.memref_squeeze %dma_wait3A_233 : memref<1x1x128xi32, #tpu.memory_space<vmem>> -> memref<128xi32, #tpu.memory_space<vmem>>
        %dma_wait3A_235 = arith.constant 0 : i32
        %dma_wait3A_236 = arith.constant 0 : i32
        %dma_wait3A_237 = tpu.memref_slice %arg2[%dma_wait3A_235, %dma_wait3A_236] : memref<10000x128xf32, #tpu.memory_space<hbm>> -> memref<10000x128xf32, #tpu.memory_space<hbm>>
        %dma_wait3A_238 = tpu.memref_slice %arg11[%dma_wait3A_227] : memref<3x!tpu.dma_semaphore, #tpu.memory_space<semaphore_mem>> -> memref<1x!tpu.dma_semaphore, #tpu.memory_space<semaphore_mem>>
        %dma_wait3A_239 = tpu.memref_squeeze %dma_wait3A_238 : memref<1x!tpu.dma_semaphore, #tpu.memory_space<semaphore_mem>> -> memref<!tpu.dma_semaphore, #tpu.memory_space<semaphore_mem>>
        tpu.wait_indirect_dma semaphore(%dma_wait3A_239 : memref<!tpu.dma_semaphore, #tpu.memory_space<semaphore_mem>>) src(%dma_wait3A_237 : memref<10000x128xf32, #tpu.memory_space<hbm>>) dst(%dma_wait3A_231 : memref<128x128xf32, #tpu.memory_space<vmem>>)
        %dma_start3A = arith.constant 1 : i32
        %dma_start3A_240 = arith.constant 4 : i32
        %dma_start3A_241 = arith.constant 1 : i32
        %dma_start3A_242 = arith.constant 1 : i32
        %dma_start3A_243 = arith.constant 0 : i32
        %dma_start3A_244 = arith.constant 0 : i32
        %dma_start3A_245 = tpu.memref_slice %arg7[%dma_start3A, %dma_start3A_243, %dma_start3A_244] : memref<3x128x128xf32, #tpu.memory_space<vmem>> -> memref<1x128x128xf32, #tpu.memory_space<vmem>>
        %dma_start3A_246 = tpu.memref_squeeze %dma_start3A_245 : memref<1x128x128xf32, #tpu.memory_space<vmem>> -> memref<128x128xf32, #tpu.memory_space<vmem>>
        %dma_start3A_247 = arith.constant 0 : i32
        %dma_start3A_248 = tpu.memref_slice %arg6[%dma_start3A_240, %dma_start3A_241, %dma_start3A_247] : memref<6x2x128xi32, #tpu.memory_space<vmem>> -> memref<1x1x128xi32, #tpu.memory_space<vmem>>
        %dma_start3A_249 = tpu.memref_squeeze %dma_start3A_248 : memref<1x1x128xi32, #tpu.memory_space<vmem>> -> memref<128xi32, #tpu.memory_space<vmem>>
        %dma_start3A_250 = arith.constant 0 : i32
        %dma_start3A_251 = arith.constant 0 : i32
        %dma_start3A_252 = tpu.memref_slice %arg8[%dma_start3A_250, %dma_start3A_251] : memref<10000x128xf32, #tpu.memory_space<vmem_shared>> -> memref<10000x128xf32, #tpu.memory_space<vmem_shared>>
        %dma_start3A_253 = tpu.memref_slice %arg12[%dma_start3A_242] : memref<3x!tpu.dma_semaphore, #tpu.memory_space<semaphore_mem>> -> memref<1x!tpu.dma_semaphore, #tpu.memory_space<semaphore_mem>>
        %dma_start3A_254 = tpu.memref_squeeze %dma_start3A_253 : memref<1x!tpu.dma_semaphore, #tpu.memory_space<semaphore_mem>> -> memref<!tpu.dma_semaphore, #tpu.memory_space<semaphore_mem>>
        tpu.enqueue_indirect_dma source(%dma_start3A_246 : memref<128x128xf32, #tpu.memory_space<vmem>>) target(%dma_start3A_252 : memref<10000x128xf32, #tpu.memory_space<vmem_shared>>) offsets(%dma_start3A_249 : memref<128xi32, #tpu.memory_space<vmem>>) semaphore(%dma_start3A_254 : memref<!tpu.dma_semaphore, #tpu.memory_space<semaphore_mem>>) {add = true}
      } else {
      }
      %ge3A_177 = arith.constant 1 : i32
      %ge3A_178 = arith.cmpi sge, %add3A_172, %ge3A_177 : i32
      %sub3A_179 = arith.constant 1 : i32
      %sub3A_180 = arith.subi %add3A_172, %sub3A_179 : i32
      %lt3A_181 = arith.cmpi slt, %sub3A_180, %min3A_4 : i32
      %and3A_182 = arith.andi %ge3A_178, %lt3A_181 : i1
      %convert_element_type3A_183 = arith.extui %and3A_182 : i1 to i32
      %cond3A_184 = arith.constant 0 : i32
      %cond3A_185 = arith.cmpi ne, %convert_element_type3A_183, %cond3A_184 : i32
      scf.if %cond3A_185 {
        %dma_wait3A = arith.constant 0 : i32
        %dma_wait3A_225 = arith.constant 3 : i32
        %dma_wait3A_226 = arith.constant 1 : i32
        %dma_wait3A_227 = arith.constant 0 : i32
        %dma_wait3A_228 = arith.constant 0 : i32
        %dma_wait3A_229 = arith.constant 0 : i32
        %dma_wait3A_230 = tpu.memref_slice %arg7[%dma_wait3A, %dma_wait3A_228, %dma_wait3A_229] : memref<3x128x128xf32, #tpu.memory_space<vmem>> -> memref<1x128x128xf32, #tpu.memory_space<vmem>>
        %dma_wait3A_231 = tpu.memref_squeeze %dma_wait3A_230 : memref<1x128x128xf32, #tpu.memory_space<vmem>> -> memref<128x128xf32, #tpu.memory_space<vmem>>
        %dma_wait3A_232 = arith.constant 0 : i32
        %dma_wait3A_233 = tpu.memref_slice %arg6[%dma_wait3A_225, %dma_wait3A_226, %dma_wait3A_232] : memref<6x2x128xi32, #tpu.memory_space<vmem>> -> memref<1x1x128xi32, #tpu.memory_space<vmem>>
        %dma_wait3A_234 = tpu.memref_squeeze %dma_wait3A_233 : memref<1x1x128xi32, #tpu.memory_space<vmem>> -> memref<128xi32, #tpu.memory_space<vmem>>
        %dma_wait3A_235 = arith.constant 0 : i32
        %dma_wait3A_236 = arith.constant 0 : i32
        %dma_wait3A_237 = tpu.memref_slice %arg8[%dma_wait3A_235, %dma_wait3A_236] : memref<10000x128xf32, #tpu.memory_space<vmem_shared>> -> memref<10000x128xf32, #tpu.memory_space<vmem_shared>>
        %dma_wait3A_238 = tpu.memref_slice %arg12[%dma_wait3A_227] : memref<3x!tpu.dma_semaphore, #tpu.memory_space<semaphore_mem>> -> memref<1x!tpu.dma_semaphore, #tpu.memory_space<semaphore_mem>>
        %dma_wait3A_239 = tpu.memref_squeeze %dma_wait3A_238 : memref<1x!tpu.dma_semaphore, #tpu.memory_space<semaphore_mem>> -> memref<!tpu.dma_semaphore, #tpu.memory_space<semaphore_mem>>
        tpu.wait_indirect_dma semaphore(%dma_wait3A_239 : memref<!tpu.dma_semaphore, #tpu.memory_space<semaphore_mem>>) src(%dma_wait3A_231 : memref<128x128xf32, #tpu.memory_space<vmem>>) dst(%dma_wait3A_237 : memref<10000x128xf32, #tpu.memory_space<vmem_shared>>)
      } else {
      }
      %add3A_186 = arith.constant 2 : i32
      %add3A_187 = arith.addi %add3A_172, %add3A_186 : i32
      %lt3A_188 = arith.cmpi slt, %add3A_187, %min3A_4 : i32
      %convert_element_type3A_189 = arith.extui %lt3A_188 : i1 to i32
      %cond3A_190 = arith.constant 0 : i32
      %cond3A_191 = arith.cmpi ne, %convert_element_type3A_189, %cond3A_190 : i32
      scf.if %cond3A_191 {
        %add3A_225 = arith.constant 2 : i32
        %add3A_226 = arith.addi %add3A_172, %add3A_225 : i32
        %add3A_227 = arith.addi %mul3A_2, %add3A_226 : i32
        %dma_wait3A = arith.constant 0 : i32
        %dma_wait3A_228 = arith.constant 0 : i32
        %dma_wait3A_229 = arith.constant 0 : i32
        %dma_wait3A_230 = arith.constant 0 : i32
        %dma_wait3A_231 = arith.constant 0 : i32
        %dma_wait3A_232 = tpu.memref_slice %arg6[%dma_wait3A_228, %dma_wait3A_229, %dma_wait3A_231] : memref<6x2x128xi32, #tpu.memory_space<vmem>> -> memref<1x1x128xi32, #tpu.memory_space<vmem>>
        %dma_wait3A_233 = tpu.memref_squeeze %dma_wait3A_232 : memref<1x1x128xi32, #tpu.memory_space<vmem>> -> memref<128xi32, #tpu.memory_space<vmem>>
        %dma_wait3A_234 = arith.constant 0 : i32
        %dma_wait3A_235 = tpu.memref_slice %arg3[%dma_wait3A, %add3A_227, %dma_wait3A_234] : memref<2x2500x128xi32, #tpu.memory_space<hbm>> -> memref<1x1x128xi32, #tpu.memory_space<hbm>>
        %dma_wait3A_236 = tpu.memref_squeeze %dma_wait3A_235 : memref<1x1x128xi32, #tpu.memory_space<hbm>> -> memref<128xi32, #tpu.memory_space<hbm>>
        %dma_wait3A_237 = tpu.memref_slice %arg9[%dma_wait3A_230] : memref<6x!tpu.dma_semaphore, #tpu.memory_space<semaphore_mem>> -> memref<1x!tpu.dma_semaphore, #tpu.memory_space<semaphore_mem>>
        %dma_wait3A_238 = tpu.memref_squeeze %dma_wait3A_237 : memref<1x!tpu.dma_semaphore, #tpu.memory_space<semaphore_mem>> -> memref<!tpu.dma_semaphore, #tpu.memory_space<semaphore_mem>>
        %dma_wait3A_239 = arith.constant 0 : i32
        %dma_wait3A_240 = tpu.memref_slice %arg6[%dma_wait3A_228, %dma_wait3A_229, %dma_wait3A_239] : memref<6x2x128xi32, #tpu.memory_space<vmem>> -> memref<1x1x128xi32, #tpu.memory_space<vmem>>
        %dma_wait3A_241 = tpu.memref_squeeze %dma_wait3A_240 : memref<1x1x128xi32, #tpu.memory_space<vmem>> -> memref<128xi32, #tpu.memory_space<vmem>>
        %dma_wait3A_242 = arith.constant 0 : i32
        %dma_wait3A_243 = tpu.memref_slice %arg3[%dma_wait3A, %add3A_227, %dma_wait3A_242] : memref<2x2500x128xi32, #tpu.memory_space<hbm>> -> memref<1x1x128xi32, #tpu.memory_space<hbm>>
        %dma_wait3A_244 = tpu.memref_squeeze %dma_wait3A_243 : memref<1x1x128xi32, #tpu.memory_space<hbm>> -> memref<128xi32, #tpu.memory_space<hbm>>
        tpu.wait_dma2 semaphore(%dma_wait3A_238 : memref<!tpu.dma_semaphore, #tpu.memory_space<semaphore_mem>>) src(%dma_wait3A_244 : memref<128xi32, #tpu.memory_space<hbm>>) dst(%dma_wait3A_241 : memref<128xi32, #tpu.memory_space<vmem>>)
        %add3A_245 = arith.addi %mul3A_2, %add3A_226 : i32
        %dma_wait3A_246 = arith.constant 1 : i32
        %dma_wait3A_247 = arith.constant 0 : i32
        %dma_wait3A_248 = arith.constant 1 : i32
        %dma_wait3A_249 = arith.constant 0 : i32
        %dma_wait3A_250 = arith.constant 0 : i32
        %dma_wait3A_251 = tpu.memref_slice %arg6[%dma_wait3A_247, %dma_wait3A_248, %dma_wait3A_250] : memref<6x2x128xi32, #tpu.memory_space<vmem>> -> memref<1x1x128xi32, #tpu.memory_space<vmem>>
        %dma_wait3A_252 = tpu.memref_squeeze %dma_wait3A_251 : memref<1x1x128xi32, #tpu.memory_space<vmem>> -> memref<128xi32, #tpu.memory_space<vmem>>
        %dma_wait3A_253 = arith.constant 0 : i32
        %dma_wait3A_254 = tpu.memref_slice %arg3[%dma_wait3A_246, %add3A_245, %dma_wait3A_253] : memref<2x2500x128xi32, #tpu.memory_space<hbm>> -> memref<1x1x128xi32, #tpu.memory_space<hbm>>
        %dma_wait3A_255 = tpu.memref_squeeze %dma_wait3A_254 : memref<1x1x128xi32, #tpu.memory_space<hbm>> -> memref<128xi32, #tpu.memory_space<hbm>>
        %dma_wait3A_256 = tpu.memref_slice %arg10[%dma_wait3A_249] : memref<6x!tpu.dma_semaphore, #tpu.memory_space<semaphore_mem>> -> memref<1x!tpu.dma_semaphore, #tpu.memory_space<semaphore_mem>>
        %dma_wait3A_257 = tpu.memref_squeeze %dma_wait3A_256 : memref<1x!tpu.dma_semaphore, #tpu.memory_space<semaphore_mem>> -> memref<!tpu.dma_semaphore, #tpu.memory_space<semaphore_mem>>
        %dma_wait3A_258 = arith.constant 0 : i32
        %dma_wait3A_259 = tpu.memref_slice %arg6[%dma_wait3A_247, %dma_wait3A_248, %dma_wait3A_258] : memref<6x2x128xi32, #tpu.memory_space<vmem>> -> memref<1x1x128xi32, #tpu.memory_space<vmem>>
        %dma_wait3A_260 = tpu.memref_squeeze %dma_wait3A_259 : memref<1x1x128xi32, #tpu.memory_space<vmem>> -> memref<128xi32, #tpu.memory_space<vmem>>
        %dma_wait3A_261 = arith.constant 0 : i32
        %dma_wait3A_262 = tpu.memref_slice %arg3[%dma_wait3A_246, %add3A_245, %dma_wait3A_261] : memref<2x2500x128xi32, #tpu.memory_space<hbm>> -> memref<1x1x128xi32, #tpu.memory_space<hbm>>
        %dma_wait3A_263 = tpu.memref_squeeze %dma_wait3A_262 : memref<1x1x128xi32, #tpu.memory_space<hbm>> -> memref<128xi32, #tpu.memory_space<hbm>>
        tpu.wait_dma2 semaphore(%dma_wait3A_257 : memref<!tpu.dma_semaphore, #tpu.memory_space<semaphore_mem>>) src(%dma_wait3A_263 : memref<128xi32, #tpu.memory_space<hbm>>) dst(%dma_wait3A_260 : memref<128xi32, #tpu.memory_space<vmem>>)
        %dma_start3A = arith.constant 0 : i32
        %dma_start3A_264 = arith.constant 0 : i32
        %dma_start3A_265 = arith.constant 0 : i32
        %dma_start3A_266 = arith.constant 0 : i32
        %dma_start3A_267 = arith.constant 0 : i32
        %dma_start3A_268 = arith.constant 0 : i32
        %dma_start3A_269 = tpu.memref_slice %arg7[%dma_start3A_265, %dma_start3A_267, %dma_start3A_268] : memref<3x128x128xf32, #tpu.memory_space<vmem>> -> memref<1x128x128xf32, #tpu.memory_space<vmem>>
        %dma_start3A_270 = tpu.memref_squeeze %dma_start3A_269 : memref<1x128x128xf32, #tpu.memory_space<vmem>> -> memref<128x128xf32, #tpu.memory_space<vmem>>
        %dma_start3A_271 = arith.constant 0 : i32
        %dma_start3A_272 = tpu.memref_slice %arg6[%dma_start3A, %dma_start3A_264, %dma_start3A_271] : memref<6x2x128xi32, #tpu.memory_space<vmem>> -> memref<1x1x128xi32, #tpu.memory_space<vmem>>
        %dma_start3A_273 = tpu.memref_squeeze %dma_start3A_272 : memref<1x1x128xi32, #tpu.memory_space<vmem>> -> memref<128xi32, #tpu.memory_space<vmem>>
        %dma_start3A_274 = arith.constant 0 : i32
        %dma_start3A_275 = arith.constant 0 : i32
        %dma_start3A_276 = tpu.memref_slice %arg2[%dma_start3A_274, %dma_start3A_275] : memref<10000x128xf32, #tpu.memory_space<hbm>> -> memref<10000x128xf32, #tpu.memory_space<hbm>>
        %dma_start3A_277 = tpu.memref_slice %arg11[%dma_start3A_266] : memref<3x!tpu.dma_semaphore, #tpu.memory_space<semaphore_mem>> -> memref<1x!tpu.dma_semaphore, #tpu.memory_space<semaphore_mem>>
        %dma_start3A_278 = tpu.memref_squeeze %dma_start3A_277 : memref<1x!tpu.dma_semaphore, #tpu.memory_space<semaphore_mem>> -> memref<!tpu.dma_semaphore, #tpu.memory_space<semaphore_mem>>
        tpu.enqueue_indirect_dma source(%dma_start3A_276 : memref<10000x128xf32, #tpu.memory_space<hbm>>) target(%dma_start3A_270 : memref<128x128xf32, #tpu.memory_space<vmem>>) offsets(%dma_start3A_273 : memref<128xi32, #tpu.memory_space<vmem>>) semaphore(%dma_start3A_278 : memref<!tpu.dma_semaphore, #tpu.memory_space<semaphore_mem>>)
      } else {
      }
      %add3A_192 = arith.constant 5 : i32
      %add3A_193 = arith.addi %add3A_172, %add3A_192 : i32
      %lt3A_194 = arith.cmpi slt, %add3A_193, %min3A_4 : i32
      %convert_element_type3A_195 = arith.extui %lt3A_194 : i1 to i32
      %cond3A_196 = arith.constant 0 : i32
      %cond3A_197 = arith.cmpi ne, %convert_element_type3A_195, %cond3A_196 : i32
      scf.if %cond3A_197 {
        %add3A_225 = arith.constant 5 : i32
        %add3A_226 = arith.addi %add3A_172, %add3A_225 : i32
        %add3A_227 = arith.addi %mul3A_2, %add3A_226 : i32
        %dma_start3A = arith.constant 0 : i32
        %dma_start3A_228 = arith.constant 3 : i32
        %dma_start3A_229 = arith.constant 0 : i32
        %dma_start3A_230 = arith.constant 3 : i32
        %dma_start3A_231 = arith.constant 0 : i32
        %dma_start3A_232 = tpu.memref_slice %arg6[%dma_start3A_228, %dma_start3A_229, %dma_start3A_231] : memref<6x2x128xi32, #tpu.memory_space<vmem>> -> memref<1x1x128xi32, #tpu.memory_space<vmem>>
        %dma_start3A_233 = tpu.memref_squeeze %dma_start3A_232 : memref<1x1x128xi32, #tpu.memory_space<vmem>> -> memref<128xi32, #tpu.memory_space<vmem>>
        %dma_start3A_234 = arith.constant 0 : i32
        %dma_start3A_235 = tpu.memref_slice %arg3[%dma_start3A, %add3A_227, %dma_start3A_234] : memref<2x2500x128xi32, #tpu.memory_space<hbm>> -> memref<1x1x128xi32, #tpu.memory_space<hbm>>
        %dma_start3A_236 = tpu.memref_squeeze %dma_start3A_235 : memref<1x1x128xi32, #tpu.memory_space<hbm>> -> memref<128xi32, #tpu.memory_space<hbm>>
        %dma_start3A_237 = tpu.memref_slice %arg9[%dma_start3A_230] : memref<6x!tpu.dma_semaphore, #tpu.memory_space<semaphore_mem>> -> memref<1x!tpu.dma_semaphore, #tpu.memory_space<semaphore_mem>>
        %dma_start3A_238 = tpu.memref_squeeze %dma_start3A_237 : memref<1x!tpu.dma_semaphore, #tpu.memory_space<semaphore_mem>> -> memref<!tpu.dma_semaphore, #tpu.memory_space<semaphore_mem>>
        %dma_start3A_239 = arith.constant 0 : i32
        %dma_start3A_240 = tpu.memref_slice %arg6[%dma_start3A_228, %dma_start3A_229, %dma_start3A_239] : memref<6x2x128xi32, #tpu.memory_space<vmem>> -> memref<1x1x128xi32, #tpu.memory_space<vmem>>
        %dma_start3A_241 = tpu.memref_squeeze %dma_start3A_240 : memref<1x1x128xi32, #tpu.memory_space<vmem>> -> memref<128xi32, #tpu.memory_space<vmem>>
        %dma_start3A_242 = arith.constant 0 : i32
        %dma_start3A_243 = tpu.memref_slice %arg3[%dma_start3A, %add3A_227, %dma_start3A_242] : memref<2x2500x128xi32, #tpu.memory_space<hbm>> -> memref<1x1x128xi32, #tpu.memory_space<hbm>>
        %dma_start3A_244 = tpu.memref_squeeze %dma_start3A_243 : memref<1x1x128xi32, #tpu.memory_space<hbm>> -> memref<128xi32, #tpu.memory_space<hbm>>
        tpu.enqueue_dma source(%dma_start3A_244 : memref<128xi32, #tpu.memory_space<hbm>>) target(%dma_start3A_241 : memref<128xi32, #tpu.memory_space<vmem>>) target_semaphore(%dma_start3A_238 : memref<!tpu.dma_semaphore, #tpu.memory_space<semaphore_mem>>)
        %add3A_245 = arith.addi %mul3A_2, %add3A_226 : i32
        %dma_start3A_246 = arith.constant 1 : i32
        %dma_start3A_247 = arith.constant 3 : i32
        %dma_start3A_248 = arith.constant 1 : i32
        %dma_start3A_249 = arith.constant 3 : i32
        %dma_start3A_250 = arith.constant 0 : i32
        %dma_start3A_251 = tpu.memref_slice %arg6[%dma_start3A_247, %dma_start3A_248, %dma_start3A_250] : memref<6x2x128xi32, #tpu.memory_space<vmem>> -> memref<1x1x128xi32, #tpu.memory_space<vmem>>
        %dma_start3A_252 = tpu.memref_squeeze %dma_start3A_251 : memref<1x1x128xi32, #tpu.memory_space<vmem>> -> memref<128xi32, #tpu.memory_space<vmem>>
        %dma_start3A_253 = arith.constant 0 : i32
        %dma_start3A_254 = tpu.memref_slice %arg3[%dma_start3A_246, %add3A_245, %dma_start3A_253] : memref<2x2500x128xi32, #tpu.memory_space<hbm>> -> memref<1x1x128xi32, #tpu.memory_space<hbm>>
        %dma_start3A_255 = tpu.memref_squeeze %dma_start3A_254 : memref<1x1x128xi32, #tpu.memory_space<hbm>> -> memref<128xi32, #tpu.memory_space<hbm>>
        %dma_start3A_256 = tpu.memref_slice %arg10[%dma_start3A_249] : memref<6x!tpu.dma_semaphore, #tpu.memory_space<semaphore_mem>> -> memref<1x!tpu.dma_semaphore, #tpu.memory_space<semaphore_mem>>
        %dma_start3A_257 = tpu.memref_squeeze %dma_start3A_256 : memref<1x!tpu.dma_semaphore, #tpu.memory_space<semaphore_mem>> -> memref<!tpu.dma_semaphore, #tpu.memory_space<semaphore_mem>>
        %dma_start3A_258 = arith.constant 0 : i32
        %dma_start3A_259 = tpu.memref_slice %arg6[%dma_start3A_247, %dma_start3A_248, %dma_start3A_258] : memref<6x2x128xi32, #tpu.memory_space<vmem>> -> memref<1x1x128xi32, #tpu.memory_space<vmem>>
        %dma_start3A_260 = tpu.memref_squeeze %dma_start3A_259 : memref<1x1x128xi32, #tpu.memory_space<vmem>> -> memref<128xi32, #tpu.memory_space<vmem>>
        %dma_start3A_261 = arith.constant 0 : i32
        %dma_start3A_262 = tpu.memref_slice %arg3[%dma_start3A_246, %add3A_245, %dma_start3A_261] : memref<2x2500x128xi32, #tpu.memory_space<hbm>> -> memref<1x1x128xi32, #tpu.memory_space<hbm>>
        %dma_start3A_263 = tpu.memref_squeeze %dma_start3A_262 : memref<1x1x128xi32, #tpu.memory_space<hbm>> -> memref<128xi32, #tpu.memory_space<hbm>>
        tpu.enqueue_dma source(%dma_start3A_263 : memref<128xi32, #tpu.memory_space<hbm>>) target(%dma_start3A_260 : memref<128xi32, #tpu.memory_space<vmem>>) target_semaphore(%dma_start3A_257 : memref<!tpu.dma_semaphore, #tpu.memory_space<semaphore_mem>>)
      } else {
      }
      %add3A_198 = arith.constant 5 : i32
      %add3A_199 = arith.addi %add3A_64, %add3A_198 : i32
      %lt3A_200 = arith.cmpi slt, %add3A_199, %min3A_4 : i32
      %convert_element_type3A_201 = arith.extui %lt3A_200 : i1 to i32
      %cond3A_202 = arith.constant 0 : i32
      %cond3A_203 = arith.cmpi ne, %convert_element_type3A_201, %cond3A_202 : i32
      scf.if %cond3A_203 {
        %dma_wait3A = arith.constant 5 : i32
        %dma_wait3A_225 = arith.constant 0 : i32
        %dma_wait3A_226 = arith.constant 2 : i32
        %dma_wait3A_227 = arith.constant 2 : i32
        %dma_wait3A_228 = arith.constant 0 : i32
        %dma_wait3A_229 = arith.constant 0 : i32
        %dma_wait3A_230 = tpu.memref_slice %arg7[%dma_wait3A_226, %dma_wait3A_228, %dma_wait3A_229] : memref<3x128x128xf32, #tpu.memory_space<vmem>> -> memref<1x128x128xf32, #tpu.memory_space<vmem>>
        %dma_wait3A_231 = tpu.memref_squeeze %dma_wait3A_230 : memref<1x128x128xf32, #tpu.memory_space<vmem>> -> memref<128x128xf32, #tpu.memory_space<vmem>>
        %dma_wait3A_232 = arith.constant 0 : i32
        %dma_wait3A_233 = tpu.memref_slice %arg6[%dma_wait3A, %dma_wait3A_225, %dma_wait3A_232] : memref<6x2x128xi32, #tpu.memory_space<vmem>> -> memref<1x1x128xi32, #tpu.memory_space<vmem>>
        %dma_wait3A_234 = tpu.memref_squeeze %dma_wait3A_233 : memref<1x1x128xi32, #tpu.memory_space<vmem>> -> memref<128xi32, #tpu.memory_space<vmem>>
        %dma_wait3A_235 = arith.constant 0 : i32
        %dma_wait3A_236 = arith.constant 0 : i32
        %dma_wait3A_237 = tpu.memref_slice %arg2[%dma_wait3A_235, %dma_wait3A_236] : memref<10000x128xf32, #tpu.memory_space<hbm>> -> memref<10000x128xf32, #tpu.memory_space<hbm>>
        %dma_wait3A_238 = tpu.memref_slice %arg11[%dma_wait3A_227] : memref<3x!tpu.dma_semaphore, #tpu.memory_space<semaphore_mem>> -> memref<1x!tpu.dma_semaphore, #tpu.memory_space<semaphore_mem>>
        %dma_wait3A_239 = tpu.memref_squeeze %dma_wait3A_238 : memref<1x!tpu.dma_semaphore, #tpu.memory_space<semaphore_mem>> -> memref<!tpu.dma_semaphore, #tpu.memory_space<semaphore_mem>>
        tpu.wait_indirect_dma semaphore(%dma_wait3A_239 : memref<!tpu.dma_semaphore, #tpu.memory_space<semaphore_mem>>) src(%dma_wait3A_237 : memref<10000x128xf32, #tpu.memory_space<hbm>>) dst(%dma_wait3A_231 : memref<128x128xf32, #tpu.memory_space<vmem>>)
        %dma_start3A = arith.constant 2 : i32
        %dma_start3A_240 = arith.constant 5 : i32
        %dma_start3A_241 = arith.constant 1 : i32
        %dma_start3A_242 = arith.constant 2 : i32
        %dma_start3A_243 = arith.constant 0 : i32
        %dma_start3A_244 = arith.constant 0 : i32
        %dma_start3A_245 = tpu.memref_slice %arg7[%dma_start3A, %dma_start3A_243, %dma_start3A_244] : memref<3x128x128xf32, #tpu.memory_space<vmem>> -> memref<1x128x128xf32, #tpu.memory_space<vmem>>
        %dma_start3A_246 = tpu.memref_squeeze %dma_start3A_245 : memref<1x128x128xf32, #tpu.memory_space<vmem>> -> memref<128x128xf32, #tpu.memory_space<vmem>>
        %dma_start3A_247 = arith.constant 0 : i32
        %dma_start3A_248 = tpu.memref_slice %arg6[%dma_start3A_240, %dma_start3A_241, %dma_start3A_247] : memref<6x2x128xi32, #tpu.memory_space<vmem>> -> memref<1x1x128xi32, #tpu.memory_space<vmem>>
        %dma_start3A_249 = tpu.memref_squeeze %dma_start3A_248 : memref<1x1x128xi32, #tpu.memory_space<vmem>> -> memref<128xi32, #tpu.memory_space<vmem>>
        %dma_start3A_250 = arith.constant 0 : i32
        %dma_start3A_251 = arith.constant 0 : i32
        %dma_start3A_252 = tpu.memref_slice %arg8[%dma_start3A_250, %dma_start3A_251] : memref<10000x128xf32, #tpu.memory_space<vmem_shared>> -> memref<10000x128xf32, #tpu.memory_space<vmem_shared>>
        %dma_start3A_253 = tpu.memref_slice %arg12[%dma_start3A_242] : memref<3x!tpu.dma_semaphore, #tpu.memory_space<semaphore_mem>> -> memref<1x!tpu.dma_semaphore, #tpu.memory_space<semaphore_mem>>
        %dma_start3A_254 = tpu.memref_squeeze %dma_start3A_253 : memref<1x!tpu.dma_semaphore, #tpu.memory_space<semaphore_mem>> -> memref<!tpu.dma_semaphore, #tpu.memory_space<semaphore_mem>>
        tpu.enqueue_indirect_dma source(%dma_start3A_246 : memref<128x128xf32, #tpu.memory_space<vmem>>) target(%dma_start3A_252 : memref<10000x128xf32, #tpu.memory_space<vmem_shared>>) offsets(%dma_start3A_249 : memref<128xi32, #tpu.memory_space<vmem>>) semaphore(%dma_start3A_254 : memref<!tpu.dma_semaphore, #tpu.memory_space<semaphore_mem>>) {add = true}
      } else {
      }
      %ge3A_204 = arith.constant 1 : i32
      %ge3A_205 = arith.cmpi sge, %add3A_199, %ge3A_204 : i32
      %sub3A_206 = arith.constant 1 : i32
      %sub3A_207 = arith.subi %add3A_199, %sub3A_206 : i32
      %lt3A_208 = arith.cmpi slt, %sub3A_207, %min3A_4 : i32
      %and3A_209 = arith.andi %ge3A_205, %lt3A_208 : i1
      %convert_element_type3A_210 = arith.extui %and3A_209 : i1 to i32
      %cond3A_211 = arith.constant 0 : i32
      %cond3A_212 = arith.cmpi ne, %convert_element_type3A_210, %cond3A_211 : i32
      scf.if %cond3A_212 {
        %dma_wait3A = arith.constant 1 : i32
        %dma_wait3A_225 = arith.constant 4 : i32
        %dma_wait3A_226 = arith.constant 1 : i32
        %dma_wait3A_227 = arith.constant 1 : i32
        %dma_wait3A_228 = arith.constant 0 : i32
        %dma_wait3A_229 = arith.constant 0 : i32
        %dma_wait3A_230 = tpu.memref_slice %arg7[%dma_wait3A, %dma_wait3A_228, %dma_wait3A_229] : memref<3x128x128xf32, #tpu.memory_space<vmem>> -> memref<1x128x128xf32, #tpu.memory_space<vmem>>
        %dma_wait3A_231 = tpu.memref_squeeze %dma_wait3A_230 : memref<1x128x128xf32, #tpu.memory_space<vmem>> -> memref<128x128xf32, #tpu.memory_space<vmem>>
        %dma_wait3A_232 = arith.constant 0 : i32
        %dma_wait3A_233 = tpu.memref_slice %arg6[%dma_wait3A_225, %dma_wait3A_226, %dma_wait3A_232] : memref<6x2x128xi32, #tpu.memory_space<vmem>> -> memref<1x1x128xi32, #tpu.memory_space<vmem>>
        %dma_wait3A_234 = tpu.memref_squeeze %dma_wait3A_233 : memref<1x1x128xi32, #tpu.memory_space<vmem>> -> memref<128xi32, #tpu.memory_space<vmem>>
        %dma_wait3A_235 = arith.constant 0 : i32
        %dma_wait3A_236 = arith.constant 0 : i32
        %dma_wait3A_237 = tpu.memref_slice %arg8[%dma_wait3A_235, %dma_wait3A_236] : memref<10000x128xf32, #tpu.memory_space<vmem_shared>> -> memref<10000x128xf32, #tpu.memory_space<vmem_shared>>
        %dma_wait3A_238 = tpu.memref_slice %arg12[%dma_wait3A_227] : memref<3x!tpu.dma_semaphore, #tpu.memory_space<semaphore_mem>> -> memref<1x!tpu.dma_semaphore, #tpu.memory_space<semaphore_mem>>
        %dma_wait3A_239 = tpu.memref_squeeze %dma_wait3A_238 : memref<1x!tpu.dma_semaphore, #tpu.memory_space<semaphore_mem>> -> memref<!tpu.dma_semaphore, #tpu.memory_space<semaphore_mem>>
        tpu.wait_indirect_dma semaphore(%dma_wait3A_239 : memref<!tpu.dma_semaphore, #tpu.memory_space<semaphore_mem>>) src(%dma_wait3A_231 : memref<128x128xf32, #tpu.memory_space<vmem>>) dst(%dma_wait3A_237 : memref<10000x128xf32, #tpu.memory_space<vmem_shared>>)
      } else {
      }
      %add3A_213 = arith.constant 2 : i32
      %add3A_214 = arith.addi %add3A_199, %add3A_213 : i32
      %lt3A_215 = arith.cmpi slt, %add3A_214, %min3A_4 : i32
      %convert_element_type3A_216 = arith.extui %lt3A_215 : i1 to i32
      %cond3A_217 = arith.constant 0 : i32
      %cond3A_218 = arith.cmpi ne, %convert_element_type3A_216, %cond3A_217 : i32
      scf.if %cond3A_218 {
        %add3A_225 = arith.constant 2 : i32
        %add3A_226 = arith.addi %add3A_199, %add3A_225 : i32
        %add3A_227 = arith.addi %mul3A_2, %add3A_226 : i32
        %dma_wait3A = arith.constant 0 : i32
        %dma_wait3A_228 = arith.constant 1 : i32
        %dma_wait3A_229 = arith.constant 0 : i32
        %dma_wait3A_230 = arith.constant 1 : i32
        %dma_wait3A_231 = arith.constant 0 : i32
        %dma_wait3A_232 = tpu.memref_slice %arg6[%dma_wait3A_228, %dma_wait3A_229, %dma_wait3A_231] : memref<6x2x128xi32, #tpu.memory_space<vmem>> -> memref<1x1x128xi32, #tpu.memory_space<vmem>>
        %dma_wait3A_233 = tpu.memref_squeeze %dma_wait3A_232 : memref<1x1x128xi32, #tpu.memory_space<vmem>> -> memref<128xi32, #tpu.memory_space<vmem>>
        %dma_wait3A_234 = arith.constant 0 : i32
        %dma_wait3A_235 = tpu.memref_slice %arg3[%dma_wait3A, %add3A_227, %dma_wait3A_234] : memref<2x2500x128xi32, #tpu.memory_space<hbm>> -> memref<1x1x128xi32, #tpu.memory_space<hbm>>
        %dma_wait3A_236 = tpu.memref_squeeze %dma_wait3A_235 : memref<1x1x128xi32, #tpu.memory_space<hbm>> -> memref<128xi32, #tpu.memory_space<hbm>>
        %dma_wait3A_237 = tpu.memref_slice %arg9[%dma_wait3A_230] : memref<6x!tpu.dma_semaphore, #tpu.memory_space<semaphore_mem>> -> memref<1x!tpu.dma_semaphore, #tpu.memory_space<semaphore_mem>>
        %dma_wait3A_238 = tpu.memref_squeeze %dma_wait3A_237 : memref<1x!tpu.dma_semaphore, #tpu.memory_space<semaphore_mem>> -> memref<!tpu.dma_semaphore, #tpu.memory_space<semaphore_mem>>
        %dma_wait3A_239 = arith.constant 0 : i32
        %dma_wait3A_240 = tpu.memref_slice %arg6[%dma_wait3A_228, %dma_wait3A_229, %dma_wait3A_239] : memref<6x2x128xi32, #tpu.memory_space<vmem>> -> memref<1x1x128xi32, #tpu.memory_space<vmem>>
        %dma_wait3A_241 = tpu.memref_squeeze %dma_wait3A_240 : memref<1x1x128xi32, #tpu.memory_space<vmem>> -> memref<128xi32, #tpu.memory_space<vmem>>
        %dma_wait3A_242 = arith.constant 0 : i32
        %dma_wait3A_243 = tpu.memref_slice %arg3[%dma_wait3A, %add3A_227, %dma_wait3A_242] : memref<2x2500x128xi32, #tpu.memory_space<hbm>> -> memref<1x1x128xi32, #tpu.memory_space<hbm>>
        %dma_wait3A_244 = tpu.memref_squeeze %dma_wait3A_243 : memref<1x1x128xi32, #tpu.memory_space<hbm>> -> memref<128xi32, #tpu.memory_space<hbm>>
        tpu.wait_dma2 semaphore(%dma_wait3A_238 : memref<!tpu.dma_semaphore, #tpu.memory_space<semaphore_mem>>) src(%dma_wait3A_244 : memref<128xi32, #tpu.memory_space<hbm>>) dst(%dma_wait3A_241 : memref<128xi32, #tpu.memory_space<vmem>>)
        %add3A_245 = arith.addi %mul3A_2, %add3A_226 : i32
        %dma_wait3A_246 = arith.constant 1 : i32
        %dma_wait3A_247 = arith.constant 1 : i32
        %dma_wait3A_248 = arith.constant 1 : i32
        %dma_wait3A_249 = arith.constant 1 : i32
        %dma_wait3A_250 = arith.constant 0 : i32
        %dma_wait3A_251 = tpu.memref_slice %arg6[%dma_wait3A_247, %dma_wait3A_248, %dma_wait3A_250] : memref<6x2x128xi32, #tpu.memory_space<vmem>> -> memref<1x1x128xi32, #tpu.memory_space<vmem>>
        %dma_wait3A_252 = tpu.memref_squeeze %dma_wait3A_251 : memref<1x1x128xi32, #tpu.memory_space<vmem>> -> memref<128xi32, #tpu.memory_space<vmem>>
        %dma_wait3A_253 = arith.constant 0 : i32
        %dma_wait3A_254 = tpu.memref_slice %arg3[%dma_wait3A_246, %add3A_245, %dma_wait3A_253] : memref<2x2500x128xi32, #tpu.memory_space<hbm>> -> memref<1x1x128xi32, #tpu.memory_space<hbm>>
        %dma_wait3A_255 = tpu.memref_squeeze %dma_wait3A_254 : memref<1x1x128xi32, #tpu.memory_space<hbm>> -> memref<128xi32, #tpu.memory_space<hbm>>
        %dma_wait3A_256 = tpu.memref_slice %arg10[%dma_wait3A_249] : memref<6x!tpu.dma_semaphore, #tpu.memory_space<semaphore_mem>> -> memref<1x!tpu.dma_semaphore, #tpu.memory_space<semaphore_mem>>
        %dma_wait3A_257 = tpu.memref_squeeze %dma_wait3A_256 : memref<1x!tpu.dma_semaphore, #tpu.memory_space<semaphore_mem>> -> memref<!tpu.dma_semaphore, #tpu.memory_space<semaphore_mem>>
        %dma_wait3A_258 = arith.constant 0 : i32
        %dma_wait3A_259 = tpu.memref_slice %arg6[%dma_wait3A_247, %dma_wait3A_248, %dma_wait3A_258] : memref<6x2x128xi32, #tpu.memory_space<vmem>> -> memref<1x1x128xi32, #tpu.memory_space<vmem>>
        %dma_wait3A_260 = tpu.memref_squeeze %dma_wait3A_259 : memref<1x1x128xi32, #tpu.memory_space<vmem>> -> memref<128xi32, #tpu.memory_space<vmem>>
        %dma_wait3A_261 = arith.constant 0 : i32
        %dma_wait3A_262 = tpu.memref_slice %arg3[%dma_wait3A_246, %add3A_245, %dma_wait3A_261] : memref<2x2500x128xi32, #tpu.memory_space<hbm>> -> memref<1x1x128xi32, #tpu.memory_space<hbm>>
        %dma_wait3A_263 = tpu.memref_squeeze %dma_wait3A_262 : memref<1x1x128xi32, #tpu.memory_space<hbm>> -> memref<128xi32, #tpu.memory_space<hbm>>
        tpu.wait_dma2 semaphore(%dma_wait3A_257 : memref<!tpu.dma_semaphore, #tpu.memory_space<semaphore_mem>>) src(%dma_wait3A_263 : memref<128xi32, #tpu.memory_space<hbm>>) dst(%dma_wait3A_260 : memref<128xi32, #tpu.memory_space<vmem>>)
        %dma_start3A = arith.constant 1 : i32
        %dma_start3A_264 = arith.constant 0 : i32
        %dma_start3A_265 = arith.constant 1 : i32
        %dma_start3A_266 = arith.constant 1 : i32
        %dma_start3A_267 = arith.constant 0 : i32
        %dma_start3A_268 = arith.constant 0 : i32
        %dma_start3A_269 = tpu.memref_slice %arg7[%dma_start3A_265, %dma_start3A_267, %dma_start3A_268] : memref<3x128x128xf32, #tpu.memory_space<vmem>> -> memref<1x128x128xf32, #tpu.memory_space<vmem>>
        %dma_start3A_270 = tpu.memref_squeeze %dma_start3A_269 : memref<1x128x128xf32, #tpu.memory_space<vmem>> -> memref<128x128xf32, #tpu.memory_space<vmem>>
        %dma_start3A_271 = arith.constant 0 : i32
        %dma_start3A_272 = tpu.memref_slice %arg6[%dma_start3A, %dma_start3A_264, %dma_start3A_271] : memref<6x2x128xi32, #tpu.memory_space<vmem>> -> memref<1x1x128xi32, #tpu.memory_space<vmem>>
        %dma_start3A_273 = tpu.memref_squeeze %dma_start3A_272 : memref<1x1x128xi32, #tpu.memory_space<vmem>> -> memref<128xi32, #tpu.memory_space<vmem>>
        %dma_start3A_274 = arith.constant 0 : i32
        %dma_start3A_275 = arith.constant 0 : i32
        %dma_start3A_276 = tpu.memref_slice %arg2[%dma_start3A_274, %dma_start3A_275] : memref<10000x128xf32, #tpu.memory_space<hbm>> -> memref<10000x128xf32, #tpu.memory_space<hbm>>
        %dma_start3A_277 = tpu.memref_slice %arg11[%dma_start3A_266] : memref<3x!tpu.dma_semaphore, #tpu.memory_space<semaphore_mem>> -> memref<1x!tpu.dma_semaphore, #tpu.memory_space<semaphore_mem>>
        %dma_start3A_278 = tpu.memref_squeeze %dma_start3A_277 : memref<1x!tpu.dma_semaphore, #tpu.memory_space<semaphore_mem>> -> memref<!tpu.dma_semaphore, #tpu.memory_space<semaphore_mem>>
        tpu.enqueue_indirect_dma source(%dma_start3A_276 : memref<10000x128xf32, #tpu.memory_space<hbm>>) target(%dma_start3A_270 : memref<128x128xf32, #tpu.memory_space<vmem>>) offsets(%dma_start3A_273 : memref<128xi32, #tpu.memory_space<vmem>>) semaphore(%dma_start3A_278 : memref<!tpu.dma_semaphore, #tpu.memory_space<semaphore_mem>>)
      } else {
      }
      %add3A_219 = arith.constant 5 : i32
      %add3A_220 = arith.addi %add3A_199, %add3A_219 : i32
      %lt3A_221 = arith.cmpi slt, %add3A_220, %min3A_4 : i32
      %convert_element_type3A_222 = arith.extui %lt3A_221 : i1 to i32
      %cond3A_223 = arith.constant 0 : i32
      %cond3A_224 = arith.cmpi ne, %convert_element_type3A_222, %cond3A_223 : i32
      scf.if %cond3A_224 {
        %add3A_225 = arith.constant 5 : i32
        %add3A_226 = arith.addi %add3A_199, %add3A_225 : i32
        %add3A_227 = arith.addi %mul3A_2, %add3A_226 : i32
        %dma_start3A = arith.constant 0 : i32
        %dma_start3A_228 = arith.constant 4 : i32
        %dma_start3A_229 = arith.constant 0 : i32
        %dma_start3A_230 = arith.constant 4 : i32
        %dma_start3A_231 = arith.constant 0 : i32
        %dma_start3A_232 = tpu.memref_slice %arg6[%dma_start3A_228, %dma_start3A_229, %dma_start3A_231] : memref<6x2x128xi32, #tpu.memory_space<vmem>> -> memref<1x1x128xi32, #tpu.memory_space<vmem>>
        %dma_start3A_233 = tpu.memref_squeeze %dma_start3A_232 : memref<1x1x128xi32, #tpu.memory_space<vmem>> -> memref<128xi32, #tpu.memory_space<vmem>>
        %dma_start3A_234 = arith.constant 0 : i32
        %dma_start3A_235 = tpu.memref_slice %arg3[%dma_start3A, %add3A_227, %dma_start3A_234] : memref<2x2500x128xi32, #tpu.memory_space<hbm>> -> memref<1x1x128xi32, #tpu.memory_space<hbm>>
        %dma_start3A_236 = tpu.memref_squeeze %dma_start3A_235 : memref<1x1x128xi32, #tpu.memory_space<hbm>> -> memref<128xi32, #tpu.memory_space<hbm>>
        %dma_start3A_237 = tpu.memref_slice %arg9[%dma_start3A_230] : memref<6x!tpu.dma_semaphore, #tpu.memory_space<semaphore_mem>> -> memref<1x!tpu.dma_semaphore, #tpu.memory_space<semaphore_mem>>
        %dma_start3A_238 = tpu.memref_squeeze %dma_start3A_237 : memref<1x!tpu.dma_semaphore, #tpu.memory_space<semaphore_mem>> -> memref<!tpu.dma_semaphore, #tpu.memory_space<semaphore_mem>>
        %dma_start3A_239 = arith.constant 0 : i32
        %dma_start3A_240 = tpu.memref_slice %arg6[%dma_start3A_228, %dma_start3A_229, %dma_start3A_239] : memref<6x2x128xi32, #tpu.memory_space<vmem>> -> memref<1x1x128xi32, #tpu.memory_space<vmem>>
        %dma_start3A_241 = tpu.memref_squeeze %dma_start3A_240 : memref<1x1x128xi32, #tpu.memory_space<vmem>> -> memref<128xi32, #tpu.memory_space<vmem>>
        %dma_start3A_242 = arith.constant 0 : i32
        %dma_start3A_243 = tpu.memref_slice %arg3[%dma_start3A, %add3A_227, %dma_start3A_242] : memref<2x2500x128xi32, #tpu.memory_space<hbm>> -> memref<1x1x128xi32, #tpu.memory_space<hbm>>
        %dma_start3A_244 = tpu.memref_squeeze %dma_start3A_243 : memref<1x1x128xi32, #tpu.memory_space<hbm>> -> memref<128xi32, #tpu.memory_space<hbm>>
        tpu.enqueue_dma source(%dma_start3A_244 : memref<128xi32, #tpu.memory_space<hbm>>) target(%dma_start3A_241 : memref<128xi32, #tpu.memory_space<vmem>>) target_semaphore(%dma_start3A_238 : memref<!tpu.dma_semaphore, #tpu.memory_space<semaphore_mem>>)
        %add3A_245 = arith.addi %mul3A_2, %add3A_226 : i32
        %dma_start3A_246 = arith.constant 1 : i32
        %dma_start3A_247 = arith.constant 4 : i32
        %dma_start3A_248 = arith.constant 1 : i32
        %dma_start3A_249 = arith.constant 4 : i32
        %dma_start3A_250 = arith.constant 0 : i32
        %dma_start3A_251 = tpu.memref_slice %arg6[%dma_start3A_247, %dma_start3A_248, %dma_start3A_250] : memref<6x2x128xi32, #tpu.memory_space<vmem>> -> memref<1x1x128xi32, #tpu.memory_space<vmem>>
        %dma_start3A_252 = tpu.memref_squeeze %dma_start3A_251 : memref<1x1x128xi32, #tpu.memory_space<vmem>> -> memref<128xi32, #tpu.memory_space<vmem>>
        %dma_start3A_253 = arith.constant 0 : i32
        %dma_start3A_254 = tpu.memref_slice %arg3[%dma_start3A_246, %add3A_245, %dma_start3A_253] : memref<2x2500x128xi32, #tpu.memory_space<hbm>> -> memref<1x1x128xi32, #tpu.memory_space<hbm>>
        %dma_start3A_255 = tpu.memref_squeeze %dma_start3A_254 : memref<1x1x128xi32, #tpu.memory_space<hbm>> -> memref<128xi32, #tpu.memory_space<hbm>>
        %dma_start3A_256 = tpu.memref_slice %arg10[%dma_start3A_249] : memref<6x!tpu.dma_semaphore, #tpu.memory_space<semaphore_mem>> -> memref<1x!tpu.dma_semaphore, #tpu.memory_space<semaphore_mem>>
        %dma_start3A_257 = tpu.memref_squeeze %dma_start3A_256 : memref<1x!tpu.dma_semaphore, #tpu.memory_space<semaphore_mem>> -> memref<!tpu.dma_semaphore, #tpu.memory_space<semaphore_mem>>
        %dma_start3A_258 = arith.constant 0 : i32
        %dma_start3A_259 = tpu.memref_slice %arg6[%dma_start3A_247, %dma_start3A_248, %dma_start3A_258] : memref<6x2x128xi32, #tpu.memory_space<vmem>> -> memref<1x1x128xi32, #tpu.memory_space<vmem>>
        %dma_start3A_260 = tpu.memref_squeeze %dma_start3A_259 : memref<1x1x128xi32, #tpu.memory_space<vmem>> -> memref<128xi32, #tpu.memory_space<vmem>>
        %dma_start3A_261 = arith.constant 0 : i32
        %dma_start3A_262 = tpu.memref_slice %arg3[%dma_start3A_246, %add3A_245, %dma_start3A_261] : memref<2x2500x128xi32, #tpu.memory_space<hbm>> -> memref<1x1x128xi32, #tpu.memory_space<hbm>>
        %dma_start3A_263 = tpu.memref_squeeze %dma_start3A_262 : memref<1x1x128xi32, #tpu.memory_space<hbm>> -> memref<128xi32, #tpu.memory_space<hbm>>
        tpu.enqueue_dma source(%dma_start3A_263 : memref<128xi32, #tpu.memory_space<hbm>>) target(%dma_start3A_260 : memref<128xi32, #tpu.memory_space<vmem>>) target_semaphore(%dma_start3A_257 : memref<!tpu.dma_semaphore, #tpu.memory_space<semaphore_mem>>)
      } else {
      }
    }
    %scan3A_48 = arith.constant 14 : i32
    %barrier3A_49 = arith.constant 0 : index
    tpu.barrier barrier_id(%barrier3A_49)
    %lt3A_50 = arith.constant 15 : i32
    %lt3A_51 = arith.cmpi slt, %arg1, %lt3A_50 : i32
    %convert_element_type3A_52 = arith.extui %lt3A_51 : i1 to i32
    %cond3A_53 = arith.constant 0 : i32
    %cond3A_54 = arith.cmpi ne, %convert_element_type3A_52, %cond3A_53 : i32
    scf.if %cond3A_54 {
      %mul3A_60 = arith.constant 632 : i32
      %mul3A_61 = arith.muli %arg1, %mul3A_60 : i32
      %mul3A_62 = arith.constant 632 : i32
      %mul3A_63 = arith.muli %arg1, %mul3A_62 : i32
      "tpu.region"() ({
        %run_scoped3A = tpu.sem_alloc : memref<!tpu.dma_semaphore, #tpu.memory_space<semaphore_mem>>
        %dma_start3A = arith.constant 0 : i32
        %dma_start3A_64 = tpu.memref_slice %arg5[%arg0, %mul3A_63, %dma_start3A] : memref<2x10000x128xf32, #tpu.memory_space<hbm>> -> memref<1x632x128xf32, #tpu.memory_space<hbm>>
        %dma_start3A_65 = tpu.memref_squeeze %dma_start3A_64 : memref<1x632x128xf32, #tpu.memory_space<hbm>> -> memref<632x128xf32, #tpu.memory_space<hbm>>
        %dma_start3A_66 = arith.constant 0 : i32
        %dma_start3A_67 = tpu.memref_slice %arg8[%mul3A_61, %dma_start3A_66] : memref<10000x128xf32, #tpu.memory_space<vmem_shared>> -> memref<632x128xf32, #tpu.memory_space<vmem_shared>>
        tpu.enqueue_dma source(%dma_start3A_67 : memref<632x128xf32, #tpu.memory_space<vmem_shared>>) target(%dma_start3A_65 : memref<632x128xf32, #tpu.memory_space<hbm>>) target_semaphore(%run_scoped3A : memref<!tpu.dma_semaphore, #tpu.memory_space<semaphore_mem>>)
        %dma_wait3A = arith.constant 0 : i32
        %dma_wait3A_68 = tpu.memref_slice %arg5[%arg0, %mul3A_63, %dma_wait3A] : memref<2x10000x128xf32, #tpu.memory_space<hbm>> -> memref<1x632x128xf32, #tpu.memory_space<hbm>>
        %dma_wait3A_69 = tpu.memref_squeeze %dma_wait3A_68 : memref<1x632x128xf32, #tpu.memory_space<hbm>> -> memref<632x128xf32, #tpu.memory_space<hbm>>
        %dma_wait3A_70 = arith.constant 0 : i32
        %dma_wait3A_71 = tpu.memref_slice %arg8[%mul3A_61, %dma_wait3A_70] : memref<10000x128xf32, #tpu.memory_space<vmem_shared>> -> memref<632x128xf32, #tpu.memory_space<vmem_shared>>
        tpu.wait_dma2 semaphore(%run_scoped3A : memref<!tpu.dma_semaphore, #tpu.memory_space<semaphore_mem>>) src(%dma_wait3A_71 : memref<632x128xf32, #tpu.memory_space<vmem_shared>>) dst(%dma_wait3A_69 : memref<632x128xf32, #tpu.memory_space<hbm>>)
        tpu.yield
      }) : () -> ()
    } else {
    }
    %eq3A_55 = arith.constant 15 : i32
    %eq3A_56 = arith.cmpi eq, %arg1, %eq3A_55 : i32
    %convert_element_type3A_57 = arith.extui %eq3A_56 : i1 to i32
    %cond3A_58 = arith.constant 0 : i32
    %cond3A_59 = arith.cmpi ne, %convert_element_type3A_57, %cond3A_58 : i32
    scf.if %cond3A_59 {
      "tpu.region"() ({
        %run_scoped3A = tpu.sem_alloc : memref<!tpu.dma_semaphore, #tpu.memory_space<semaphore_mem>>
        %dma_start3A = arith.constant 9480 : i32
        %dma_start3A_60 = arith.constant 0 : i32
        %dma_start3A_61 = tpu.memref_slice %arg5[%arg0, %dma_start3A, %dma_start3A_60] : memref<2x10000x128xf32, #tpu.memory_space<hbm>> -> memref<1x520x128xf32, #tpu.memory_space<hbm>>
        %dma_start3A_62 = tpu.memref_squeeze %dma_start3A_61 : memref<1x520x128xf32, #tpu.memory_space<hbm>> -> memref<520x128xf32, #tpu.memory_space<hbm>>
        %dma_start3A_63 = arith.constant 9480 : i32
        %dma_start3A_64 = arith.constant 0 : i32
        %dma_start3A_65 = tpu.memref_slice %arg8[%dma_start3A_63, %dma_start3A_64] : memref<10000x128xf32, #tpu.memory_space<vmem_shared>> -> memref<520x128xf32, #tpu.memory_space<vmem_shared>>
        tpu.enqueue_dma source(%dma_start3A_65 : memref<520x128xf32, #tpu.memory_space<vmem_shared>>) target(%dma_start3A_62 : memref<520x128xf32, #tpu.memory_space<hbm>>) target_semaphore(%run_scoped3A : memref<!tpu.dma_semaphore, #tpu.memory_space<semaphore_mem>>)
        %dma_wait3A = arith.constant 9480 : i32
        %dma_wait3A_66 = arith.constant 0 : i32
        %dma_wait3A_67 = tpu.memref_slice %arg5[%arg0, %dma_wait3A, %dma_wait3A_66] : memref<2x10000x128xf32, #tpu.memory_space<hbm>> -> memref<1x520x128xf32, #tpu.memory_space<hbm>>
        %dma_wait3A_68 = tpu.memref_squeeze %dma_wait3A_67 : memref<1x520x128xf32, #tpu.memory_space<hbm>> -> memref<520x128xf32, #tpu.memory_space<hbm>>
        %dma_wait3A_69 = arith.constant 9480 : i32
        %dma_wait3A_70 = arith.constant 0 : i32
        %dma_wait3A_71 = tpu.memref_slice %arg8[%dma_wait3A_69, %dma_wait3A_70] : memref<10000x128xf32, #tpu.memory_space<vmem_shared>> -> memref<520x128xf32, #tpu.memory_space<vmem_shared>>
        tpu.wait_dma2 semaphore(%run_scoped3A : memref<!tpu.dma_semaphore, #tpu.memory_space<semaphore_mem>>) src(%dma_wait3A_71 : memref<520x128xf32, #tpu.memory_space<vmem_shared>>) dst(%dma_wait3A_68 : memref<520x128xf32, #tpu.memory_space<hbm>>)
        tpu.yield
      }) : () -> ()
    } else {
    }
    return
  }
}

#map = affine_map<(d0, d1) -> (0, 0)>
#map1 = affine_map<(d0, d1) -> (0, 0, 0)>
module attributes {stable_mosaic.version = 14 : i64} {
  func.func @seg(%arg0: i32, %arg1: i32, %arg2: memref<10000x128xf32, #tpu.memory_space<hbm>>, %arg3: memref<2x2500x128xi32, #tpu.memory_space<hbm>>, %arg4: memref<10000x128xf32, #tpu.memory_space<hbm>>, %arg5: memref<2x10000x128xf32, #tpu.memory_space<hbm>>, %arg6: memref<6x2x128xi32, #tpu.memory_space<vmem>>, %arg7: memref<3x128x128xf32, #tpu.memory_space<vmem>>, %arg8: memref<10000x128xf32, #tpu.memory_space<vmem_shared>>, %arg9: memref<6x!tpu.dma_semaphore, #tpu.memory_space<semaphore_mem>>, %arg10: memref<6x!tpu.dma_semaphore, #tpu.memory_space<semaphore_mem>>, %arg11: memref<3x!tpu.dma_semaphore, #tpu.memory_space<semaphore_mem>>, %arg12: memref<3x!tpu.dma_semaphore, #tpu.memory_space<semaphore_mem>>) attributes {dimension_semantics = [#tpu.dimension_semantics<core_parallel>, #tpu.dimension_semantics<subcore_parallel>], iteration_bounds = array<i64: 2, 16>, scalar_prefetch = 0 : i64, scratch_operands = 7 : i64, tpu.core_type = #tpu.core_type<sc_vector_subcore>, window_params = [{transform_indices = #map}, {transform_indices = #map1}, {transform_indices = #map}, {transform_indices = #map1}]} {
    %mul3A = arith.constant 16 : i32
    %mul3A_0 = arith.muli %arg0, %mul3A : i32
    %add3A = arith.addi %mul3A_0, %arg1 : i32
    %mul3A_1 = arith.constant 79 : i32
    %mul3A_2 = arith.muli %add3A, %mul3A_1 : i32
    %sub3A = arith.constant 2500 : i32
    %sub3A_3 = arith.subi %sub3A, %mul3A_2 : i32
    %min3A = arith.constant 79 : i32
    %min3A_4 = arith.minsi %min3A, %sub3A_3 : i32
    %gt3A = arith.constant 0 : i32
    %gt3A_5 = arith.cmpi sgt, %min3A_4, %gt3A : i32
    %convert_element_type3A = arith.extui %gt3A_5 : i1 to i32
    %cond3A = arith.constant 0 : i32
    %cond3A_6 = arith.cmpi ne, %convert_element_type3A, %cond3A : i32
    scf.if %cond3A_6 {
      %add3A_60 = arith.constant 0 : i32
      %add3A_61 = arith.addi %mul3A_2, %add3A_60 : i32
      %dma_start3A = arith.constant 0 : i32
      %dma_start3A_62 = arith.constant 0 : i32
      %dma_start3A_63 = arith.constant 0 : i32
      %dma_start3A_64 = arith.constant 0 : i32
      %dma_start3A_65 = arith.constant 0 : i32
      %dma_start3A_66 = tpu.memref_slice %arg6[%dma_start3A_62, %dma_start3A_63, %dma_start3A_65] : memref<6x2x128xi32, #tpu.memory_space<vmem>> -> memref<1x1x128xi32, #tpu.memory_space<vmem>>
      %dma_start3A_67 = tpu.memref_squeeze %dma_start3A_66 : memref<1x1x128xi32, #tpu.memory_space<vmem>> -> memref<128xi32, #tpu.memory_space<vmem>>
      %dma_start3A_68 = arith.constant 0 : i32
      %dma_start3A_69 = tpu.memref_slice %arg3[%dma_start3A, %add3A_61, %dma_start3A_68] : memref<2x2500x128xi32, #tpu.memory_space<hbm>> -> memref<1x1x128xi32, #tpu.memory_space<hbm>>
      %dma_start3A_70 = tpu.memref_squeeze %dma_start3A_69 : memref<1x1x128xi32, #tpu.memory_space<hbm>> -> memref<128xi32, #tpu.memory_space<hbm>>
      %dma_start3A_71 = tpu.memref_slice %arg9[%dma_start3A_64] : memref<6x!tpu.dma_semaphore, #tpu.memory_space<semaphore_mem>> -> memref<1x!tpu.dma_semaphore, #tpu.memory_space<semaphore_mem>>
      %dma_start3A_72 = tpu.memref_squeeze %dma_start3A_71 : memref<1x!tpu.dma_semaphore, #tpu.memory_space<semaphore_mem>> -> memref<!tpu.dma_semaphore, #tpu.memory_space<semaphore_mem>>
      %dma_start3A_73 = arith.constant 0 : i32
      %dma_start3A_74 = tpu.memref_slice %arg6[%dma_start3A_62, %dma_start3A_63, %dma_start3A_73] : memref<6x2x128xi32, #tpu.memory_space<vmem>> -> memref<1x1x128xi32, #tpu.memory_space<vmem>>
      %dma_start3A_75 = tpu.memref_squeeze %dma_start3A_74 : memref<1x1x128xi32, #tpu.memory_space<vmem>> -> memref<128xi32, #tpu.memory_space<vmem>>
      %dma_start3A_76 = arith.constant 0 : i32
      %dma_start3A_77 = tpu.memref_slice %arg3[%dma_start3A, %add3A_61, %dma_start3A_76] : memref<2x2500x128xi32, #tpu.memory_space<hbm>> -> memref<1x1x128xi32, #tpu.memory_space<hbm>>
      %dma_start3A_78 = tpu.memref_squeeze %dma_start3A_77 : memref<1x1x128xi32, #tpu.memory_space<hbm>> -> memref<128xi32, #tpu.memory_space<hbm>>
      tpu.enqueue_dma source(%dma_start3A_78 : memref<128xi32, #tpu.memory_space<hbm>>) target(%dma_start3A_75 : memref<128xi32, #tpu.memory_space<vmem>>) target_semaphore(%dma_start3A_72 : memref<!tpu.dma_semaphore, #tpu.memory_space<semaphore_mem>>)
      %add3A_79 = arith.constant 0 : i32
      %add3A_80 = arith.addi %mul3A_2, %add3A_79 : i32
      %dma_start3A_81 = arith.constant 1 : i32
      %dma_start3A_82 = arith.constant 0 : i32
      %dma_start3A_83 = arith.constant 1 : i32
      %dma_start3A_84 = arith.constant 0 : i32
      %dma_start3A_85 = arith.constant 0 : i32
      %dma_start3A_86 = tpu.memref_slice %arg6[%dma_start3A_82, %dma_start3A_83, %dma_start3A_85] : memref<6x2x128xi32, #tpu.memory_space<vmem>> -> memref<1x1x128xi32, #tpu.memory_space<vmem>>
      %dma_start3A_87 = tpu.memref_squeeze %dma_start3A_86 : memref<1x1x128xi32, #tpu.memory_space<vmem>> -> memref<128xi32, #tpu.memory_space<vmem>>
      %dma_start3A_88 = arith.constant 0 : i32
      %dma_start3A_89 = tpu.memref_slice %arg3[%dma_start3A_81, %add3A_80, %dma_start3A_88] : memref<2x2500x128xi32, #tpu.memory_space<hbm>> -> memref<1x1x128xi32, #tpu.memory_space<hbm>>
      %dma_start3A_90 = tpu.memref_squeeze %dma_start3A_89 : memref<1x1x128xi32, #tpu.memory_space<hbm>> -> memref<128xi32, #tpu.memory_space<hbm>>
      %dma_start3A_91 = tpu.memref_slice %arg10[%dma_start3A_84] : memref<6x!tpu.dma_semaphore, #tpu.memory_space<semaphore_mem>> -> memref<1x!tpu.dma_semaphore, #tpu.memory_space<semaphore_mem>>
      %dma_start3A_92 = tpu.memref_squeeze %dma_start3A_91 : memref<1x!tpu.dma_semaphore, #tpu.memory_space<semaphore_mem>> -> memref<!tpu.dma_semaphore, #tpu.memory_space<semaphore_mem>>
      %dma_start3A_93 = arith.constant 0 : i32
      %dma_start3A_94 = tpu.memref_slice %arg6[%dma_start3A_82, %dma_start3A_83, %dma_start3A_93] : memref<6x2x128xi32, #tpu.memory_space<vmem>> -> memref<1x1x128xi32, #tpu.memory_space<vmem>>
      %dma_start3A_95 = tpu.memref_squeeze %dma_start3A_94 : memref<1x1x128xi32, #tpu.memory_space<vmem>> -> memref<128xi32, #tpu.memory_space<vmem>>
      %dma_start3A_96 = arith.constant 0 : i32
      %dma_start3A_97 = tpu.memref_slice %arg3[%dma_start3A_81, %add3A_80, %dma_start3A_96] : memref<2x2500x128xi32, #tpu.memory_space<hbm>> -> memref<1x1x128xi32, #tpu.memory_space<hbm>>
      %dma_start3A_98 = tpu.memref_squeeze %dma_start3A_97 : memref<1x1x128xi32, #tpu.memory_space<hbm>> -> memref<128xi32, #tpu.memory_space<hbm>>
      tpu.enqueue_dma source(%dma_start3A_98 : memref<128xi32, #tpu.memory_space<hbm>>) target(%dma_start3A_95 : memref<128xi32, #tpu.memory_space<vmem>>) target_semaphore(%dma_start3A_92 : memref<!tpu.dma_semaphore, #tpu.memory_space<semaphore_mem>>)
    } else {
    }
    %gt3A_7 = arith.constant 1 : i32
    %gt3A_8 = arith.cmpi sgt, %min3A_4, %gt3A_7 : i32
    %convert_element_type3A_9 = arith.extui %gt3A_8 : i1 to i32
    %cond3A_10 = arith.constant 0 : i32
    %cond3A_11 = arith.cmpi ne, %convert_element_type3A_9, %cond3A_10 : i32
    scf.if %cond3A_11 {
      %add3A_60 = arith.constant 1 : i32
      %add3A_61 = arith.addi %mul3A_2, %add3A_60 : i32
      %dma_start3A = arith.constant 0 : i32
      %dma_start3A_62 = arith.constant 1 : i32
      %dma_start3A_63 = arith.constant 0 : i32
      %dma_start3A_64 = arith.constant 1 : i32
      %dma_start3A_65 = arith.constant 0 : i32
      %dma_start3A_66 = tpu.memref_slice %arg6[%dma_start3A_62, %dma_start3A_63, %dma_start3A_65] : memref<6x2x128xi32, #tpu.memory_space<vmem>> -> memref<1x1x128xi32, #tpu.memory_space<vmem>>
      %dma_start3A_67 = tpu.memref_squeeze %dma_start3A_66 : memref<1x1x128xi32, #tpu.memory_space<vmem>> -> memref<128xi32, #tpu.memory_space<vmem>>
      %dma_start3A_68 = arith.constant 0 : i32
      %dma_start3A_69 = tpu.memref_slice %arg3[%dma_start3A, %add3A_61, %dma_start3A_68] : memref<2x2500x128xi32, #tpu.memory_space<hbm>> -> memref<1x1x128xi32, #tpu.memory_space<hbm>>
      %dma_start3A_70 = tpu.memref_squeeze %dma_start3A_69 : memref<1x1x128xi32, #tpu.memory_space<hbm>> -> memref<128xi32, #tpu.memory_space<hbm>>
      %dma_start3A_71 = tpu.memref_slice %arg9[%dma_start3A_64] : memref<6x!tpu.dma_semaphore, #tpu.memory_space<semaphore_mem>> -> memref<1x!tpu.dma_semaphore, #tpu.memory_space<semaphore_mem>>
      %dma_start3A_72 = tpu.memref_squeeze %dma_start3A_71 : memref<1x!tpu.dma_semaphore, #tpu.memory_space<semaphore_mem>> -> memref<!tpu.dma_semaphore, #tpu.memory_space<semaphore_mem>>
      %dma_start3A_73 = arith.constant 0 : i32
      %dma_start3A_74 = tpu.memref_slice %arg6[%dma_start3A_62, %dma_start3A_63, %dma_start3A_73] : memref<6x2x128xi32, #tpu.memory_space<vmem>> -> memref<1x1x128xi32, #tpu.memory_space<vmem>>
      %dma_start3A_75 = tpu.memref_squeeze %dma_start3A_74 : memref<1x1x128xi32, #tpu.memory_space<vmem>> -> memref<128xi32, #tpu.memory_space<vmem>>
      %dma_start3A_76 = arith.constant 0 : i32
      %dma_start3A_77 = tpu.memref_slice %arg3[%dma_start3A, %add3A_61, %dma_start3A_76] : memref<2x2500x128xi32, #tpu.memory_space<hbm>> -> memref<1x1x128xi32, #tpu.memory_space<hbm>>
      %dma_start3A_78 = tpu.memref_squeeze %dma_start3A_77 : memref<1x1x128xi32, #tpu.memory_space<hbm>> -> memref<128xi32, #tpu.memory_space<hbm>>
      tpu.enqueue_dma source(%dma_start3A_78 : memref<128xi32, #tpu.memory_space<hbm>>) target(%dma_start3A_75 : memref<128xi32, #tpu.memory_space<vmem>>) target_semaphore(%dma_start3A_72 : memref<!tpu.dma_semaphore, #tpu.memory_space<semaphore_mem>>)
      %add3A_79 = arith.constant 1 : i32
      %add3A_80 = arith.addi %mul3A_2, %add3A_79 : i32
      %dma_start3A_81 = arith.constant 1 : i32
      %dma_start3A_82 = arith.constant 1 : i32
      %dma_start3A_83 = arith.constant 1 : i32
      %dma_start3A_84 = arith.constant 1 : i32
      %dma_start3A_85 = arith.constant 0 : i32
      %dma_start3A_86 = tpu.memref_slice %arg6[%dma_start3A_82, %dma_start3A_83, %dma_start3A_85] : memref<6x2x128xi32, #tpu.memory_space<vmem>> -> memref<1x1x128xi32, #tpu.memory_space<vmem>>
      %dma_start3A_87 = tpu.memref_squeeze %dma_start3A_86 : memref<1x1x128xi32, #tpu.memory_space<vmem>> -> memref<128xi32, #tpu.memory_space<vmem>>
      %dma_start3A_88 = arith.constant 0 : i32
      %dma_start3A_89 = tpu.memref_slice %arg3[%dma_start3A_81, %add3A_80, %dma_start3A_88] : memref<2x2500x128xi32, #tpu.memory_space<hbm>> -> memref<1x1x128xi32, #tpu.memory_space<hbm>>
      %dma_start3A_90 = tpu.memref_squeeze %dma_start3A_89 : memref<1x1x128xi32, #tpu.memory_space<hbm>> -> memref<128xi32, #tpu.memory_space<hbm>>
      %dma_start3A_91 = tpu.memref_slice %arg10[%dma_start3A_84] : memref<6x!tpu.dma_semaphore, #tpu.memory_space<semaphore_mem>> -> memref<1x!tpu.dma_semaphore, #tpu.memory_space<semaphore_mem>>
      %dma_start3A_92 = tpu.memref_squeeze %dma_start3A_91 : memref<1x!tpu.dma_semaphore, #tpu.memory_space<semaphore_mem>> -> memref<!tpu.dma_semaphore, #tpu.memory_space<semaphore_mem>>
      %dma_start3A_93 = arith.constant 0 : i32
      %dma_start3A_94 = tpu.memref_slice %arg6[%dma_start3A_82, %dma_start3A_83, %dma_start3A_93] : memref<6x2x128xi32, #tpu.memory_space<vmem>> -> memref<1x1x128xi32, #tpu.memory_space<vmem>>
      %dma_start3A_95 = tpu.memref_squeeze %dma_start3A_94 : memref<1x1x128xi32, #tpu.memory_space<vmem>> -> memref<128xi32, #tpu.memory_space<vmem>>
      %dma_start3A_96 = arith.constant 0 : i32
      %dma_start3A_97 = tpu.memref_slice %arg3[%dma_start3A_81, %add3A_80, %dma_start3A_96] : memref<2x2500x128xi32, #tpu.memory_space<hbm>> -> memref<1x1x128xi32, #tpu.memory_space<hbm>>
      %dma_start3A_98 = tpu.memref_squeeze %dma_start3A_97 : memref<1x1x128xi32, #tpu.memory_space<hbm>> -> memref<128xi32, #tpu.memory_space<hbm>>
      tpu.enqueue_dma source(%dma_start3A_98 : memref<128xi32, #tpu.memory_space<hbm>>) target(%dma_start3A_95 : memref<128xi32, #tpu.memory_space<vmem>>) target_semaphore(%dma_start3A_92 : memref<!tpu.dma_semaphore, #tpu.memory_space<semaphore_mem>>)
    } else {
    }
    %gt3A_12 = arith.constant 2 : i32
    %gt3A_13 = arith.cmpi sgt, %min3A_4, %gt3A_12 : i32
    %convert_element_type3A_14 = arith.extui %gt3A_13 : i1 to i32
    %cond3A_15 = arith.constant 0 : i32
    %cond3A_16 = arith.cmpi ne, %convert_element_type3A_14, %cond3A_15 : i32
    scf.if %cond3A_16 {
      %add3A_60 = arith.constant 2 : i32
      %add3A_61 = arith.addi %mul3A_2, %add3A_60 : i32
      %dma_start3A = arith.constant 0 : i32
      %dma_start3A_62 = arith.constant 2 : i32
      %dma_start3A_63 = arith.constant 0 : i32
      %dma_start3A_64 = arith.constant 2 : i32
      %dma_start3A_65 = arith.constant 0 : i32
      %dma_start3A_66 = tpu.memref_slice %arg6[%dma_start3A_62, %dma_start3A_63, %dma_start3A_65] : memref<6x2x128xi32, #tpu.memory_space<vmem>> -> memref<1x1x128xi32, #tpu.memory_space<vmem>>
      %dma_start3A_67 = tpu.memref_squeeze %dma_start3A_66 : memref<1x1x128xi32, #tpu.memory_space<vmem>> -> memref<128xi32, #tpu.memory_space<vmem>>
      %dma_start3A_68 = arith.constant 0 : i32
      %dma_start3A_69 = tpu.memref_slice %arg3[%dma_start3A, %add3A_61, %dma_start3A_68] : memref<2x2500x128xi32, #tpu.memory_space<hbm>> -> memref<1x1x128xi32, #tpu.memory_space<hbm>>
      %dma_start3A_70 = tpu.memref_squeeze %dma_start3A_69 : memref<1x1x128xi32, #tpu.memory_space<hbm>> -> memref<128xi32, #tpu.memory_space<hbm>>
      %dma_start3A_71 = tpu.memref_slice %arg9[%dma_start3A_64] : memref<6x!tpu.dma_semaphore, #tpu.memory_space<semaphore_mem>> -> memref<1x!tpu.dma_semaphore, #tpu.memory_space<semaphore_mem>>
      %dma_start3A_72 = tpu.memref_squeeze %dma_start3A_71 : memref<1x!tpu.dma_semaphore, #tpu.memory_space<semaphore_mem>> -> memref<!tpu.dma_semaphore, #tpu.memory_space<semaphore_mem>>
      %dma_start3A_73 = arith.constant 0 : i32
      %dma_start3A_74 = tpu.memref_slice %arg6[%dma_start3A_62, %dma_start3A_63, %dma_start3A_73] : memref<6x2x128xi32, #tpu.memory_space<vmem>> -> memref<1x1x128xi32, #tpu.memory_space<vmem>>
      %dma_start3A_75 = tpu.memref_squeeze %dma_start3A_74 : memref<1x1x128xi32, #tpu.memory_space<vmem>> -> memref<128xi32, #tpu.memory_space<vmem>>
      %dma_start3A_76 = arith.constant 0 : i32
      %dma_start3A_77 = tpu.memref_slice %arg3[%dma_start3A, %add3A_61, %dma_start3A_76] : memref<2x2500x128xi32, #tpu.memory_space<hbm>> -> memref<1x1x128xi32, #tpu.memory_space<hbm>>
      %dma_start3A_78 = tpu.memref_squeeze %dma_start3A_77 : memref<1x1x128xi32, #tpu.memory_space<hbm>> -> memref<128xi32, #tpu.memory_space<hbm>>
      tpu.enqueue_dma source(%dma_start3A_78 : memref<128xi32, #tpu.memory_space<hbm>>) target(%dma_start3A_75 : memref<128xi32, #tpu.memory_space<vmem>>) target_semaphore(%dma_start3A_72 : memref<!tpu.dma_semaphore, #tpu.memory_space<semaphore_mem>>)
      %add3A_79 = arith.constant 2 : i32
      %add3A_80 = arith.addi %mul3A_2, %add3A_79 : i32
      %dma_start3A_81 = arith.constant 1 : i32
      %dma_start3A_82 = arith.constant 2 : i32
      %dma_start3A_83 = arith.constant 1 : i32
      %dma_start3A_84 = arith.constant 2 : i32
      %dma_start3A_85 = arith.constant 0 : i32
      %dma_start3A_86 = tpu.memref_slice %arg6[%dma_start3A_82, %dma_start3A_83, %dma_start3A_85] : memref<6x2x128xi32, #tpu.memory_space<vmem>> -> memref<1x1x128xi32, #tpu.memory_space<vmem>>
      %dma_start3A_87 = tpu.memref_squeeze %dma_start3A_86 : memref<1x1x128xi32, #tpu.memory_space<vmem>> -> memref<128xi32, #tpu.memory_space<vmem>>
      %dma_start3A_88 = arith.constant 0 : i32
      %dma_start3A_89 = tpu.memref_slice %arg3[%dma_start3A_81, %add3A_80, %dma_start3A_88] : memref<2x2500x128xi32, #tpu.memory_space<hbm>> -> memref<1x1x128xi32, #tpu.memory_space<hbm>>
      %dma_start3A_90 = tpu.memref_squeeze %dma_start3A_89 : memref<1x1x128xi32, #tpu.memory_space<hbm>> -> memref<128xi32, #tpu.memory_space<hbm>>
      %dma_start3A_91 = tpu.memref_slice %arg10[%dma_start3A_84] : memref<6x!tpu.dma_semaphore, #tpu.memory_space<semaphore_mem>> -> memref<1x!tpu.dma_semaphore, #tpu.memory_space<semaphore_mem>>
      %dma_start3A_92 = tpu.memref_squeeze %dma_start3A_91 : memref<1x!tpu.dma_semaphore, #tpu.memory_space<semaphore_mem>> -> memref<!tpu.dma_semaphore, #tpu.memory_space<semaphore_mem>>
      %dma_start3A_93 = arith.constant 0 : i32
      %dma_start3A_94 = tpu.memref_slice %arg6[%dma_start3A_82, %dma_start3A_83, %dma_start3A_93] : memref<6x2x128xi32, #tpu.memory_space<vmem>> -> memref<1x1x128xi32, #tpu.memory_space<vmem>>
      %dma_start3A_95 = tpu.memref_squeeze %dma_start3A_94 : memref<1x1x128xi32, #tpu.memory_space<vmem>> -> memref<128xi32, #tpu.memory_space<vmem>>
      %dma_start3A_96 = arith.constant 0 : i32
      %dma_start3A_97 = tpu.memref_slice %arg3[%dma_start3A_81, %add3A_80, %dma_start3A_96] : memref<2x2500x128xi32, #tpu.memory_space<hbm>> -> memref<1x1x128xi32, #tpu.memory_space<hbm>>
      %dma_start3A_98 = tpu.memref_squeeze %dma_start3A_97 : memref<1x1x128xi32, #tpu.memory_space<hbm>> -> memref<128xi32, #tpu.memory_space<hbm>>
      tpu.enqueue_dma source(%dma_start3A_98 : memref<128xi32, #tpu.memory_space<hbm>>) target(%dma_start3A_95 : memref<128xi32, #tpu.memory_space<vmem>>) target_semaphore(%dma_start3A_92 : memref<!tpu.dma_semaphore, #tpu.memory_space<semaphore_mem>>)
    } else {
    }
    %gt3A_17 = arith.constant 3 : i32
    %gt3A_18 = arith.cmpi sgt, %min3A_4, %gt3A_17 : i32
    %convert_element_type3A_19 = arith.extui %gt3A_18 : i1 to i32
    %cond3A_20 = arith.constant 0 : i32
    %cond3A_21 = arith.cmpi ne, %convert_element_type3A_19, %cond3A_20 : i32
    scf.if %cond3A_21 {
      %add3A_60 = arith.constant 3 : i32
      %add3A_61 = arith.addi %mul3A_2, %add3A_60 : i32
      %dma_start3A = arith.constant 0 : i32
      %dma_start3A_62 = arith.constant 3 : i32
      %dma_start3A_63 = arith.constant 0 : i32
      %dma_start3A_64 = arith.constant 3 : i32
      %dma_start3A_65 = arith.constant 0 : i32
      %dma_start3A_66 = tpu.memref_slice %arg6[%dma_start3A_62, %dma_start3A_63, %dma_start3A_65] : memref<6x2x128xi32, #tpu.memory_space<vmem>> -> memref<1x1x128xi32, #tpu.memory_space<vmem>>
      %dma_start3A_67 = tpu.memref_squeeze %dma_start3A_66 : memref<1x1x128xi32, #tpu.memory_space<vmem>> -> memref<128xi32, #tpu.memory_space<vmem>>
      %dma_start3A_68 = arith.constant 0 : i32
      %dma_start3A_69 = tpu.memref_slice %arg3[%dma_start3A, %add3A_61, %dma_start3A_68] : memref<2x2500x128xi32, #tpu.memory_space<hbm>> -> memref<1x1x128xi32, #tpu.memory_space<hbm>>
      %dma_start3A_70 = tpu.memref_squeeze %dma_start3A_69 : memref<1x1x128xi32, #tpu.memory_space<hbm>> -> memref<128xi32, #tpu.memory_space<hbm>>
      %dma_start3A_71 = tpu.memref_slice %arg9[%dma_start3A_64] : memref<6x!tpu.dma_semaphore, #tpu.memory_space<semaphore_mem>> -> memref<1x!tpu.dma_semaphore, #tpu.memory_space<semaphore_mem>>
      %dma_start3A_72 = tpu.memref_squeeze %dma_start3A_71 : memref<1x!tpu.dma_semaphore, #tpu.memory_space<semaphore_mem>> -> memref<!tpu.dma_semaphore, #tpu.memory_space<semaphore_mem>>
      %dma_start3A_73 = arith.constant 0 : i32
      %dma_start3A_74 = tpu.memref_slice %arg6[%dma_start3A_62, %dma_start3A_63, %dma_start3A_73] : memref<6x2x128xi32, #tpu.memory_space<vmem>> -> memref<1x1x128xi32, #tpu.memory_space<vmem>>
      %dma_start3A_75 = tpu.memref_squeeze %dma_start3A_74 : memref<1x1x128xi32, #tpu.memory_space<vmem>> -> memref<128xi32, #tpu.memory_space<vmem>>
      %dma_start3A_76 = arith.constant 0 : i32
      %dma_start3A_77 = tpu.memref_slice %arg3[%dma_start3A, %add3A_61, %dma_start3A_76] : memref<2x2500x128xi32, #tpu.memory_space<hbm>> -> memref<1x1x128xi32, #tpu.memory_space<hbm>>
      %dma_start3A_78 = tpu.memref_squeeze %dma_start3A_77 : memref<1x1x128xi32, #tpu.memory_space<hbm>> -> memref<128xi32, #tpu.memory_space<hbm>>
      tpu.enqueue_dma source(%dma_start3A_78 : memref<128xi32, #tpu.memory_space<hbm>>) target(%dma_start3A_75 : memref<128xi32, #tpu.memory_space<vmem>>) target_semaphore(%dma_start3A_72 : memref<!tpu.dma_semaphore, #tpu.memory_space<semaphore_mem>>)
      %add3A_79 = arith.constant 3 : i32
      %add3A_80 = arith.addi %mul3A_2, %add3A_79 : i32
      %dma_start3A_81 = arith.constant 1 : i32
      %dma_start3A_82 = arith.constant 3 : i32
      %dma_start3A_83 = arith.constant 1 : i32
      %dma_start3A_84 = arith.constant 3 : i32
      %dma_start3A_85 = arith.constant 0 : i32
      %dma_start3A_86 = tpu.memref_slice %arg6[%dma_start3A_82, %dma_start3A_83, %dma_start3A_85] : memref<6x2x128xi32, #tpu.memory_space<vmem>> -> memref<1x1x128xi32, #tpu.memory_space<vmem>>
      %dma_start3A_87 = tpu.memref_squeeze %dma_start3A_86 : memref<1x1x128xi32, #tpu.memory_space<vmem>> -> memref<128xi32, #tpu.memory_space<vmem>>
      %dma_start3A_88 = arith.constant 0 : i32
      %dma_start3A_89 = tpu.memref_slice %arg3[%dma_start3A_81, %add3A_80, %dma_start3A_88] : memref<2x2500x128xi32, #tpu.memory_space<hbm>> -> memref<1x1x128xi32, #tpu.memory_space<hbm>>
      %dma_start3A_90 = tpu.memref_squeeze %dma_start3A_89 : memref<1x1x128xi32, #tpu.memory_space<hbm>> -> memref<128xi32, #tpu.memory_space<hbm>>
      %dma_start3A_91 = tpu.memref_slice %arg10[%dma_start3A_84] : memref<6x!tpu.dma_semaphore, #tpu.memory_space<semaphore_mem>> -> memref<1x!tpu.dma_semaphore, #tpu.memory_space<semaphore_mem>>
      %dma_start3A_92 = tpu.memref_squeeze %dma_start3A_91 : memref<1x!tpu.dma_semaphore, #tpu.memory_space<semaphore_mem>> -> memref<!tpu.dma_semaphore, #tpu.memory_space<semaphore_mem>>
      %dma_start3A_93 = arith.constant 0 : i32
      %dma_start3A_94 = tpu.memref_slice %arg6[%dma_start3A_82, %dma_start3A_83, %dma_start3A_93] : memref<6x2x128xi32, #tpu.memory_space<vmem>> -> memref<1x1x128xi32, #tpu.memory_space<vmem>>
      %dma_start3A_95 = tpu.memref_squeeze %dma_start3A_94 : memref<1x1x128xi32, #tpu.memory_space<vmem>> -> memref<128xi32, #tpu.memory_space<vmem>>
      %dma_start3A_96 = arith.constant 0 : i32
      %dma_start3A_97 = tpu.memref_slice %arg3[%dma_start3A_81, %add3A_80, %dma_start3A_96] : memref<2x2500x128xi32, #tpu.memory_space<hbm>> -> memref<1x1x128xi32, #tpu.memory_space<hbm>>
      %dma_start3A_98 = tpu.memref_squeeze %dma_start3A_97 : memref<1x1x128xi32, #tpu.memory_space<hbm>> -> memref<128xi32, #tpu.memory_space<hbm>>
      tpu.enqueue_dma source(%dma_start3A_98 : memref<128xi32, #tpu.memory_space<hbm>>) target(%dma_start3A_95 : memref<128xi32, #tpu.memory_space<vmem>>) target_semaphore(%dma_start3A_92 : memref<!tpu.dma_semaphore, #tpu.memory_space<semaphore_mem>>)
    } else {
    }
    %gt3A_22 = arith.constant 4 : i32
    %gt3A_23 = arith.cmpi sgt, %min3A_4, %gt3A_22 : i32
    %convert_element_type3A_24 = arith.extui %gt3A_23 : i1 to i32
    %cond3A_25 = arith.constant 0 : i32
    %cond3A_26 = arith.cmpi ne, %convert_element_type3A_24, %cond3A_25 : i32
    scf.if %cond3A_26 {
      %add3A_60 = arith.constant 4 : i32
      %add3A_61 = arith.addi %mul3A_2, %add3A_60 : i32
      %dma_start3A = arith.constant 0 : i32
      %dma_start3A_62 = arith.constant 4 : i32
      %dma_start3A_63 = arith.constant 0 : i32
      %dma_start3A_64 = arith.constant 4 : i32
      %dma_start3A_65 = arith.constant 0 : i32
      %dma_start3A_66 = tpu.memref_slice %arg6[%dma_start3A_62, %dma_start3A_63, %dma_start3A_65] : memref<6x2x128xi32, #tpu.memory_space<vmem>> -> memref<1x1x128xi32, #tpu.memory_space<vmem>>
      %dma_start3A_67 = tpu.memref_squeeze %dma_start3A_66 : memref<1x1x128xi32, #tpu.memory_space<vmem>> -> memref<128xi32, #tpu.memory_space<vmem>>
      %dma_start3A_68 = arith.constant 0 : i32
      %dma_start3A_69 = tpu.memref_slice %arg3[%dma_start3A, %add3A_61, %dma_start3A_68] : memref<2x2500x128xi32, #tpu.memory_space<hbm>> -> memref<1x1x128xi32, #tpu.memory_space<hbm>>
      %dma_start3A_70 = tpu.memref_squeeze %dma_start3A_69 : memref<1x1x128xi32, #tpu.memory_space<hbm>> -> memref<128xi32, #tpu.memory_space<hbm>>
      %dma_start3A_71 = tpu.memref_slice %arg9[%dma_start3A_64] : memref<6x!tpu.dma_semaphore, #tpu.memory_space<semaphore_mem>> -> memref<1x!tpu.dma_semaphore, #tpu.memory_space<semaphore_mem>>
      %dma_start3A_72 = tpu.memref_squeeze %dma_start3A_71 : memref<1x!tpu.dma_semaphore, #tpu.memory_space<semaphore_mem>> -> memref<!tpu.dma_semaphore, #tpu.memory_space<semaphore_mem>>
      %dma_start3A_73 = arith.constant 0 : i32
      %dma_start3A_74 = tpu.memref_slice %arg6[%dma_start3A_62, %dma_start3A_63, %dma_start3A_73] : memref<6x2x128xi32, #tpu.memory_space<vmem>> -> memref<1x1x128xi32, #tpu.memory_space<vmem>>
      %dma_start3A_75 = tpu.memref_squeeze %dma_start3A_74 : memref<1x1x128xi32, #tpu.memory_space<vmem>> -> memref<128xi32, #tpu.memory_space<vmem>>
      %dma_start3A_76 = arith.constant 0 : i32
      %dma_start3A_77 = tpu.memref_slice %arg3[%dma_start3A, %add3A_61, %dma_start3A_76] : memref<2x2500x128xi32, #tpu.memory_space<hbm>> -> memref<1x1x128xi32, #tpu.memory_space<hbm>>
      %dma_start3A_78 = tpu.memref_squeeze %dma_start3A_77 : memref<1x1x128xi32, #tpu.memory_space<hbm>> -> memref<128xi32, #tpu.memory_space<hbm>>
      tpu.enqueue_dma source(%dma_start3A_78 : memref<128xi32, #tpu.memory_space<hbm>>) target(%dma_start3A_75 : memref<128xi32, #tpu.memory_space<vmem>>) target_semaphore(%dma_start3A_72 : memref<!tpu.dma_semaphore, #tpu.memory_space<semaphore_mem>>)
      %add3A_79 = arith.constant 4 : i32
      %add3A_80 = arith.addi %mul3A_2, %add3A_79 : i32
      %dma_start3A_81 = arith.constant 1 : i32
      %dma_start3A_82 = arith.constant 4 : i32
      %dma_start3A_83 = arith.constant 1 : i32
      %dma_start3A_84 = arith.constant 4 : i32
      %dma_start3A_85 = arith.constant 0 : i32
      %dma_start3A_86 = tpu.memref_slice %arg6[%dma_start3A_82, %dma_start3A_83, %dma_start3A_85] : memref<6x2x128xi32, #tpu.memory_space<vmem>> -> memref<1x1x128xi32, #tpu.memory_space<vmem>>
      %dma_start3A_87 = tpu.memref_squeeze %dma_start3A_86 : memref<1x1x128xi32, #tpu.memory_space<vmem>> -> memref<128xi32, #tpu.memory_space<vmem>>
      %dma_start3A_88 = arith.constant 0 : i32
      %dma_start3A_89 = tpu.memref_slice %arg3[%dma_start3A_81, %add3A_80, %dma_start3A_88] : memref<2x2500x128xi32, #tpu.memory_space<hbm>> -> memref<1x1x128xi32, #tpu.memory_space<hbm>>
      %dma_start3A_90 = tpu.memref_squeeze %dma_start3A_89 : memref<1x1x128xi32, #tpu.memory_space<hbm>> -> memref<128xi32, #tpu.memory_space<hbm>>
      %dma_start3A_91 = tpu.memref_slice %arg10[%dma_start3A_84] : memref<6x!tpu.dma_semaphore, #tpu.memory_space<semaphore_mem>> -> memref<1x!tpu.dma_semaphore, #tpu.memory_space<semaphore_mem>>
      %dma_start3A_92 = tpu.memref_squeeze %dma_start3A_91 : memref<1x!tpu.dma_semaphore, #tpu.memory_space<semaphore_mem>> -> memref<!tpu.dma_semaphore, #tpu.memory_space<semaphore_mem>>
      %dma_start3A_93 = arith.constant 0 : i32
      %dma_start3A_94 = tpu.memref_slice %arg6[%dma_start3A_82, %dma_start3A_83, %dma_start3A_93] : memref<6x2x128xi32, #tpu.memory_space<vmem>> -> memref<1x1x128xi32, #tpu.memory_space<vmem>>
      %dma_start3A_95 = tpu.memref_squeeze %dma_start3A_94 : memref<1x1x128xi32, #tpu.memory_space<vmem>> -> memref<128xi32, #tpu.memory_space<vmem>>
      %dma_start3A_96 = arith.constant 0 : i32
      %dma_start3A_97 = tpu.memref_slice %arg3[%dma_start3A_81, %add3A_80, %dma_start3A_96] : memref<2x2500x128xi32, #tpu.memory_space<hbm>> -> memref<1x1x128xi32, #tpu.memory_space<hbm>>
      %dma_start3A_98 = tpu.memref_squeeze %dma_start3A_97 : memref<1x1x128xi32, #tpu.memory_space<hbm>> -> memref<128xi32, #tpu.memory_space<hbm>>
      tpu.enqueue_dma source(%dma_start3A_98 : memref<128xi32, #tpu.memory_space<hbm>>) target(%dma_start3A_95 : memref<128xi32, #tpu.memory_space<vmem>>) target_semaphore(%dma_start3A_92 : memref<!tpu.dma_semaphore, #tpu.memory_space<semaphore_mem>>)
    } else {
    }
    %gt3A_27 = arith.constant 0 : i32
    %gt3A_28 = arith.cmpi sgt, %min3A_4, %gt3A_27 : i32
    %convert_element_type3A_29 = arith.extui %gt3A_28 : i1 to i32
    %cond3A_30 = arith.constant 0 : i32
    %cond3A_31 = arith.cmpi ne, %convert_element_type3A_29, %cond3A_30 : i32
    scf.if %cond3A_31 {
      %add3A_60 = arith.constant 0 : i32
      %add3A_61 = arith.addi %mul3A_2, %add3A_60 : i32
      %dma_wait3A = arith.constant 0 : i32
      %dma_wait3A_62 = arith.constant 0 : i32
      %dma_wait3A_63 = arith.constant 0 : i32
      %dma_wait3A_64 = arith.constant 0 : i32
      %dma_wait3A_65 = arith.constant 0 : i32
      %dma_wait3A_66 = tpu.memref_slice %arg6[%dma_wait3A_62, %dma_wait3A_63, %dma_wait3A_65] : memref<6x2x128xi32, #tpu.memory_space<vmem>> -> memref<1x1x128xi32, #tpu.memory_space<vmem>>
      %dma_wait3A_67 = tpu.memref_squeeze %dma_wait3A_66 : memref<1x1x128xi32, #tpu.memory_space<vmem>> -> memref<128xi32, #tpu.memory_space<vmem>>
      %dma_wait3A_68 = arith.constant 0 : i32
      %dma_wait3A_69 = tpu.memref_slice %arg3[%dma_wait3A, %add3A_61, %dma_wait3A_68] : memref<2x2500x128xi32, #tpu.memory_space<hbm>> -> memref<1x1x128xi32, #tpu.memory_space<hbm>>
      %dma_wait3A_70 = tpu.memref_squeeze %dma_wait3A_69 : memref<1x1x128xi32, #tpu.memory_space<hbm>> -> memref<128xi32, #tpu.memory_space<hbm>>
      %dma_wait3A_71 = tpu.memref_slice %arg9[%dma_wait3A_64] : memref<6x!tpu.dma_semaphore, #tpu.memory_space<semaphore_mem>> -> memref<1x!tpu.dma_semaphore, #tpu.memory_space<semaphore_mem>>
      %dma_wait3A_72 = tpu.memref_squeeze %dma_wait3A_71 : memref<1x!tpu.dma_semaphore, #tpu.memory_space<semaphore_mem>> -> memref<!tpu.dma_semaphore, #tpu.memory_space<semaphore_mem>>
      %dma_wait3A_73 = arith.constant 0 : i32
      %dma_wait3A_74 = tpu.memref_slice %arg6[%dma_wait3A_62, %dma_wait3A_63, %dma_wait3A_73] : memref<6x2x128xi32, #tpu.memory_space<vmem>> -> memref<1x1x128xi32, #tpu.memory_space<vmem>>
      %dma_wait3A_75 = tpu.memref_squeeze %dma_wait3A_74 : memref<1x1x128xi32, #tpu.memory_space<vmem>> -> memref<128xi32, #tpu.memory_space<vmem>>
      %dma_wait3A_76 = arith.constant 0 : i32
      %dma_wait3A_77 = tpu.memref_slice %arg3[%dma_wait3A, %add3A_61, %dma_wait3A_76] : memref<2x2500x128xi32, #tpu.memory_space<hbm>> -> memref<1x1x128xi32, #tpu.memory_space<hbm>>
      %dma_wait3A_78 = tpu.memref_squeeze %dma_wait3A_77 : memref<1x1x128xi32, #tpu.memory_space<hbm>> -> memref<128xi32, #tpu.memory_space<hbm>>
      tpu.wait_dma2 semaphore(%dma_wait3A_72 : memref<!tpu.dma_semaphore, #tpu.memory_space<semaphore_mem>>) src(%dma_wait3A_78 : memref<128xi32, #tpu.memory_space<hbm>>) dst(%dma_wait3A_75 : memref<128xi32, #tpu.memory_space<vmem>>)
      %add3A_79 = arith.constant 0 : i32
      %add3A_80 = arith.addi %mul3A_2, %add3A_79 : i32
      %dma_wait3A_81 = arith.constant 1 : i32
      %dma_wait3A_82 = arith.constant 0 : i32
      %dma_wait3A_83 = arith.constant 1 : i32
      %dma_wait3A_84 = arith.constant 0 : i32
      %dma_wait3A_85 = arith.constant 0 : i32
      %dma_wait3A_86 = tpu.memref_slice %arg6[%dma_wait3A_82, %dma_wait3A_83, %dma_wait3A_85] : memref<6x2x128xi32, #tpu.memory_space<vmem>> -> memref<1x1x128xi32, #tpu.memory_space<vmem>>
      %dma_wait3A_87 = tpu.memref_squeeze %dma_wait3A_86 : memref<1x1x128xi32, #tpu.memory_space<vmem>> -> memref<128xi32, #tpu.memory_space<vmem>>
      %dma_wait3A_88 = arith.constant 0 : i32
      %dma_wait3A_89 = tpu.memref_slice %arg3[%dma_wait3A_81, %add3A_80, %dma_wait3A_88] : memref<2x2500x128xi32, #tpu.memory_space<hbm>> -> memref<1x1x128xi32, #tpu.memory_space<hbm>>
      %dma_wait3A_90 = tpu.memref_squeeze %dma_wait3A_89 : memref<1x1x128xi32, #tpu.memory_space<hbm>> -> memref<128xi32, #tpu.memory_space<hbm>>
      %dma_wait3A_91 = tpu.memref_slice %arg10[%dma_wait3A_84] : memref<6x!tpu.dma_semaphore, #tpu.memory_space<semaphore_mem>> -> memref<1x!tpu.dma_semaphore, #tpu.memory_space<semaphore_mem>>
      %dma_wait3A_92 = tpu.memref_squeeze %dma_wait3A_91 : memref<1x!tpu.dma_semaphore, #tpu.memory_space<semaphore_mem>> -> memref<!tpu.dma_semaphore, #tpu.memory_space<semaphore_mem>>
      %dma_wait3A_93 = arith.constant 0 : i32
      %dma_wait3A_94 = tpu.memref_slice %arg6[%dma_wait3A_82, %dma_wait3A_83, %dma_wait3A_93] : memref<6x2x128xi32, #tpu.memory_space<vmem>> -> memref<1x1x128xi32, #tpu.memory_space<vmem>>
      %dma_wait3A_95 = tpu.memref_squeeze %dma_wait3A_94 : memref<1x1x128xi32, #tpu.memory_space<vmem>> -> memref<128xi32, #tpu.memory_space<vmem>>
      %dma_wait3A_96 = arith.constant 0 : i32
      %dma_wait3A_97 = tpu.memref_slice %arg3[%dma_wait3A_81, %add3A_80, %dma_wait3A_96] : memref<2x2500x128xi32, #tpu.memory_space<hbm>> -> memref<1x1x128xi32, #tpu.memory_space<hbm>>
      %dma_wait3A_98 = tpu.memref_squeeze %dma_wait3A_97 : memref<1x1x128xi32, #tpu.memory_space<hbm>> -> memref<128xi32, #tpu.memory_space<hbm>>
      tpu.wait_dma2 semaphore(%dma_wait3A_92 : memref<!tpu.dma_semaphore, #tpu.memory_space<semaphore_mem>>) src(%dma_wait3A_98 : memref<128xi32, #tpu.memory_space<hbm>>) dst(%dma_wait3A_95 : memref<128xi32, #tpu.memory_space<vmem>>)
      %dma_start3A = arith.constant 0 : i32
      %dma_start3A_99 = arith.constant 0 : i32
      %dma_start3A_100 = arith.constant 0 : i32
      %dma_start3A_101 = arith.constant 0 : i32
      %dma_start3A_102 = arith.constant 0 : i32
      %dma_start3A_103 = arith.constant 0 : i32
      %dma_start3A_104 = tpu.memref_slice %arg7[%dma_start3A_100, %dma_start3A_102, %dma_start3A_103] : memref<3x128x128xf32, #tpu.memory_space<vmem>> -> memref<1x128x128xf32, #tpu.memory_space<vmem>>
      %dma_start3A_105 = tpu.memref_squeeze %dma_start3A_104 : memref<1x128x128xf32, #tpu.memory_space<vmem>> -> memref<128x128xf32, #tpu.memory_space<vmem>>
      %dma_start3A_106 = arith.constant 0 : i32
      %dma_start3A_107 = tpu.memref_slice %arg6[%dma_start3A, %dma_start3A_99, %dma_start3A_106] : memref<6x2x128xi32, #tpu.memory_space<vmem>> -> memref<1x1x128xi32, #tpu.memory_space<vmem>>
      %dma_start3A_108 = tpu.memref_squeeze %dma_start3A_107 : memref<1x1x128xi32, #tpu.memory_space<vmem>> -> memref<128xi32, #tpu.memory_space<vmem>>
      %dma_start3A_109 = arith.constant 0 : i32
      %dma_start3A_110 = arith.constant 0 : i32
      %dma_start3A_111 = tpu.memref_slice %arg2[%dma_start3A_109, %dma_start3A_110] : memref<10000x128xf32, #tpu.memory_space<hbm>> -> memref<10000x128xf32, #tpu.memory_space<hbm>>
      %dma_start3A_112 = tpu.memref_slice %arg11[%dma_start3A_101] : memref<3x!tpu.dma_semaphore, #tpu.memory_space<semaphore_mem>> -> memref<1x!tpu.dma_semaphore, #tpu.memory_space<semaphore_mem>>
      %dma_start3A_113 = tpu.memref_squeeze %dma_start3A_112 : memref<1x!tpu.dma_semaphore, #tpu.memory_space<semaphore_mem>> -> memref<!tpu.dma_semaphore, #tpu.memory_space<semaphore_mem>>
      tpu.enqueue_indirect_dma source(%dma_start3A_111 : memref<10000x128xf32, #tpu.memory_space<hbm>>) target(%dma_start3A_105 : memref<128x128xf32, #tpu.memory_space<vmem>>) offsets(%dma_start3A_108 : memref<128xi32, #tpu.memory_space<vmem>>) semaphore(%dma_start3A_113 : memref<!tpu.dma_semaphore, #tpu.memory_space<semaphore_mem>>)
    } else {
    }
    %gt3A_32 = arith.constant 1 : i32
    %gt3A_33 = arith.cmpi sgt, %min3A_4, %gt3A_32 : i32
    %convert_element_type3A_34 = arith.extui %gt3A_33 : i1 to i32
    %cond3A_35 = arith.constant 0 : i32
    %cond3A_36 = arith.cmpi ne, %convert_element_type3A_34, %cond3A_35 : i32
    scf.if %cond3A_36 {
      %add3A_60 = arith.constant 1 : i32
      %add3A_61 = arith.addi %mul3A_2, %add3A_60 : i32
      %dma_wait3A = arith.constant 0 : i32
      %dma_wait3A_62 = arith.constant 1 : i32
      %dma_wait3A_63 = arith.constant 0 : i32
      %dma_wait3A_64 = arith.constant 1 : i32
      %dma_wait3A_65 = arith.constant 0 : i32
      %dma_wait3A_66 = tpu.memref_slice %arg6[%dma_wait3A_62, %dma_wait3A_63, %dma_wait3A_65] : memref<6x2x128xi32, #tpu.memory_space<vmem>> -> memref<1x1x128xi32, #tpu.memory_space<vmem>>
      %dma_wait3A_67 = tpu.memref_squeeze %dma_wait3A_66 : memref<1x1x128xi32, #tpu.memory_space<vmem>> -> memref<128xi32, #tpu.memory_space<vmem>>
      %dma_wait3A_68 = arith.constant 0 : i32
      %dma_wait3A_69 = tpu.memref_slice %arg3[%dma_wait3A, %add3A_61, %dma_wait3A_68] : memref<2x2500x128xi32, #tpu.memory_space<hbm>> -> memref<1x1x128xi32, #tpu.memory_space<hbm>>
      %dma_wait3A_70 = tpu.memref_squeeze %dma_wait3A_69 : memref<1x1x128xi32, #tpu.memory_space<hbm>> -> memref<128xi32, #tpu.memory_space<hbm>>
      %dma_wait3A_71 = tpu.memref_slice %arg9[%dma_wait3A_64] : memref<6x!tpu.dma_semaphore, #tpu.memory_space<semaphore_mem>> -> memref<1x!tpu.dma_semaphore, #tpu.memory_space<semaphore_mem>>
      %dma_wait3A_72 = tpu.memref_squeeze %dma_wait3A_71 : memref<1x!tpu.dma_semaphore, #tpu.memory_space<semaphore_mem>> -> memref<!tpu.dma_semaphore, #tpu.memory_space<semaphore_mem>>
      %dma_wait3A_73 = arith.constant 0 : i32
      %dma_wait3A_74 = tpu.memref_slice %arg6[%dma_wait3A_62, %dma_wait3A_63, %dma_wait3A_73] : memref<6x2x128xi32, #tpu.memory_space<vmem>> -> memref<1x1x128xi32, #tpu.memory_space<vmem>>
      %dma_wait3A_75 = tpu.memref_squeeze %dma_wait3A_74 : memref<1x1x128xi32, #tpu.memory_space<vmem>> -> memref<128xi32, #tpu.memory_space<vmem>>
      %dma_wait3A_76 = arith.constant 0 : i32
      %dma_wait3A_77 = tpu.memref_slice %arg3[%dma_wait3A, %add3A_61, %dma_wait3A_76] : memref<2x2500x128xi32, #tpu.memory_space<hbm>> -> memref<1x1x128xi32, #tpu.memory_space<hbm>>
      %dma_wait3A_78 = tpu.memref_squeeze %dma_wait3A_77 : memref<1x1x128xi32, #tpu.memory_space<hbm>> -> memref<128xi32, #tpu.memory_space<hbm>>
      tpu.wait_dma2 semaphore(%dma_wait3A_72 : memref<!tpu.dma_semaphore, #tpu.memory_space<semaphore_mem>>) src(%dma_wait3A_78 : memref<128xi32, #tpu.memory_space<hbm>>) dst(%dma_wait3A_75 : memref<128xi32, #tpu.memory_space<vmem>>)
      %add3A_79 = arith.constant 1 : i32
      %add3A_80 = arith.addi %mul3A_2, %add3A_79 : i32
      %dma_wait3A_81 = arith.constant 1 : i32
      %dma_wait3A_82 = arith.constant 1 : i32
      %dma_wait3A_83 = arith.constant 1 : i32
      %dma_wait3A_84 = arith.constant 1 : i32
      %dma_wait3A_85 = arith.constant 0 : i32
      %dma_wait3A_86 = tpu.memref_slice %arg6[%dma_wait3A_82, %dma_wait3A_83, %dma_wait3A_85] : memref<6x2x128xi32, #tpu.memory_space<vmem>> -> memref<1x1x128xi32, #tpu.memory_space<vmem>>
      %dma_wait3A_87 = tpu.memref_squeeze %dma_wait3A_86 : memref<1x1x128xi32, #tpu.memory_space<vmem>> -> memref<128xi32, #tpu.memory_space<vmem>>
      %dma_wait3A_88 = arith.constant 0 : i32
      %dma_wait3A_89 = tpu.memref_slice %arg3[%dma_wait3A_81, %add3A_80, %dma_wait3A_88] : memref<2x2500x128xi32, #tpu.memory_space<hbm>> -> memref<1x1x128xi32, #tpu.memory_space<hbm>>
      %dma_wait3A_90 = tpu.memref_squeeze %dma_wait3A_89 : memref<1x1x128xi32, #tpu.memory_space<hbm>> -> memref<128xi32, #tpu.memory_space<hbm>>
      %dma_wait3A_91 = tpu.memref_slice %arg10[%dma_wait3A_84] : memref<6x!tpu.dma_semaphore, #tpu.memory_space<semaphore_mem>> -> memref<1x!tpu.dma_semaphore, #tpu.memory_space<semaphore_mem>>
      %dma_wait3A_92 = tpu.memref_squeeze %dma_wait3A_91 : memref<1x!tpu.dma_semaphore, #tpu.memory_space<semaphore_mem>> -> memref<!tpu.dma_semaphore, #tpu.memory_space<semaphore_mem>>
      %dma_wait3A_93 = arith.constant 0 : i32
      %dma_wait3A_94 = tpu.memref_slice %arg6[%dma_wait3A_82, %dma_wait3A_83, %dma_wait3A_93] : memref<6x2x128xi32, #tpu.memory_space<vmem>> -> memref<1x1x128xi32, #tpu.memory_space<vmem>>
      %dma_wait3A_95 = tpu.memref_squeeze %dma_wait3A_94 : memref<1x1x128xi32, #tpu.memory_space<vmem>> -> memref<128xi32, #tpu.memory_space<vmem>>
      %dma_wait3A_96 = arith.constant 0 : i32
      %dma_wait3A_97 = tpu.memref_slice %arg3[%dma_wait3A_81, %add3A_80, %dma_wait3A_96] : memref<2x2500x128xi32, #tpu.memory_space<hbm>> -> memref<1x1x128xi32, #tpu.memory_space<hbm>>
      %dma_wait3A_98 = tpu.memref_squeeze %dma_wait3A_97 : memref<1x1x128xi32, #tpu.memory_space<hbm>> -> memref<128xi32, #tpu.memory_space<hbm>>
      tpu.wait_dma2 semaphore(%dma_wait3A_92 : memref<!tpu.dma_semaphore, #tpu.memory_space<semaphore_mem>>) src(%dma_wait3A_98 : memref<128xi32, #tpu.memory_space<hbm>>) dst(%dma_wait3A_95 : memref<128xi32, #tpu.memory_space<vmem>>)
      %dma_start3A = arith.constant 1 : i32
      %dma_start3A_99 = arith.constant 0 : i32
      %dma_start3A_100 = arith.constant 1 : i32
      %dma_start3A_101 = arith.constant 1 : i32
      %dma_start3A_102 = arith.constant 0 : i32
      %dma_start3A_103 = arith.constant 0 : i32
      %dma_start3A_104 = tpu.memref_slice %arg7[%dma_start3A_100, %dma_start3A_102, %dma_start3A_103] : memref<3x128x128xf32, #tpu.memory_space<vmem>> -> memref<1x128x128xf32, #tpu.memory_space<vmem>>
      %dma_start3A_105 = tpu.memref_squeeze %dma_start3A_104 : memref<1x128x128xf32, #tpu.memory_space<vmem>> -> memref<128x128xf32, #tpu.memory_space<vmem>>
      %dma_start3A_106 = arith.constant 0 : i32
      %dma_start3A_107 = tpu.memref_slice %arg6[%dma_start3A, %dma_start3A_99, %dma_start3A_106] : memref<6x2x128xi32, #tpu.memory_space<vmem>> -> memref<1x1x128xi32, #tpu.memory_space<vmem>>
      %dma_start3A_108 = tpu.memref_squeeze %dma_start3A_107 : memref<1x1x128xi32, #tpu.memory_space<vmem>> -> memref<128xi32, #tpu.memory_space<vmem>>
      %dma_start3A_109 = arith.constant 0 : i32
      %dma_start3A_110 = arith.constant 0 : i32
      %dma_start3A_111 = tpu.memref_slice %arg2[%dma_start3A_109, %dma_start3A_110] : memref<10000x128xf32, #tpu.memory_space<hbm>> -> memref<10000x128xf32, #tpu.memory_space<hbm>>
      %dma_start3A_112 = tpu.memref_slice %arg11[%dma_start3A_101] : memref<3x!tpu.dma_semaphore, #tpu.memory_space<semaphore_mem>> -> memref<1x!tpu.dma_semaphore, #tpu.memory_space<semaphore_mem>>
      %dma_start3A_113 = tpu.memref_squeeze %dma_start3A_112 : memref<1x!tpu.dma_semaphore, #tpu.memory_space<semaphore_mem>> -> memref<!tpu.dma_semaphore, #tpu.memory_space<semaphore_mem>>
      tpu.enqueue_indirect_dma source(%dma_start3A_111 : memref<10000x128xf32, #tpu.memory_space<hbm>>) target(%dma_start3A_105 : memref<128x128xf32, #tpu.memory_space<vmem>>) offsets(%dma_start3A_108 : memref<128xi32, #tpu.memory_space<vmem>>) semaphore(%dma_start3A_113 : memref<!tpu.dma_semaphore, #tpu.memory_space<semaphore_mem>>)
    } else {
    }
    %lt3A = arith.constant 15 : i32
    %lt3A_37 = arith.cmpi slt, %arg1, %lt3A : i32
    %convert_element_type3A_38 = arith.extui %lt3A_37 : i1 to i32
    %cond3A_39 = arith.constant 0 : i32
    %cond3A_40 = arith.cmpi ne, %convert_element_type3A_38, %cond3A_39 : i32
    scf.if %cond3A_40 {
      %mul3A_60 = arith.constant 632 : i32
      %mul3A_61 = arith.muli %arg1, %mul3A_60 : i32
      %mul3A_62 = arith.constant 632 : i32
      %mul3A_63 = arith.muli %arg1, %mul3A_62 : i32
      "tpu.region"() ({
        %run_scoped3A = tpu.sem_alloc : memref<!tpu.dma_semaphore, #tpu.memory_space<semaphore_mem>>
        %dma_start3A = arith.constant 0 : i32
        %dma_start3A_64 = tpu.memref_slice %arg8[%mul3A_63, %dma_start3A] : memref<10000x128xf32, #tpu.memory_space<vmem_shared>> -> memref<632x128xf32, #tpu.memory_space<vmem_shared>>
        %dma_start3A_65 = arith.constant 0 : i32
        %dma_start3A_66 = tpu.memref_slice %arg4[%mul3A_61, %dma_start3A_65] : memref<10000x128xf32, #tpu.memory_space<hbm>> -> memref<632x128xf32, #tpu.memory_space<hbm>>
        tpu.enqueue_dma source(%dma_start3A_66 : memref<632x128xf32, #tpu.memory_space<hbm>>) target(%dma_start3A_64 : memref<632x128xf32, #tpu.memory_space<vmem_shared>>) target_semaphore(%run_scoped3A : memref<!tpu.dma_semaphore, #tpu.memory_space<semaphore_mem>>)
        %dma_wait3A = arith.constant 0 : i32
        %dma_wait3A_67 = tpu.memref_slice %arg8[%mul3A_63, %dma_wait3A] : memref<10000x128xf32, #tpu.memory_space<vmem_shared>> -> memref<632x128xf32, #tpu.memory_space<vmem_shared>>
        %dma_wait3A_68 = arith.constant 0 : i32
        %dma_wait3A_69 = tpu.memref_slice %arg4[%mul3A_61, %dma_wait3A_68] : memref<10000x128xf32, #tpu.memory_space<hbm>> -> memref<632x128xf32, #tpu.memory_space<hbm>>
        tpu.wait_dma2 semaphore(%run_scoped3A : memref<!tpu.dma_semaphore, #tpu.memory_space<semaphore_mem>>) src(%dma_wait3A_69 : memref<632x128xf32, #tpu.memory_space<hbm>>) dst(%dma_wait3A_67 : memref<632x128xf32, #tpu.memory_space<vmem_shared>>)
        tpu.yield
      }) : () -> ()
    } else {
    }
    %eq3A = arith.constant 15 : i32
    %eq3A_41 = arith.cmpi eq, %arg1, %eq3A : i32
    %convert_element_type3A_42 = arith.extui %eq3A_41 : i1 to i32
    %cond3A_43 = arith.constant 0 : i32
    %cond3A_44 = arith.cmpi ne, %convert_element_type3A_42, %cond3A_43 : i32
    scf.if %cond3A_44 {
      "tpu.region"() ({
        %run_scoped3A = tpu.sem_alloc : memref<!tpu.dma_semaphore, #tpu.memory_space<semaphore_mem>>
        %dma_start3A = arith.constant 9480 : i32
        %dma_start3A_60 = arith.constant 0 : i32
        %dma_start3A_61 = tpu.memref_slice %arg8[%dma_start3A, %dma_start3A_60] : memref<10000x128xf32, #tpu.memory_space<vmem_shared>> -> memref<520x128xf32, #tpu.memory_space<vmem_shared>>
        %dma_start3A_62 = arith.constant 9480 : i32
        %dma_start3A_63 = arith.constant 0 : i32
        %dma_start3A_64 = tpu.memref_slice %arg4[%dma_start3A_62, %dma_start3A_63] : memref<10000x128xf32, #tpu.memory_space<hbm>> -> memref<520x128xf32, #tpu.memory_space<hbm>>
        tpu.enqueue_dma source(%dma_start3A_64 : memref<520x128xf32, #tpu.memory_space<hbm>>) target(%dma_start3A_61 : memref<520x128xf32, #tpu.memory_space<vmem_shared>>) target_semaphore(%run_scoped3A : memref<!tpu.dma_semaphore, #tpu.memory_space<semaphore_mem>>)
        %dma_wait3A = arith.constant 9480 : i32
        %dma_wait3A_65 = arith.constant 0 : i32
        %dma_wait3A_66 = tpu.memref_slice %arg8[%dma_wait3A, %dma_wait3A_65] : memref<10000x128xf32, #tpu.memory_space<vmem_shared>> -> memref<520x128xf32, #tpu.memory_space<vmem_shared>>
        %dma_wait3A_67 = arith.constant 9480 : i32
        %dma_wait3A_68 = arith.constant 0 : i32
        %dma_wait3A_69 = tpu.memref_slice %arg4[%dma_wait3A_67, %dma_wait3A_68] : memref<10000x128xf32, #tpu.memory_space<hbm>> -> memref<520x128xf32, #tpu.memory_space<hbm>>
        tpu.wait_dma2 semaphore(%run_scoped3A : memref<!tpu.dma_semaphore, #tpu.memory_space<semaphore_mem>>) src(%dma_wait3A_69 : memref<520x128xf32, #tpu.memory_space<hbm>>) dst(%dma_wait3A_66 : memref<520x128xf32, #tpu.memory_space<vmem_shared>>)
        tpu.yield
      }) : () -> ()
    } else {
    }
    %barrier3A = arith.constant 0 : index
    tpu.barrier barrier_id(%barrier3A)
    %scan3A = arith.constant 0 : i32
    %scan3A_45 = arith.constant 14 : i32
    %scan3A_46 = arith.addi %scan3A, %scan3A_45 : i32
    %scan3A_47 = arith.constant 1 : i32
    scf.for %scan3A_60 = %scan3A to %scan3A_46 step %scan3A_47  : i32 {
      %mul3A_61 = arith.constant 6 : i32
      %mul3A_62 = arith.muli %scan3A_60, %mul3A_61 : i32
      %add3A_63 = arith.constant 0 : i32
      %add3A_64 = arith.addi %add3A_63, %mul3A_62 : i32
      %add3A_65 = arith.constant 0 : i32
      %add3A_66 = arith.addi %add3A_64, %add3A_65 : i32
      %lt3A_67 = arith.cmpi slt, %add3A_66, %min3A_4 : i32
      %convert_element_type3A_68 = arith.extui %lt3A_67 : i1 to i32
      %cond3A_69 = arith.constant 0 : i32
      %cond3A_70 = arith.cmpi ne, %convert_element_type3A_68, %cond3A_69 : i32
      scf.if %cond3A_70 {
        %dma_wait3A = arith.constant 0 : i32
        %dma_wait3A_225 = arith.constant 0 : i32
        %dma_wait3A_226 = arith.constant 0 : i32
        %dma_wait3A_227 = arith.constant 0 : i32
        %dma_wait3A_228 = arith.constant 0 : i32
        %dma_wait3A_229 = arith.constant 0 : i32
        %dma_wait3A_230 = tpu.memref_slice %arg7[%dma_wait3A_226, %dma_wait3A_228, %dma_wait3A_229] : memref<3x128x128xf32, #tpu.memory_space<vmem>> -> memref<1x128x128xf32, #tpu.memory_space<vmem>>
        %dma_wait3A_231 = tpu.memref_squeeze %dma_wait3A_230 : memref<1x128x128xf32, #tpu.memory_space<vmem>> -> memref<128x128xf32, #tpu.memory_space<vmem>>
        %dma_wait3A_232 = arith.constant 0 : i32
        %dma_wait3A_233 = tpu.memref_slice %arg6[%dma_wait3A, %dma_wait3A_225, %dma_wait3A_232] : memref<6x2x128xi32, #tpu.memory_space<vmem>> -> memref<1x1x128xi32, #tpu.memory_space<vmem>>
        %dma_wait3A_234 = tpu.memref_squeeze %dma_wait3A_233 : memref<1x1x128xi32, #tpu.memory_space<vmem>> -> memref<128xi32, #tpu.memory_space<vmem>>
        %dma_wait3A_235 = arith.constant 0 : i32
        %dma_wait3A_236 = arith.constant 0 : i32
        %dma_wait3A_237 = tpu.memref_slice %arg2[%dma_wait3A_235, %dma_wait3A_236] : memref<10000x128xf32, #tpu.memory_space<hbm>> -> memref<10000x128xf32, #tpu.memory_space<hbm>>
        %dma_wait3A_238 = tpu.memref_slice %arg11[%dma_wait3A_227] : memref<3x!tpu.dma_semaphore, #tpu.memory_space<semaphore_mem>> -> memref<1x!tpu.dma_semaphore, #tpu.memory_space<semaphore_mem>>
        %dma_wait3A_239 = tpu.memref_squeeze %dma_wait3A_238 : memref<1x!tpu.dma_semaphore, #tpu.memory_space<semaphore_mem>> -> memref<!tpu.dma_semaphore, #tpu.memory_space<semaphore_mem>>
        tpu.wait_indirect_dma semaphore(%dma_wait3A_239 : memref<!tpu.dma_semaphore, #tpu.memory_space<semaphore_mem>>) src(%dma_wait3A_237 : memref<10000x128xf32, #tpu.memory_space<hbm>>) dst(%dma_wait3A_231 : memref<128x128xf32, #tpu.memory_space<vmem>>)
        %dma_start3A = arith.constant 0 : i32
        %dma_start3A_240 = arith.constant 0 : i32
        %dma_start3A_241 = arith.constant 1 : i32
        %dma_start3A_242 = arith.constant 0 : i32
        %dma_start3A_243 = arith.constant 0 : i32
        %dma_start3A_244 = arith.constant 0 : i32
        %dma_start3A_245 = tpu.memref_slice %arg7[%dma_start3A, %dma_start3A_243, %dma_start3A_244] : memref<3x128x128xf32, #tpu.memory_space<vmem>> -> memref<1x128x128xf32, #tpu.memory_space<vmem>>
        %dma_start3A_246 = tpu.memref_squeeze %dma_start3A_245 : memref<1x128x128xf32, #tpu.memory_space<vmem>> -> memref<128x128xf32, #tpu.memory_space<vmem>>
        %dma_start3A_247 = arith.constant 0 : i32
        %dma_start3A_248 = tpu.memref_slice %arg6[%dma_start3A_240, %dma_start3A_241, %dma_start3A_247] : memref<6x2x128xi32, #tpu.memory_space<vmem>> -> memref<1x1x128xi32, #tpu.memory_space<vmem>>
        %dma_start3A_249 = tpu.memref_squeeze %dma_start3A_248 : memref<1x1x128xi32, #tpu.memory_space<vmem>> -> memref<128xi32, #tpu.memory_space<vmem>>
        %dma_start3A_250 = arith.constant 0 : i32
        %dma_start3A_251 = arith.constant 0 : i32
        %dma_start3A_252 = tpu.memref_slice %arg8[%dma_start3A_250, %dma_start3A_251] : memref<10000x128xf32, #tpu.memory_space<vmem_shared>> -> memref<10000x128xf32, #tpu.memory_space<vmem_shared>>
        %dma_start3A_253 = tpu.memref_slice %arg12[%dma_start3A_242] : memref<3x!tpu.dma_semaphore, #tpu.memory_space<semaphore_mem>> -> memref<1x!tpu.dma_semaphore, #tpu.memory_space<semaphore_mem>>
        %dma_start3A_254 = tpu.memref_squeeze %dma_start3A_253 : memref<1x!tpu.dma_semaphore, #tpu.memory_space<semaphore_mem>> -> memref<!tpu.dma_semaphore, #tpu.memory_space<semaphore_mem>>
        tpu.enqueue_indirect_dma source(%dma_start3A_246 : memref<128x128xf32, #tpu.memory_space<vmem>>) target(%dma_start3A_252 : memref<10000x128xf32, #tpu.memory_space<vmem_shared>>) offsets(%dma_start3A_249 : memref<128xi32, #tpu.memory_space<vmem>>) semaphore(%dma_start3A_254 : memref<!tpu.dma_semaphore, #tpu.memory_space<semaphore_mem>>) {add = true}
      } else {
      }
      %ge3A = arith.constant 1 : i32
      %ge3A_71 = arith.cmpi sge, %add3A_66, %ge3A : i32
      %sub3A_72 = arith.constant 1 : i32
      %sub3A_73 = arith.subi %add3A_66, %sub3A_72 : i32
      %lt3A_74 = arith.cmpi slt, %sub3A_73, %min3A_4 : i32
      %and3A = arith.andi %ge3A_71, %lt3A_74 : i1
      %convert_element_type3A_75 = arith.extui %and3A : i1 to i32
      %cond3A_76 = arith.constant 0 : i32
      %cond3A_77 = arith.cmpi ne, %convert_element_type3A_75, %cond3A_76 : i32
      scf.if %cond3A_77 {
        %dma_wait3A = arith.constant 2 : i32
        %dma_wait3A_225 = arith.constant 5 : i32
        %dma_wait3A_226 = arith.constant 1 : i32
        %dma_wait3A_227 = arith.constant 2 : i32
        %dma_wait3A_228 = arith.constant 0 : i32
        %dma_wait3A_229 = arith.constant 0 : i32
        %dma_wait3A_230 = tpu.memref_slice %arg7[%dma_wait3A, %dma_wait3A_228, %dma_wait3A_229] : memref<3x128x128xf32, #tpu.memory_space<vmem>> -> memref<1x128x128xf32, #tpu.memory_space<vmem>>
        %dma_wait3A_231 = tpu.memref_squeeze %dma_wait3A_230 : memref<1x128x128xf32, #tpu.memory_space<vmem>> -> memref<128x128xf32, #tpu.memory_space<vmem>>
        %dma_wait3A_232 = arith.constant 0 : i32
        %dma_wait3A_233 = tpu.memref_slice %arg6[%dma_wait3A_225, %dma_wait3A_226, %dma_wait3A_232] : memref<6x2x128xi32, #tpu.memory_space<vmem>> -> memref<1x1x128xi32, #tpu.memory_space<vmem>>
        %dma_wait3A_234 = tpu.memref_squeeze %dma_wait3A_233 : memref<1x1x128xi32, #tpu.memory_space<vmem>> -> memref<128xi32, #tpu.memory_space<vmem>>
        %dma_wait3A_235 = arith.constant 0 : i32
        %dma_wait3A_236 = arith.constant 0 : i32
        %dma_wait3A_237 = tpu.memref_slice %arg8[%dma_wait3A_235, %dma_wait3A_236] : memref<10000x128xf32, #tpu.memory_space<vmem_shared>> -> memref<10000x128xf32, #tpu.memory_space<vmem_shared>>
        %dma_wait3A_238 = tpu.memref_slice %arg12[%dma_wait3A_227] : memref<3x!tpu.dma_semaphore, #tpu.memory_space<semaphore_mem>> -> memref<1x!tpu.dma_semaphore, #tpu.memory_space<semaphore_mem>>
        %dma_wait3A_239 = tpu.memref_squeeze %dma_wait3A_238 : memref<1x!tpu.dma_semaphore, #tpu.memory_space<semaphore_mem>> -> memref<!tpu.dma_semaphore, #tpu.memory_space<semaphore_mem>>
        tpu.wait_indirect_dma semaphore(%dma_wait3A_239 : memref<!tpu.dma_semaphore, #tpu.memory_space<semaphore_mem>>) src(%dma_wait3A_231 : memref<128x128xf32, #tpu.memory_space<vmem>>) dst(%dma_wait3A_237 : memref<10000x128xf32, #tpu.memory_space<vmem_shared>>)
      } else {
      }
      %add3A_78 = arith.constant 2 : i32
      %add3A_79 = arith.addi %add3A_66, %add3A_78 : i32
      %lt3A_80 = arith.cmpi slt, %add3A_79, %min3A_4 : i32
      %convert_element_type3A_81 = arith.extui %lt3A_80 : i1 to i32
      %cond3A_82 = arith.constant 0 : i32
      %cond3A_83 = arith.cmpi ne, %convert_element_type3A_81, %cond3A_82 : i32
      scf.if %cond3A_83 {
        %add3A_225 = arith.constant 2 : i32
        %add3A_226 = arith.addi %add3A_66, %add3A_225 : i32
        %add3A_227 = arith.addi %mul3A_2, %add3A_226 : i32
        %dma_wait3A = arith.constant 0 : i32
        %dma_wait3A_228 = arith.constant 2 : i32
        %dma_wait3A_229 = arith.constant 0 : i32
        %dma_wait3A_230 = arith.constant 2 : i32
        %dma_wait3A_231 = arith.constant 0 : i32
        %dma_wait3A_232 = tpu.memref_slice %arg6[%dma_wait3A_228, %dma_wait3A_229, %dma_wait3A_231] : memref<6x2x128xi32, #tpu.memory_space<vmem>> -> memref<1x1x128xi32, #tpu.memory_space<vmem>>
        %dma_wait3A_233 = tpu.memref_squeeze %dma_wait3A_232 : memref<1x1x128xi32, #tpu.memory_space<vmem>> -> memref<128xi32, #tpu.memory_space<vmem>>
        %dma_wait3A_234 = arith.constant 0 : i32
        %dma_wait3A_235 = tpu.memref_slice %arg3[%dma_wait3A, %add3A_227, %dma_wait3A_234] : memref<2x2500x128xi32, #tpu.memory_space<hbm>> -> memref<1x1x128xi32, #tpu.memory_space<hbm>>
        %dma_wait3A_236 = tpu.memref_squeeze %dma_wait3A_235 : memref<1x1x128xi32, #tpu.memory_space<hbm>> -> memref<128xi32, #tpu.memory_space<hbm>>
        %dma_wait3A_237 = tpu.memref_slice %arg9[%dma_wait3A_230] : memref<6x!tpu.dma_semaphore, #tpu.memory_space<semaphore_mem>> -> memref<1x!tpu.dma_semaphore, #tpu.memory_space<semaphore_mem>>
        %dma_wait3A_238 = tpu.memref_squeeze %dma_wait3A_237 : memref<1x!tpu.dma_semaphore, #tpu.memory_space<semaphore_mem>> -> memref<!tpu.dma_semaphore, #tpu.memory_space<semaphore_mem>>
        %dma_wait3A_239 = arith.constant 0 : i32
        %dma_wait3A_240 = tpu.memref_slice %arg6[%dma_wait3A_228, %dma_wait3A_229, %dma_wait3A_239] : memref<6x2x128xi32, #tpu.memory_space<vmem>> -> memref<1x1x128xi32, #tpu.memory_space<vmem>>
        %dma_wait3A_241 = tpu.memref_squeeze %dma_wait3A_240 : memref<1x1x128xi32, #tpu.memory_space<vmem>> -> memref<128xi32, #tpu.memory_space<vmem>>
        %dma_wait3A_242 = arith.constant 0 : i32
        %dma_wait3A_243 = tpu.memref_slice %arg3[%dma_wait3A, %add3A_227, %dma_wait3A_242] : memref<2x2500x128xi32, #tpu.memory_space<hbm>> -> memref<1x1x128xi32, #tpu.memory_space<hbm>>
        %dma_wait3A_244 = tpu.memref_squeeze %dma_wait3A_243 : memref<1x1x128xi32, #tpu.memory_space<hbm>> -> memref<128xi32, #tpu.memory_space<hbm>>
        tpu.wait_dma2 semaphore(%dma_wait3A_238 : memref<!tpu.dma_semaphore, #tpu.memory_space<semaphore_mem>>) src(%dma_wait3A_244 : memref<128xi32, #tpu.memory_space<hbm>>) dst(%dma_wait3A_241 : memref<128xi32, #tpu.memory_space<vmem>>)
        %add3A_245 = arith.addi %mul3A_2, %add3A_226 : i32
        %dma_wait3A_246 = arith.constant 1 : i32
        %dma_wait3A_247 = arith.constant 2 : i32
        %dma_wait3A_248 = arith.constant 1 : i32
        %dma_wait3A_249 = arith.constant 2 : i32
        %dma_wait3A_250 = arith.constant 0 : i32
        %dma_wait3A_251 = tpu.memref_slice %arg6[%dma_wait3A_247, %dma_wait3A_248, %dma_wait3A_250] : memref<6x2x128xi32, #tpu.memory_space<vmem>> -> memref<1x1x128xi32, #tpu.memory_space<vmem>>
        %dma_wait3A_252 = tpu.memref_squeeze %dma_wait3A_251 : memref<1x1x128xi32, #tpu.memory_space<vmem>> -> memref<128xi32, #tpu.memory_space<vmem>>
        %dma_wait3A_253 = arith.constant 0 : i32
        %dma_wait3A_254 = tpu.memref_slice %arg3[%dma_wait3A_246, %add3A_245, %dma_wait3A_253] : memref<2x2500x128xi32, #tpu.memory_space<hbm>> -> memref<1x1x128xi32, #tpu.memory_space<hbm>>
        %dma_wait3A_255 = tpu.memref_squeeze %dma_wait3A_254 : memref<1x1x128xi32, #tpu.memory_space<hbm>> -> memref<128xi32, #tpu.memory_space<hbm>>
        %dma_wait3A_256 = tpu.memref_slice %arg10[%dma_wait3A_249] : memref<6x!tpu.dma_semaphore, #tpu.memory_space<semaphore_mem>> -> memref<1x!tpu.dma_semaphore, #tpu.memory_space<semaphore_mem>>
        %dma_wait3A_257 = tpu.memref_squeeze %dma_wait3A_256 : memref<1x!tpu.dma_semaphore, #tpu.memory_space<semaphore_mem>> -> memref<!tpu.dma_semaphore, #tpu.memory_space<semaphore_mem>>
        %dma_wait3A_258 = arith.constant 0 : i32
        %dma_wait3A_259 = tpu.memref_slice %arg6[%dma_wait3A_247, %dma_wait3A_248, %dma_wait3A_258] : memref<6x2x128xi32, #tpu.memory_space<vmem>> -> memref<1x1x128xi32, #tpu.memory_space<vmem>>
        %dma_wait3A_260 = tpu.memref_squeeze %dma_wait3A_259 : memref<1x1x128xi32, #tpu.memory_space<vmem>> -> memref<128xi32, #tpu.memory_space<vmem>>
        %dma_wait3A_261 = arith.constant 0 : i32
        %dma_wait3A_262 = tpu.memref_slice %arg3[%dma_wait3A_246, %add3A_245, %dma_wait3A_261] : memref<2x2500x128xi32, #tpu.memory_space<hbm>> -> memref<1x1x128xi32, #tpu.memory_space<hbm>>
        %dma_wait3A_263 = tpu.memref_squeeze %dma_wait3A_262 : memref<1x1x128xi32, #tpu.memory_space<hbm>> -> memref<128xi32, #tpu.memory_space<hbm>>
        tpu.wait_dma2 semaphore(%dma_wait3A_257 : memref<!tpu.dma_semaphore, #tpu.memory_space<semaphore_mem>>) src(%dma_wait3A_263 : memref<128xi32, #tpu.memory_space<hbm>>) dst(%dma_wait3A_260 : memref<128xi32, #tpu.memory_space<vmem>>)
        %dma_start3A = arith.constant 2 : i32
        %dma_start3A_264 = arith.constant 0 : i32
        %dma_start3A_265 = arith.constant 2 : i32
        %dma_start3A_266 = arith.constant 2 : i32
        %dma_start3A_267 = arith.constant 0 : i32
        %dma_start3A_268 = arith.constant 0 : i32
        %dma_start3A_269 = tpu.memref_slice %arg7[%dma_start3A_265, %dma_start3A_267, %dma_start3A_268] : memref<3x128x128xf32, #tpu.memory_space<vmem>> -> memref<1x128x128xf32, #tpu.memory_space<vmem>>
        %dma_start3A_270 = tpu.memref_squeeze %dma_start3A_269 : memref<1x128x128xf32, #tpu.memory_space<vmem>> -> memref<128x128xf32, #tpu.memory_space<vmem>>
        %dma_start3A_271 = arith.constant 0 : i32
        %dma_start3A_272 = tpu.memref_slice %arg6[%dma_start3A, %dma_start3A_264, %dma_start3A_271] : memref<6x2x128xi32, #tpu.memory_space<vmem>> -> memref<1x1x128xi32, #tpu.memory_space<vmem>>
        %dma_start3A_273 = tpu.memref_squeeze %dma_start3A_272 : memref<1x1x128xi32, #tpu.memory_space<vmem>> -> memref<128xi32, #tpu.memory_space<vmem>>
        %dma_start3A_274 = arith.constant 0 : i32
        %dma_start3A_275 = arith.constant 0 : i32
        %dma_start3A_276 = tpu.memref_slice %arg2[%dma_start3A_274, %dma_start3A_275] : memref<10000x128xf32, #tpu.memory_space<hbm>> -> memref<10000x128xf32, #tpu.memory_space<hbm>>
        %dma_start3A_277 = tpu.memref_slice %arg11[%dma_start3A_266] : memref<3x!tpu.dma_semaphore, #tpu.memory_space<semaphore_mem>> -> memref<1x!tpu.dma_semaphore, #tpu.memory_space<semaphore_mem>>
        %dma_start3A_278 = tpu.memref_squeeze %dma_start3A_277 : memref<1x!tpu.dma_semaphore, #tpu.memory_space<semaphore_mem>> -> memref<!tpu.dma_semaphore, #tpu.memory_space<semaphore_mem>>
        tpu.enqueue_indirect_dma source(%dma_start3A_276 : memref<10000x128xf32, #tpu.memory_space<hbm>>) target(%dma_start3A_270 : memref<128x128xf32, #tpu.memory_space<vmem>>) offsets(%dma_start3A_273 : memref<128xi32, #tpu.memory_space<vmem>>) semaphore(%dma_start3A_278 : memref<!tpu.dma_semaphore, #tpu.memory_space<semaphore_mem>>)
      } else {
      }
      %add3A_84 = arith.constant 5 : i32
      %add3A_85 = arith.addi %add3A_66, %add3A_84 : i32
      %lt3A_86 = arith.cmpi slt, %add3A_85, %min3A_4 : i32
      %convert_element_type3A_87 = arith.extui %lt3A_86 : i1 to i32
      %cond3A_88 = arith.constant 0 : i32
      %cond3A_89 = arith.cmpi ne, %convert_element_type3A_87, %cond3A_88 : i32
      scf.if %cond3A_89 {
        %add3A_225 = arith.constant 5 : i32
        %add3A_226 = arith.addi %add3A_66, %add3A_225 : i32
        %add3A_227 = arith.addi %mul3A_2, %add3A_226 : i32
        %dma_start3A = arith.constant 0 : i32
        %dma_start3A_228 = arith.constant 5 : i32
        %dma_start3A_229 = arith.constant 0 : i32
        %dma_start3A_230 = arith.constant 5 : i32
        %dma_start3A_231 = arith.constant 0 : i32
        %dma_start3A_232 = tpu.memref_slice %arg6[%dma_start3A_228, %dma_start3A_229, %dma_start3A_231] : memref<6x2x128xi32, #tpu.memory_space<vmem>> -> memref<1x1x128xi32, #tpu.memory_space<vmem>>
        %dma_start3A_233 = tpu.memref_squeeze %dma_start3A_232 : memref<1x1x128xi32, #tpu.memory_space<vmem>> -> memref<128xi32, #tpu.memory_space<vmem>>
        %dma_start3A_234 = arith.constant 0 : i32
        %dma_start3A_235 = tpu.memref_slice %arg3[%dma_start3A, %add3A_227, %dma_start3A_234] : memref<2x2500x128xi32, #tpu.memory_space<hbm>> -> memref<1x1x128xi32, #tpu.memory_space<hbm>>
        %dma_start3A_236 = tpu.memref_squeeze %dma_start3A_235 : memref<1x1x128xi32, #tpu.memory_space<hbm>> -> memref<128xi32, #tpu.memory_space<hbm>>
        %dma_start3A_237 = tpu.memref_slice %arg9[%dma_start3A_230] : memref<6x!tpu.dma_semaphore, #tpu.memory_space<semaphore_mem>> -> memref<1x!tpu.dma_semaphore, #tpu.memory_space<semaphore_mem>>
        %dma_start3A_238 = tpu.memref_squeeze %dma_start3A_237 : memref<1x!tpu.dma_semaphore, #tpu.memory_space<semaphore_mem>> -> memref<!tpu.dma_semaphore, #tpu.memory_space<semaphore_mem>>
        %dma_start3A_239 = arith.constant 0 : i32
        %dma_start3A_240 = tpu.memref_slice %arg6[%dma_start3A_228, %dma_start3A_229, %dma_start3A_239] : memref<6x2x128xi32, #tpu.memory_space<vmem>> -> memref<1x1x128xi32, #tpu.memory_space<vmem>>
        %dma_start3A_241 = tpu.memref_squeeze %dma_start3A_240 : memref<1x1x128xi32, #tpu.memory_space<vmem>> -> memref<128xi32, #tpu.memory_space<vmem>>
        %dma_start3A_242 = arith.constant 0 : i32
        %dma_start3A_243 = tpu.memref_slice %arg3[%dma_start3A, %add3A_227, %dma_start3A_242] : memref<2x2500x128xi32, #tpu.memory_space<hbm>> -> memref<1x1x128xi32, #tpu.memory_space<hbm>>
        %dma_start3A_244 = tpu.memref_squeeze %dma_start3A_243 : memref<1x1x128xi32, #tpu.memory_space<hbm>> -> memref<128xi32, #tpu.memory_space<hbm>>
        tpu.enqueue_dma source(%dma_start3A_244 : memref<128xi32, #tpu.memory_space<hbm>>) target(%dma_start3A_241 : memref<128xi32, #tpu.memory_space<vmem>>) target_semaphore(%dma_start3A_238 : memref<!tpu.dma_semaphore, #tpu.memory_space<semaphore_mem>>)
        %add3A_245 = arith.addi %mul3A_2, %add3A_226 : i32
        %dma_start3A_246 = arith.constant 1 : i32
        %dma_start3A_247 = arith.constant 5 : i32
        %dma_start3A_248 = arith.constant 1 : i32
        %dma_start3A_249 = arith.constant 5 : i32
        %dma_start3A_250 = arith.constant 0 : i32
        %dma_start3A_251 = tpu.memref_slice %arg6[%dma_start3A_247, %dma_start3A_248, %dma_start3A_250] : memref<6x2x128xi32, #tpu.memory_space<vmem>> -> memref<1x1x128xi32, #tpu.memory_space<vmem>>
        %dma_start3A_252 = tpu.memref_squeeze %dma_start3A_251 : memref<1x1x128xi32, #tpu.memory_space<vmem>> -> memref<128xi32, #tpu.memory_space<vmem>>
        %dma_start3A_253 = arith.constant 0 : i32
        %dma_start3A_254 = tpu.memref_slice %arg3[%dma_start3A_246, %add3A_245, %dma_start3A_253] : memref<2x2500x128xi32, #tpu.memory_space<hbm>> -> memref<1x1x128xi32, #tpu.memory_space<hbm>>
        %dma_start3A_255 = tpu.memref_squeeze %dma_start3A_254 : memref<1x1x128xi32, #tpu.memory_space<hbm>> -> memref<128xi32, #tpu.memory_space<hbm>>
        %dma_start3A_256 = tpu.memref_slice %arg10[%dma_start3A_249] : memref<6x!tpu.dma_semaphore, #tpu.memory_space<semaphore_mem>> -> memref<1x!tpu.dma_semaphore, #tpu.memory_space<semaphore_mem>>
        %dma_start3A_257 = tpu.memref_squeeze %dma_start3A_256 : memref<1x!tpu.dma_semaphore, #tpu.memory_space<semaphore_mem>> -> memref<!tpu.dma_semaphore, #tpu.memory_space<semaphore_mem>>
        %dma_start3A_258 = arith.constant 0 : i32
        %dma_start3A_259 = tpu.memref_slice %arg6[%dma_start3A_247, %dma_start3A_248, %dma_start3A_258] : memref<6x2x128xi32, #tpu.memory_space<vmem>> -> memref<1x1x128xi32, #tpu.memory_space<vmem>>
        %dma_start3A_260 = tpu.memref_squeeze %dma_start3A_259 : memref<1x1x128xi32, #tpu.memory_space<vmem>> -> memref<128xi32, #tpu.memory_space<vmem>>
        %dma_start3A_261 = arith.constant 0 : i32
        %dma_start3A_262 = tpu.memref_slice %arg3[%dma_start3A_246, %add3A_245, %dma_start3A_261] : memref<2x2500x128xi32, #tpu.memory_space<hbm>> -> memref<1x1x128xi32, #tpu.memory_space<hbm>>
        %dma_start3A_263 = tpu.memref_squeeze %dma_start3A_262 : memref<1x1x128xi32, #tpu.memory_space<hbm>> -> memref<128xi32, #tpu.memory_space<hbm>>
        tpu.enqueue_dma source(%dma_start3A_263 : memref<128xi32, #tpu.memory_space<hbm>>) target(%dma_start3A_260 : memref<128xi32, #tpu.memory_space<vmem>>) target_semaphore(%dma_start3A_257 : memref<!tpu.dma_semaphore, #tpu.memory_space<semaphore_mem>>)
      } else {
      }
      %add3A_90 = arith.constant 1 : i32
      %add3A_91 = arith.addi %add3A_64, %add3A_90 : i32
      %lt3A_92 = arith.cmpi slt, %add3A_91, %min3A_4 : i32
      %convert_element_type3A_93 = arith.extui %lt3A_92 : i1 to i32
      %cond3A_94 = arith.constant 0 : i32
      %cond3A_95 = arith.cmpi ne, %convert_element_type3A_93, %cond3A_94 : i32
      scf.if %cond3A_95 {
        %dma_wait3A = arith.constant 1 : i32
        %dma_wait3A_225 = arith.constant 0 : i32
        %dma_wait3A_226 = arith.constant 1 : i32
        %dma_wait3A_227 = arith.constant 1 : i32
        %dma_wait3A_228 = arith.constant 0 : i32
        %dma_wait3A_229 = arith.constant 0 : i32
        %dma_wait3A_230 = tpu.memref_slice %arg7[%dma_wait3A_226, %dma_wait3A_228, %dma_wait3A_229] : memref<3x128x128xf32, #tpu.memory_space<vmem>> -> memref<1x128x128xf32, #tpu.memory_space<vmem>>
        %dma_wait3A_231 = tpu.memref_squeeze %dma_wait3A_230 : memref<1x128x128xf32, #tpu.memory_space<vmem>> -> memref<128x128xf32, #tpu.memory_space<vmem>>
        %dma_wait3A_232 = arith.constant 0 : i32
        %dma_wait3A_233 = tpu.memref_slice %arg6[%dma_wait3A, %dma_wait3A_225, %dma_wait3A_232] : memref<6x2x128xi32, #tpu.memory_space<vmem>> -> memref<1x1x128xi32, #tpu.memory_space<vmem>>
        %dma_wait3A_234 = tpu.memref_squeeze %dma_wait3A_233 : memref<1x1x128xi32, #tpu.memory_space<vmem>> -> memref<128xi32, #tpu.memory_space<vmem>>
        %dma_wait3A_235 = arith.constant 0 : i32
        %dma_wait3A_236 = arith.constant 0 : i32
        %dma_wait3A_237 = tpu.memref_slice %arg2[%dma_wait3A_235, %dma_wait3A_236] : memref<10000x128xf32, #tpu.memory_space<hbm>> -> memref<10000x128xf32, #tpu.memory_space<hbm>>
        %dma_wait3A_238 = tpu.memref_slice %arg11[%dma_wait3A_227] : memref<3x!tpu.dma_semaphore, #tpu.memory_space<semaphore_mem>> -> memref<1x!tpu.dma_semaphore, #tpu.memory_space<semaphore_mem>>
        %dma_wait3A_239 = tpu.memref_squeeze %dma_wait3A_238 : memref<1x!tpu.dma_semaphore, #tpu.memory_space<semaphore_mem>> -> memref<!tpu.dma_semaphore, #tpu.memory_space<semaphore_mem>>
        tpu.wait_indirect_dma semaphore(%dma_wait3A_239 : memref<!tpu.dma_semaphore, #tpu.memory_space<semaphore_mem>>) src(%dma_wait3A_237 : memref<10000x128xf32, #tpu.memory_space<hbm>>) dst(%dma_wait3A_231 : memref<128x128xf32, #tpu.memory_space<vmem>>)
        %dma_start3A = arith.constant 1 : i32
        %dma_start3A_240 = arith.constant 1 : i32
        %dma_start3A_241 = arith.constant 1 : i32
        %dma_start3A_242 = arith.constant 1 : i32
        %dma_start3A_243 = arith.constant 0 : i32
        %dma_start3A_244 = arith.constant 0 : i32
        %dma_start3A_245 = tpu.memref_slice %arg7[%dma_start3A, %dma_start3A_243, %dma_start3A_244] : memref<3x128x128xf32, #tpu.memory_space<vmem>> -> memref<1x128x128xf32, #tpu.memory_space<vmem>>
        %dma_start3A_246 = tpu.memref_squeeze %dma_start3A_245 : memref<1x128x128xf32, #tpu.memory_space<vmem>> -> memref<128x128xf32, #tpu.memory_space<vmem>>
        %dma_start3A_247 = arith.constant 0 : i32
        %dma_start3A_248 = tpu.memref_slice %arg6[%dma_start3A_240, %dma_start3A_241, %dma_start3A_247] : memref<6x2x128xi32, #tpu.memory_space<vmem>> -> memref<1x1x128xi32, #tpu.memory_space<vmem>>
        %dma_start3A_249 = tpu.memref_squeeze %dma_start3A_248 : memref<1x1x128xi32, #tpu.memory_space<vmem>> -> memref<128xi32, #tpu.memory_space<vmem>>
        %dma_start3A_250 = arith.constant 0 : i32
        %dma_start3A_251 = arith.constant 0 : i32
        %dma_start3A_252 = tpu.memref_slice %arg8[%dma_start3A_250, %dma_start3A_251] : memref<10000x128xf32, #tpu.memory_space<vmem_shared>> -> memref<10000x128xf32, #tpu.memory_space<vmem_shared>>
        %dma_start3A_253 = tpu.memref_slice %arg12[%dma_start3A_242] : memref<3x!tpu.dma_semaphore, #tpu.memory_space<semaphore_mem>> -> memref<1x!tpu.dma_semaphore, #tpu.memory_space<semaphore_mem>>
        %dma_start3A_254 = tpu.memref_squeeze %dma_start3A_253 : memref<1x!tpu.dma_semaphore, #tpu.memory_space<semaphore_mem>> -> memref<!tpu.dma_semaphore, #tpu.memory_space<semaphore_mem>>
        tpu.enqueue_indirect_dma source(%dma_start3A_246 : memref<128x128xf32, #tpu.memory_space<vmem>>) target(%dma_start3A_252 : memref<10000x128xf32, #tpu.memory_space<vmem_shared>>) offsets(%dma_start3A_249 : memref<128xi32, #tpu.memory_space<vmem>>) semaphore(%dma_start3A_254 : memref<!tpu.dma_semaphore, #tpu.memory_space<semaphore_mem>>) {add = true}
      } else {
      }
      %ge3A_96 = arith.constant 1 : i32
      %ge3A_97 = arith.cmpi sge, %add3A_91, %ge3A_96 : i32
      %sub3A_98 = arith.constant 1 : i32
      %sub3A_99 = arith.subi %add3A_91, %sub3A_98 : i32
      %lt3A_100 = arith.cmpi slt, %sub3A_99, %min3A_4 : i32
      %and3A_101 = arith.andi %ge3A_97, %lt3A_100 : i1
      %convert_element_type3A_102 = arith.extui %and3A_101 : i1 to i32
      %cond3A_103 = arith.constant 0 : i32
      %cond3A_104 = arith.cmpi ne, %convert_element_type3A_102, %cond3A_103 : i32
      scf.if %cond3A_104 {
        %dma_wait3A = arith.constant 0 : i32
        %dma_wait3A_225 = arith.constant 0 : i32
        %dma_wait3A_226 = arith.constant 1 : i32
        %dma_wait3A_227 = arith.constant 0 : i32
        %dma_wait3A_228 = arith.constant 0 : i32
        %dma_wait3A_229 = arith.constant 0 : i32
        %dma_wait3A_230 = tpu.memref_slice %arg7[%dma_wait3A, %dma_wait3A_228, %dma_wait3A_229] : memref<3x128x128xf32, #tpu.memory_space<vmem>> -> memref<1x128x128xf32, #tpu.memory_space<vmem>>
        %dma_wait3A_231 = tpu.memref_squeeze %dma_wait3A_230 : memref<1x128x128xf32, #tpu.memory_space<vmem>> -> memref<128x128xf32, #tpu.memory_space<vmem>>
        %dma_wait3A_232 = arith.constant 0 : i32
        %dma_wait3A_233 = tpu.memref_slice %arg6[%dma_wait3A_225, %dma_wait3A_226, %dma_wait3A_232] : memref<6x2x128xi32, #tpu.memory_space<vmem>> -> memref<1x1x128xi32, #tpu.memory_space<vmem>>
        %dma_wait3A_234 = tpu.memref_squeeze %dma_wait3A_233 : memref<1x1x128xi32, #tpu.memory_space<vmem>> -> memref<128xi32, #tpu.memory_space<vmem>>
        %dma_wait3A_235 = arith.constant 0 : i32
        %dma_wait3A_236 = arith.constant 0 : i32
        %dma_wait3A_237 = tpu.memref_slice %arg8[%dma_wait3A_235, %dma_wait3A_236] : memref<10000x128xf32, #tpu.memory_space<vmem_shared>> -> memref<10000x128xf32, #tpu.memory_space<vmem_shared>>
        %dma_wait3A_238 = tpu.memref_slice %arg12[%dma_wait3A_227] : memref<3x!tpu.dma_semaphore, #tpu.memory_space<semaphore_mem>> -> memref<1x!tpu.dma_semaphore, #tpu.memory_space<semaphore_mem>>
        %dma_wait3A_239 = tpu.memref_squeeze %dma_wait3A_238 : memref<1x!tpu.dma_semaphore, #tpu.memory_space<semaphore_mem>> -> memref<!tpu.dma_semaphore, #tpu.memory_space<semaphore_mem>>
        tpu.wait_indirect_dma semaphore(%dma_wait3A_239 : memref<!tpu.dma_semaphore, #tpu.memory_space<semaphore_mem>>) src(%dma_wait3A_231 : memref<128x128xf32, #tpu.memory_space<vmem>>) dst(%dma_wait3A_237 : memref<10000x128xf32, #tpu.memory_space<vmem_shared>>)
      } else {
      }
      %add3A_105 = arith.constant 2 : i32
      %add3A_106 = arith.addi %add3A_91, %add3A_105 : i32
      %lt3A_107 = arith.cmpi slt, %add3A_106, %min3A_4 : i32
      %convert_element_type3A_108 = arith.extui %lt3A_107 : i1 to i32
      %cond3A_109 = arith.constant 0 : i32
      %cond3A_110 = arith.cmpi ne, %convert_element_type3A_108, %cond3A_109 : i32
      scf.if %cond3A_110 {
        %add3A_225 = arith.constant 2 : i32
        %add3A_226 = arith.addi %add3A_91, %add3A_225 : i32
        %add3A_227 = arith.addi %mul3A_2, %add3A_226 : i32
        %dma_wait3A = arith.constant 0 : i32
        %dma_wait3A_228 = arith.constant 3 : i32
        %dma_wait3A_229 = arith.constant 0 : i32
        %dma_wait3A_230 = arith.constant 3 : i32
        %dma_wait3A_231 = arith.constant 0 : i32
        %dma_wait3A_232 = tpu.memref_slice %arg6[%dma_wait3A_228, %dma_wait3A_229, %dma_wait3A_231] : memref<6x2x128xi32, #tpu.memory_space<vmem>> -> memref<1x1x128xi32, #tpu.memory_space<vmem>>
        %dma_wait3A_233 = tpu.memref_squeeze %dma_wait3A_232 : memref<1x1x128xi32, #tpu.memory_space<vmem>> -> memref<128xi32, #tpu.memory_space<vmem>>
        %dma_wait3A_234 = arith.constant 0 : i32
        %dma_wait3A_235 = tpu.memref_slice %arg3[%dma_wait3A, %add3A_227, %dma_wait3A_234] : memref<2x2500x128xi32, #tpu.memory_space<hbm>> -> memref<1x1x128xi32, #tpu.memory_space<hbm>>
        %dma_wait3A_236 = tpu.memref_squeeze %dma_wait3A_235 : memref<1x1x128xi32, #tpu.memory_space<hbm>> -> memref<128xi32, #tpu.memory_space<hbm>>
        %dma_wait3A_237 = tpu.memref_slice %arg9[%dma_wait3A_230] : memref<6x!tpu.dma_semaphore, #tpu.memory_space<semaphore_mem>> -> memref<1x!tpu.dma_semaphore, #tpu.memory_space<semaphore_mem>>
        %dma_wait3A_238 = tpu.memref_squeeze %dma_wait3A_237 : memref<1x!tpu.dma_semaphore, #tpu.memory_space<semaphore_mem>> -> memref<!tpu.dma_semaphore, #tpu.memory_space<semaphore_mem>>
        %dma_wait3A_239 = arith.constant 0 : i32
        %dma_wait3A_240 = tpu.memref_slice %arg6[%dma_wait3A_228, %dma_wait3A_229, %dma_wait3A_239] : memref<6x2x128xi32, #tpu.memory_space<vmem>> -> memref<1x1x128xi32, #tpu.memory_space<vmem>>
        %dma_wait3A_241 = tpu.memref_squeeze %dma_wait3A_240 : memref<1x1x128xi32, #tpu.memory_space<vmem>> -> memref<128xi32, #tpu.memory_space<vmem>>
        %dma_wait3A_242 = arith.constant 0 : i32
        %dma_wait3A_243 = tpu.memref_slice %arg3[%dma_wait3A, %add3A_227, %dma_wait3A_242] : memref<2x2500x128xi32, #tpu.memory_space<hbm>> -> memref<1x1x128xi32, #tpu.memory_space<hbm>>
        %dma_wait3A_244 = tpu.memref_squeeze %dma_wait3A_243 : memref<1x1x128xi32, #tpu.memory_space<hbm>> -> memref<128xi32, #tpu.memory_space<hbm>>
        tpu.wait_dma2 semaphore(%dma_wait3A_238 : memref<!tpu.dma_semaphore, #tpu.memory_space<semaphore_mem>>) src(%dma_wait3A_244 : memref<128xi32, #tpu.memory_space<hbm>>) dst(%dma_wait3A_241 : memref<128xi32, #tpu.memory_space<vmem>>)
        %add3A_245 = arith.addi %mul3A_2, %add3A_226 : i32
        %dma_wait3A_246 = arith.constant 1 : i32
        %dma_wait3A_247 = arith.constant 3 : i32
        %dma_wait3A_248 = arith.constant 1 : i32
        %dma_wait3A_249 = arith.constant 3 : i32
        %dma_wait3A_250 = arith.constant 0 : i32
        %dma_wait3A_251 = tpu.memref_slice %arg6[%dma_wait3A_247, %dma_wait3A_248, %dma_wait3A_250] : memref<6x2x128xi32, #tpu.memory_space<vmem>> -> memref<1x1x128xi32, #tpu.memory_space<vmem>>
        %dma_wait3A_252 = tpu.memref_squeeze %dma_wait3A_251 : memref<1x1x128xi32, #tpu.memory_space<vmem>> -> memref<128xi32, #tpu.memory_space<vmem>>
        %dma_wait3A_253 = arith.constant 0 : i32
        %dma_wait3A_254 = tpu.memref_slice %arg3[%dma_wait3A_246, %add3A_245, %dma_wait3A_253] : memref<2x2500x128xi32, #tpu.memory_space<hbm>> -> memref<1x1x128xi32, #tpu.memory_space<hbm>>
        %dma_wait3A_255 = tpu.memref_squeeze %dma_wait3A_254 : memref<1x1x128xi32, #tpu.memory_space<hbm>> -> memref<128xi32, #tpu.memory_space<hbm>>
        %dma_wait3A_256 = tpu.memref_slice %arg10[%dma_wait3A_249] : memref<6x!tpu.dma_semaphore, #tpu.memory_space<semaphore_mem>> -> memref<1x!tpu.dma_semaphore, #tpu.memory_space<semaphore_mem>>
        %dma_wait3A_257 = tpu.memref_squeeze %dma_wait3A_256 : memref<1x!tpu.dma_semaphore, #tpu.memory_space<semaphore_mem>> -> memref<!tpu.dma_semaphore, #tpu.memory_space<semaphore_mem>>
        %dma_wait3A_258 = arith.constant 0 : i32
        %dma_wait3A_259 = tpu.memref_slice %arg6[%dma_wait3A_247, %dma_wait3A_248, %dma_wait3A_258] : memref<6x2x128xi32, #tpu.memory_space<vmem>> -> memref<1x1x128xi32, #tpu.memory_space<vmem>>
        %dma_wait3A_260 = tpu.memref_squeeze %dma_wait3A_259 : memref<1x1x128xi32, #tpu.memory_space<vmem>> -> memref<128xi32, #tpu.memory_space<vmem>>
        %dma_wait3A_261 = arith.constant 0 : i32
        %dma_wait3A_262 = tpu.memref_slice %arg3[%dma_wait3A_246, %add3A_245, %dma_wait3A_261] : memref<2x2500x128xi32, #tpu.memory_space<hbm>> -> memref<1x1x128xi32, #tpu.memory_space<hbm>>
        %dma_wait3A_263 = tpu.memref_squeeze %dma_wait3A_262 : memref<1x1x128xi32, #tpu.memory_space<hbm>> -> memref<128xi32, #tpu.memory_space<hbm>>
        tpu.wait_dma2 semaphore(%dma_wait3A_257 : memref<!tpu.dma_semaphore, #tpu.memory_space<semaphore_mem>>) src(%dma_wait3A_263 : memref<128xi32, #tpu.memory_space<hbm>>) dst(%dma_wait3A_260 : memref<128xi32, #tpu.memory_space<vmem>>)
        %dma_start3A = arith.constant 3 : i32
        %dma_start3A_264 = arith.constant 0 : i32
        %dma_start3A_265 = arith.constant 0 : i32
        %dma_start3A_266 = arith.constant 0 : i32
        %dma_start3A_267 = arith.constant 0 : i32
        %dma_start3A_268 = arith.constant 0 : i32
        %dma_start3A_269 = tpu.memref_slice %arg7[%dma_start3A_265, %dma_start3A_267, %dma_start3A_268] : memref<3x128x128xf32, #tpu.memory_space<vmem>> -> memref<1x128x128xf32, #tpu.memory_space<vmem>>
        %dma_start3A_270 = tpu.memref_squeeze %dma_start3A_269 : memref<1x128x128xf32, #tpu.memory_space<vmem>> -> memref<128x128xf32, #tpu.memory_space<vmem>>
        %dma_start3A_271 = arith.constant 0 : i32
        %dma_start3A_272 = tpu.memref_slice %arg6[%dma_start3A, %dma_start3A_264, %dma_start3A_271] : memref<6x2x128xi32, #tpu.memory_space<vmem>> -> memref<1x1x128xi32, #tpu.memory_space<vmem>>
        %dma_start3A_273 = tpu.memref_squeeze %dma_start3A_272 : memref<1x1x128xi32, #tpu.memory_space<vmem>> -> memref<128xi32, #tpu.memory_space<vmem>>
        %dma_start3A_274 = arith.constant 0 : i32
        %dma_start3A_275 = arith.constant 0 : i32
        %dma_start3A_276 = tpu.memref_slice %arg2[%dma_start3A_274, %dma_start3A_275] : memref<10000x128xf32, #tpu.memory_space<hbm>> -> memref<10000x128xf32, #tpu.memory_space<hbm>>
        %dma_start3A_277 = tpu.memref_slice %arg11[%dma_start3A_266] : memref<3x!tpu.dma_semaphore, #tpu.memory_space<semaphore_mem>> -> memref<1x!tpu.dma_semaphore, #tpu.memory_space<semaphore_mem>>
        %dma_start3A_278 = tpu.memref_squeeze %dma_start3A_277 : memref<1x!tpu.dma_semaphore, #tpu.memory_space<semaphore_mem>> -> memref<!tpu.dma_semaphore, #tpu.memory_space<semaphore_mem>>
        tpu.enqueue_indirect_dma source(%dma_start3A_276 : memref<10000x128xf32, #tpu.memory_space<hbm>>) target(%dma_start3A_270 : memref<128x128xf32, #tpu.memory_space<vmem>>) offsets(%dma_start3A_273 : memref<128xi32, #tpu.memory_space<vmem>>) semaphore(%dma_start3A_278 : memref<!tpu.dma_semaphore, #tpu.memory_space<semaphore_mem>>)
      } else {
      }
      %add3A_111 = arith.constant 5 : i32
      %add3A_112 = arith.addi %add3A_91, %add3A_111 : i32
      %lt3A_113 = arith.cmpi slt, %add3A_112, %min3A_4 : i32
      %convert_element_type3A_114 = arith.extui %lt3A_113 : i1 to i32
      %cond3A_115 = arith.constant 0 : i32
      %cond3A_116 = arith.cmpi ne, %convert_element_type3A_114, %cond3A_115 : i32
      scf.if %cond3A_116 {
        %add3A_225 = arith.constant 5 : i32
        %add3A_226 = arith.addi %add3A_91, %add3A_225 : i32
        %add3A_227 = arith.addi %mul3A_2, %add3A_226 : i32
        %dma_start3A = arith.constant 0 : i32
        %dma_start3A_228 = arith.constant 0 : i32
        %dma_start3A_229 = arith.constant 0 : i32
        %dma_start3A_230 = arith.constant 0 : i32
        %dma_start3A_231 = arith.constant 0 : i32
        %dma_start3A_232 = tpu.memref_slice %arg6[%dma_start3A_228, %dma_start3A_229, %dma_start3A_231] : memref<6x2x128xi32, #tpu.memory_space<vmem>> -> memref<1x1x128xi32, #tpu.memory_space<vmem>>
        %dma_start3A_233 = tpu.memref_squeeze %dma_start3A_232 : memref<1x1x128xi32, #tpu.memory_space<vmem>> -> memref<128xi32, #tpu.memory_space<vmem>>
        %dma_start3A_234 = arith.constant 0 : i32
        %dma_start3A_235 = tpu.memref_slice %arg3[%dma_start3A, %add3A_227, %dma_start3A_234] : memref<2x2500x128xi32, #tpu.memory_space<hbm>> -> memref<1x1x128xi32, #tpu.memory_space<hbm>>
        %dma_start3A_236 = tpu.memref_squeeze %dma_start3A_235 : memref<1x1x128xi32, #tpu.memory_space<hbm>> -> memref<128xi32, #tpu.memory_space<hbm>>
        %dma_start3A_237 = tpu.memref_slice %arg9[%dma_start3A_230] : memref<6x!tpu.dma_semaphore, #tpu.memory_space<semaphore_mem>> -> memref<1x!tpu.dma_semaphore, #tpu.memory_space<semaphore_mem>>
        %dma_start3A_238 = tpu.memref_squeeze %dma_start3A_237 : memref<1x!tpu.dma_semaphore, #tpu.memory_space<semaphore_mem>> -> memref<!tpu.dma_semaphore, #tpu.memory_space<semaphore_mem>>
        %dma_start3A_239 = arith.constant 0 : i32
        %dma_start3A_240 = tpu.memref_slice %arg6[%dma_start3A_228, %dma_start3A_229, %dma_start3A_239] : memref<6x2x128xi32, #tpu.memory_space<vmem>> -> memref<1x1x128xi32, #tpu.memory_space<vmem>>
        %dma_start3A_241 = tpu.memref_squeeze %dma_start3A_240 : memref<1x1x128xi32, #tpu.memory_space<vmem>> -> memref<128xi32, #tpu.memory_space<vmem>>
        %dma_start3A_242 = arith.constant 0 : i32
        %dma_start3A_243 = tpu.memref_slice %arg3[%dma_start3A, %add3A_227, %dma_start3A_242] : memref<2x2500x128xi32, #tpu.memory_space<hbm>> -> memref<1x1x128xi32, #tpu.memory_space<hbm>>
        %dma_start3A_244 = tpu.memref_squeeze %dma_start3A_243 : memref<1x1x128xi32, #tpu.memory_space<hbm>> -> memref<128xi32, #tpu.memory_space<hbm>>
        tpu.enqueue_dma source(%dma_start3A_244 : memref<128xi32, #tpu.memory_space<hbm>>) target(%dma_start3A_241 : memref<128xi32, #tpu.memory_space<vmem>>) target_semaphore(%dma_start3A_238 : memref<!tpu.dma_semaphore, #tpu.memory_space<semaphore_mem>>)
        %add3A_245 = arith.addi %mul3A_2, %add3A_226 : i32
        %dma_start3A_246 = arith.constant 1 : i32
        %dma_start3A_247 = arith.constant 0 : i32
        %dma_start3A_248 = arith.constant 1 : i32
        %dma_start3A_249 = arith.constant 0 : i32
        %dma_start3A_250 = arith.constant 0 : i32
        %dma_start3A_251 = tpu.memref_slice %arg6[%dma_start3A_247, %dma_start3A_248, %dma_start3A_250] : memref<6x2x128xi32, #tpu.memory_space<vmem>> -> memref<1x1x128xi32, #tpu.memory_space<vmem>>
        %dma_start3A_252 = tpu.memref_squeeze %dma_start3A_251 : memref<1x1x128xi32, #tpu.memory_space<vmem>> -> memref<128xi32, #tpu.memory_space<vmem>>
        %dma_start3A_253 = arith.constant 0 : i32
        %dma_start3A_254 = tpu.memref_slice %arg3[%dma_start3A_246, %add3A_245, %dma_start3A_253] : memref<2x2500x128xi32, #tpu.memory_space<hbm>> -> memref<1x1x128xi32, #tpu.memory_space<hbm>>
        %dma_start3A_255 = tpu.memref_squeeze %dma_start3A_254 : memref<1x1x128xi32, #tpu.memory_space<hbm>> -> memref<128xi32, #tpu.memory_space<hbm>>
        %dma_start3A_256 = tpu.memref_slice %arg10[%dma_start3A_249] : memref<6x!tpu.dma_semaphore, #tpu.memory_space<semaphore_mem>> -> memref<1x!tpu.dma_semaphore, #tpu.memory_space<semaphore_mem>>
        %dma_start3A_257 = tpu.memref_squeeze %dma_start3A_256 : memref<1x!tpu.dma_semaphore, #tpu.memory_space<semaphore_mem>> -> memref<!tpu.dma_semaphore, #tpu.memory_space<semaphore_mem>>
        %dma_start3A_258 = arith.constant 0 : i32
        %dma_start3A_259 = tpu.memref_slice %arg6[%dma_start3A_247, %dma_start3A_248, %dma_start3A_258] : memref<6x2x128xi32, #tpu.memory_space<vmem>> -> memref<1x1x128xi32, #tpu.memory_space<vmem>>
        %dma_start3A_260 = tpu.memref_squeeze %dma_start3A_259 : memref<1x1x128xi32, #tpu.memory_space<vmem>> -> memref<128xi32, #tpu.memory_space<vmem>>
        %dma_start3A_261 = arith.constant 0 : i32
        %dma_start3A_262 = tpu.memref_slice %arg3[%dma_start3A_246, %add3A_245, %dma_start3A_261] : memref<2x2500x128xi32, #tpu.memory_space<hbm>> -> memref<1x1x128xi32, #tpu.memory_space<hbm>>
        %dma_start3A_263 = tpu.memref_squeeze %dma_start3A_262 : memref<1x1x128xi32, #tpu.memory_space<hbm>> -> memref<128xi32, #tpu.memory_space<hbm>>
        tpu.enqueue_dma source(%dma_start3A_263 : memref<128xi32, #tpu.memory_space<hbm>>) target(%dma_start3A_260 : memref<128xi32, #tpu.memory_space<vmem>>) target_semaphore(%dma_start3A_257 : memref<!tpu.dma_semaphore, #tpu.memory_space<semaphore_mem>>)
      } else {
      }
      %add3A_117 = arith.constant 2 : i32
      %add3A_118 = arith.addi %add3A_64, %add3A_117 : i32
      %lt3A_119 = arith.cmpi slt, %add3A_118, %min3A_4 : i32
      %convert_element_type3A_120 = arith.extui %lt3A_119 : i1 to i32
      %cond3A_121 = arith.constant 0 : i32
      %cond3A_122 = arith.cmpi ne, %convert_element_type3A_120, %cond3A_121 : i32
      scf.if %cond3A_122 {
        %dma_wait3A = arith.constant 2 : i32
        %dma_wait3A_225 = arith.constant 0 : i32
        %dma_wait3A_226 = arith.constant 2 : i32
        %dma_wait3A_227 = arith.constant 2 : i32
        %dma_wait3A_228 = arith.constant 0 : i32
        %dma_wait3A_229 = arith.constant 0 : i32
        %dma_wait3A_230 = tpu.memref_slice %arg7[%dma_wait3A_226, %dma_wait3A_228, %dma_wait3A_229] : memref<3x128x128xf32, #tpu.memory_space<vmem>> -> memref<1x128x128xf32, #tpu.memory_space<vmem>>
        %dma_wait3A_231 = tpu.memref_squeeze %dma_wait3A_230 : memref<1x128x128xf32, #tpu.memory_space<vmem>> -> memref<128x128xf32, #tpu.memory_space<vmem>>
        %dma_wait3A_232 = arith.constant 0 : i32
        %dma_wait3A_233 = tpu.memref_slice %arg6[%dma_wait3A, %dma_wait3A_225, %dma_wait3A_232] : memref<6x2x128xi32, #tpu.memory_space<vmem>> -> memref<1x1x128xi32, #tpu.memory_space<vmem>>
        %dma_wait3A_234 = tpu.memref_squeeze %dma_wait3A_233 : memref<1x1x128xi32, #tpu.memory_space<vmem>> -> memref<128xi32, #tpu.memory_space<vmem>>
        %dma_wait3A_235 = arith.constant 0 : i32
        %dma_wait3A_236 = arith.constant 0 : i32
        %dma_wait3A_237 = tpu.memref_slice %arg2[%dma_wait3A_235, %dma_wait3A_236] : memref<10000x128xf32, #tpu.memory_space<hbm>> -> memref<10000x128xf32, #tpu.memory_space<hbm>>
        %dma_wait3A_238 = tpu.memref_slice %arg11[%dma_wait3A_227] : memref<3x!tpu.dma_semaphore, #tpu.memory_space<semaphore_mem>> -> memref<1x!tpu.dma_semaphore, #tpu.memory_space<semaphore_mem>>
        %dma_wait3A_239 = tpu.memref_squeeze %dma_wait3A_238 : memref<1x!tpu.dma_semaphore, #tpu.memory_space<semaphore_mem>> -> memref<!tpu.dma_semaphore, #tpu.memory_space<semaphore_mem>>
        tpu.wait_indirect_dma semaphore(%dma_wait3A_239 : memref<!tpu.dma_semaphore, #tpu.memory_space<semaphore_mem>>) src(%dma_wait3A_237 : memref<10000x128xf32, #tpu.memory_space<hbm>>) dst(%dma_wait3A_231 : memref<128x128xf32, #tpu.memory_space<vmem>>)
        %dma_start3A = arith.constant 2 : i32
        %dma_start3A_240 = arith.constant 2 : i32
        %dma_start3A_241 = arith.constant 1 : i32
        %dma_start3A_242 = arith.constant 2 : i32
        %dma_start3A_243 = arith.constant 0 : i32
        %dma_start3A_244 = arith.constant 0 : i32
        %dma_start3A_245 = tpu.memref_slice %arg7[%dma_start3A, %dma_start3A_243, %dma_start3A_244] : memref<3x128x128xf32, #tpu.memory_space<vmem>> -> memref<1x128x128xf32, #tpu.memory_space<vmem>>
        %dma_start3A_246 = tpu.memref_squeeze %dma_start3A_245 : memref<1x128x128xf32, #tpu.memory_space<vmem>> -> memref<128x128xf32, #tpu.memory_space<vmem>>
        %dma_start3A_247 = arith.constant 0 : i32
        %dma_start3A_248 = tpu.memref_slice %arg6[%dma_start3A_240, %dma_start3A_241, %dma_start3A_247] : memref<6x2x128xi32, #tpu.memory_space<vmem>> -> memref<1x1x128xi32, #tpu.memory_space<vmem>>
        %dma_start3A_249 = tpu.memref_squeeze %dma_start3A_248 : memref<1x1x128xi32, #tpu.memory_space<vmem>> -> memref<128xi32, #tpu.memory_space<vmem>>
        %dma_start3A_250 = arith.constant 0 : i32
        %dma_start3A_251 = arith.constant 0 : i32
        %dma_start3A_252 = tpu.memref_slice %arg8[%dma_start3A_250, %dma_start3A_251] : memref<10000x128xf32, #tpu.memory_space<vmem_shared>> -> memref<10000x128xf32, #tpu.memory_space<vmem_shared>>
        %dma_start3A_253 = tpu.memref_slice %arg12[%dma_start3A_242] : memref<3x!tpu.dma_semaphore, #tpu.memory_space<semaphore_mem>> -> memref<1x!tpu.dma_semaphore, #tpu.memory_space<semaphore_mem>>
        %dma_start3A_254 = tpu.memref_squeeze %dma_start3A_253 : memref<1x!tpu.dma_semaphore, #tpu.memory_space<semaphore_mem>> -> memref<!tpu.dma_semaphore, #tpu.memory_space<semaphore_mem>>
        tpu.enqueue_indirect_dma source(%dma_start3A_246 : memref<128x128xf32, #tpu.memory_space<vmem>>) target(%dma_start3A_252 : memref<10000x128xf32, #tpu.memory_space<vmem_shared>>) offsets(%dma_start3A_249 : memref<128xi32, #tpu.memory_space<vmem>>) semaphore(%dma_start3A_254 : memref<!tpu.dma_semaphore, #tpu.memory_space<semaphore_mem>>) {add = true}
      } else {
      }
      %ge3A_123 = arith.constant 1 : i32
      %ge3A_124 = arith.cmpi sge, %add3A_118, %ge3A_123 : i32
      %sub3A_125 = arith.constant 1 : i32
      %sub3A_126 = arith.subi %add3A_118, %sub3A_125 : i32
      %lt3A_127 = arith.cmpi slt, %sub3A_126, %min3A_4 : i32
      %and3A_128 = arith.andi %ge3A_124, %lt3A_127 : i1
      %convert_element_type3A_129 = arith.extui %and3A_128 : i1 to i32
      %cond3A_130 = arith.constant 0 : i32
      %cond3A_131 = arith.cmpi ne, %convert_element_type3A_129, %cond3A_130 : i32
      scf.if %cond3A_131 {
        %dma_wait3A = arith.constant 1 : i32
        %dma_wait3A_225 = arith.constant 1 : i32
        %dma_wait3A_226 = arith.constant 1 : i32
        %dma_wait3A_227 = arith.constant 1 : i32
        %dma_wait3A_228 = arith.constant 0 : i32
        %dma_wait3A_229 = arith.constant 0 : i32
        %dma_wait3A_230 = tpu.memref_slice %arg7[%dma_wait3A, %dma_wait3A_228, %dma_wait3A_229] : memref<3x128x128xf32, #tpu.memory_space<vmem>> -> memref<1x128x128xf32, #tpu.memory_space<vmem>>
        %dma_wait3A_231 = tpu.memref_squeeze %dma_wait3A_230 : memref<1x128x128xf32, #tpu.memory_space<vmem>> -> memref<128x128xf32, #tpu.memory_space<vmem>>
        %dma_wait3A_232 = arith.constant 0 : i32
        %dma_wait3A_233 = tpu.memref_slice %arg6[%dma_wait3A_225, %dma_wait3A_226, %dma_wait3A_232] : memref<6x2x128xi32, #tpu.memory_space<vmem>> -> memref<1x1x128xi32, #tpu.memory_space<vmem>>
        %dma_wait3A_234 = tpu.memref_squeeze %dma_wait3A_233 : memref<1x1x128xi32, #tpu.memory_space<vmem>> -> memref<128xi32, #tpu.memory_space<vmem>>
        %dma_wait3A_235 = arith.constant 0 : i32
        %dma_wait3A_236 = arith.constant 0 : i32
        %dma_wait3A_237 = tpu.memref_slice %arg8[%dma_wait3A_235, %dma_wait3A_236] : memref<10000x128xf32, #tpu.memory_space<vmem_shared>> -> memref<10000x128xf32, #tpu.memory_space<vmem_shared>>
        %dma_wait3A_238 = tpu.memref_slice %arg12[%dma_wait3A_227] : memref<3x!tpu.dma_semaphore, #tpu.memory_space<semaphore_mem>> -> memref<1x!tpu.dma_semaphore, #tpu.memory_space<semaphore_mem>>
        %dma_wait3A_239 = tpu.memref_squeeze %dma_wait3A_238 : memref<1x!tpu.dma_semaphore, #tpu.memory_space<semaphore_mem>> -> memref<!tpu.dma_semaphore, #tpu.memory_space<semaphore_mem>>
        tpu.wait_indirect_dma semaphore(%dma_wait3A_239 : memref<!tpu.dma_semaphore, #tpu.memory_space<semaphore_mem>>) src(%dma_wait3A_231 : memref<128x128xf32, #tpu.memory_space<vmem>>) dst(%dma_wait3A_237 : memref<10000x128xf32, #tpu.memory_space<vmem_shared>>)
      } else {
      }
      %add3A_132 = arith.constant 2 : i32
      %add3A_133 = arith.addi %add3A_118, %add3A_132 : i32
      %lt3A_134 = arith.cmpi slt, %add3A_133, %min3A_4 : i32
      %convert_element_type3A_135 = arith.extui %lt3A_134 : i1 to i32
      %cond3A_136 = arith.constant 0 : i32
      %cond3A_137 = arith.cmpi ne, %convert_element_type3A_135, %cond3A_136 : i32
      scf.if %cond3A_137 {
        %add3A_225 = arith.constant 2 : i32
        %add3A_226 = arith.addi %add3A_118, %add3A_225 : i32
        %add3A_227 = arith.addi %mul3A_2, %add3A_226 : i32
        %dma_wait3A = arith.constant 0 : i32
        %dma_wait3A_228 = arith.constant 4 : i32
        %dma_wait3A_229 = arith.constant 0 : i32
        %dma_wait3A_230 = arith.constant 4 : i32
        %dma_wait3A_231 = arith.constant 0 : i32
        %dma_wait3A_232 = tpu.memref_slice %arg6[%dma_wait3A_228, %dma_wait3A_229, %dma_wait3A_231] : memref<6x2x128xi32, #tpu.memory_space<vmem>> -> memref<1x1x128xi32, #tpu.memory_space<vmem>>
        %dma_wait3A_233 = tpu.memref_squeeze %dma_wait3A_232 : memref<1x1x128xi32, #tpu.memory_space<vmem>> -> memref<128xi32, #tpu.memory_space<vmem>>
        %dma_wait3A_234 = arith.constant 0 : i32
        %dma_wait3A_235 = tpu.memref_slice %arg3[%dma_wait3A, %add3A_227, %dma_wait3A_234] : memref<2x2500x128xi32, #tpu.memory_space<hbm>> -> memref<1x1x128xi32, #tpu.memory_space<hbm>>
        %dma_wait3A_236 = tpu.memref_squeeze %dma_wait3A_235 : memref<1x1x128xi32, #tpu.memory_space<hbm>> -> memref<128xi32, #tpu.memory_space<hbm>>
        %dma_wait3A_237 = tpu.memref_slice %arg9[%dma_wait3A_230] : memref<6x!tpu.dma_semaphore, #tpu.memory_space<semaphore_mem>> -> memref<1x!tpu.dma_semaphore, #tpu.memory_space<semaphore_mem>>
        %dma_wait3A_238 = tpu.memref_squeeze %dma_wait3A_237 : memref<1x!tpu.dma_semaphore, #tpu.memory_space<semaphore_mem>> -> memref<!tpu.dma_semaphore, #tpu.memory_space<semaphore_mem>>
        %dma_wait3A_239 = arith.constant 0 : i32
        %dma_wait3A_240 = tpu.memref_slice %arg6[%dma_wait3A_228, %dma_wait3A_229, %dma_wait3A_239] : memref<6x2x128xi32, #tpu.memory_space<vmem>> -> memref<1x1x128xi32, #tpu.memory_space<vmem>>
        %dma_wait3A_241 = tpu.memref_squeeze %dma_wait3A_240 : memref<1x1x128xi32, #tpu.memory_space<vmem>> -> memref<128xi32, #tpu.memory_space<vmem>>
        %dma_wait3A_242 = arith.constant 0 : i32
        %dma_wait3A_243 = tpu.memref_slice %arg3[%dma_wait3A, %add3A_227, %dma_wait3A_242] : memref<2x2500x128xi32, #tpu.memory_space<hbm>> -> memref<1x1x128xi32, #tpu.memory_space<hbm>>
        %dma_wait3A_244 = tpu.memref_squeeze %dma_wait3A_243 : memref<1x1x128xi32, #tpu.memory_space<hbm>> -> memref<128xi32, #tpu.memory_space<hbm>>
        tpu.wait_dma2 semaphore(%dma_wait3A_238 : memref<!tpu.dma_semaphore, #tpu.memory_space<semaphore_mem>>) src(%dma_wait3A_244 : memref<128xi32, #tpu.memory_space<hbm>>) dst(%dma_wait3A_241 : memref<128xi32, #tpu.memory_space<vmem>>)
        %add3A_245 = arith.addi %mul3A_2, %add3A_226 : i32
        %dma_wait3A_246 = arith.constant 1 : i32
        %dma_wait3A_247 = arith.constant 4 : i32
        %dma_wait3A_248 = arith.constant 1 : i32
        %dma_wait3A_249 = arith.constant 4 : i32
        %dma_wait3A_250 = arith.constant 0 : i32
        %dma_wait3A_251 = tpu.memref_slice %arg6[%dma_wait3A_247, %dma_wait3A_248, %dma_wait3A_250] : memref<6x2x128xi32, #tpu.memory_space<vmem>> -> memref<1x1x128xi32, #tpu.memory_space<vmem>>
        %dma_wait3A_252 = tpu.memref_squeeze %dma_wait3A_251 : memref<1x1x128xi32, #tpu.memory_space<vmem>> -> memref<128xi32, #tpu.memory_space<vmem>>
        %dma_wait3A_253 = arith.constant 0 : i32
        %dma_wait3A_254 = tpu.memref_slice %arg3[%dma_wait3A_246, %add3A_245, %dma_wait3A_253] : memref<2x2500x128xi32, #tpu.memory_space<hbm>> -> memref<1x1x128xi32, #tpu.memory_space<hbm>>
        %dma_wait3A_255 = tpu.memref_squeeze %dma_wait3A_254 : memref<1x1x128xi32, #tpu.memory_space<hbm>> -> memref<128xi32, #tpu.memory_space<hbm>>
        %dma_wait3A_256 = tpu.memref_slice %arg10[%dma_wait3A_249] : memref<6x!tpu.dma_semaphore, #tpu.memory_space<semaphore_mem>> -> memref<1x!tpu.dma_semaphore, #tpu.memory_space<semaphore_mem>>
        %dma_wait3A_257 = tpu.memref_squeeze %dma_wait3A_256 : memref<1x!tpu.dma_semaphore, #tpu.memory_space<semaphore_mem>> -> memref<!tpu.dma_semaphore, #tpu.memory_space<semaphore_mem>>
        %dma_wait3A_258 = arith.constant 0 : i32
        %dma_wait3A_259 = tpu.memref_slice %arg6[%dma_wait3A_247, %dma_wait3A_248, %dma_wait3A_258] : memref<6x2x128xi32, #tpu.memory_space<vmem>> -> memref<1x1x128xi32, #tpu.memory_space<vmem>>
        %dma_wait3A_260 = tpu.memref_squeeze %dma_wait3A_259 : memref<1x1x128xi32, #tpu.memory_space<vmem>> -> memref<128xi32, #tpu.memory_space<vmem>>
        %dma_wait3A_261 = arith.constant 0 : i32
        %dma_wait3A_262 = tpu.memref_slice %arg3[%dma_wait3A_246, %add3A_245, %dma_wait3A_261] : memref<2x2500x128xi32, #tpu.memory_space<hbm>> -> memref<1x1x128xi32, #tpu.memory_space<hbm>>
        %dma_wait3A_263 = tpu.memref_squeeze %dma_wait3A_262 : memref<1x1x128xi32, #tpu.memory_space<hbm>> -> memref<128xi32, #tpu.memory_space<hbm>>
        tpu.wait_dma2 semaphore(%dma_wait3A_257 : memref<!tpu.dma_semaphore, #tpu.memory_space<semaphore_mem>>) src(%dma_wait3A_263 : memref<128xi32, #tpu.memory_space<hbm>>) dst(%dma_wait3A_260 : memref<128xi32, #tpu.memory_space<vmem>>)
        %dma_start3A = arith.constant 4 : i32
        %dma_start3A_264 = arith.constant 0 : i32
        %dma_start3A_265 = arith.constant 1 : i32
        %dma_start3A_266 = arith.constant 1 : i32
        %dma_start3A_267 = arith.constant 0 : i32
        %dma_start3A_268 = arith.constant 0 : i32
        %dma_start3A_269 = tpu.memref_slice %arg7[%dma_start3A_265, %dma_start3A_267, %dma_start3A_268] : memref<3x128x128xf32, #tpu.memory_space<vmem>> -> memref<1x128x128xf32, #tpu.memory_space<vmem>>
        %dma_start3A_270 = tpu.memref_squeeze %dma_start3A_269 : memref<1x128x128xf32, #tpu.memory_space<vmem>> -> memref<128x128xf32, #tpu.memory_space<vmem>>
        %dma_start3A_271 = arith.constant 0 : i32
        %dma_start3A_272 = tpu.memref_slice %arg6[%dma_start3A, %dma_start3A_264, %dma_start3A_271] : memref<6x2x128xi32, #tpu.memory_space<vmem>> -> memref<1x1x128xi32, #tpu.memory_space<vmem>>
        %dma_start3A_273 = tpu.memref_squeeze %dma_start3A_272 : memref<1x1x128xi32, #tpu.memory_space<vmem>> -> memref<128xi32, #tpu.memory_space<vmem>>
        %dma_start3A_274 = arith.constant 0 : i32
        %dma_start3A_275 = arith.constant 0 : i32
        %dma_start3A_276 = tpu.memref_slice %arg2[%dma_start3A_274, %dma_start3A_275] : memref<10000x128xf32, #tpu.memory_space<hbm>> -> memref<10000x128xf32, #tpu.memory_space<hbm>>
        %dma_start3A_277 = tpu.memref_slice %arg11[%dma_start3A_266] : memref<3x!tpu.dma_semaphore, #tpu.memory_space<semaphore_mem>> -> memref<1x!tpu.dma_semaphore, #tpu.memory_space<semaphore_mem>>
        %dma_start3A_278 = tpu.memref_squeeze %dma_start3A_277 : memref<1x!tpu.dma_semaphore, #tpu.memory_space<semaphore_mem>> -> memref<!tpu.dma_semaphore, #tpu.memory_space<semaphore_mem>>
        tpu.enqueue_indirect_dma source(%dma_start3A_276 : memref<10000x128xf32, #tpu.memory_space<hbm>>) target(%dma_start3A_270 : memref<128x128xf32, #tpu.memory_space<vmem>>) offsets(%dma_start3A_273 : memref<128xi32, #tpu.memory_space<vmem>>) semaphore(%dma_start3A_278 : memref<!tpu.dma_semaphore, #tpu.memory_space<semaphore_mem>>)
      } else {
      }
      %add3A_138 = arith.constant 5 : i32
      %add3A_139 = arith.addi %add3A_118, %add3A_138 : i32
      %lt3A_140 = arith.cmpi slt, %add3A_139, %min3A_4 : i32
      %convert_element_type3A_141 = arith.extui %lt3A_140 : i1 to i32
      %cond3A_142 = arith.constant 0 : i32
      %cond3A_143 = arith.cmpi ne, %convert_element_type3A_141, %cond3A_142 : i32
      scf.if %cond3A_143 {
        %add3A_225 = arith.constant 5 : i32
        %add3A_226 = arith.addi %add3A_118, %add3A_225 : i32
        %add3A_227 = arith.addi %mul3A_2, %add3A_226 : i32
        %dma_start3A = arith.constant 0 : i32
        %dma_start3A_228 = arith.constant 1 : i32
        %dma_start3A_229 = arith.constant 0 : i32
        %dma_start3A_230 = arith.constant 1 : i32
        %dma_start3A_231 = arith.constant 0 : i32
        %dma_start3A_232 = tpu.memref_slice %arg6[%dma_start3A_228, %dma_start3A_229, %dma_start3A_231] : memref<6x2x128xi32, #tpu.memory_space<vmem>> -> memref<1x1x128xi32, #tpu.memory_space<vmem>>
        %dma_start3A_233 = tpu.memref_squeeze %dma_start3A_232 : memref<1x1x128xi32, #tpu.memory_space<vmem>> -> memref<128xi32, #tpu.memory_space<vmem>>
        %dma_start3A_234 = arith.constant 0 : i32
        %dma_start3A_235 = tpu.memref_slice %arg3[%dma_start3A, %add3A_227, %dma_start3A_234] : memref<2x2500x128xi32, #tpu.memory_space<hbm>> -> memref<1x1x128xi32, #tpu.memory_space<hbm>>
        %dma_start3A_236 = tpu.memref_squeeze %dma_start3A_235 : memref<1x1x128xi32, #tpu.memory_space<hbm>> -> memref<128xi32, #tpu.memory_space<hbm>>
        %dma_start3A_237 = tpu.memref_slice %arg9[%dma_start3A_230] : memref<6x!tpu.dma_semaphore, #tpu.memory_space<semaphore_mem>> -> memref<1x!tpu.dma_semaphore, #tpu.memory_space<semaphore_mem>>
        %dma_start3A_238 = tpu.memref_squeeze %dma_start3A_237 : memref<1x!tpu.dma_semaphore, #tpu.memory_space<semaphore_mem>> -> memref<!tpu.dma_semaphore, #tpu.memory_space<semaphore_mem>>
        %dma_start3A_239 = arith.constant 0 : i32
        %dma_start3A_240 = tpu.memref_slice %arg6[%dma_start3A_228, %dma_start3A_229, %dma_start3A_239] : memref<6x2x128xi32, #tpu.memory_space<vmem>> -> memref<1x1x128xi32, #tpu.memory_space<vmem>>
        %dma_start3A_241 = tpu.memref_squeeze %dma_start3A_240 : memref<1x1x128xi32, #tpu.memory_space<vmem>> -> memref<128xi32, #tpu.memory_space<vmem>>
        %dma_start3A_242 = arith.constant 0 : i32
        %dma_start3A_243 = tpu.memref_slice %arg3[%dma_start3A, %add3A_227, %dma_start3A_242] : memref<2x2500x128xi32, #tpu.memory_space<hbm>> -> memref<1x1x128xi32, #tpu.memory_space<hbm>>
        %dma_start3A_244 = tpu.memref_squeeze %dma_start3A_243 : memref<1x1x128xi32, #tpu.memory_space<hbm>> -> memref<128xi32, #tpu.memory_space<hbm>>
        tpu.enqueue_dma source(%dma_start3A_244 : memref<128xi32, #tpu.memory_space<hbm>>) target(%dma_start3A_241 : memref<128xi32, #tpu.memory_space<vmem>>) target_semaphore(%dma_start3A_238 : memref<!tpu.dma_semaphore, #tpu.memory_space<semaphore_mem>>)
        %add3A_245 = arith.addi %mul3A_2, %add3A_226 : i32
        %dma_start3A_246 = arith.constant 1 : i32
        %dma_start3A_247 = arith.constant 1 : i32
        %dma_start3A_248 = arith.constant 1 : i32
        %dma_start3A_249 = arith.constant 1 : i32
        %dma_start3A_250 = arith.constant 0 : i32
        %dma_start3A_251 = tpu.memref_slice %arg6[%dma_start3A_247, %dma_start3A_248, %dma_start3A_250] : memref<6x2x128xi32, #tpu.memory_space<vmem>> -> memref<1x1x128xi32, #tpu.memory_space<vmem>>
        %dma_start3A_252 = tpu.memref_squeeze %dma_start3A_251 : memref<1x1x128xi32, #tpu.memory_space<vmem>> -> memref<128xi32, #tpu.memory_space<vmem>>
        %dma_start3A_253 = arith.constant 0 : i32
        %dma_start3A_254 = tpu.memref_slice %arg3[%dma_start3A_246, %add3A_245, %dma_start3A_253] : memref<2x2500x128xi32, #tpu.memory_space<hbm>> -> memref<1x1x128xi32, #tpu.memory_space<hbm>>
        %dma_start3A_255 = tpu.memref_squeeze %dma_start3A_254 : memref<1x1x128xi32, #tpu.memory_space<hbm>> -> memref<128xi32, #tpu.memory_space<hbm>>
        %dma_start3A_256 = tpu.memref_slice %arg10[%dma_start3A_249] : memref<6x!tpu.dma_semaphore, #tpu.memory_space<semaphore_mem>> -> memref<1x!tpu.dma_semaphore, #tpu.memory_space<semaphore_mem>>
        %dma_start3A_257 = tpu.memref_squeeze %dma_start3A_256 : memref<1x!tpu.dma_semaphore, #tpu.memory_space<semaphore_mem>> -> memref<!tpu.dma_semaphore, #tpu.memory_space<semaphore_mem>>
        %dma_start3A_258 = arith.constant 0 : i32
        %dma_start3A_259 = tpu.memref_slice %arg6[%dma_start3A_247, %dma_start3A_248, %dma_start3A_258] : memref<6x2x128xi32, #tpu.memory_space<vmem>> -> memref<1x1x128xi32, #tpu.memory_space<vmem>>
        %dma_start3A_260 = tpu.memref_squeeze %dma_start3A_259 : memref<1x1x128xi32, #tpu.memory_space<vmem>> -> memref<128xi32, #tpu.memory_space<vmem>>
        %dma_start3A_261 = arith.constant 0 : i32
        %dma_start3A_262 = tpu.memref_slice %arg3[%dma_start3A_246, %add3A_245, %dma_start3A_261] : memref<2x2500x128xi32, #tpu.memory_space<hbm>> -> memref<1x1x128xi32, #tpu.memory_space<hbm>>
        %dma_start3A_263 = tpu.memref_squeeze %dma_start3A_262 : memref<1x1x128xi32, #tpu.memory_space<hbm>> -> memref<128xi32, #tpu.memory_space<hbm>>
        tpu.enqueue_dma source(%dma_start3A_263 : memref<128xi32, #tpu.memory_space<hbm>>) target(%dma_start3A_260 : memref<128xi32, #tpu.memory_space<vmem>>) target_semaphore(%dma_start3A_257 : memref<!tpu.dma_semaphore, #tpu.memory_space<semaphore_mem>>)
      } else {
      }
      %add3A_144 = arith.constant 3 : i32
      %add3A_145 = arith.addi %add3A_64, %add3A_144 : i32
      %lt3A_146 = arith.cmpi slt, %add3A_145, %min3A_4 : i32
      %convert_element_type3A_147 = arith.extui %lt3A_146 : i1 to i32
      %cond3A_148 = arith.constant 0 : i32
      %cond3A_149 = arith.cmpi ne, %convert_element_type3A_147, %cond3A_148 : i32
      scf.if %cond3A_149 {
        %dma_wait3A = arith.constant 3 : i32
        %dma_wait3A_225 = arith.constant 0 : i32
        %dma_wait3A_226 = arith.constant 0 : i32
        %dma_wait3A_227 = arith.constant 0 : i32
        %dma_wait3A_228 = arith.constant 0 : i32
        %dma_wait3A_229 = arith.constant 0 : i32
        %dma_wait3A_230 = tpu.memref_slice %arg7[%dma_wait3A_226, %dma_wait3A_228, %dma_wait3A_229] : memref<3x128x128xf32, #tpu.memory_space<vmem>> -> memref<1x128x128xf32, #tpu.memory_space<vmem>>
        %dma_wait3A_231 = tpu.memref_squeeze %dma_wait3A_230 : memref<1x128x128xf32, #tpu.memory_space<vmem>> -> memref<128x128xf32, #tpu.memory_space<vmem>>
        %dma_wait3A_232 = arith.constant 0 : i32
        %dma_wait3A_233 = tpu.memref_slice %arg6[%dma_wait3A, %dma_wait3A_225, %dma_wait3A_232] : memref<6x2x128xi32, #tpu.memory_space<vmem>> -> memref<1x1x128xi32, #tpu.memory_space<vmem>>
        %dma_wait3A_234 = tpu.memref_squeeze %dma_wait3A_233 : memref<1x1x128xi32, #tpu.memory_space<vmem>> -> memref<128xi32, #tpu.memory_space<vmem>>
        %dma_wait3A_235 = arith.constant 0 : i32
        %dma_wait3A_236 = arith.constant 0 : i32
        %dma_wait3A_237 = tpu.memref_slice %arg2[%dma_wait3A_235, %dma_wait3A_236] : memref<10000x128xf32, #tpu.memory_space<hbm>> -> memref<10000x128xf32, #tpu.memory_space<hbm>>
        %dma_wait3A_238 = tpu.memref_slice %arg11[%dma_wait3A_227] : memref<3x!tpu.dma_semaphore, #tpu.memory_space<semaphore_mem>> -> memref<1x!tpu.dma_semaphore, #tpu.memory_space<semaphore_mem>>
        %dma_wait3A_239 = tpu.memref_squeeze %dma_wait3A_238 : memref<1x!tpu.dma_semaphore, #tpu.memory_space<semaphore_mem>> -> memref<!tpu.dma_semaphore, #tpu.memory_space<semaphore_mem>>
        tpu.wait_indirect_dma semaphore(%dma_wait3A_239 : memref<!tpu.dma_semaphore, #tpu.memory_space<semaphore_mem>>) src(%dma_wait3A_237 : memref<10000x128xf32, #tpu.memory_space<hbm>>) dst(%dma_wait3A_231 : memref<128x128xf32, #tpu.memory_space<vmem>>)
        %dma_start3A = arith.constant 0 : i32
        %dma_start3A_240 = arith.constant 3 : i32
        %dma_start3A_241 = arith.constant 1 : i32
        %dma_start3A_242 = arith.constant 0 : i32
        %dma_start3A_243 = arith.constant 0 : i32
        %dma_start3A_244 = arith.constant 0 : i32
        %dma_start3A_245 = tpu.memref_slice %arg7[%dma_start3A, %dma_start3A_243, %dma_start3A_244] : memref<3x128x128xf32, #tpu.memory_space<vmem>> -> memref<1x128x128xf32, #tpu.memory_space<vmem>>
        %dma_start3A_246 = tpu.memref_squeeze %dma_start3A_245 : memref<1x128x128xf32, #tpu.memory_space<vmem>> -> memref<128x128xf32, #tpu.memory_space<vmem>>
        %dma_start3A_247 = arith.constant 0 : i32
        %dma_start3A_248 = tpu.memref_slice %arg6[%dma_start3A_240, %dma_start3A_241, %dma_start3A_247] : memref<6x2x128xi32, #tpu.memory_space<vmem>> -> memref<1x1x128xi32, #tpu.memory_space<vmem>>
        %dma_start3A_249 = tpu.memref_squeeze %dma_start3A_248 : memref<1x1x128xi32, #tpu.memory_space<vmem>> -> memref<128xi32, #tpu.memory_space<vmem>>
        %dma_start3A_250 = arith.constant 0 : i32
        %dma_start3A_251 = arith.constant 0 : i32
        %dma_start3A_252 = tpu.memref_slice %arg8[%dma_start3A_250, %dma_start3A_251] : memref<10000x128xf32, #tpu.memory_space<vmem_shared>> -> memref<10000x128xf32, #tpu.memory_space<vmem_shared>>
        %dma_start3A_253 = tpu.memref_slice %arg12[%dma_start3A_242] : memref<3x!tpu.dma_semaphore, #tpu.memory_space<semaphore_mem>> -> memref<1x!tpu.dma_semaphore, #tpu.memory_space<semaphore_mem>>
        %dma_start3A_254 = tpu.memref_squeeze %dma_start3A_253 : memref<1x!tpu.dma_semaphore, #tpu.memory_space<semaphore_mem>> -> memref<!tpu.dma_semaphore, #tpu.memory_space<semaphore_mem>>
        tpu.enqueue_indirect_dma source(%dma_start3A_246 : memref<128x128xf32, #tpu.memory_space<vmem>>) target(%dma_start3A_252 : memref<10000x128xf32, #tpu.memory_space<vmem_shared>>) offsets(%dma_start3A_249 : memref<128xi32, #tpu.memory_space<vmem>>) semaphore(%dma_start3A_254 : memref<!tpu.dma_semaphore, #tpu.memory_space<semaphore_mem>>) {add = true}
      } else {
      }
      %ge3A_150 = arith.constant 1 : i32
      %ge3A_151 = arith.cmpi sge, %add3A_145, %ge3A_150 : i32
      %sub3A_152 = arith.constant 1 : i32
      %sub3A_153 = arith.subi %add3A_145, %sub3A_152 : i32
      %lt3A_154 = arith.cmpi slt, %sub3A_153, %min3A_4 : i32
      %and3A_155 = arith.andi %ge3A_151, %lt3A_154 : i1
      %convert_element_type3A_156 = arith.extui %and3A_155 : i1 to i32
      %cond3A_157 = arith.constant 0 : i32
      %cond3A_158 = arith.cmpi ne, %convert_element_type3A_156, %cond3A_157 : i32
      scf.if %cond3A_158 {
        %dma_wait3A = arith.constant 2 : i32
        %dma_wait3A_225 = arith.constant 2 : i32
        %dma_wait3A_226 = arith.constant 1 : i32
        %dma_wait3A_227 = arith.constant 2 : i32
        %dma_wait3A_228 = arith.constant 0 : i32
        %dma_wait3A_229 = arith.constant 0 : i32
        %dma_wait3A_230 = tpu.memref_slice %arg7[%dma_wait3A, %dma_wait3A_228, %dma_wait3A_229] : memref<3x128x128xf32, #tpu.memory_space<vmem>> -> memref<1x128x128xf32, #tpu.memory_space<vmem>>
        %dma_wait3A_231 = tpu.memref_squeeze %dma_wait3A_230 : memref<1x128x128xf32, #tpu.memory_space<vmem>> -> memref<128x128xf32, #tpu.memory_space<vmem>>
        %dma_wait3A_232 = arith.constant 0 : i32
        %dma_wait3A_233 = tpu.memref_slice %arg6[%dma_wait3A_225, %dma_wait3A_226, %dma_wait3A_232] : memref<6x2x128xi32, #tpu.memory_space<vmem>> -> memref<1x1x128xi32, #tpu.memory_space<vmem>>
        %dma_wait3A_234 = tpu.memref_squeeze %dma_wait3A_233 : memref<1x1x128xi32, #tpu.memory_space<vmem>> -> memref<128xi32, #tpu.memory_space<vmem>>
        %dma_wait3A_235 = arith.constant 0 : i32
        %dma_wait3A_236 = arith.constant 0 : i32
        %dma_wait3A_237 = tpu.memref_slice %arg8[%dma_wait3A_235, %dma_wait3A_236] : memref<10000x128xf32, #tpu.memory_space<vmem_shared>> -> memref<10000x128xf32, #tpu.memory_space<vmem_shared>>
        %dma_wait3A_238 = tpu.memref_slice %arg12[%dma_wait3A_227] : memref<3x!tpu.dma_semaphore, #tpu.memory_space<semaphore_mem>> -> memref<1x!tpu.dma_semaphore, #tpu.memory_space<semaphore_mem>>
        %dma_wait3A_239 = tpu.memref_squeeze %dma_wait3A_238 : memref<1x!tpu.dma_semaphore, #tpu.memory_space<semaphore_mem>> -> memref<!tpu.dma_semaphore, #tpu.memory_space<semaphore_mem>>
        tpu.wait_indirect_dma semaphore(%dma_wait3A_239 : memref<!tpu.dma_semaphore, #tpu.memory_space<semaphore_mem>>) src(%dma_wait3A_231 : memref<128x128xf32, #tpu.memory_space<vmem>>) dst(%dma_wait3A_237 : memref<10000x128xf32, #tpu.memory_space<vmem_shared>>)
      } else {
      }
      %add3A_159 = arith.constant 2 : i32
      %add3A_160 = arith.addi %add3A_145, %add3A_159 : i32
      %lt3A_161 = arith.cmpi slt, %add3A_160, %min3A_4 : i32
      %convert_element_type3A_162 = arith.extui %lt3A_161 : i1 to i32
      %cond3A_163 = arith.constant 0 : i32
      %cond3A_164 = arith.cmpi ne, %convert_element_type3A_162, %cond3A_163 : i32
      scf.if %cond3A_164 {
        %add3A_225 = arith.constant 2 : i32
        %add3A_226 = arith.addi %add3A_145, %add3A_225 : i32
        %add3A_227 = arith.addi %mul3A_2, %add3A_226 : i32
        %dma_wait3A = arith.constant 0 : i32
        %dma_wait3A_228 = arith.constant 5 : i32
        %dma_wait3A_229 = arith.constant 0 : i32
        %dma_wait3A_230 = arith.constant 5 : i32
        %dma_wait3A_231 = arith.constant 0 : i32
        %dma_wait3A_232 = tpu.memref_slice %arg6[%dma_wait3A_228, %dma_wait3A_229, %dma_wait3A_231] : memref<6x2x128xi32, #tpu.memory_space<vmem>> -> memref<1x1x128xi32, #tpu.memory_space<vmem>>
        %dma_wait3A_233 = tpu.memref_squeeze %dma_wait3A_232 : memref<1x1x128xi32, #tpu.memory_space<vmem>> -> memref<128xi32, #tpu.memory_space<vmem>>
        %dma_wait3A_234 = arith.constant 0 : i32
        %dma_wait3A_235 = tpu.memref_slice %arg3[%dma_wait3A, %add3A_227, %dma_wait3A_234] : memref<2x2500x128xi32, #tpu.memory_space<hbm>> -> memref<1x1x128xi32, #tpu.memory_space<hbm>>
        %dma_wait3A_236 = tpu.memref_squeeze %dma_wait3A_235 : memref<1x1x128xi32, #tpu.memory_space<hbm>> -> memref<128xi32, #tpu.memory_space<hbm>>
        %dma_wait3A_237 = tpu.memref_slice %arg9[%dma_wait3A_230] : memref<6x!tpu.dma_semaphore, #tpu.memory_space<semaphore_mem>> -> memref<1x!tpu.dma_semaphore, #tpu.memory_space<semaphore_mem>>
        %dma_wait3A_238 = tpu.memref_squeeze %dma_wait3A_237 : memref<1x!tpu.dma_semaphore, #tpu.memory_space<semaphore_mem>> -> memref<!tpu.dma_semaphore, #tpu.memory_space<semaphore_mem>>
        %dma_wait3A_239 = arith.constant 0 : i32
        %dma_wait3A_240 = tpu.memref_slice %arg6[%dma_wait3A_228, %dma_wait3A_229, %dma_wait3A_239] : memref<6x2x128xi32, #tpu.memory_space<vmem>> -> memref<1x1x128xi32, #tpu.memory_space<vmem>>
        %dma_wait3A_241 = tpu.memref_squeeze %dma_wait3A_240 : memref<1x1x128xi32, #tpu.memory_space<vmem>> -> memref<128xi32, #tpu.memory_space<vmem>>
        %dma_wait3A_242 = arith.constant 0 : i32
        %dma_wait3A_243 = tpu.memref_slice %arg3[%dma_wait3A, %add3A_227, %dma_wait3A_242] : memref<2x2500x128xi32, #tpu.memory_space<hbm>> -> memref<1x1x128xi32, #tpu.memory_space<hbm>>
        %dma_wait3A_244 = tpu.memref_squeeze %dma_wait3A_243 : memref<1x1x128xi32, #tpu.memory_space<hbm>> -> memref<128xi32, #tpu.memory_space<hbm>>
        tpu.wait_dma2 semaphore(%dma_wait3A_238 : memref<!tpu.dma_semaphore, #tpu.memory_space<semaphore_mem>>) src(%dma_wait3A_244 : memref<128xi32, #tpu.memory_space<hbm>>) dst(%dma_wait3A_241 : memref<128xi32, #tpu.memory_space<vmem>>)
        %add3A_245 = arith.addi %mul3A_2, %add3A_226 : i32
        %dma_wait3A_246 = arith.constant 1 : i32
        %dma_wait3A_247 = arith.constant 5 : i32
        %dma_wait3A_248 = arith.constant 1 : i32
        %dma_wait3A_249 = arith.constant 5 : i32
        %dma_wait3A_250 = arith.constant 0 : i32
        %dma_wait3A_251 = tpu.memref_slice %arg6[%dma_wait3A_247, %dma_wait3A_248, %dma_wait3A_250] : memref<6x2x128xi32, #tpu.memory_space<vmem>> -> memref<1x1x128xi32, #tpu.memory_space<vmem>>
        %dma_wait3A_252 = tpu.memref_squeeze %dma_wait3A_251 : memref<1x1x128xi32, #tpu.memory_space<vmem>> -> memref<128xi32, #tpu.memory_space<vmem>>
        %dma_wait3A_253 = arith.constant 0 : i32
        %dma_wait3A_254 = tpu.memref_slice %arg3[%dma_wait3A_246, %add3A_245, %dma_wait3A_253] : memref<2x2500x128xi32, #tpu.memory_space<hbm>> -> memref<1x1x128xi32, #tpu.memory_space<hbm>>
        %dma_wait3A_255 = tpu.memref_squeeze %dma_wait3A_254 : memref<1x1x128xi32, #tpu.memory_space<hbm>> -> memref<128xi32, #tpu.memory_space<hbm>>
        %dma_wait3A_256 = tpu.memref_slice %arg10[%dma_wait3A_249] : memref<6x!tpu.dma_semaphore, #tpu.memory_space<semaphore_mem>> -> memref<1x!tpu.dma_semaphore, #tpu.memory_space<semaphore_mem>>
        %dma_wait3A_257 = tpu.memref_squeeze %dma_wait3A_256 : memref<1x!tpu.dma_semaphore, #tpu.memory_space<semaphore_mem>> -> memref<!tpu.dma_semaphore, #tpu.memory_space<semaphore_mem>>
        %dma_wait3A_258 = arith.constant 0 : i32
        %dma_wait3A_259 = tpu.memref_slice %arg6[%dma_wait3A_247, %dma_wait3A_248, %dma_wait3A_258] : memref<6x2x128xi32, #tpu.memory_space<vmem>> -> memref<1x1x128xi32, #tpu.memory_space<vmem>>
        %dma_wait3A_260 = tpu.memref_squeeze %dma_wait3A_259 : memref<1x1x128xi32, #tpu.memory_space<vmem>> -> memref<128xi32, #tpu.memory_space<vmem>>
        %dma_wait3A_261 = arith.constant 0 : i32
        %dma_wait3A_262 = tpu.memref_slice %arg3[%dma_wait3A_246, %add3A_245, %dma_wait3A_261] : memref<2x2500x128xi32, #tpu.memory_space<hbm>> -> memref<1x1x128xi32, #tpu.memory_space<hbm>>
        %dma_wait3A_263 = tpu.memref_squeeze %dma_wait3A_262 : memref<1x1x128xi32, #tpu.memory_space<hbm>> -> memref<128xi32, #tpu.memory_space<hbm>>
        tpu.wait_dma2 semaphore(%dma_wait3A_257 : memref<!tpu.dma_semaphore, #tpu.memory_space<semaphore_mem>>) src(%dma_wait3A_263 : memref<128xi32, #tpu.memory_space<hbm>>) dst(%dma_wait3A_260 : memref<128xi32, #tpu.memory_space<vmem>>)
        %dma_start3A = arith.constant 5 : i32
        %dma_start3A_264 = arith.constant 0 : i32
        %dma_start3A_265 = arith.constant 2 : i32
        %dma_start3A_266 = arith.constant 2 : i32
        %dma_start3A_267 = arith.constant 0 : i32
        %dma_start3A_268 = arith.constant 0 : i32
        %dma_start3A_269 = tpu.memref_slice %arg7[%dma_start3A_265, %dma_start3A_267, %dma_start3A_268] : memref<3x128x128xf32, #tpu.memory_space<vmem>> -> memref<1x128x128xf32, #tpu.memory_space<vmem>>
        %dma_start3A_270 = tpu.memref_squeeze %dma_start3A_269 : memref<1x128x128xf32, #tpu.memory_space<vmem>> -> memref<128x128xf32, #tpu.memory_space<vmem>>
        %dma_start3A_271 = arith.constant 0 : i32
        %dma_start3A_272 = tpu.memref_slice %arg6[%dma_start3A, %dma_start3A_264, %dma_start3A_271] : memref<6x2x128xi32, #tpu.memory_space<vmem>> -> memref<1x1x128xi32, #tpu.memory_space<vmem>>
        %dma_start3A_273 = tpu.memref_squeeze %dma_start3A_272 : memref<1x1x128xi32, #tpu.memory_space<vmem>> -> memref<128xi32, #tpu.memory_space<vmem>>
        %dma_start3A_274 = arith.constant 0 : i32
        %dma_start3A_275 = arith.constant 0 : i32
        %dma_start3A_276 = tpu.memref_slice %arg2[%dma_start3A_274, %dma_start3A_275] : memref<10000x128xf32, #tpu.memory_space<hbm>> -> memref<10000x128xf32, #tpu.memory_space<hbm>>
        %dma_start3A_277 = tpu.memref_slice %arg11[%dma_start3A_266] : memref<3x!tpu.dma_semaphore, #tpu.memory_space<semaphore_mem>> -> memref<1x!tpu.dma_semaphore, #tpu.memory_space<semaphore_mem>>
        %dma_start3A_278 = tpu.memref_squeeze %dma_start3A_277 : memref<1x!tpu.dma_semaphore, #tpu.memory_space<semaphore_mem>> -> memref<!tpu.dma_semaphore, #tpu.memory_space<semaphore_mem>>
        tpu.enqueue_indirect_dma source(%dma_start3A_276 : memref<10000x128xf32, #tpu.memory_space<hbm>>) target(%dma_start3A_270 : memref<128x128xf32, #tpu.memory_space<vmem>>) offsets(%dma_start3A_273 : memref<128xi32, #tpu.memory_space<vmem>>) semaphore(%dma_start3A_278 : memref<!tpu.dma_semaphore, #tpu.memory_space<semaphore_mem>>)
      } else {
      }
      %add3A_165 = arith.constant 5 : i32
      %add3A_166 = arith.addi %add3A_145, %add3A_165 : i32
      %lt3A_167 = arith.cmpi slt, %add3A_166, %min3A_4 : i32
      %convert_element_type3A_168 = arith.extui %lt3A_167 : i1 to i32
      %cond3A_169 = arith.constant 0 : i32
      %cond3A_170 = arith.cmpi ne, %convert_element_type3A_168, %cond3A_169 : i32
      scf.if %cond3A_170 {
        %add3A_225 = arith.constant 5 : i32
        %add3A_226 = arith.addi %add3A_145, %add3A_225 : i32
        %add3A_227 = arith.addi %mul3A_2, %add3A_226 : i32
        %dma_start3A = arith.constant 0 : i32
        %dma_start3A_228 = arith.constant 2 : i32
        %dma_start3A_229 = arith.constant 0 : i32
        %dma_start3A_230 = arith.constant 2 : i32
        %dma_start3A_231 = arith.constant 0 : i32
        %dma_start3A_232 = tpu.memref_slice %arg6[%dma_start3A_228, %dma_start3A_229, %dma_start3A_231] : memref<6x2x128xi32, #tpu.memory_space<vmem>> -> memref<1x1x128xi32, #tpu.memory_space<vmem>>
        %dma_start3A_233 = tpu.memref_squeeze %dma_start3A_232 : memref<1x1x128xi32, #tpu.memory_space<vmem>> -> memref<128xi32, #tpu.memory_space<vmem>>
        %dma_start3A_234 = arith.constant 0 : i32
        %dma_start3A_235 = tpu.memref_slice %arg3[%dma_start3A, %add3A_227, %dma_start3A_234] : memref<2x2500x128xi32, #tpu.memory_space<hbm>> -> memref<1x1x128xi32, #tpu.memory_space<hbm>>
        %dma_start3A_236 = tpu.memref_squeeze %dma_start3A_235 : memref<1x1x128xi32, #tpu.memory_space<hbm>> -> memref<128xi32, #tpu.memory_space<hbm>>
        %dma_start3A_237 = tpu.memref_slice %arg9[%dma_start3A_230] : memref<6x!tpu.dma_semaphore, #tpu.memory_space<semaphore_mem>> -> memref<1x!tpu.dma_semaphore, #tpu.memory_space<semaphore_mem>>
        %dma_start3A_238 = tpu.memref_squeeze %dma_start3A_237 : memref<1x!tpu.dma_semaphore, #tpu.memory_space<semaphore_mem>> -> memref<!tpu.dma_semaphore, #tpu.memory_space<semaphore_mem>>
        %dma_start3A_239 = arith.constant 0 : i32
        %dma_start3A_240 = tpu.memref_slice %arg6[%dma_start3A_228, %dma_start3A_229, %dma_start3A_239] : memref<6x2x128xi32, #tpu.memory_space<vmem>> -> memref<1x1x128xi32, #tpu.memory_space<vmem>>
        %dma_start3A_241 = tpu.memref_squeeze %dma_start3A_240 : memref<1x1x128xi32, #tpu.memory_space<vmem>> -> memref<128xi32, #tpu.memory_space<vmem>>
        %dma_start3A_242 = arith.constant 0 : i32
        %dma_start3A_243 = tpu.memref_slice %arg3[%dma_start3A, %add3A_227, %dma_start3A_242] : memref<2x2500x128xi32, #tpu.memory_space<hbm>> -> memref<1x1x128xi32, #tpu.memory_space<hbm>>
        %dma_start3A_244 = tpu.memref_squeeze %dma_start3A_243 : memref<1x1x128xi32, #tpu.memory_space<hbm>> -> memref<128xi32, #tpu.memory_space<hbm>>
        tpu.enqueue_dma source(%dma_start3A_244 : memref<128xi32, #tpu.memory_space<hbm>>) target(%dma_start3A_241 : memref<128xi32, #tpu.memory_space<vmem>>) target_semaphore(%dma_start3A_238 : memref<!tpu.dma_semaphore, #tpu.memory_space<semaphore_mem>>)
        %add3A_245 = arith.addi %mul3A_2, %add3A_226 : i32
        %dma_start3A_246 = arith.constant 1 : i32
        %dma_start3A_247 = arith.constant 2 : i32
        %dma_start3A_248 = arith.constant 1 : i32
        %dma_start3A_249 = arith.constant 2 : i32
        %dma_start3A_250 = arith.constant 0 : i32
        %dma_start3A_251 = tpu.memref_slice %arg6[%dma_start3A_247, %dma_start3A_248, %dma_start3A_250] : memref<6x2x128xi32, #tpu.memory_space<vmem>> -> memref<1x1x128xi32, #tpu.memory_space<vmem>>
        %dma_start3A_252 = tpu.memref_squeeze %dma_start3A_251 : memref<1x1x128xi32, #tpu.memory_space<vmem>> -> memref<128xi32, #tpu.memory_space<vmem>>
        %dma_start3A_253 = arith.constant 0 : i32
        %dma_start3A_254 = tpu.memref_slice %arg3[%dma_start3A_246, %add3A_245, %dma_start3A_253] : memref<2x2500x128xi32, #tpu.memory_space<hbm>> -> memref<1x1x128xi32, #tpu.memory_space<hbm>>
        %dma_start3A_255 = tpu.memref_squeeze %dma_start3A_254 : memref<1x1x128xi32, #tpu.memory_space<hbm>> -> memref<128xi32, #tpu.memory_space<hbm>>
        %dma_start3A_256 = tpu.memref_slice %arg10[%dma_start3A_249] : memref<6x!tpu.dma_semaphore, #tpu.memory_space<semaphore_mem>> -> memref<1x!tpu.dma_semaphore, #tpu.memory_space<semaphore_mem>>
        %dma_start3A_257 = tpu.memref_squeeze %dma_start3A_256 : memref<1x!tpu.dma_semaphore, #tpu.memory_space<semaphore_mem>> -> memref<!tpu.dma_semaphore, #tpu.memory_space<semaphore_mem>>
        %dma_start3A_258 = arith.constant 0 : i32
        %dma_start3A_259 = tpu.memref_slice %arg6[%dma_start3A_247, %dma_start3A_248, %dma_start3A_258] : memref<6x2x128xi32, #tpu.memory_space<vmem>> -> memref<1x1x128xi32, #tpu.memory_space<vmem>>
        %dma_start3A_260 = tpu.memref_squeeze %dma_start3A_259 : memref<1x1x128xi32, #tpu.memory_space<vmem>> -> memref<128xi32, #tpu.memory_space<vmem>>
        %dma_start3A_261 = arith.constant 0 : i32
        %dma_start3A_262 = tpu.memref_slice %arg3[%dma_start3A_246, %add3A_245, %dma_start3A_261] : memref<2x2500x128xi32, #tpu.memory_space<hbm>> -> memref<1x1x128xi32, #tpu.memory_space<hbm>>
        %dma_start3A_263 = tpu.memref_squeeze %dma_start3A_262 : memref<1x1x128xi32, #tpu.memory_space<hbm>> -> memref<128xi32, #tpu.memory_space<hbm>>
        tpu.enqueue_dma source(%dma_start3A_263 : memref<128xi32, #tpu.memory_space<hbm>>) target(%dma_start3A_260 : memref<128xi32, #tpu.memory_space<vmem>>) target_semaphore(%dma_start3A_257 : memref<!tpu.dma_semaphore, #tpu.memory_space<semaphore_mem>>)
      } else {
      }
      %add3A_171 = arith.constant 4 : i32
      %add3A_172 = arith.addi %add3A_64, %add3A_171 : i32
      %lt3A_173 = arith.cmpi slt, %add3A_172, %min3A_4 : i32
      %convert_element_type3A_174 = arith.extui %lt3A_173 : i1 to i32
      %cond3A_175 = arith.constant 0 : i32
      %cond3A_176 = arith.cmpi ne, %convert_element_type3A_174, %cond3A_175 : i32
      scf.if %cond3A_176 {
        %dma_wait3A = arith.constant 4 : i32
        %dma_wait3A_225 = arith.constant 0 : i32
        %dma_wait3A_226 = arith.constant 1 : i32
        %dma_wait3A_227 = arith.constant 1 : i32
        %dma_wait3A_228 = arith.constant 0 : i32
        %dma_wait3A_229 = arith.constant 0 : i32
        %dma_wait3A_230 = tpu.memref_slice %arg7[%dma_wait3A_226, %dma_wait3A_228, %dma_wait3A_229] : memref<3x128x128xf32, #tpu.memory_space<vmem>> -> memref<1x128x128xf32, #tpu.memory_space<vmem>>
        %dma_wait3A_231 = tpu.memref_squeeze %dma_wait3A_230 : memref<1x128x128xf32, #tpu.memory_space<vmem>> -> memref<128x128xf32, #tpu.memory_space<vmem>>
        %dma_wait3A_232 = arith.constant 0 : i32
        %dma_wait3A_233 = tpu.memref_slice %arg6[%dma_wait3A, %dma_wait3A_225, %dma_wait3A_232] : memref<6x2x128xi32, #tpu.memory_space<vmem>> -> memref<1x1x128xi32, #tpu.memory_space<vmem>>
        %dma_wait3A_234 = tpu.memref_squeeze %dma_wait3A_233 : memref<1x1x128xi32, #tpu.memory_space<vmem>> -> memref<128xi32, #tpu.memory_space<vmem>>
        %dma_wait3A_235 = arith.constant 0 : i32
        %dma_wait3A_236 = arith.constant 0 : i32
        %dma_wait3A_237 = tpu.memref_slice %arg2[%dma_wait3A_235, %dma_wait3A_236] : memref<10000x128xf32, #tpu.memory_space<hbm>> -> memref<10000x128xf32, #tpu.memory_space<hbm>>
        %dma_wait3A_238 = tpu.memref_slice %arg11[%dma_wait3A_227] : memref<3x!tpu.dma_semaphore, #tpu.memory_space<semaphore_mem>> -> memref<1x!tpu.dma_semaphore, #tpu.memory_space<semaphore_mem>>
        %dma_wait3A_239 = tpu.memref_squeeze %dma_wait3A_238 : memref<1x!tpu.dma_semaphore, #tpu.memory_space<semaphore_mem>> -> memref<!tpu.dma_semaphore, #tpu.memory_space<semaphore_mem>>
        tpu.wait_indirect_dma semaphore(%dma_wait3A_239 : memref<!tpu.dma_semaphore, #tpu.memory_space<semaphore_mem>>) src(%dma_wait3A_237 : memref<10000x128xf32, #tpu.memory_space<hbm>>) dst(%dma_wait3A_231 : memref<128x128xf32, #tpu.memory_space<vmem>>)
        %dma_start3A = arith.constant 1 : i32
        %dma_start3A_240 = arith.constant 4 : i32
        %dma_start3A_241 = arith.constant 1 : i32
        %dma_start3A_242 = arith.constant 1 : i32
        %dma_start3A_243 = arith.constant 0 : i32
        %dma_start3A_244 = arith.constant 0 : i32
        %dma_start3A_245 = tpu.memref_slice %arg7[%dma_start3A, %dma_start3A_243, %dma_start3A_244] : memref<3x128x128xf32, #tpu.memory_space<vmem>> -> memref<1x128x128xf32, #tpu.memory_space<vmem>>
        %dma_start3A_246 = tpu.memref_squeeze %dma_start3A_245 : memref<1x128x128xf32, #tpu.memory_space<vmem>> -> memref<128x128xf32, #tpu.memory_space<vmem>>
        %dma_start3A_247 = arith.constant 0 : i32
        %dma_start3A_248 = tpu.memref_slice %arg6[%dma_start3A_240, %dma_start3A_241, %dma_start3A_247] : memref<6x2x128xi32, #tpu.memory_space<vmem>> -> memref<1x1x128xi32, #tpu.memory_space<vmem>>
        %dma_start3A_249 = tpu.memref_squeeze %dma_start3A_248 : memref<1x1x128xi32, #tpu.memory_space<vmem>> -> memref<128xi32, #tpu.memory_space<vmem>>
        %dma_start3A_250 = arith.constant 0 : i32
        %dma_start3A_251 = arith.constant 0 : i32
        %dma_start3A_252 = tpu.memref_slice %arg8[%dma_start3A_250, %dma_start3A_251] : memref<10000x128xf32, #tpu.memory_space<vmem_shared>> -> memref<10000x128xf32, #tpu.memory_space<vmem_shared>>
        %dma_start3A_253 = tpu.memref_slice %arg12[%dma_start3A_242] : memref<3x!tpu.dma_semaphore, #tpu.memory_space<semaphore_mem>> -> memref<1x!tpu.dma_semaphore, #tpu.memory_space<semaphore_mem>>
        %dma_start3A_254 = tpu.memref_squeeze %dma_start3A_253 : memref<1x!tpu.dma_semaphore, #tpu.memory_space<semaphore_mem>> -> memref<!tpu.dma_semaphore, #tpu.memory_space<semaphore_mem>>
        tpu.enqueue_indirect_dma source(%dma_start3A_246 : memref<128x128xf32, #tpu.memory_space<vmem>>) target(%dma_start3A_252 : memref<10000x128xf32, #tpu.memory_space<vmem_shared>>) offsets(%dma_start3A_249 : memref<128xi32, #tpu.memory_space<vmem>>) semaphore(%dma_start3A_254 : memref<!tpu.dma_semaphore, #tpu.memory_space<semaphore_mem>>) {add = true}
      } else {
      }
      %ge3A_177 = arith.constant 1 : i32
      %ge3A_178 = arith.cmpi sge, %add3A_172, %ge3A_177 : i32
      %sub3A_179 = arith.constant 1 : i32
      %sub3A_180 = arith.subi %add3A_172, %sub3A_179 : i32
      %lt3A_181 = arith.cmpi slt, %sub3A_180, %min3A_4 : i32
      %and3A_182 = arith.andi %ge3A_178, %lt3A_181 : i1
      %convert_element_type3A_183 = arith.extui %and3A_182 : i1 to i32
      %cond3A_184 = arith.constant 0 : i32
      %cond3A_185 = arith.cmpi ne, %convert_element_type3A_183, %cond3A_184 : i32
      scf.if %cond3A_185 {
        %dma_wait3A = arith.constant 0 : i32
        %dma_wait3A_225 = arith.constant 3 : i32
        %dma_wait3A_226 = arith.constant 1 : i32
        %dma_wait3A_227 = arith.constant 0 : i32
        %dma_wait3A_228 = arith.constant 0 : i32
        %dma_wait3A_229 = arith.constant 0 : i32
        %dma_wait3A_230 = tpu.memref_slice %arg7[%dma_wait3A, %dma_wait3A_228, %dma_wait3A_229] : memref<3x128x128xf32, #tpu.memory_space<vmem>> -> memref<1x128x128xf32, #tpu.memory_space<vmem>>
        %dma_wait3A_231 = tpu.memref_squeeze %dma_wait3A_230 : memref<1x128x128xf32, #tpu.memory_space<vmem>> -> memref<128x128xf32, #tpu.memory_space<vmem>>
        %dma_wait3A_232 = arith.constant 0 : i32
        %dma_wait3A_233 = tpu.memref_slice %arg6[%dma_wait3A_225, %dma_wait3A_226, %dma_wait3A_232] : memref<6x2x128xi32, #tpu.memory_space<vmem>> -> memref<1x1x128xi32, #tpu.memory_space<vmem>>
        %dma_wait3A_234 = tpu.memref_squeeze %dma_wait3A_233 : memref<1x1x128xi32, #tpu.memory_space<vmem>> -> memref<128xi32, #tpu.memory_space<vmem>>
        %dma_wait3A_235 = arith.constant 0 : i32
        %dma_wait3A_236 = arith.constant 0 : i32
        %dma_wait3A_237 = tpu.memref_slice %arg8[%dma_wait3A_235, %dma_wait3A_236] : memref<10000x128xf32, #tpu.memory_space<vmem_shared>> -> memref<10000x128xf32, #tpu.memory_space<vmem_shared>>
        %dma_wait3A_238 = tpu.memref_slice %arg12[%dma_wait3A_227] : memref<3x!tpu.dma_semaphore, #tpu.memory_space<semaphore_mem>> -> memref<1x!tpu.dma_semaphore, #tpu.memory_space<semaphore_mem>>
        %dma_wait3A_239 = tpu.memref_squeeze %dma_wait3A_238 : memref<1x!tpu.dma_semaphore, #tpu.memory_space<semaphore_mem>> -> memref<!tpu.dma_semaphore, #tpu.memory_space<semaphore_mem>>
        tpu.wait_indirect_dma semaphore(%dma_wait3A_239 : memref<!tpu.dma_semaphore, #tpu.memory_space<semaphore_mem>>) src(%dma_wait3A_231 : memref<128x128xf32, #tpu.memory_space<vmem>>) dst(%dma_wait3A_237 : memref<10000x128xf32, #tpu.memory_space<vmem_shared>>)
      } else {
      }
      %add3A_186 = arith.constant 2 : i32
      %add3A_187 = arith.addi %add3A_172, %add3A_186 : i32
      %lt3A_188 = arith.cmpi slt, %add3A_187, %min3A_4 : i32
      %convert_element_type3A_189 = arith.extui %lt3A_188 : i1 to i32
      %cond3A_190 = arith.constant 0 : i32
      %cond3A_191 = arith.cmpi ne, %convert_element_type3A_189, %cond3A_190 : i32
      scf.if %cond3A_191 {
        %add3A_225 = arith.constant 2 : i32
        %add3A_226 = arith.addi %add3A_172, %add3A_225 : i32
        %add3A_227 = arith.addi %mul3A_2, %add3A_226 : i32
        %dma_wait3A = arith.constant 0 : i32
        %dma_wait3A_228 = arith.constant 0 : i32
        %dma_wait3A_229 = arith.constant 0 : i32
        %dma_wait3A_230 = arith.constant 0 : i32
        %dma_wait3A_231 = arith.constant 0 : i32
        %dma_wait3A_232 = tpu.memref_slice %arg6[%dma_wait3A_228, %dma_wait3A_229, %dma_wait3A_231] : memref<6x2x128xi32, #tpu.memory_space<vmem>> -> memref<1x1x128xi32, #tpu.memory_space<vmem>>
        %dma_wait3A_233 = tpu.memref_squeeze %dma_wait3A_232 : memref<1x1x128xi32, #tpu.memory_space<vmem>> -> memref<128xi32, #tpu.memory_space<vmem>>
        %dma_wait3A_234 = arith.constant 0 : i32
        %dma_wait3A_235 = tpu.memref_slice %arg3[%dma_wait3A, %add3A_227, %dma_wait3A_234] : memref<2x2500x128xi32, #tpu.memory_space<hbm>> -> memref<1x1x128xi32, #tpu.memory_space<hbm>>
        %dma_wait3A_236 = tpu.memref_squeeze %dma_wait3A_235 : memref<1x1x128xi32, #tpu.memory_space<hbm>> -> memref<128xi32, #tpu.memory_space<hbm>>
        %dma_wait3A_237 = tpu.memref_slice %arg9[%dma_wait3A_230] : memref<6x!tpu.dma_semaphore, #tpu.memory_space<semaphore_mem>> -> memref<1x!tpu.dma_semaphore, #tpu.memory_space<semaphore_mem>>
        %dma_wait3A_238 = tpu.memref_squeeze %dma_wait3A_237 : memref<1x!tpu.dma_semaphore, #tpu.memory_space<semaphore_mem>> -> memref<!tpu.dma_semaphore, #tpu.memory_space<semaphore_mem>>
        %dma_wait3A_239 = arith.constant 0 : i32
        %dma_wait3A_240 = tpu.memref_slice %arg6[%dma_wait3A_228, %dma_wait3A_229, %dma_wait3A_239] : memref<6x2x128xi32, #tpu.memory_space<vmem>> -> memref<1x1x128xi32, #tpu.memory_space<vmem>>
        %dma_wait3A_241 = tpu.memref_squeeze %dma_wait3A_240 : memref<1x1x128xi32, #tpu.memory_space<vmem>> -> memref<128xi32, #tpu.memory_space<vmem>>
        %dma_wait3A_242 = arith.constant 0 : i32
        %dma_wait3A_243 = tpu.memref_slice %arg3[%dma_wait3A, %add3A_227, %dma_wait3A_242] : memref<2x2500x128xi32, #tpu.memory_space<hbm>> -> memref<1x1x128xi32, #tpu.memory_space<hbm>>
        %dma_wait3A_244 = tpu.memref_squeeze %dma_wait3A_243 : memref<1x1x128xi32, #tpu.memory_space<hbm>> -> memref<128xi32, #tpu.memory_space<hbm>>
        tpu.wait_dma2 semaphore(%dma_wait3A_238 : memref<!tpu.dma_semaphore, #tpu.memory_space<semaphore_mem>>) src(%dma_wait3A_244 : memref<128xi32, #tpu.memory_space<hbm>>) dst(%dma_wait3A_241 : memref<128xi32, #tpu.memory_space<vmem>>)
        %add3A_245 = arith.addi %mul3A_2, %add3A_226 : i32
        %dma_wait3A_246 = arith.constant 1 : i32
        %dma_wait3A_247 = arith.constant 0 : i32
        %dma_wait3A_248 = arith.constant 1 : i32
        %dma_wait3A_249 = arith.constant 0 : i32
        %dma_wait3A_250 = arith.constant 0 : i32
        %dma_wait3A_251 = tpu.memref_slice %arg6[%dma_wait3A_247, %dma_wait3A_248, %dma_wait3A_250] : memref<6x2x128xi32, #tpu.memory_space<vmem>> -> memref<1x1x128xi32, #tpu.memory_space<vmem>>
        %dma_wait3A_252 = tpu.memref_squeeze %dma_wait3A_251 : memref<1x1x128xi32, #tpu.memory_space<vmem>> -> memref<128xi32, #tpu.memory_space<vmem>>
        %dma_wait3A_253 = arith.constant 0 : i32
        %dma_wait3A_254 = tpu.memref_slice %arg3[%dma_wait3A_246, %add3A_245, %dma_wait3A_253] : memref<2x2500x128xi32, #tpu.memory_space<hbm>> -> memref<1x1x128xi32, #tpu.memory_space<hbm>>
        %dma_wait3A_255 = tpu.memref_squeeze %dma_wait3A_254 : memref<1x1x128xi32, #tpu.memory_space<hbm>> -> memref<128xi32, #tpu.memory_space<hbm>>
        %dma_wait3A_256 = tpu.memref_slice %arg10[%dma_wait3A_249] : memref<6x!tpu.dma_semaphore, #tpu.memory_space<semaphore_mem>> -> memref<1x!tpu.dma_semaphore, #tpu.memory_space<semaphore_mem>>
        %dma_wait3A_257 = tpu.memref_squeeze %dma_wait3A_256 : memref<1x!tpu.dma_semaphore, #tpu.memory_space<semaphore_mem>> -> memref<!tpu.dma_semaphore, #tpu.memory_space<semaphore_mem>>
        %dma_wait3A_258 = arith.constant 0 : i32
        %dma_wait3A_259 = tpu.memref_slice %arg6[%dma_wait3A_247, %dma_wait3A_248, %dma_wait3A_258] : memref<6x2x128xi32, #tpu.memory_space<vmem>> -> memref<1x1x128xi32, #tpu.memory_space<vmem>>
        %dma_wait3A_260 = tpu.memref_squeeze %dma_wait3A_259 : memref<1x1x128xi32, #tpu.memory_space<vmem>> -> memref<128xi32, #tpu.memory_space<vmem>>
        %dma_wait3A_261 = arith.constant 0 : i32
        %dma_wait3A_262 = tpu.memref_slice %arg3[%dma_wait3A_246, %add3A_245, %dma_wait3A_261] : memref<2x2500x128xi32, #tpu.memory_space<hbm>> -> memref<1x1x128xi32, #tpu.memory_space<hbm>>
        %dma_wait3A_263 = tpu.memref_squeeze %dma_wait3A_262 : memref<1x1x128xi32, #tpu.memory_space<hbm>> -> memref<128xi32, #tpu.memory_space<hbm>>
        tpu.wait_dma2 semaphore(%dma_wait3A_257 : memref<!tpu.dma_semaphore, #tpu.memory_space<semaphore_mem>>) src(%dma_wait3A_263 : memref<128xi32, #tpu.memory_space<hbm>>) dst(%dma_wait3A_260 : memref<128xi32, #tpu.memory_space<vmem>>)
        %dma_start3A = arith.constant 0 : i32
        %dma_start3A_264 = arith.constant 0 : i32
        %dma_start3A_265 = arith.constant 0 : i32
        %dma_start3A_266 = arith.constant 0 : i32
        %dma_start3A_267 = arith.constant 0 : i32
        %dma_start3A_268 = arith.constant 0 : i32
        %dma_start3A_269 = tpu.memref_slice %arg7[%dma_start3A_265, %dma_start3A_267, %dma_start3A_268] : memref<3x128x128xf32, #tpu.memory_space<vmem>> -> memref<1x128x128xf32, #tpu.memory_space<vmem>>
        %dma_start3A_270 = tpu.memref_squeeze %dma_start3A_269 : memref<1x128x128xf32, #tpu.memory_space<vmem>> -> memref<128x128xf32, #tpu.memory_space<vmem>>
        %dma_start3A_271 = arith.constant 0 : i32
        %dma_start3A_272 = tpu.memref_slice %arg6[%dma_start3A, %dma_start3A_264, %dma_start3A_271] : memref<6x2x128xi32, #tpu.memory_space<vmem>> -> memref<1x1x128xi32, #tpu.memory_space<vmem>>
        %dma_start3A_273 = tpu.memref_squeeze %dma_start3A_272 : memref<1x1x128xi32, #tpu.memory_space<vmem>> -> memref<128xi32, #tpu.memory_space<vmem>>
        %dma_start3A_274 = arith.constant 0 : i32
        %dma_start3A_275 = arith.constant 0 : i32
        %dma_start3A_276 = tpu.memref_slice %arg2[%dma_start3A_274, %dma_start3A_275] : memref<10000x128xf32, #tpu.memory_space<hbm>> -> memref<10000x128xf32, #tpu.memory_space<hbm>>
        %dma_start3A_277 = tpu.memref_slice %arg11[%dma_start3A_266] : memref<3x!tpu.dma_semaphore, #tpu.memory_space<semaphore_mem>> -> memref<1x!tpu.dma_semaphore, #tpu.memory_space<semaphore_mem>>
        %dma_start3A_278 = tpu.memref_squeeze %dma_start3A_277 : memref<1x!tpu.dma_semaphore, #tpu.memory_space<semaphore_mem>> -> memref<!tpu.dma_semaphore, #tpu.memory_space<semaphore_mem>>
        tpu.enqueue_indirect_dma source(%dma_start3A_276 : memref<10000x128xf32, #tpu.memory_space<hbm>>) target(%dma_start3A_270 : memref<128x128xf32, #tpu.memory_space<vmem>>) offsets(%dma_start3A_273 : memref<128xi32, #tpu.memory_space<vmem>>) semaphore(%dma_start3A_278 : memref<!tpu.dma_semaphore, #tpu.memory_space<semaphore_mem>>)
      } else {
      }
      %add3A_192 = arith.constant 5 : i32
      %add3A_193 = arith.addi %add3A_172, %add3A_192 : i32
      %lt3A_194 = arith.cmpi slt, %add3A_193, %min3A_4 : i32
      %convert_element_type3A_195 = arith.extui %lt3A_194 : i1 to i32
      %cond3A_196 = arith.constant 0 : i32
      %cond3A_197 = arith.cmpi ne, %convert_element_type3A_195, %cond3A_196 : i32
      scf.if %cond3A_197 {
        %add3A_225 = arith.constant 5 : i32
        %add3A_226 = arith.addi %add3A_172, %add3A_225 : i32
        %add3A_227 = arith.addi %mul3A_2, %add3A_226 : i32
        %dma_start3A = arith.constant 0 : i32
        %dma_start3A_228 = arith.constant 3 : i32
        %dma_start3A_229 = arith.constant 0 : i32
        %dma_start3A_230 = arith.constant 3 : i32
        %dma_start3A_231 = arith.constant 0 : i32
        %dma_start3A_232 = tpu.memref_slice %arg6[%dma_start3A_228, %dma_start3A_229, %dma_start3A_231] : memref<6x2x128xi32, #tpu.memory_space<vmem>> -> memref<1x1x128xi32, #tpu.memory_space<vmem>>
        %dma_start3A_233 = tpu.memref_squeeze %dma_start3A_232 : memref<1x1x128xi32, #tpu.memory_space<vmem>> -> memref<128xi32, #tpu.memory_space<vmem>>
        %dma_start3A_234 = arith.constant 0 : i32
        %dma_start3A_235 = tpu.memref_slice %arg3[%dma_start3A, %add3A_227, %dma_start3A_234] : memref<2x2500x128xi32, #tpu.memory_space<hbm>> -> memref<1x1x128xi32, #tpu.memory_space<hbm>>
        %dma_start3A_236 = tpu.memref_squeeze %dma_start3A_235 : memref<1x1x128xi32, #tpu.memory_space<hbm>> -> memref<128xi32, #tpu.memory_space<hbm>>
        %dma_start3A_237 = tpu.memref_slice %arg9[%dma_start3A_230] : memref<6x!tpu.dma_semaphore, #tpu.memory_space<semaphore_mem>> -> memref<1x!tpu.dma_semaphore, #tpu.memory_space<semaphore_mem>>
        %dma_start3A_238 = tpu.memref_squeeze %dma_start3A_237 : memref<1x!tpu.dma_semaphore, #tpu.memory_space<semaphore_mem>> -> memref<!tpu.dma_semaphore, #tpu.memory_space<semaphore_mem>>
        %dma_start3A_239 = arith.constant 0 : i32
        %dma_start3A_240 = tpu.memref_slice %arg6[%dma_start3A_228, %dma_start3A_229, %dma_start3A_239] : memref<6x2x128xi32, #tpu.memory_space<vmem>> -> memref<1x1x128xi32, #tpu.memory_space<vmem>>
        %dma_start3A_241 = tpu.memref_squeeze %dma_start3A_240 : memref<1x1x128xi32, #tpu.memory_space<vmem>> -> memref<128xi32, #tpu.memory_space<vmem>>
        %dma_start3A_242 = arith.constant 0 : i32
        %dma_start3A_243 = tpu.memref_slice %arg3[%dma_start3A, %add3A_227, %dma_start3A_242] : memref<2x2500x128xi32, #tpu.memory_space<hbm>> -> memref<1x1x128xi32, #tpu.memory_space<hbm>>
        %dma_start3A_244 = tpu.memref_squeeze %dma_start3A_243 : memref<1x1x128xi32, #tpu.memory_space<hbm>> -> memref<128xi32, #tpu.memory_space<hbm>>
        tpu.enqueue_dma source(%dma_start3A_244 : memref<128xi32, #tpu.memory_space<hbm>>) target(%dma_start3A_241 : memref<128xi32, #tpu.memory_space<vmem>>) target_semaphore(%dma_start3A_238 : memref<!tpu.dma_semaphore, #tpu.memory_space<semaphore_mem>>)
        %add3A_245 = arith.addi %mul3A_2, %add3A_226 : i32
        %dma_start3A_246 = arith.constant 1 : i32
        %dma_start3A_247 = arith.constant 3 : i32
        %dma_start3A_248 = arith.constant 1 : i32
        %dma_start3A_249 = arith.constant 3 : i32
        %dma_start3A_250 = arith.constant 0 : i32
        %dma_start3A_251 = tpu.memref_slice %arg6[%dma_start3A_247, %dma_start3A_248, %dma_start3A_250] : memref<6x2x128xi32, #tpu.memory_space<vmem>> -> memref<1x1x128xi32, #tpu.memory_space<vmem>>
        %dma_start3A_252 = tpu.memref_squeeze %dma_start3A_251 : memref<1x1x128xi32, #tpu.memory_space<vmem>> -> memref<128xi32, #tpu.memory_space<vmem>>
        %dma_start3A_253 = arith.constant 0 : i32
        %dma_start3A_254 = tpu.memref_slice %arg3[%dma_start3A_246, %add3A_245, %dma_start3A_253] : memref<2x2500x128xi32, #tpu.memory_space<hbm>> -> memref<1x1x128xi32, #tpu.memory_space<hbm>>
        %dma_start3A_255 = tpu.memref_squeeze %dma_start3A_254 : memref<1x1x128xi32, #tpu.memory_space<hbm>> -> memref<128xi32, #tpu.memory_space<hbm>>
        %dma_start3A_256 = tpu.memref_slice %arg10[%dma_start3A_249] : memref<6x!tpu.dma_semaphore, #tpu.memory_space<semaphore_mem>> -> memref<1x!tpu.dma_semaphore, #tpu.memory_space<semaphore_mem>>
        %dma_start3A_257 = tpu.memref_squeeze %dma_start3A_256 : memref<1x!tpu.dma_semaphore, #tpu.memory_space<semaphore_mem>> -> memref<!tpu.dma_semaphore, #tpu.memory_space<semaphore_mem>>
        %dma_start3A_258 = arith.constant 0 : i32
        %dma_start3A_259 = tpu.memref_slice %arg6[%dma_start3A_247, %dma_start3A_248, %dma_start3A_258] : memref<6x2x128xi32, #tpu.memory_space<vmem>> -> memref<1x1x128xi32, #tpu.memory_space<vmem>>
        %dma_start3A_260 = tpu.memref_squeeze %dma_start3A_259 : memref<1x1x128xi32, #tpu.memory_space<vmem>> -> memref<128xi32, #tpu.memory_space<vmem>>
        %dma_start3A_261 = arith.constant 0 : i32
        %dma_start3A_262 = tpu.memref_slice %arg3[%dma_start3A_246, %add3A_245, %dma_start3A_261] : memref<2x2500x128xi32, #tpu.memory_space<hbm>> -> memref<1x1x128xi32, #tpu.memory_space<hbm>>
        %dma_start3A_263 = tpu.memref_squeeze %dma_start3A_262 : memref<1x1x128xi32, #tpu.memory_space<hbm>> -> memref<128xi32, #tpu.memory_space<hbm>>
        tpu.enqueue_dma source(%dma_start3A_263 : memref<128xi32, #tpu.memory_space<hbm>>) target(%dma_start3A_260 : memref<128xi32, #tpu.memory_space<vmem>>) target_semaphore(%dma_start3A_257 : memref<!tpu.dma_semaphore, #tpu.memory_space<semaphore_mem>>)
      } else {
      }
      %add3A_198 = arith.constant 5 : i32
      %add3A_199 = arith.addi %add3A_64, %add3A_198 : i32
      %lt3A_200 = arith.cmpi slt, %add3A_199, %min3A_4 : i32
      %convert_element_type3A_201 = arith.extui %lt3A_200 : i1 to i32
      %cond3A_202 = arith.constant 0 : i32
      %cond3A_203 = arith.cmpi ne, %convert_element_type3A_201, %cond3A_202 : i32
      scf.if %cond3A_203 {
        %dma_wait3A = arith.constant 5 : i32
        %dma_wait3A_225 = arith.constant 0 : i32
        %dma_wait3A_226 = arith.constant 2 : i32
        %dma_wait3A_227 = arith.constant 2 : i32
        %dma_wait3A_228 = arith.constant 0 : i32
        %dma_wait3A_229 = arith.constant 0 : i32
        %dma_wait3A_230 = tpu.memref_slice %arg7[%dma_wait3A_226, %dma_wait3A_228, %dma_wait3A_229] : memref<3x128x128xf32, #tpu.memory_space<vmem>> -> memref<1x128x128xf32, #tpu.memory_space<vmem>>
        %dma_wait3A_231 = tpu.memref_squeeze %dma_wait3A_230 : memref<1x128x128xf32, #tpu.memory_space<vmem>> -> memref<128x128xf32, #tpu.memory_space<vmem>>
        %dma_wait3A_232 = arith.constant 0 : i32
        %dma_wait3A_233 = tpu.memref_slice %arg6[%dma_wait3A, %dma_wait3A_225, %dma_wait3A_232] : memref<6x2x128xi32, #tpu.memory_space<vmem>> -> memref<1x1x128xi32, #tpu.memory_space<vmem>>
        %dma_wait3A_234 = tpu.memref_squeeze %dma_wait3A_233 : memref<1x1x128xi32, #tpu.memory_space<vmem>> -> memref<128xi32, #tpu.memory_space<vmem>>
        %dma_wait3A_235 = arith.constant 0 : i32
        %dma_wait3A_236 = arith.constant 0 : i32
        %dma_wait3A_237 = tpu.memref_slice %arg2[%dma_wait3A_235, %dma_wait3A_236] : memref<10000x128xf32, #tpu.memory_space<hbm>> -> memref<10000x128xf32, #tpu.memory_space<hbm>>
        %dma_wait3A_238 = tpu.memref_slice %arg11[%dma_wait3A_227] : memref<3x!tpu.dma_semaphore, #tpu.memory_space<semaphore_mem>> -> memref<1x!tpu.dma_semaphore, #tpu.memory_space<semaphore_mem>>
        %dma_wait3A_239 = tpu.memref_squeeze %dma_wait3A_238 : memref<1x!tpu.dma_semaphore, #tpu.memory_space<semaphore_mem>> -> memref<!tpu.dma_semaphore, #tpu.memory_space<semaphore_mem>>
        tpu.wait_indirect_dma semaphore(%dma_wait3A_239 : memref<!tpu.dma_semaphore, #tpu.memory_space<semaphore_mem>>) src(%dma_wait3A_237 : memref<10000x128xf32, #tpu.memory_space<hbm>>) dst(%dma_wait3A_231 : memref<128x128xf32, #tpu.memory_space<vmem>>)
        %dma_start3A = arith.constant 2 : i32
        %dma_start3A_240 = arith.constant 5 : i32
        %dma_start3A_241 = arith.constant 1 : i32
        %dma_start3A_242 = arith.constant 2 : i32
        %dma_start3A_243 = arith.constant 0 : i32
        %dma_start3A_244 = arith.constant 0 : i32
        %dma_start3A_245 = tpu.memref_slice %arg7[%dma_start3A, %dma_start3A_243, %dma_start3A_244] : memref<3x128x128xf32, #tpu.memory_space<vmem>> -> memref<1x128x128xf32, #tpu.memory_space<vmem>>
        %dma_start3A_246 = tpu.memref_squeeze %dma_start3A_245 : memref<1x128x128xf32, #tpu.memory_space<vmem>> -> memref<128x128xf32, #tpu.memory_space<vmem>>
        %dma_start3A_247 = arith.constant 0 : i32
        %dma_start3A_248 = tpu.memref_slice %arg6[%dma_start3A_240, %dma_start3A_241, %dma_start3A_247] : memref<6x2x128xi32, #tpu.memory_space<vmem>> -> memref<1x1x128xi32, #tpu.memory_space<vmem>>
        %dma_start3A_249 = tpu.memref_squeeze %dma_start3A_248 : memref<1x1x128xi32, #tpu.memory_space<vmem>> -> memref<128xi32, #tpu.memory_space<vmem>>
        %dma_start3A_250 = arith.constant 0 : i32
        %dma_start3A_251 = arith.constant 0 : i32
        %dma_start3A_252 = tpu.memref_slice %arg8[%dma_start3A_250, %dma_start3A_251] : memref<10000x128xf32, #tpu.memory_space<vmem_shared>> -> memref<10000x128xf32, #tpu.memory_space<vmem_shared>>
        %dma_start3A_253 = tpu.memref_slice %arg12[%dma_start3A_242] : memref<3x!tpu.dma_semaphore, #tpu.memory_space<semaphore_mem>> -> memref<1x!tpu.dma_semaphore, #tpu.memory_space<semaphore_mem>>
        %dma_start3A_254 = tpu.memref_squeeze %dma_start3A_253 : memref<1x!tpu.dma_semaphore, #tpu.memory_space<semaphore_mem>> -> memref<!tpu.dma_semaphore, #tpu.memory_space<semaphore_mem>>
        tpu.enqueue_indirect_dma source(%dma_start3A_246 : memref<128x128xf32, #tpu.memory_space<vmem>>) target(%dma_start3A_252 : memref<10000x128xf32, #tpu.memory_space<vmem_shared>>) offsets(%dma_start3A_249 : memref<128xi32, #tpu.memory_space<vmem>>) semaphore(%dma_start3A_254 : memref<!tpu.dma_semaphore, #tpu.memory_space<semaphore_mem>>) {add = true}
      } else {
      }
      %ge3A_204 = arith.constant 1 : i32
      %ge3A_205 = arith.cmpi sge, %add3A_199, %ge3A_204 : i32
      %sub3A_206 = arith.constant 1 : i32
      %sub3A_207 = arith.subi %add3A_199, %sub3A_206 : i32
      %lt3A_208 = arith.cmpi slt, %sub3A_207, %min3A_4 : i32
      %and3A_209 = arith.andi %ge3A_205, %lt3A_208 : i1
      %convert_element_type3A_210 = arith.extui %and3A_209 : i1 to i32
      %cond3A_211 = arith.constant 0 : i32
      %cond3A_212 = arith.cmpi ne, %convert_element_type3A_210, %cond3A_211 : i32
      scf.if %cond3A_212 {
        %dma_wait3A = arith.constant 1 : i32
        %dma_wait3A_225 = arith.constant 4 : i32
        %dma_wait3A_226 = arith.constant 1 : i32
        %dma_wait3A_227 = arith.constant 1 : i32
        %dma_wait3A_228 = arith.constant 0 : i32
        %dma_wait3A_229 = arith.constant 0 : i32
        %dma_wait3A_230 = tpu.memref_slice %arg7[%dma_wait3A, %dma_wait3A_228, %dma_wait3A_229] : memref<3x128x128xf32, #tpu.memory_space<vmem>> -> memref<1x128x128xf32, #tpu.memory_space<vmem>>
        %dma_wait3A_231 = tpu.memref_squeeze %dma_wait3A_230 : memref<1x128x128xf32, #tpu.memory_space<vmem>> -> memref<128x128xf32, #tpu.memory_space<vmem>>
        %dma_wait3A_232 = arith.constant 0 : i32
        %dma_wait3A_233 = tpu.memref_slice %arg6[%dma_wait3A_225, %dma_wait3A_226, %dma_wait3A_232] : memref<6x2x128xi32, #tpu.memory_space<vmem>> -> memref<1x1x128xi32, #tpu.memory_space<vmem>>
        %dma_wait3A_234 = tpu.memref_squeeze %dma_wait3A_233 : memref<1x1x128xi32, #tpu.memory_space<vmem>> -> memref<128xi32, #tpu.memory_space<vmem>>
        %dma_wait3A_235 = arith.constant 0 : i32
        %dma_wait3A_236 = arith.constant 0 : i32
        %dma_wait3A_237 = tpu.memref_slice %arg8[%dma_wait3A_235, %dma_wait3A_236] : memref<10000x128xf32, #tpu.memory_space<vmem_shared>> -> memref<10000x128xf32, #tpu.memory_space<vmem_shared>>
        %dma_wait3A_238 = tpu.memref_slice %arg12[%dma_wait3A_227] : memref<3x!tpu.dma_semaphore, #tpu.memory_space<semaphore_mem>> -> memref<1x!tpu.dma_semaphore, #tpu.memory_space<semaphore_mem>>
        %dma_wait3A_239 = tpu.memref_squeeze %dma_wait3A_238 : memref<1x!tpu.dma_semaphore, #tpu.memory_space<semaphore_mem>> -> memref<!tpu.dma_semaphore, #tpu.memory_space<semaphore_mem>>
        tpu.wait_indirect_dma semaphore(%dma_wait3A_239 : memref<!tpu.dma_semaphore, #tpu.memory_space<semaphore_mem>>) src(%dma_wait3A_231 : memref<128x128xf32, #tpu.memory_space<vmem>>) dst(%dma_wait3A_237 : memref<10000x128xf32, #tpu.memory_space<vmem_shared>>)
      } else {
      }
      %add3A_213 = arith.constant 2 : i32
      %add3A_214 = arith.addi %add3A_199, %add3A_213 : i32
      %lt3A_215 = arith.cmpi slt, %add3A_214, %min3A_4 : i32
      %convert_element_type3A_216 = arith.extui %lt3A_215 : i1 to i32
      %cond3A_217 = arith.constant 0 : i32
      %cond3A_218 = arith.cmpi ne, %convert_element_type3A_216, %cond3A_217 : i32
      scf.if %cond3A_218 {
        %add3A_225 = arith.constant 2 : i32
        %add3A_226 = arith.addi %add3A_199, %add3A_225 : i32
        %add3A_227 = arith.addi %mul3A_2, %add3A_226 : i32
        %dma_wait3A = arith.constant 0 : i32
        %dma_wait3A_228 = arith.constant 1 : i32
        %dma_wait3A_229 = arith.constant 0 : i32
        %dma_wait3A_230 = arith.constant 1 : i32
        %dma_wait3A_231 = arith.constant 0 : i32
        %dma_wait3A_232 = tpu.memref_slice %arg6[%dma_wait3A_228, %dma_wait3A_229, %dma_wait3A_231] : memref<6x2x128xi32, #tpu.memory_space<vmem>> -> memref<1x1x128xi32, #tpu.memory_space<vmem>>
        %dma_wait3A_233 = tpu.memref_squeeze %dma_wait3A_232 : memref<1x1x128xi32, #tpu.memory_space<vmem>> -> memref<128xi32, #tpu.memory_space<vmem>>
        %dma_wait3A_234 = arith.constant 0 : i32
        %dma_wait3A_235 = tpu.memref_slice %arg3[%dma_wait3A, %add3A_227, %dma_wait3A_234] : memref<2x2500x128xi32, #tpu.memory_space<hbm>> -> memref<1x1x128xi32, #tpu.memory_space<hbm>>
        %dma_wait3A_236 = tpu.memref_squeeze %dma_wait3A_235 : memref<1x1x128xi32, #tpu.memory_space<hbm>> -> memref<128xi32, #tpu.memory_space<hbm>>
        %dma_wait3A_237 = tpu.memref_slice %arg9[%dma_wait3A_230] : memref<6x!tpu.dma_semaphore, #tpu.memory_space<semaphore_mem>> -> memref<1x!tpu.dma_semaphore, #tpu.memory_space<semaphore_mem>>
        %dma_wait3A_238 = tpu.memref_squeeze %dma_wait3A_237 : memref<1x!tpu.dma_semaphore, #tpu.memory_space<semaphore_mem>> -> memref<!tpu.dma_semaphore, #tpu.memory_space<semaphore_mem>>
        %dma_wait3A_239 = arith.constant 0 : i32
        %dma_wait3A_240 = tpu.memref_slice %arg6[%dma_wait3A_228, %dma_wait3A_229, %dma_wait3A_239] : memref<6x2x128xi32, #tpu.memory_space<vmem>> -> memref<1x1x128xi32, #tpu.memory_space<vmem>>
        %dma_wait3A_241 = tpu.memref_squeeze %dma_wait3A_240 : memref<1x1x128xi32, #tpu.memory_space<vmem>> -> memref<128xi32, #tpu.memory_space<vmem>>
        %dma_wait3A_242 = arith.constant 0 : i32
        %dma_wait3A_243 = tpu.memref_slice %arg3[%dma_wait3A, %add3A_227, %dma_wait3A_242] : memref<2x2500x128xi32, #tpu.memory_space<hbm>> -> memref<1x1x128xi32, #tpu.memory_space<hbm>>
        %dma_wait3A_244 = tpu.memref_squeeze %dma_wait3A_243 : memref<1x1x128xi32, #tpu.memory_space<hbm>> -> memref<128xi32, #tpu.memory_space<hbm>>
        tpu.wait_dma2 semaphore(%dma_wait3A_238 : memref<!tpu.dma_semaphore, #tpu.memory_space<semaphore_mem>>) src(%dma_wait3A_244 : memref<128xi32, #tpu.memory_space<hbm>>) dst(%dma_wait3A_241 : memref<128xi32, #tpu.memory_space<vmem>>)
        %add3A_245 = arith.addi %mul3A_2, %add3A_226 : i32
        %dma_wait3A_246 = arith.constant 1 : i32
        %dma_wait3A_247 = arith.constant 1 : i32
        %dma_wait3A_248 = arith.constant 1 : i32
        %dma_wait3A_249 = arith.constant 1 : i32
        %dma_wait3A_250 = arith.constant 0 : i32
        %dma_wait3A_251 = tpu.memref_slice %arg6[%dma_wait3A_247, %dma_wait3A_248, %dma_wait3A_250] : memref<6x2x128xi32, #tpu.memory_space<vmem>> -> memref<1x1x128xi32, #tpu.memory_space<vmem>>
        %dma_wait3A_252 = tpu.memref_squeeze %dma_wait3A_251 : memref<1x1x128xi32, #tpu.memory_space<vmem>> -> memref<128xi32, #tpu.memory_space<vmem>>
        %dma_wait3A_253 = arith.constant 0 : i32
        %dma_wait3A_254 = tpu.memref_slice %arg3[%dma_wait3A_246, %add3A_245, %dma_wait3A_253] : memref<2x2500x128xi32, #tpu.memory_space<hbm>> -> memref<1x1x128xi32, #tpu.memory_space<hbm>>
        %dma_wait3A_255 = tpu.memref_squeeze %dma_wait3A_254 : memref<1x1x128xi32, #tpu.memory_space<hbm>> -> memref<128xi32, #tpu.memory_space<hbm>>
        %dma_wait3A_256 = tpu.memref_slice %arg10[%dma_wait3A_249] : memref<6x!tpu.dma_semaphore, #tpu.memory_space<semaphore_mem>> -> memref<1x!tpu.dma_semaphore, #tpu.memory_space<semaphore_mem>>
        %dma_wait3A_257 = tpu.memref_squeeze %dma_wait3A_256 : memref<1x!tpu.dma_semaphore, #tpu.memory_space<semaphore_mem>> -> memref<!tpu.dma_semaphore, #tpu.memory_space<semaphore_mem>>
        %dma_wait3A_258 = arith.constant 0 : i32
        %dma_wait3A_259 = tpu.memref_slice %arg6[%dma_wait3A_247, %dma_wait3A_248, %dma_wait3A_258] : memref<6x2x128xi32, #tpu.memory_space<vmem>> -> memref<1x1x128xi32, #tpu.memory_space<vmem>>
        %dma_wait3A_260 = tpu.memref_squeeze %dma_wait3A_259 : memref<1x1x128xi32, #tpu.memory_space<vmem>> -> memref<128xi32, #tpu.memory_space<vmem>>
        %dma_wait3A_261 = arith.constant 0 : i32
        %dma_wait3A_262 = tpu.memref_slice %arg3[%dma_wait3A_246, %add3A_245, %dma_wait3A_261] : memref<2x2500x128xi32, #tpu.memory_space<hbm>> -> memref<1x1x128xi32, #tpu.memory_space<hbm>>
        %dma_wait3A_263 = tpu.memref_squeeze %dma_wait3A_262 : memref<1x1x128xi32, #tpu.memory_space<hbm>> -> memref<128xi32, #tpu.memory_space<hbm>>
        tpu.wait_dma2 semaphore(%dma_wait3A_257 : memref<!tpu.dma_semaphore, #tpu.memory_space<semaphore_mem>>) src(%dma_wait3A_263 : memref<128xi32, #tpu.memory_space<hbm>>) dst(%dma_wait3A_260 : memref<128xi32, #tpu.memory_space<vmem>>)
        %dma_start3A = arith.constant 1 : i32
        %dma_start3A_264 = arith.constant 0 : i32
        %dma_start3A_265 = arith.constant 1 : i32
        %dma_start3A_266 = arith.constant 1 : i32
        %dma_start3A_267 = arith.constant 0 : i32
        %dma_start3A_268 = arith.constant 0 : i32
        %dma_start3A_269 = tpu.memref_slice %arg7[%dma_start3A_265, %dma_start3A_267, %dma_start3A_268] : memref<3x128x128xf32, #tpu.memory_space<vmem>> -> memref<1x128x128xf32, #tpu.memory_space<vmem>>
        %dma_start3A_270 = tpu.memref_squeeze %dma_start3A_269 : memref<1x128x128xf32, #tpu.memory_space<vmem>> -> memref<128x128xf32, #tpu.memory_space<vmem>>
        %dma_start3A_271 = arith.constant 0 : i32
        %dma_start3A_272 = tpu.memref_slice %arg6[%dma_start3A, %dma_start3A_264, %dma_start3A_271] : memref<6x2x128xi32, #tpu.memory_space<vmem>> -> memref<1x1x128xi32, #tpu.memory_space<vmem>>
        %dma_start3A_273 = tpu.memref_squeeze %dma_start3A_272 : memref<1x1x128xi32, #tpu.memory_space<vmem>> -> memref<128xi32, #tpu.memory_space<vmem>>
        %dma_start3A_274 = arith.constant 0 : i32
        %dma_start3A_275 = arith.constant 0 : i32
        %dma_start3A_276 = tpu.memref_slice %arg2[%dma_start3A_274, %dma_start3A_275] : memref<10000x128xf32, #tpu.memory_space<hbm>> -> memref<10000x128xf32, #tpu.memory_space<hbm>>
        %dma_start3A_277 = tpu.memref_slice %arg11[%dma_start3A_266] : memref<3x!tpu.dma_semaphore, #tpu.memory_space<semaphore_mem>> -> memref<1x!tpu.dma_semaphore, #tpu.memory_space<semaphore_mem>>
        %dma_start3A_278 = tpu.memref_squeeze %dma_start3A_277 : memref<1x!tpu.dma_semaphore, #tpu.memory_space<semaphore_mem>> -> memref<!tpu.dma_semaphore, #tpu.memory_space<semaphore_mem>>
        tpu.enqueue_indirect_dma source(%dma_start3A_276 : memref<10000x128xf32, #tpu.memory_space<hbm>>) target(%dma_start3A_270 : memref<128x128xf32, #tpu.memory_space<vmem>>) offsets(%dma_start3A_273 : memref<128xi32, #tpu.memory_space<vmem>>) semaphore(%dma_start3A_278 : memref<!tpu.dma_semaphore, #tpu.memory_space<semaphore_mem>>)
      } else {
      }
      %add3A_219 = arith.constant 5 : i32
      %add3A_220 = arith.addi %add3A_199, %add3A_219 : i32
      %lt3A_221 = arith.cmpi slt, %add3A_220, %min3A_4 : i32
      %convert_element_type3A_222 = arith.extui %lt3A_221 : i1 to i32
      %cond3A_223 = arith.constant 0 : i32
      %cond3A_224 = arith.cmpi ne, %convert_element_type3A_222, %cond3A_223 : i32
      scf.if %cond3A_224 {
        %add3A_225 = arith.constant 5 : i32
        %add3A_226 = arith.addi %add3A_199, %add3A_225 : i32
        %add3A_227 = arith.addi %mul3A_2, %add3A_226 : i32
        %dma_start3A = arith.constant 0 : i32
        %dma_start3A_228 = arith.constant 4 : i32
        %dma_start3A_229 = arith.constant 0 : i32
        %dma_start3A_230 = arith.constant 4 : i32
        %dma_start3A_231 = arith.constant 0 : i32
        %dma_start3A_232 = tpu.memref_slice %arg6[%dma_start3A_228, %dma_start3A_229, %dma_start3A_231] : memref<6x2x128xi32, #tpu.memory_space<vmem>> -> memref<1x1x128xi32, #tpu.memory_space<vmem>>
        %dma_start3A_233 = tpu.memref_squeeze %dma_start3A_232 : memref<1x1x128xi32, #tpu.memory_space<vmem>> -> memref<128xi32, #tpu.memory_space<vmem>>
        %dma_start3A_234 = arith.constant 0 : i32
        %dma_start3A_235 = tpu.memref_slice %arg3[%dma_start3A, %add3A_227, %dma_start3A_234] : memref<2x2500x128xi32, #tpu.memory_space<hbm>> -> memref<1x1x128xi32, #tpu.memory_space<hbm>>
        %dma_start3A_236 = tpu.memref_squeeze %dma_start3A_235 : memref<1x1x128xi32, #tpu.memory_space<hbm>> -> memref<128xi32, #tpu.memory_space<hbm>>
        %dma_start3A_237 = tpu.memref_slice %arg9[%dma_start3A_230] : memref<6x!tpu.dma_semaphore, #tpu.memory_space<semaphore_mem>> -> memref<1x!tpu.dma_semaphore, #tpu.memory_space<semaphore_mem>>
        %dma_start3A_238 = tpu.memref_squeeze %dma_start3A_237 : memref<1x!tpu.dma_semaphore, #tpu.memory_space<semaphore_mem>> -> memref<!tpu.dma_semaphore, #tpu.memory_space<semaphore_mem>>
        %dma_start3A_239 = arith.constant 0 : i32
        %dma_start3A_240 = tpu.memref_slice %arg6[%dma_start3A_228, %dma_start3A_229, %dma_start3A_239] : memref<6x2x128xi32, #tpu.memory_space<vmem>> -> memref<1x1x128xi32, #tpu.memory_space<vmem>>
        %dma_start3A_241 = tpu.memref_squeeze %dma_start3A_240 : memref<1x1x128xi32, #tpu.memory_space<vmem>> -> memref<128xi32, #tpu.memory_space<vmem>>
        %dma_start3A_242 = arith.constant 0 : i32
        %dma_start3A_243 = tpu.memref_slice %arg3[%dma_start3A, %add3A_227, %dma_start3A_242] : memref<2x2500x128xi32, #tpu.memory_space<hbm>> -> memref<1x1x128xi32, #tpu.memory_space<hbm>>
        %dma_start3A_244 = tpu.memref_squeeze %dma_start3A_243 : memref<1x1x128xi32, #tpu.memory_space<hbm>> -> memref<128xi32, #tpu.memory_space<hbm>>
        tpu.enqueue_dma source(%dma_start3A_244 : memref<128xi32, #tpu.memory_space<hbm>>) target(%dma_start3A_241 : memref<128xi32, #tpu.memory_space<vmem>>) target_semaphore(%dma_start3A_238 : memref<!tpu.dma_semaphore, #tpu.memory_space<semaphore_mem>>)
        %add3A_245 = arith.addi %mul3A_2, %add3A_226 : i32
        %dma_start3A_246 = arith.constant 1 : i32
        %dma_start3A_247 = arith.constant 4 : i32
        %dma_start3A_248 = arith.constant 1 : i32
        %dma_start3A_249 = arith.constant 4 : i32
        %dma_start3A_250 = arith.constant 0 : i32
        %dma_start3A_251 = tpu.memref_slice %arg6[%dma_start3A_247, %dma_start3A_248, %dma_start3A_250] : memref<6x2x128xi32, #tpu.memory_space<vmem>> -> memref<1x1x128xi32, #tpu.memory_space<vmem>>
        %dma_start3A_252 = tpu.memref_squeeze %dma_start3A_251 : memref<1x1x128xi32, #tpu.memory_space<vmem>> -> memref<128xi32, #tpu.memory_space<vmem>>
        %dma_start3A_253 = arith.constant 0 : i32
        %dma_start3A_254 = tpu.memref_slice %arg3[%dma_start3A_246, %add3A_245, %dma_start3A_253] : memref<2x2500x128xi32, #tpu.memory_space<hbm>> -> memref<1x1x128xi32, #tpu.memory_space<hbm>>
        %dma_start3A_255 = tpu.memref_squeeze %dma_start3A_254 : memref<1x1x128xi32, #tpu.memory_space<hbm>> -> memref<128xi32, #tpu.memory_space<hbm>>
        %dma_start3A_256 = tpu.memref_slice %arg10[%dma_start3A_249] : memref<6x!tpu.dma_semaphore, #tpu.memory_space<semaphore_mem>> -> memref<1x!tpu.dma_semaphore, #tpu.memory_space<semaphore_mem>>
        %dma_start3A_257 = tpu.memref_squeeze %dma_start3A_256 : memref<1x!tpu.dma_semaphore, #tpu.memory_space<semaphore_mem>> -> memref<!tpu.dma_semaphore, #tpu.memory_space<semaphore_mem>>
        %dma_start3A_258 = arith.constant 0 : i32
        %dma_start3A_259 = tpu.memref_slice %arg6[%dma_start3A_247, %dma_start3A_248, %dma_start3A_258] : memref<6x2x128xi32, #tpu.memory_space<vmem>> -> memref<1x1x128xi32, #tpu.memory_space<vmem>>
        %dma_start3A_260 = tpu.memref_squeeze %dma_start3A_259 : memref<1x1x128xi32, #tpu.memory_space<vmem>> -> memref<128xi32, #tpu.memory_space<vmem>>
        %dma_start3A_261 = arith.constant 0 : i32
        %dma_start3A_262 = tpu.memref_slice %arg3[%dma_start3A_246, %add3A_245, %dma_start3A_261] : memref<2x2500x128xi32, #tpu.memory_space<hbm>> -> memref<1x1x128xi32, #tpu.memory_space<hbm>>
        %dma_start3A_263 = tpu.memref_squeeze %dma_start3A_262 : memref<1x1x128xi32, #tpu.memory_space<hbm>> -> memref<128xi32, #tpu.memory_space<hbm>>
        tpu.enqueue_dma source(%dma_start3A_263 : memref<128xi32, #tpu.memory_space<hbm>>) target(%dma_start3A_260 : memref<128xi32, #tpu.memory_space<vmem>>) target_semaphore(%dma_start3A_257 : memref<!tpu.dma_semaphore, #tpu.memory_space<semaphore_mem>>)
      } else {
      }
    }
    %scan3A_48 = arith.constant 14 : i32
    %barrier3A_49 = arith.constant 0 : index
    tpu.barrier barrier_id(%barrier3A_49)
    %lt3A_50 = arith.constant 15 : i32
    %lt3A_51 = arith.cmpi slt, %arg1, %lt3A_50 : i32
    %convert_element_type3A_52 = arith.extui %lt3A_51 : i1 to i32
    %cond3A_53 = arith.constant 0 : i32
    %cond3A_54 = arith.cmpi ne, %convert_element_type3A_52, %cond3A_53 : i32
    scf.if %cond3A_54 {
      %mul3A_60 = arith.constant 632 : i32
      %mul3A_61 = arith.muli %arg1, %mul3A_60 : i32
      %mul3A_62 = arith.constant 632 : i32
      %mul3A_63 = arith.muli %arg1, %mul3A_62 : i32
      "tpu.region"() ({
        %run_scoped3A = tpu.sem_alloc : memref<!tpu.dma_semaphore, #tpu.memory_space<semaphore_mem>>
        %dma_start3A = arith.constant 0 : i32
        %dma_start3A_64 = tpu.memref_slice %arg5[%arg0, %mul3A_63, %dma_start3A] : memref<2x10000x128xf32, #tpu.memory_space<hbm>> -> memref<1x632x128xf32, #tpu.memory_space<hbm>>
        %dma_start3A_65 = tpu.memref_squeeze %dma_start3A_64 : memref<1x632x128xf32, #tpu.memory_space<hbm>> -> memref<632x128xf32, #tpu.memory_space<hbm>>
        %dma_start3A_66 = arith.constant 0 : i32
        %dma_start3A_67 = tpu.memref_slice %arg8[%mul3A_61, %dma_start3A_66] : memref<10000x128xf32, #tpu.memory_space<vmem_shared>> -> memref<632x128xf32, #tpu.memory_space<vmem_shared>>
        tpu.enqueue_dma source(%dma_start3A_67 : memref<632x128xf32, #tpu.memory_space<vmem_shared>>) target(%dma_start3A_65 : memref<632x128xf32, #tpu.memory_space<hbm>>) target_semaphore(%run_scoped3A : memref<!tpu.dma_semaphore, #tpu.memory_space<semaphore_mem>>)
        %dma_wait3A = arith.constant 0 : i32
        %dma_wait3A_68 = tpu.memref_slice %arg5[%arg0, %mul3A_63, %dma_wait3A] : memref<2x10000x128xf32, #tpu.memory_space<hbm>> -> memref<1x632x128xf32, #tpu.memory_space<hbm>>
        %dma_wait3A_69 = tpu.memref_squeeze %dma_wait3A_68 : memref<1x632x128xf32, #tpu.memory_space<hbm>> -> memref<632x128xf32, #tpu.memory_space<hbm>>
        %dma_wait3A_70 = arith.constant 0 : i32
        %dma_wait3A_71 = tpu.memref_slice %arg8[%mul3A_61, %dma_wait3A_70] : memref<10000x128xf32, #tpu.memory_space<vmem_shared>> -> memref<632x128xf32, #tpu.memory_space<vmem_shared>>
        tpu.wait_dma2 semaphore(%run_scoped3A : memref<!tpu.dma_semaphore, #tpu.memory_space<semaphore_mem>>) src(%dma_wait3A_71 : memref<632x128xf32, #tpu.memory_space<vmem_shared>>) dst(%dma_wait3A_69 : memref<632x128xf32, #tpu.memory_space<hbm>>)
        tpu.yield
      }) : () -> ()
    } else {
    }
    %eq3A_55 = arith.constant 15 : i32
    %eq3A_56 = arith.cmpi eq, %arg1, %eq3A_55 : i32
    %convert_element_type3A_57 = arith.extui %eq3A_56 : i1 to i32
    %cond3A_58 = arith.constant 0 : i32
    %cond3A_59 = arith.cmpi ne, %convert_element_type3A_57, %cond3A_58 : i32
    scf.if %cond3A_59 {
      "tpu.region"() ({
        %run_scoped3A = tpu.sem_alloc : memref<!tpu.dma_semaphore, #tpu.memory_space<semaphore_mem>>
        %dma_start3A = arith.constant 9480 : i32
        %dma_start3A_60 = arith.constant 0 : i32
        %dma_start3A_61 = tpu.memref_slice %arg5[%arg0, %dma_start3A, %dma_start3A_60] : memref<2x10000x128xf32, #tpu.memory_space<hbm>> -> memref<1x520x128xf32, #tpu.memory_space<hbm>>
        %dma_start3A_62 = tpu.memref_squeeze %dma_start3A_61 : memref<1x520x128xf32, #tpu.memory_space<hbm>> -> memref<520x128xf32, #tpu.memory_space<hbm>>
        %dma_start3A_63 = arith.constant 9480 : i32
        %dma_start3A_64 = arith.constant 0 : i32
        %dma_start3A_65 = tpu.memref_slice %arg8[%dma_start3A_63, %dma_start3A_64] : memref<10000x128xf32, #tpu.memory_space<vmem_shared>> -> memref<520x128xf32, #tpu.memory_space<vmem_shared>>
        tpu.enqueue_dma source(%dma_start3A_65 : memref<520x128xf32, #tpu.memory_space<vmem_shared>>) target(%dma_start3A_62 : memref<520x128xf32, #tpu.memory_space<hbm>>) target_semaphore(%run_scoped3A : memref<!tpu.dma_semaphore, #tpu.memory_space<semaphore_mem>>)
        %dma_wait3A = arith.constant 9480 : i32
        %dma_wait3A_66 = arith.constant 0 : i32
        %dma_wait3A_67 = tpu.memref_slice %arg5[%arg0, %dma_wait3A, %dma_wait3A_66] : memref<2x10000x128xf32, #tpu.memory_space<hbm>> -> memref<1x520x128xf32, #tpu.memory_space<hbm>>
        %dma_wait3A_68 = tpu.memref_squeeze %dma_wait3A_67 : memref<1x520x128xf32, #tpu.memory_space<hbm>> -> memref<520x128xf32, #tpu.memory_space<hbm>>
        %dma_wait3A_69 = arith.constant 9480 : i32
        %dma_wait3A_70 = arith.constant 0 : i32
        %dma_wait3A_71 = tpu.memref_slice %arg8[%dma_wait3A_69, %dma_wait3A_70] : memref<10000x128xf32, #tpu.memory_space<vmem_shared>> -> memref<520x128xf32, #tpu.memory_space<vmem_shared>>
        tpu.wait_dma2 semaphore(%run_scoped3A : memref<!tpu.dma_semaphore, #tpu.memory_space<semaphore_mem>>) src(%dma_wait3A_71 : memref<520x128xf32, #tpu.memory_space<vmem_shared>>) dst(%dma_wait3A_68 : memref<520x128xf32, #tpu.memory_space<hbm>>)
        tpu.yield
      }) : () -> ()
    } else {
    }
    return
  }
}

module attributes {stable_mosaic.version = 14 : i64} {
  func.func @_tc_a_body(%arg0: i32, %arg1: memref<1000x128xf32, #tpu.memory_space<vmem>>, %arg2: memref<128x128xf32, #tpu.memory_space<vmem>>, %arg3: memref<1x128xf32, #tpu.memory_space<vmem>>, %arg4: memref<1000x128xf32, #tpu.memory_space<vmem>>) attributes {dimension_semantics = [#tpu.dimension_semantics<arbitrary>], iteration_bounds = array<i64: 10>, scalar_prefetch = 0 : i64, scratch_operands = 0 : i64, tpu.core_type = #tpu.core_type<tc>, window_params = [{transform_indices = @transform_0, window_bounds = array<i64: 1000, 128>}, {pipeline_mode = #tpu.pipeline_mode<synchronous>, transform_indices = @transform_1, window_bounds = array<i64: 128, 128>}, {pipeline_mode = #tpu.pipeline_mode<synchronous>, transform_indices = @transform_2, window_bounds = array<i64: 1, 128>}, {transform_indices = @transform_3, window_bounds = array<i64: 1000, 128>}]} {
    %get3A = arith.constant 0 : index
    %get3A_0 = arith.constant 0 : index
    %get3A_1 = vector.load %arg1[%get3A, %get3A_0] : memref<1000x128xf32, #tpu.memory_space<vmem>>, vector<1000x128xf32>
    %get3A_2 = arith.constant 0 : index
    %get3A_3 = arith.constant 0 : index
    %get3A_4 = vector.load %arg2[%get3A_2, %get3A_3] : memref<128x128xf32, #tpu.memory_space<vmem>>, vector<128x128xf32>
    %dot_general3A = arith.constant dense<0.000000e+00> : vector<1000x128xf32>
    %dot_general3A_5 = tpu.matmul %get3A_1, %get3A_4, %dot_general3A {dimension_numbers = #tpu.dot_dimension_numbers<[1], [0], [0], [1], [0, 0, 1, 1], [], []>, transpose_lhs_hint = false} : vector<1000x128xf32>, vector<128x128xf32>, vector<1000x128xf32> -> vector<1000x128xf32>
    %get3A_6 = arith.constant 0 : index
    %get3A_7 = arith.constant 0 : index
    %get3A_8 = vector.load %arg3[%get3A_6, %get3A_7] : memref<1x128xf32, #tpu.memory_space<vmem>>, vector<1x128xf32>
    %add3A = vector.broadcast %get3A_8 : vector<1x128xf32> to vector<1000x128xf32>
    %add3A_9 = arith.addf %dot_general3A_5, %add3A : vector<1000x128xf32>
    %max3A = arith.constant 0.000000e+00 : f32
    %max3A_10 = vector.broadcast %max3A : f32 to vector<1000x128xf32>
    %max3A_11 = arith.maximumf %add3A_9, %max3A_10 : vector<1000x128xf32>
    %swap3A = arith.constant 0 : index
    %swap3A_12 = arith.constant 0 : index
    %swap3A_13 = vector.load %arg4[%swap3A, %swap3A_12] : memref<1000x128xf32, #tpu.memory_space<vmem>>, vector<1000x128xf32>
    tpu.vector_store %arg4[%swap3A, %swap3A_12], %max3A_11 {strides = array<i32>} : memref<1000x128xf32, #tpu.memory_space<vmem>>, vector<1000x128xf32>,
    return
  }
  func.func @transform_0(%arg0: i32) -> (i32, i32) {
    %c0_i32 = arith.constant 0 : i32
    %c0_i32_0 = arith.constant 0 : i32
    return %arg0, %c0_i32 : i32, i32
  }
  func.func @transform_1(%arg0: i32) -> (i32, i32) {
    %c0_i32 = arith.constant 0 : i32
    %c0_i32_0 = arith.constant 0 : i32
    %c0_i32_1 = arith.constant 0 : i32
    return %c0_i32, %c0_i32_0 : i32, i32
  }
  func.func @transform_2(%arg0: i32) -> (i32, i32) {
    %c0_i32 = arith.constant 0 : i32
    %c0_i32_0 = arith.constant 0 : i32
    %c0_i32_1 = arith.constant 0 : i32
    return %c0_i32, %c0_i32_0 : i32, i32
  }
  func.func @transform_3(%arg0: i32) -> (i32, i32) {
    %c0_i32 = arith.constant 0 : i32
    %c0_i32_0 = arith.constant 0 : i32
    return %arg0, %c0_i32 : i32, i32
  }
}

module attributes {stable_mosaic.version = 14 : i64} {
  func.func @_tc_b_body(%arg0: i32, %arg1: memref<1000x128xf32, #tpu.memory_space<vmem>>, %arg2: memref<2x1000x128xf32, #tpu.memory_space<vmem>>, %arg3: memref<1000x1xf32, #tpu.memory_space<vmem>>, %arg4: memref<128x128xf32, #tpu.memory_space<vmem>>, %arg5: memref<128x128xf32, #tpu.memory_space<vmem>>, %arg6: memref<1x128xf32, #tpu.memory_space<vmem>>, %arg7: memref<128x128xf32, #tpu.memory_space<vmem>>, %arg8: memref<1x128xf32, #tpu.memory_space<vmem>>, %arg9: memref<1000x128xf32, #tpu.memory_space<vmem>>, %arg10: memref<1000x128xf32, #tpu.memory_space<vmem>>, %arg11: memref<1000x1xf32, #tpu.memory_space<vmem>>) attributes {dimension_semantics = [#tpu.dimension_semantics<arbitrary>], iteration_bounds = array<i64: 10>, scalar_prefetch = 0 : i64, scratch_operands = 0 : i64, tpu.core_type = #tpu.core_type<tc>, window_params = [{transform_indices = @transform_0, window_bounds = array<i64: 1000, 128>}, {transform_indices = @transform_1, window_bounds = array<i64: 2, 1000, 128>}, {transform_indices = @transform_2, window_bounds = array<i64: 1000, 1>}, {pipeline_mode = #tpu.pipeline_mode<synchronous>, transform_indices = @transform_3, window_bounds = array<i64: 128, 128>}, {pipeline_mode = #tpu.pipeline_mode<synchronous>, transform_indices = @transform_4, window_bounds = array<i64: 128, 128>}, {pipeline_mode = #tpu.pipeline_mode<synchronous>, transform_indices = @transform_5, window_bounds = array<i64: 1, 128>}, {pipeline_mode = #tpu.pipeline_mode<synchronous>, transform_indices = @transform_6, window_bounds = array<i64: 128, 128>}, {pipeline_mode = #tpu.pipeline_mode<synchronous>, transform_indices = @transform_7, window_bounds = array<i64: 1, 128>}, {transform_indices = @transform_8, window_bounds = array<i64: 1000, 128>}, {transform_indices = @transform_9, window_bounds = array<i64: 1000, 128>}, {transform_indices = @transform_10, window_bounds = array<i64: 1000, 1>}]} {
    %get3A = arith.constant 0 : index
    %get3A_0 = arith.constant 0 : index
    %get3A_1 = arith.constant 0 : index
    %get3A_2 = vector.load %arg2[%get3A, %get3A_0, %get3A_1] : memref<2x1000x128xf32, #tpu.memory_space<vmem>>, vector<1x1000x128xf32>
    %get3A_3 = vector.shape_cast %get3A_2 : vector<1x1000x128xf32> to vector<1000x128xf32>
    %get3A_4 = arith.constant 1 : index
    %get3A_5 = arith.constant 0 : index
    %get3A_6 = arith.constant 0 : index
    %get3A_7 = vector.load %arg2[%get3A_4, %get3A_5, %get3A_6] : memref<2x1000x128xf32, #tpu.memory_space<vmem>>, vector<1x1000x128xf32>
    %get3A_8 = vector.shape_cast %get3A_7 : vector<1x1000x128xf32> to vector<1000x128xf32>
    %add3A = arith.addf %get3A_3, %get3A_8 : vector<1000x128xf32>
    %get3A_9 = arith.constant 0 : index
    %get3A_10 = arith.constant 0 : index
    %get3A_11 = vector.load %arg3[%get3A_9, %get3A_10] : memref<1000x1xf32, #tpu.memory_space<vmem>>, vector<1000x1xf32>
    %max3A = arith.constant 1.000000e+00 : f32
    %max3A_12 = vector.broadcast %max3A : f32 to vector<1000x1xf32>
    %max3A_13 = arith.maximumf %get3A_11, %max3A_12 : vector<1000x1xf32>
    %div3A = arith.constant 1.000000e+00 : f32
    %div3A_14 = vector.broadcast %div3A : f32 to vector<1000x1xf32>
    %div3A_15 = arith.divf %div3A_14, %max3A_13 : vector<1000x1xf32>
    %mul3A = vector.broadcast %div3A_15 : vector<1000x1xf32> to vector<1000x128xf32>
    %mul3A_16 = arith.mulf %add3A, %mul3A : vector<1000x128xf32>
    %get3A_17 = arith.constant 0 : index
    %get3A_18 = arith.constant 0 : index
    %get3A_19 = vector.load %arg1[%get3A_17, %get3A_18] : memref<1000x128xf32, #tpu.memory_space<vmem>>, vector<1000x128xf32>
    %get3A_20 = arith.constant 0 : index
    %get3A_21 = arith.constant 0 : index
    %get3A_22 = vector.load %arg4[%get3A_20, %get3A_21] : memref<128x128xf32, #tpu.memory_space<vmem>>, vector<128x128xf32>
    %dot_general3A = arith.constant dense<0.000000e+00> : vector<1000x128xf32>
    %dot_general3A_23 = tpu.matmul %get3A_19, %get3A_22, %dot_general3A {dimension_numbers = #tpu.dot_dimension_numbers<[1], [0], [0], [1], [0, 0, 1, 1], [], []>, transpose_lhs_hint = false} : vector<1000x128xf32>, vector<128x128xf32>, vector<1000x128xf32> -> vector<1000x128xf32>
    %get3A_24 = arith.constant 0 : index
    %get3A_25 = arith.constant 0 : index
    %get3A_26 = vector.load %arg5[%get3A_24, %get3A_25] : memref<128x128xf32, #tpu.memory_space<vmem>>, vector<128x128xf32>
    %dot_general3A_27 = arith.constant dense<0.000000e+00> : vector<1000x128xf32>
    %dot_general3A_28 = tpu.matmul %mul3A_16, %get3A_26, %dot_general3A_27 {dimension_numbers = #tpu.dot_dimension_numbers<[1], [0], [0], [1], [0, 0, 1, 1], [], []>, transpose_lhs_hint = false} : vector<1000x128xf32>, vector<128x128xf32>, vector<1000x128xf32> -> vector<1000x128xf32>
    %add3A_29 = arith.addf %dot_general3A_23, %dot_general3A_28 : vector<1000x128xf32>
    %get3A_30 = arith.constant 0 : index
    %get3A_31 = arith.constant 0 : index
    %get3A_32 = vector.load %arg6[%get3A_30, %get3A_31] : memref<1x128xf32, #tpu.memory_space<vmem>>, vector<1x128xf32>
    %add3A_33 = vector.broadcast %get3A_32 : vector<1x128xf32> to vector<1000x128xf32>
    %add3A_34 = arith.addf %add3A_29, %add3A_33 : vector<1000x128xf32>
    %max3A_35 = arith.constant 0.000000e+00 : f32
    %max3A_36 = vector.broadcast %max3A_35 : f32 to vector<1000x128xf32>
    %max3A_37 = arith.maximumf %add3A_34, %max3A_36 : vector<1000x128xf32>
    %mul3A_38 = arith.mulf %max3A_37, %max3A_37 : vector<1000x128xf32>
    %reduce_sum3A = arith.constant dense<0.000000e+00> : vector<1000xf32>
    %reduce_sum3A_39 = vector.multi_reduction <add>, %mul3A_38, %reduce_sum3A [1] : vector<1000x128xf32> to vector<1000xf32>
    %broadcast_in_dim3A = vector.shape_cast %reduce_sum3A_39 : vector<1000xf32> to vector<1000x1xf32>
    %sqrt3A = math.sqrt %broadcast_in_dim3A : vector<1000x1xf32>
    %max3A_40 = arith.constant 9.99999996E-13 : f32
    %max3A_41 = vector.broadcast %max3A_40 : f32 to vector<1000x1xf32>
    %max3A_42 = arith.maximumf %sqrt3A, %max3A_41 : vector<1000x1xf32>
    %div3A_43 = vector.broadcast %max3A_42 : vector<1000x1xf32> to vector<1000x128xf32>
    %div3A_44 = arith.divf %max3A_37, %div3A_43 : vector<1000x128xf32>
    %swap3A = arith.constant 0 : index
    %swap3A_45 = arith.constant 0 : index
    %swap3A_46 = vector.load %arg9[%swap3A, %swap3A_45] : memref<1000x128xf32, #tpu.memory_space<vmem>>, vector<1000x128xf32>
    tpu.vector_store %arg9[%swap3A, %swap3A_45], %div3A_44 {strides = array<i32>} : memref<1000x128xf32, #tpu.memory_space<vmem>>, vector<1000x128xf32>,
    %get3A_47 = arith.constant 0 : index
    %get3A_48 = arith.constant 0 : index
    %get3A_49 = vector.load %arg7[%get3A_47, %get3A_48] : memref<128x128xf32, #tpu.memory_space<vmem>>, vector<128x128xf32>
    %dot_general3A_50 = arith.constant dense<0.000000e+00> : vector<1000x128xf32>
    %dot_general3A_51 = tpu.matmul %div3A_44, %get3A_49, %dot_general3A_50 {dimension_numbers = #tpu.dot_dimension_numbers<[1], [0], [0], [1], [0, 0, 1, 1], [], []>, transpose_lhs_hint = false} : vector<1000x128xf32>, vector<128x128xf32>, vector<1000x128xf32> -> vector<1000x128xf32>
    %get3A_52 = arith.constant 0 : index
    %get3A_53 = arith.constant 0 : index
    %get3A_54 = vector.load %arg8[%get3A_52, %get3A_53] : memref<1x128xf32, #tpu.memory_space<vmem>>, vector<1x128xf32>
    %add3A_55 = vector.broadcast %get3A_54 : vector<1x128xf32> to vector<1000x128xf32>
    %add3A_56 = arith.addf %dot_general3A_51, %add3A_55 : vector<1000x128xf32>
    %max3A_57 = arith.constant 0.000000e+00 : f32
    %max3A_58 = vector.broadcast %max3A_57 : f32 to vector<1000x128xf32>
    %max3A_59 = arith.maximumf %add3A_56, %max3A_58 : vector<1000x128xf32>
    %swap3A_60 = arith.constant 0 : index
    %swap3A_61 = arith.constant 0 : index
    %swap3A_62 = vector.load %arg10[%swap3A_60, %swap3A_61] : memref<1000x128xf32, #tpu.memory_space<vmem>>, vector<1000x128xf32>
    tpu.vector_store %arg10[%swap3A_60, %swap3A_61], %max3A_59 {strides = array<i32>} : memref<1000x128xf32, #tpu.memory_space<vmem>>, vector<1000x128xf32>,
    %swap3A_63 = arith.constant 0 : index
    %swap3A_64 = arith.constant 0 : index
    %swap3A_65 = vector.load %arg11[%swap3A_63, %swap3A_64] : memref<1000x1xf32, #tpu.memory_space<vmem>>, vector<1000x1xf32>
    tpu.vector_store %arg11[%swap3A_63, %swap3A_64], %div3A_15 {strides = array<i32>} : memref<1000x1xf32, #tpu.memory_space<vmem>>, vector<1000x1xf32>,
    return
  }
  func.func @transform_0(%arg0: i32) -> (i32, i32) {
    %c0_i32 = arith.constant 0 : i32
    %c0_i32_0 = arith.constant 0 : i32
    return %arg0, %c0_i32 : i32, i32
  }
  func.func @transform_1(%arg0: i32) -> (i32, i32, i32) {
    %c0_i32 = arith.constant 0 : i32
    %c0_i32_0 = arith.constant 0 : i32
    %c0_i32_1 = arith.constant 0 : i32
    return %c0_i32, %arg0, %c0_i32_0 : i32, i32, i32
  }
  func.func @transform_2(%arg0: i32) -> (i32, i32) {
    %c0_i32 = arith.constant 0 : i32
    %c0_i32_0 = arith.constant 0 : i32
    return %arg0, %c0_i32 : i32, i32
  }
  func.func @transform_3(%arg0: i32) -> (i32, i32) {
    %c0_i32 = arith.constant 0 : i32
    %c0_i32_0 = arith.constant 0 : i32
    %c0_i32_1 = arith.constant 0 : i32
    return %c0_i32, %c0_i32_0 : i32, i32
  }
  func.func @transform_4(%arg0: i32) -> (i32, i32) {
    %c0_i32 = arith.constant 0 : i32
    %c0_i32_0 = arith.constant 0 : i32
    %c0_i32_1 = arith.constant 0 : i32
    return %c0_i32, %c0_i32_0 : i32, i32
  }
  func.func @transform_5(%arg0: i32) -> (i32, i32) {
    %c0_i32 = arith.constant 0 : i32
    %c0_i32_0 = arith.constant 0 : i32
    %c0_i32_1 = arith.constant 0 : i32
    return %c0_i32, %c0_i32_0 : i32, i32
  }
  func.func @transform_6(%arg0: i32) -> (i32, i32) {
    %c0_i32 = arith.constant 0 : i32
    %c0_i32_0 = arith.constant 0 : i32
    %c0_i32_1 = arith.constant 0 : i32
    return %c0_i32, %c0_i32_0 : i32, i32
  }
  func.func @transform_7(%arg0: i32) -> (i32, i32) {
    %c0_i32 = arith.constant 0 : i32
    %c0_i32_0 = arith.constant 0 : i32
    %c0_i32_1 = arith.constant 0 : i32
    return %c0_i32, %c0_i32_0 : i32, i32
  }
  func.func @transform_8(%arg0: i32) -> (i32, i32) {
    %c0_i32 = arith.constant 0 : i32
    %c0_i32_0 = arith.constant 0 : i32
    return %arg0, %c0_i32 : i32, i32
  }
  func.func @transform_9(%arg0: i32) -> (i32, i32) {
    %c0_i32 = arith.constant 0 : i32
    %c0_i32_0 = arith.constant 0 : i32
    return %arg0, %c0_i32 : i32, i32
  }
  func.func @transform_10(%arg0: i32) -> (i32, i32) {
    %c0_i32 = arith.constant 0 : i32
    %c0_i32_0 = arith.constant 0 : i32
    return %arg0, %c0_i32 : i32, i32
  }
}

module attributes {stable_mosaic.version = 14 : i64} {
  func.func @_tc_c_body(%arg0: i32, %arg1: memref<1000x128xf32, #tpu.memory_space<vmem>>, %arg2: memref<2x1000x128xf32, #tpu.memory_space<vmem>>, %arg3: memref<1000x1xf32, #tpu.memory_space<vmem>>, %arg4: memref<128x128xf32, #tpu.memory_space<vmem>>, %arg5: memref<128x128xf32, #tpu.memory_space<vmem>>, %arg6: memref<1x128xf32, #tpu.memory_space<vmem>>, %arg7: memref<128x128xf32, #tpu.memory_space<vmem>>, %arg8: memref<1x128xf32, #tpu.memory_space<vmem>>, %arg9: memref<128x128xf32, #tpu.memory_space<vmem>>, %arg10: memref<1x128xf32, #tpu.memory_space<vmem>>, %arg11: memref<1000x40xf32, #tpu.memory_space<vmem>>) attributes {dimension_semantics = [#tpu.dimension_semantics<arbitrary>], iteration_bounds = array<i64: 10>, scalar_prefetch = 0 : i64, scratch_operands = 0 : i64, tpu.core_type = #tpu.core_type<tc>, window_params = [{transform_indices = @transform_0, window_bounds = array<i64: 1000, 128>}, {transform_indices = @transform_1, window_bounds = array<i64: 2, 1000, 128>}, {transform_indices = @transform_2, window_bounds = array<i64: 1000, 1>}, {pipeline_mode = #tpu.pipeline_mode<synchronous>, transform_indices = @transform_3, window_bounds = array<i64: 128, 128>}, {pipeline_mode = #tpu.pipeline_mode<synchronous>, transform_indices = @transform_4, window_bounds = array<i64: 128, 128>}, {pipeline_mode = #tpu.pipeline_mode<synchronous>, transform_indices = @transform_5, window_bounds = array<i64: 1, 128>}, {pipeline_mode = #tpu.pipeline_mode<synchronous>, transform_indices = @transform_6, window_bounds = array<i64: 128, 128>}, {pipeline_mode = #tpu.pipeline_mode<synchronous>, transform_indices = @transform_7, window_bounds = array<i64: 1, 128>}, {pipeline_mode = #tpu.pipeline_mode<synchronous>, transform_indices = @transform_8, window_bounds = array<i64: 128, 128>}, {pipeline_mode = #tpu.pipeline_mode<synchronous>, transform_indices = @transform_9, window_bounds = array<i64: 1, 128>}, {transform_indices = @transform_10, window_bounds = array<i64: 1000, 40>}]} {
    %get3A = arith.constant 0 : index
    %get3A_0 = arith.constant 0 : index
    %get3A_1 = arith.constant 0 : index
    %get3A_2 = vector.load %arg2[%get3A, %get3A_0, %get3A_1] : memref<2x1000x128xf32, #tpu.memory_space<vmem>>, vector<1x1000x128xf32>
    %get3A_3 = vector.shape_cast %get3A_2 : vector<1x1000x128xf32> to vector<1000x128xf32>
    %get3A_4 = arith.constant 1 : index
    %get3A_5 = arith.constant 0 : index
    %get3A_6 = arith.constant 0 : index
    %get3A_7 = vector.load %arg2[%get3A_4, %get3A_5, %get3A_6] : memref<2x1000x128xf32, #tpu.memory_space<vmem>>, vector<1x1000x128xf32>
    %get3A_8 = vector.shape_cast %get3A_7 : vector<1x1000x128xf32> to vector<1000x128xf32>
    %add3A = arith.addf %get3A_3, %get3A_8 : vector<1000x128xf32>
    %get3A_9 = arith.constant 0 : index
    %get3A_10 = arith.constant 0 : index
    %get3A_11 = vector.load %arg3[%get3A_9, %get3A_10] : memref<1000x1xf32, #tpu.memory_space<vmem>>, vector<1000x1xf32>
    %mul3A = vector.broadcast %get3A_11 : vector<1000x1xf32> to vector<1000x128xf32>
    %mul3A_12 = arith.mulf %add3A, %mul3A : vector<1000x128xf32>
    %get3A_13 = arith.constant 0 : index
    %get3A_14 = arith.constant 0 : index
    %get3A_15 = vector.load %arg1[%get3A_13, %get3A_14] : memref<1000x128xf32, #tpu.memory_space<vmem>>, vector<1000x128xf32>
    %get3A_16 = arith.constant 0 : index
    %get3A_17 = arith.constant 0 : index
    %get3A_18 = vector.load %arg4[%get3A_16, %get3A_17] : memref<128x128xf32, #tpu.memory_space<vmem>>, vector<128x128xf32>
    %dot_general3A = arith.constant dense<0.000000e+00> : vector<1000x128xf32>
    %dot_general3A_19 = tpu.matmul %get3A_15, %get3A_18, %dot_general3A {dimension_numbers = #tpu.dot_dimension_numbers<[1], [0], [0], [1], [0, 0, 1, 1], [], []>, transpose_lhs_hint = false} : vector<1000x128xf32>, vector<128x128xf32>, vector<1000x128xf32> -> vector<1000x128xf32>
    %get3A_20 = arith.constant 0 : index
    %get3A_21 = arith.constant 0 : index
    %get3A_22 = vector.load %arg5[%get3A_20, %get3A_21] : memref<128x128xf32, #tpu.memory_space<vmem>>, vector<128x128xf32>
    %dot_general3A_23 = arith.constant dense<0.000000e+00> : vector<1000x128xf32>
    %dot_general3A_24 = tpu.matmul %mul3A_12, %get3A_22, %dot_general3A_23 {dimension_numbers = #tpu.dot_dimension_numbers<[1], [0], [0], [1], [0, 0, 1, 1], [], []>, transpose_lhs_hint = false} : vector<1000x128xf32>, vector<128x128xf32>, vector<1000x128xf32> -> vector<1000x128xf32>
    %add3A_25 = arith.addf %dot_general3A_19, %dot_general3A_24 : vector<1000x128xf32>
    %get3A_26 = arith.constant 0 : index
    %get3A_27 = arith.constant 0 : index
    %get3A_28 = vector.load %arg6[%get3A_26, %get3A_27] : memref<1x128xf32, #tpu.memory_space<vmem>>, vector<1x128xf32>
    %add3A_29 = vector.broadcast %get3A_28 : vector<1x128xf32> to vector<1000x128xf32>
    %add3A_30 = arith.addf %add3A_25, %add3A_29 : vector<1000x128xf32>
    %max3A = arith.constant 0.000000e+00 : f32
    %max3A_31 = vector.broadcast %max3A : f32 to vector<1000x128xf32>
    %max3A_32 = arith.maximumf %add3A_30, %max3A_31 : vector<1000x128xf32>
    %mul3A_33 = arith.mulf %max3A_32, %max3A_32 : vector<1000x128xf32>
    %reduce_sum3A = arith.constant dense<0.000000e+00> : vector<1000xf32>
    %reduce_sum3A_34 = vector.multi_reduction <add>, %mul3A_33, %reduce_sum3A [1] : vector<1000x128xf32> to vector<1000xf32>
    %broadcast_in_dim3A = vector.shape_cast %reduce_sum3A_34 : vector<1000xf32> to vector<1000x1xf32>
    %sqrt3A = math.sqrt %broadcast_in_dim3A : vector<1000x1xf32>
    %max3A_35 = arith.constant 9.99999996E-13 : f32
    %max3A_36 = vector.broadcast %max3A_35 : f32 to vector<1000x1xf32>
    %max3A_37 = arith.maximumf %sqrt3A, %max3A_36 : vector<1000x1xf32>
    %div3A = vector.broadcast %max3A_37 : vector<1000x1xf32> to vector<1000x128xf32>
    %div3A_38 = arith.divf %max3A_32, %div3A : vector<1000x128xf32>
    %get3A_39 = arith.constant 0 : index
    %get3A_40 = arith.constant 0 : index
    %get3A_41 = vector.load %arg7[%get3A_39, %get3A_40] : memref<128x128xf32, #tpu.memory_space<vmem>>, vector<128x128xf32>
    %dot_general3A_42 = arith.constant dense<0.000000e+00> : vector<1000x128xf32>
    %dot_general3A_43 = tpu.matmul %div3A_38, %get3A_41, %dot_general3A_42 {dimension_numbers = #tpu.dot_dimension_numbers<[1], [0], [0], [1], [0, 0, 1, 1], [], []>, transpose_lhs_hint = false} : vector<1000x128xf32>, vector<128x128xf32>, vector<1000x128xf32> -> vector<1000x128xf32>
    %get3A_44 = arith.constant 0 : index
    %get3A_45 = arith.constant 0 : index
    %get3A_46 = vector.load %arg8[%get3A_44, %get3A_45] : memref<1x128xf32, #tpu.memory_space<vmem>>, vector<1x128xf32>
    %add3A_47 = vector.broadcast %get3A_46 : vector<1x128xf32> to vector<1000x128xf32>
    %add3A_48 = arith.addf %dot_general3A_43, %add3A_47 : vector<1000x128xf32>
    %get3A_49 = arith.constant 0 : index
    %get3A_50 = arith.constant 0 : index
    %get3A_51 = vector.load %arg9[%get3A_49, %get3A_50] : memref<128x128xf32, #tpu.memory_space<vmem>>, vector<128x128xf32>
    %dot_general3A_52 = arith.constant dense<0.000000e+00> : vector<1000x128xf32>
    %dot_general3A_53 = tpu.matmul %add3A_48, %get3A_51, %dot_general3A_52 {dimension_numbers = #tpu.dot_dimension_numbers<[1], [0], [0], [1], [0, 0, 1, 1], [], []>, transpose_lhs_hint = false} : vector<1000x128xf32>, vector<128x128xf32>, vector<1000x128xf32> -> vector<1000x128xf32>
    %get3A_54 = arith.constant 0 : index
    %get3A_55 = arith.constant 0 : index
    %get3A_56 = vector.load %arg10[%get3A_54, %get3A_55] : memref<1x128xf32, #tpu.memory_space<vmem>>, vector<1x128xf32>
    %add3A_57 = vector.broadcast %get3A_56 : vector<1x128xf32> to vector<1000x128xf32>
    %add3A_58 = arith.addf %dot_general3A_53, %add3A_57 : vector<1000x128xf32>
    %reduce_max3A = arith.constant dense<0xFF800000> : vector<1000xf32>
    %reduce_max3A_59 = vector.multi_reduction <maximumf>, %add3A_58, %reduce_max3A [1] : vector<1000x128xf32> to vector<1000xf32>
    %broadcast_in_dim3A_60 = vector.shape_cast %reduce_max3A_59 : vector<1000xf32> to vector<1000x1xf32>
    %sub3A = vector.broadcast %broadcast_in_dim3A_60 : vector<1000x1xf32> to vector<1000x128xf32>
    %sub3A_61 = arith.subf %add3A_58, %sub3A : vector<1000x128xf32>
    %exp3A = math.exp %sub3A_61 : vector<1000x128xf32>
    %reduce_sum3A_62 = arith.constant dense<0.000000e+00> : vector<1000xf32>
    %reduce_sum3A_63 = vector.multi_reduction <add>, %exp3A, %reduce_sum3A_62 [1] : vector<1000x128xf32> to vector<1000xf32>
    %broadcast_in_dim3A_64 = vector.shape_cast %reduce_sum3A_63 : vector<1000xf32> to vector<1000x1xf32>
    %log3A = math.log %broadcast_in_dim3A_64 : vector<1000x1xf32>
    %add3A_65 = arith.addf %broadcast_in_dim3A_60, %log3A : vector<1000x1xf32>
    %sub3A_66 = vector.broadcast %add3A_65 : vector<1000x1xf32> to vector<1000x128xf32>
    %sub3A_67 = arith.subf %add3A_58, %sub3A_66 : vector<1000x128xf32>
    %slice3A = vector.extract_strided_slice %sub3A_67 {offsets = [0, 0], sizes = [1000, 40], strides = [1, 1]} : vector<1000x128xf32> to vector<1000x40xf32>
    %swap3A = arith.constant 0 : index
    %swap3A_68 = arith.constant 0 : index
    %swap3A_69 = vector.load %arg11[%swap3A, %swap3A_68] : memref<1000x40xf32, #tpu.memory_space<vmem>>, vector<1000x40xf32>
    tpu.vector_store %arg11[%swap3A, %swap3A_68], %slice3A {strides = array<i32>} : memref<1000x40xf32, #tpu.memory_space<vmem>>, vector<1000x40xf32>,
    return
  }
  func.func @transform_0(%arg0: i32) -> (i32, i32) {
    %c0_i32 = arith.constant 0 : i32
    %c0_i32_0 = arith.constant 0 : i32
    return %arg0, %c0_i32 : i32, i32
  }
  func.func @transform_1(%arg0: i32) -> (i32, i32, i32) {
    %c0_i32 = arith.constant 0 : i32
    %c0_i32_0 = arith.constant 0 : i32
    %c0_i32_1 = arith.constant 0 : i32
    return %c0_i32, %arg0, %c0_i32_0 : i32, i32, i32
  }
  func.func @transform_2(%arg0: i32) -> (i32, i32) {
    %c0_i32 = arith.constant 0 : i32
    %c0_i32_0 = arith.constant 0 : i32
    return %arg0, %c0_i32 : i32, i32
  }
  func.func @transform_3(%arg0: i32) -> (i32, i32) {
    %c0_i32 = arith.constant 0 : i32
    %c0_i32_0 = arith.constant 0 : i32
    %c0_i32_1 = arith.constant 0 : i32
    return %c0_i32, %c0_i32_0 : i32, i32
  }
  func.func @transform_4(%arg0: i32) -> (i32, i32) {
    %c0_i32 = arith.constant 0 : i32
    %c0_i32_0 = arith.constant 0 : i32
    %c0_i32_1 = arith.constant 0 : i32
    return %c0_i32, %c0_i32_0 : i32, i32
  }
  func.func @transform_5(%arg0: i32) -> (i32, i32) {
    %c0_i32 = arith.constant 0 : i32
    %c0_i32_0 = arith.constant 0 : i32
    %c0_i32_1 = arith.constant 0 : i32
    return %c0_i32, %c0_i32_0 : i32, i32
  }
  func.func @transform_6(%arg0: i32) -> (i32, i32) {
    %c0_i32 = arith.constant 0 : i32
    %c0_i32_0 = arith.constant 0 : i32
    %c0_i32_1 = arith.constant 0 : i32
    return %c0_i32, %c0_i32_0 : i32, i32
  }
  func.func @transform_7(%arg0: i32) -> (i32, i32) {
    %c0_i32 = arith.constant 0 : i32
    %c0_i32_0 = arith.constant 0 : i32
    %c0_i32_1 = arith.constant 0 : i32
    return %c0_i32, %c0_i32_0 : i32, i32
  }
  func.func @transform_8(%arg0: i32) -> (i32, i32) {
    %c0_i32 = arith.constant 0 : i32
    %c0_i32_0 = arith.constant 0 : i32
    %c0_i32_1 = arith.constant 0 : i32
    return %c0_i32, %c0_i32_0 : i32, i32
  }
  func.func @transform_9(%arg0: i32) -> (i32, i32) {
    %c0_i32 = arith.constant 0 : i32
    %c0_i32_0 = arith.constant 0 : i32
    %c0_i32_1 = arith.constant 0 : i32
    return %c0_i32, %c0_i32_0 : i32, i32
  }
  func.func @transform_10(%arg0: i32) -> (i32, i32) {
    %c0_i32 = arith.constant 0 : i32
    %c0_i32_0 = arith.constant 0 : i32
    return %arg0, %c0_i32 : i32, i32
  }
}

</mosaic_0001>

<sc_bundles>
// kernel: kernel.11.cloned.1.call-start
scs
__scs_entry_jumppad:
0x0: {  	(pc) =	sbr.rel $0x88, $3  }
0x1: {  	(tag) =	ssettag $0x0;
	lr =	simm.s32 $0x1  }
0x2: {  	[smem:$0x3F93] =	sst lr;
	_ =	strace $0xD0000000  }
0x3: {  	_ = 	snop  }
0x4: {  	_ = 	snop  }
0x5: {  	_ = 	snop  }
0x6: {  	_ = 	snop  }
0x7: {  	_ = 	snop  }
__scs_overlays_trampoline_lowered:
0x8: {  	[smem:$0x3FA2] =	sst s0  }
0x9: {  	[smem:$0x3FA3] =	sst s1  }
0xa: {  	[smem:$0x3FA4] =	sst s2  }
0xb: {  	[smem:$0x3FA5] =	sst s3  }
0xc: {  	[smem:$0x3FA6] =	sst s4  }
0xd: {  	[smem:$0x3FA7] =	sst s5  }
0xe: {  	[smem:$0x3FA8] =	sst s6  }
0xf: {  	[smem:$0x3FA9] =	sst s7  }
0x10: {  	[smem:$0x3FAA] =	sst s8  }
0x11: {  	[smem:$0x3FAB] =	sst s9;
	s0 =	simm.s32 @!p0 $0x0  }
0x12: {  	s1 =	sld [smem:$0x3F91];
	s0 =	simm.s32 @p0 $0x1  }
0x13: {  	[smem:$0x3FAC] =	sst s0;
	s0 =	simm.s32 @!p1 $0x0  }
0x14: {  	s2 =	sld [smem:$0x3F90];
	s0 =	simm.s32 @p1 $0x1  }
0x15: {  	[smem:$0x3FAD] =	sst s0;
	s0 =	simm.s32 @!p2 $0x0  }
0x16: {  	s3 =	sld [smem:$0x3FDB];
	s0 =	simm.s32 @p2 $0x1  }
0x17: {  	s4 =	simm.s32 $0x1BF5;
	[smem:$0x3FAF] =	sst s0  }
0x18: {  	s0 =	sld [smem:$0x3F92];
	_ =	swait.ge [sflag:s4], $0x0  }
0x19: {  	s7 =	sld [smem:$0x3F93]  }
0x1a: {  	s8 =	sadd.s32 $0xFFFFE003, lr  }
0x1b: {  	s9 =	sadd.s32 $0xFFFFFEF7, lr;
	s5 =	simm.s32 $0xFFFFFFFF;
	p2 =	slt.u32 s8, $0xFFFFF086  }
0x1c: {  	p1 =	slt.u32 s9, $0xF7A;
	s5 =	simm.s32 @!p2 $0x0  }
0x1d: {  	s5 =	simm.s32 @p1 $0x1;
	p0 =	seq.s32 s7, s2  }
0x1e: {  	s7 =	smul.u32 @!p0 $0xF7A, s2;
	p2 =	seq.s32 @!p0 s5, $0x0  }
0x1f: {  	s9 =	smul.u32 $0xF7A, s1;
	s8 =	simm.s32 @!p0 $0x1BF5;
	p2 =	por !p2, p0  }
0x20: {  	[sflag:s8] =	ssyncset.s32 @!p0 $0xFFFFF086;
	s6 =	sadd.s32 @!p0 s3, s7;
	s7 =	simm.s32 @!p0 $0x108  }
0x21: {  	s3 =	sadd.s32 s3, s9;
	s6 =	sadd.s32 @!p0 $0x88, s6;
	s7 =	simm.s32 @p2 $0x1082  }
0x22: {  	[simem:s7], [sflag:s8] =	dma.local @!p0 [hbm:s6], $0xF7A  }
0x23: {  	s9 =	sor.u32 $0xD0000000, s2;
	s6 =	simm.s32 $0x108;
	_ =	swait.ge @!p0 [sflag:s8], $0x0  }
0x24: {  	s3 =	sadd.s32 $0x88, s3;
	s6 =	simm.s32 @!p1 $0x1082;
	[sflag:s4] =	ssyncset.s32 $0xFFFFF086  }
0x25: {  	[simem:s6], [sflag:s4] =	dma.local [hbm:s3], $0xF7A  }
0x26: {  	[smem:$0x3F93] =	sst s1;
	(tag) =	ssettag s2;
	_ =	strace s9  }
0x27: {  	s1 =	sld [smem:$0x3FA3]  }
0x28: {  	s2 =	sld [smem:$0x3FA4]  }
0x29: {  	s4 =	sld [smem:$0x3FA6]  }
0x2a: {  	p0 =	seq.s32 s5, $0x0;
	s5 =	sld [smem:$0x3FA7]  }
0x2b: {  	s6 =	sld [smem:$0x3FA8]  }
0x2c: {  	s7 =	sld [smem:$0x3FA9]  }
0x2d: {  	s3 =	simm.s32 $0x108;
	s8 =	sld [smem:$0x3FAA]  }
0x2e: {  	s3 =	simm.s32 @!p0 $0x1082;
	s9 =	sld [smem:$0x3FAB]  }
0x2f: {  	lr =	sadd.s32 s0, s3;
	s0 =	sld [smem:$0x3FA2]  }
0x30: {  	s3 =	sld [smem:$0x3FA5]  }
0x31: {  	[smem:$0x3FAE] =	sst s10  }
0x32: {  	s10 =	sld [smem:$0x3FAC];
	_ =	sdelay $0x3  }
0x33: {  	p0 =	seq.s32 s10, $0x1;
	s10 =	sld [smem:$0x3FAE];
	_ =	sdelay $0x3  }
0x34: {  	[smem:$0x3FAE] =	sst s10  }
0x35: {  	s10 =	sld [smem:$0x3FAD];
	_ =	sdelay $0x3  }
0x36: {  	p1 =	seq.s32 s10, $0x1;
	s10 =	sld [smem:$0x3FAE];
	_ =	sdelay $0x3  }
0x37: {  	[smem:$0x3FAE] =	sst s10  }
0x38: {  	s10 =	sld [smem:$0x3FAF]  }
0x39: {  	_ = 	snop;
	(pc) =	sbr.ind lr, $3  }
0x3a: {  	_ = 	snop  }
0x3b: {  	_ = 	snop  }
0x3c: {  	p2 =	seq.s32 s10, $0x1;
	s10 =	sld [smem:$0x3FAE]  }
0x3d: {  	_ =	shalt  }
0x3e: {  	_ =	shalt  }
0x3f: {  	_ =	shalt  }
0x40: {  	_ =	shalt  }
0x41: {  	_ =	shalt  }
0x42: {  	_ =	shalt  }
0x43: {  	_ =	shalt  }
0x44: {  	_ =	shalt  }
0x45: {  	_ =	shalt  }
0x46: {  	_ =	shalt  }
0x47: {  	_ =	shalt  }
0x48: {  	_ =	shalt  }
0x49: {  	_ =	shalt  }
0x4a: {  	_ =	shalt  }
0x4b: {  	_ =	shalt  }
0x4c: {  	_ =	shalt  }
0x4d: {  	_ =	shalt  }
0x4e: {  	_ =	shalt  }
0x4f: {  	_ =	shalt  }
0x50: {  	_ =	shalt  }
0x51: {  	_ =	shalt  }
0x52: {  	_ =	shalt  }
0x53: {  	_ =	shalt  }
0x54: {  	_ =	shalt  }
0x55: {  	_ =	shalt  }
0x56: {  	_ =	shalt  }
0x57: {  	_ =	shalt  }
0x58: {  	_ =	shalt  }
0x59: {  	_ =	shalt  }
0x5a: {  	_ =	shalt  }
0x5b: {  	_ =	shalt  }
0x5c: {  	_ =	shalt  }
0x5d: {  	_ =	shalt  }
0x5e: {  	_ =	shalt  }
0x5f: {  	_ =	shalt  }
0x60: {  	_ =	shalt  }
0x61: {  	_ =	shalt  }
0x62: {  	_ =	shalt  }
0x63: {  	_ =	shalt  }
0x64: {  	_ =	shalt  }
0x65: {  	_ =	shalt  }
0x66: {  	_ =	shalt  }
0x67: {  	_ =	shalt  }
0x68: {  	_ =	shalt  }
0x69: {  	_ =	shalt  }
0x6a: {  	_ =	shalt  }
0x6b: {  	_ =	shalt  }
0x6c: {  	_ =	shalt  }
0x6d: {  	_ =	shalt  }
0x6e: {  	_ =	shalt  }
0x6f: {  	_ =	shalt  }
0x70: {  	_ =	shalt  }
0x71: {  	_ =	shalt  }
0x72: {  	_ =	shalt  }
0x73: {  	_ =	shalt  }
0x74: {  	_ =	shalt  }
0x75: {  	_ =	shalt  }
0x76: {  	_ =	shalt  }
0x77: {  	_ =	shalt  }
0x78: {  	_ =	shalt  }
0x79: {  	_ =	shalt  }
0x7a: {  	_ =	shalt  }
0x7b: {  	_ =	shalt  }
0x7c: {  	_ =	shalt  }
0x7d: {  	_ =	shalt  }
0x7e: {  	_ =	shalt  }
0x7f: {  	_ =	shalt  }
0x80: {  	_ =	shalt  }
0x81: {  	_ =	shalt  }
0x82: {  	_ =	shalt  }
0x83: {  	_ =	shalt  }
0x84: {  	_ =	shalt  }
0x85: {  	_ =	shalt  }
0x86: {  	_ =	shalt  }
0x87: {  	_ =	shalt  }
.Lfunc_end0:
.L_simem_size_0:
called_computation.1_lowered:
.L_overlay_start_0:
0x88: {  	s2 =	sld [smem:$0x3FD9]  }
0x89: {  	s3 =	sld [smem:$0x3FFE];
	_ =	sdelay $0x1  }
0x8a: {  	s1 =	srdreg.scid  }
0x8b: {  	s0 =	sand.u32 $0x1, s1  }
0x8c: {  	s17 =	sshll.u32 s0, $0xA;
	s2 =	sadd.s32 s3, s2  }
0x8d: {  	s2 =	sadd.s32 s2, s17  }
0x8e: {  	[smem:$0x3FBA] =	sst s2  }
0x8f: {  	_ = 	snop  }
0x90: {  	(tm) =	ssettm $0x1  }
0x91: {  	s18 =	sld [smem:$0x3FFB];
	_ =	sdelay $0x3  }
0x92: {  	_ =	strace s18  }
0x93: {  	s2 =	sld [smem:$0x3FFC];
	_ =	sdelay $0x3  }
0x94: {  	_ =	strace s2  }
0x95: {  	s2 =	sld [smem:$0x3FFD];
	_ =	sdelay $0x3  }
0x96: {  	_ =	strace s2  }
0x97: {  	_ =	strace $0x8FFFFFFF  }
0x98: {  	s19 =	sld [smem:$0x3FDB];
	_ =	sdelay $0x1  }
0x99: {  	s20 =	simm.s32 $_scs_section_size  }
0x9a: {  	s4 =	simm.s32 $_size__tile_overlayer_lowered;
	s5 =	simm.s32 $_tile_overlayer_lowered  }
0x9b: {  	s6 =	simm.s32 $0x1BFF;
	s21 =	sshll.u32 s5, $0x1;
	s3 =	sadd.s32 s20, s19  }
0x9c: {  	s22 =	simm.s32 $0x0;
	s4 =	sshll.u32 s4, $0x1;
	s5 =	sadd.s32 s21, s3  }
0x9d: {  	[timem:s22], [sflag:s6] =	dma.local [hbm:s5], s4  }
0x9e: {  	_ =	swait.ge [sflag:s6], s4  }
0x9f: {  	s4 =	ssub.s32 $0x0, s4;
	[sflag:s6] =	ssyncset.done $0x0  }
0xa0: {  	[sflag:s6] =	ssyncadd.s32 s4;
	_ =	sdelay $0x1  }
0xa1: {  	s23 =	simm.s32 $0x1B8B  }
0xa2: {  	_ =	swait.ge [sflag:s23], $0x1  }
0xa3: {  	[sflag:s23] =	ssyncset.done $0x0  }
0xa4: {  	[sflag:s23] =	ssyncadd.s32 $0xFFFFFFFF  }
0xa5: {  	s4 =	sld [smem:$0x0]  }
0xa6: {  	s5 =	sand.u32 $0xFFFFFFFE, s1  }
0xa7: {  	p0 =	sne.s32 s1, s5  }
0xa8: {  	s5 =	sshll.u32 @p0 s5, $0xE  }
0xa9: {  	s5 =	sadd.s32 @p0 $0x11B8D, s5;
	s6 =	sshll.u32 @p0 s4, $0x11  }
0xaa: {  	s5 =	sor.u32 @p0 s6, s5  }
0xab: {  	[sflag:s5] =	ssyncadd.remote.s32 @p0 $0x1;
	_ =	sdelay $0x1  }
0xac: {  	s5 =	simm.s32 @p0 $0x1B8D  }
0xad: {  	_ =	swait.eq @p0 [sflag:s5], $0x1  }
0xae: {  	[sflag:s5] =	ssyncadd.s32 @p0 $0xFFFFFFFF  }
0xaf: {  	s6 =	sshll.u32 @!p0 s1, $0xE  }
0xb0: {  	s6 =	sor.u32 @!p0 $0x4000, s6;
	s5 =	simm.s32 @!p0 $0x1B8D  }
0xb1: {  	s4 =	sshll.u32 @!p0 s4, $0x11;
	s6 =	sadd.s32 @!p0 $0x11B8D, s6;
	_ =	swait.eq @!p0 [sflag:s5], $0x1  }
0xb2: {  	s4 =	sor.u32 @!p0 s4, s6;
	[sflag:s5] =	ssyncadd.s32 @!p0 $0xFFFFFFFF  }
0xb3: {  	s25 =	simm.s32 $0x1B8E;
	s24 =	sld [smem:$0x3FFE];
	[sflag:s4] =	ssyncadd.remote.s32 @!p0 $0x1  }
0xb4: {  	s26 =	simm.s32 $execute0_lowered;
	[smem:$0x3FD2] =	sst s25  }
0xb5: {  	s5 =	sshll.u32 s26, $0x1;
	_ =	strace $0x80000049;
	[dreg:$0x1] =	wrdreg $0xFFFFFFFF  }
0xb6: {  	s28 =	simm.s32 $_size_execute0_lowered;
	s3 =	sadd.s32 s3, s5;
	[dreg:$0x0] =	wrdreg $0x0  }
0xb7: {  	s5 =	sshll.u32 s28, $0x1;
	[dreg:$0x2] =	wrdreg s3  }
0xb8: {  	[dreg:$0x3] =	wrdreg s5  }
0xb9: {  	[dreg:$0x4] =	wrdreg $0xC0  }
0xba: {  	_ =	task [dreg:s22], $0x5FFFF  }
0xbb: {  	[dreg:$0x1] =	wrdreg $0xFFFFFFFF  }
0xbc: {  	[dreg:$0x0] =	wrdreg $0x60  }
0xbd: {  	[dreg:$0x2] =	wrdreg s24  }
0xbe: {  	[dreg:$0x3] =	wrdreg $0xC6000  }
0xbf: {  	[dreg:$0x4] =	wrdreg $0xA  }
0xc0: {  	_ =	task.clear_ibuf [dreg:s22], $0x5FFFF;
	_ =	strace $0x90000049  }
0xc1: {  	s29 =	simm.s32 $0xA;
	_ =	strace $0x8000004B  }
0xc2: {  	_ =	swait.ge [sflag:s29], $0x1  }
0xc3: {  	[sflag:s29] =	ssyncadd.s32 $0xFFFFFFFF  }
0xc4: {  	_ =	strace $0x9000004B  }
0xc5: {  	_ =	sfence  }
0xc6: {  	s30 =	sld [smem:$0x0];
	_ =	sdelay $0x2  }
0xc7: {  	s31 =	sshll.u32 s1, $0xD;
	s1 =	sshrl.u32 s1, $0x2  }
0xc8: {  	s4 =	sand.u32 $0x4000, s31;
	s1 =	sadd.s32 s1, s30  }
0xc9: {  	s0 =	sor.u32 s4, s0;
	s1 =	sshll.u32 s1, $0x11  }
0xca: {  	s0 =	sor.u32 s1, s0  }
0xcb: {  	s0 =	sadd.s32 $0x8F2B, s0  }
0xcc: {  	[sflag:s0] =	ssyncadd.remote.s32 $0x1  }
0xcd: {  	_ =	sfence.sel $0xFFFF  }
0xce: {  	[dreg:$0x0] =	wrdreg $0xFFFFFFFF;
	(pc) =	sbr.abs _section_cstart, $3  }
0xcf: {  	[dreg:$0x1] =	wrdreg $0xFFFFFFFF  }
0xd0: {  	_ =	task.clear_ibuf [dreg:s22], $0x2FFFF;
	_ =	strace $0x9FFFFFFF  }
0xd1: {  	(tm) =	ssettm $0x7FFFFFFF  }
tec
execute0_lowered:
.L_overlay_start_1:
0x0: {  	(tag) =	ssettag $0x1  }
0x1: {  	s0 =	rddreg [dreg:$0x0]  }
0x2: {  	s1 =	rddreg [dreg:$0x1]  }
0x3: {  	s2 =	srdreg.scid;
	s5 =	simm.s32 $0x0;
	s3 =	stileid.u32  }
0x4: {  	s2 =	sand.u32 $0x1, s2;
	[smem:$0x7FF] =	sst s5;
	s6 =	smul.u32 $0x13C00, s3  }
0x5: {  	s12 =	sadd.s32 $0x30000, s0;
	s8 =	sadd.s32 $0x1C600, s0;
	s10 =	sadd.s32 $0x7E400, s0  }
0x6: {  	s4 =	sshll.u32 s2, $0x4;
	_ =	strace $0x8000004A;
	[dreg:$0x3] =	wrdreg s12  }
0x7: {  	s22 =	smul.u32 $0x138800, s2;
	s11 =	sor.u32 s3, s4;
	s9 =	sshrl.u32 s6, $0x3  }
0x8: {  	s23 =	sadd.s32 s6, s1;
	s1 =	sadd.s32 $0x128400, s1;
	s7 =	smul.u32 $0x4F, s11  }
0x9: {  	s5 =	smul.u32 $0x2780, s11;
	s9 =	sadd.s32 s9, s0;
	[dreg:$0x11] =	wrdreg s23  }
0xa: {  	s11 =	ssub.s32 $0x2, s2;
	[dreg:$0x13] =	wrdreg s1;
	s0 =	sadd.s32 $0x7C280, s0  }
0xb: {  	s25 =	sadd.s32 s6, s22;
	s26 =	sshrl.u32 s22, $0x3;
	s12 =	sshrl.u32 s11, $0x1  }
0xc: {  	s24 =	sadd.s32 $0x57200, s9;
	[dreg:$0x14] =	wrdreg s0;
	s0 =	sshrl.u32 s25, $0x3  }
0xd: {  	s13 =	sshrl.u32 s5, $0x3;
	[dreg:$0x12] =	wrdreg s24;
	s0 =	sadd.s32 s10, s0  }
0xe: {  	s28 =	sadd.s32 s10, s26;
	s13 =	sadd.s32 s8, s13;
	[dreg:$0x15] =	wrdreg s0  }
0xf: {  	s11 =	ssub.s32 s11, s12;
	s0 =	sadd.s32 $0x25080, s28;
	[dreg:$0x7] =	wrdreg s13  }
0x10: {  	s30 =	smax.u32 s11, $0x1;
	[dreg:$0x16] =	wrdreg s0  }
0x11: {  	s14 =	sadd.s32 $0x9C40, s13;
	[dreg:$0x17] =	wrdreg s30  }
0x12: {  	s15 =	sadd.s32 $0x10, s13;
	[dreg:$0x8] =	wrdreg s14  }
0x13: {  	s16 =	sadd.s32 $0x9C50, s13;
	[dreg:$0x9] =	wrdreg s15  }
0x14: {  	s17 =	sadd.s32 $0x20, s13;
	[dreg:$0xa] =	wrdreg s16  }
0x15: {  	s18 =	sadd.s32 $0x9C60, s13;
	[dreg:$0xb] =	wrdreg s17  }
0x16: {  	s2 =	smul.u32 $0x4F00, s2;
	s19 =	sadd.s32 $0x30, s13;
	[dreg:$0xc] =	wrdreg s18  }
0x17: {  	s29 =	smul.u32 $0x4F0, s3;
	s20 =	sadd.s32 $0x9C70, s13;
	[dreg:$0xd] =	wrdreg s19  }
0x18: {  	s31 =	sadd.s32 s2, s8;
	s21 =	sadd.s32 $0x40, s13;
	[dreg:$0xe] =	wrdreg s20  }
0x19: {  	p1 =	seq.s32 s3, $0xF;
	s0 =	sadd.s32 s29, s31;
	[dreg:$0xf] =	wrdreg s21  }
0x1a: {  	s4 =	sadd.s32 $0x9C80, s13;
	[dreg:$0x4] =	wrdreg s0;
	s0 =	simm.s32 @!p1 $0x0  }
0x1b: {  	s7 =	ssub.s32 $0x9C4, s7;
	[dreg:$0x10] =	wrdreg s4;
	s0 =	simm.s32 @p1 $0x1  }
0x1c: {  	s2 =	simm.s32 $0x0;
	s5 =	smin.u32 s7, $0x4F;
	[smem:$0x7FD] =	sst s0  }
.LBB2_1:
0x1d: {  	[dreg:$0x18] =	wrdreg s2  }
0x1e: {  	s0 =	simm.s32 $0x0;
	s1 =	rddreg [dreg:$0x7]  }
0x1f: {  	[tilespmem:s0], [sflag:$0x1] =	stream.linear.gather [hbm4b:s1+s0], $0x80, $0x38;
	[tilespmem:$0x1FE80] =	vst v63  }
0x20: {  	s9 =	rddreg [dreg:$0x8];
	s10 =	simm.s32 $0x80  }
0x21: {  	[tilespmem:s10], [sflag:$0x7] =	stream.linear.gather [hbm4b:s9+s0], $0x80, $0x38;
	[tilespmem:$0x1FE80] =	vst v63  }
0x22: {  	s11 =	rddreg [dreg:$0x9];
	s4 =	simm.s32 $0x100  }
0x23: {  	[tilespmem:s4], [sflag:$0x2] =	stream.linear.gather [hbm4b:s11+s0], $0x80, $0x38;
	[tilespmem:$0x1FE80] =	vst v63  }
0x24: {  	s12 =	rddreg [dreg:$0xa];
	s3 =	simm.s32 $0x180  }
0x25: {  	[tilespmem:s3], [sflag:$0x8] =	stream.linear.gather [hbm4b:s12+s0], $0x80, $0x38;
	[tilespmem:$0x1FE80] =	vst v63  }
0x26: {  	s13 =	rddreg [dreg:$0xb];
	s14 =	simm.s32 $0x200  }
0x27: {  	[tilespmem:s14], [sflag:$0x3] =	stream.linear.gather [hbm4b:s13+s0], $0x80, $0x38;
	[tilespmem:$0x1FE80] =	vst v63  }
0x28: {  	s15 =	rddreg [dreg:$0xc];
	s16 =	simm.s32 $0x280  }
0x29: {  	[tilespmem:s16], [sflag:$0x9] =	stream.linear.gather [hbm4b:s15+s0], $0x80, $0x38;
	[tilespmem:$0x1FE80] =	vst v63  }
0x2a: {  	s17 =	rddreg [dreg:$0xd];
	s18 =	simm.s32 $0x300  }
0x2b: {  	[tilespmem:s18], [sflag:$0x4] =	stream.linear.gather [hbm4b:s17+s0], $0x80, $0x38;
	[tilespmem:$0x1FE80] =	vst v63  }
0x2c: {  	s19 =	rddreg [dreg:$0xe];
	s20 =	simm.s32 $0x380  }
0x2d: {  	[tilespmem:s20], [sflag:$0xA] =	stream.linear.gather [hbm4b:s19+s0], $0x80, $0x38;
	[tilespmem:$0x1FE80] =	vst v63  }
0x2e: {  	s21 =	rddreg [dreg:$0xf];
	s22 =	simm.s32 $0x400  }
0x2f: {  	[tilespmem:s22], [sflag:$0x5] =	stream.linear.gather [hbm4b:s21+s0], $0x80, $0x38;
	[tilespmem:$0x1FE80] =	vst v63  }
0x30: {  	s23 =	rddreg [dreg:$0x10];
	s24 =	simm.s32 $0x480;
	s25 =	simm.s32 $0x1  }
0x31: {  	[tilespmem:s24], [sflag:$0xB] =	stream.linear.gather [hbm4b:s23+s0], $0x80, $0x38;
	[tilespmem:$0x1FE80] =	vst v63  }
0x32: {  	_ =	swait.ge [sflag:s25], $0x80  }
0x33: {  	[sflag:s25] =	ssyncset.done $0x0  }
0x34: {  	s26 =	simm.s32 $0x7;
	[sflag:s25] =	ssyncadd.s32 $0xFFFFFF80  }
0x35: {  	_ =	swait.ge [sflag:s26], $0x80  }
0x36: {  	s28 =	simm.s32 $0x600;
	[sflag:s26] =	ssyncset.done $0x0  }
0x37: {  	s29 =	simm.s32 $0x2;
	s3 =	rddreg [dreg:$0x3];
	[sflag:s26] =	ssyncadd.s32 $0xFFFFFF80  }
0x38: {  	[tilespmem:s28], [sflag:$0xD] =	stream.indirect.gather [hbm4b:s3+s10], $0x80, s0, s10, $0xb8;
	[tilespmem:$0x1FE80] =	vst v63  }
0x39: {  	_ =	swait.ge [sflag:s29], $0x80  }
0x3a: {  	[sflag:s29] =	ssyncset.done $0x0  }
0x3b: {  	s30 =	simm.s32 $0x8;
	[sflag:s29] =	ssyncadd.s32 $0xFFFFFF80  }
0x3c: {  	_ =	swait.ge [sflag:s30], $0x80  }
0x3d: {  	s31 =	simm.s32 $0x4600;
	[sflag:s30] =	ssyncset.done $0x0;
	s0 =	rddreg [dreg:$0x13]  }
0x3e: {  	s1 =	rddreg [dreg:$0x14];
	[sflag:s30] =	ssyncadd.s32 $0xFFFFFF80;
	s2 =	sshrl.u32 @p1 s0, $0x3  }
0x3f: {  	[tilespmem:s31], [sflag:$0xE] =	stream.indirect.gather [hbm4b:s3+s10], $0x80, s4, s10, $0xb8;
	[tilespmem:$0x1FE80] =	vst v63  }
0x40: {  	s0 =	simm.s32 @p1 $0x1FD3;
	[dreg:$0x19] =	wrdreg s2  }
0x41: {  	[spmem:s2], [sflag:s0] =	dma.local @p1 [hbm:s1], $0x2080  }
0x42: {  	s0 =	simm.s32 @p1 $0x13  }
0x43: {  	s1 =	stileid.u32;
	_ =	swait.ge @p1 [sflag:s0], $0x2080  }
0x44: {  	s2 =	sshll.u32 @!p1 s1, $0x6;
	[sflag:s0] =	ssyncset.done @p1 $0x0  }
0x45: {  	s1 =	sor.u32 @!p1 $0x1C13, s2;
	[sflag:s0] =	ssyncadd.s32 @p1 $0xFFFFDF80;
	s0 =	rddreg [dreg:$0x11]  }
0x46: {  	[dreg:$0x1a] =	wrdreg s1  }
0x47: {  	s2 =	sshrl.u32 @!p1 s0, $0x3;
	s0 =	rddreg [dreg:$0x12]  }
0x48: {  	[dreg:$0x1b] =	wrdreg s2  }
0x49: {  	[spmem:s2], [sflag:s1] =	dma.local @!p1 [hbm:s0], $0x2780  }
0x4a: {  	s0 =	simm.s32 @!p1 $0x13  }
0x4b: {  	_ =	swait.ge @!p1 [sflag:s0], $0x2780  }
0x4c: {  	[sflag:s0] =	ssyncset.done @!p1 $0x0  }
0x4d: {  	p4 =	sle.u32 s5, $0x0;
	[sflag:s0] =	ssyncadd.s32 @!p1 $0xFFFFD880  }
0x4e: {  	s0 =	simm.s32 @!p4 $0xD;
	[bflag:$0x0] =	sbarrier.arrive $0xFFFF  }
0x4f: {  	p0 =	por $0x1, $0x1;
	_ =	swait.ge @!p4 [sflag:s0], $0x4000  }
0x50: {  	p1 =	slt.u32 @!p0 s5, $0x0;
	[sflag:s0] =	ssyncset.done @!p4 $0x0  }
0x51: {  	s2 =	simm.s32 @!p4 $0x80;
	p0 =	por p1, p0;
	[sflag:s0] =	ssyncadd.s32 @!p4 $0xFFFFC000  }
0x52: {  	s6 =	simm.s32 @!p0 $0x12;
	s0 =	simm.s32 @!p4 $0x600;
	s1 =	rddreg [dreg:$0x1]  }
0x53: {  	[spmem:s1] =	stream.indirect.scatter.add.f32 @!p4 [tilespmem:s0], [sflag:$0x10], $0x80, s2, s2, $0xb8;
	[tilespmem:$0x1FE80] =	vst v63  }
0x54: {  	_ =	swait.ge @!p0 [sflag:s6], $0x4000  }
0x55: {  	p2 =	sle.u32 s5, $0x2;
	[sflag:s6] =	ssyncset.done @!p0 $0x0  }
0x56: {  	s0 =	simm.s32 @!p2 $0x3;
	[sflag:s6] =	ssyncadd.s32 @!p0 $0xFFFFC000  }
0x57: {  	_ =	swait.ge @!p2 [sflag:s0], $0x80  }
0x58: {  	[sflag:s0] =	ssyncset.done @!p2 $0x0  }
0x59: {  	s7 =	simm.s32 @!p2 $0x8600;
	s2 =	simm.s32 @!p2 $0x9;
	[sflag:s0] =	ssyncadd.s32 @!p2 $0xFFFFFF80  }
0x5a: {  	s10 =	simm.s32 @!p2 $0x80;
	p1 =	sle.u32 s5, $0x1;
	_ =	swait.ge @!p2 [sflag:s2], $0x80  }
0x5b: {  	p0 =	sle.u32 s5, $0x5;
	[sflag:s2] =	ssyncset.done @!p2 $0x0;
	s4 =	rddreg [dreg:$0x4]  }
0x5c: {  	s0 =	simm.s32 @!p2 $0x200;
	s6 =	sadd.s32 @!p0 $0x0, s4;
	[sflag:s2] =	ssyncadd.s32 @!p2 $0xFFFFFF80  }
0x5d: {  	[tilespmem:s7], [sflag:$0xF] =	stream.indirect.gather @!p2 [hbm4b:s3+s10], $0x80, s0, s10, $0xb8;
	[tilespmem:$0x1FE80] =	vst v63  }
0x5e: {  	s2 =	simm.s32 @!p0 $0x0;
	s0 =	simm.s32 @!p0 $0x500;
	s8 =	sadd.s32 @!p0 $0x50, s6  }
0x5f: {  	[tilespmem:s0], [sflag:$0x6] =	stream.linear.gather @!p0 [hbm4b:s8+s2], $0x80, $0x38;
	[tilespmem:$0x1FE80] =	vst v63  }
0x60: {  	s9 =	simm.s32 @!p1 $0xE;
	s8 =	sadd.s32 @!p0 $0x9C90, s6;
	s6 =	simm.s32 @!p0 $0x580  }
0x61: {  	[tilespmem:s6], [sflag:$0xC] =	stream.linear.gather @!p0 [hbm4b:s8+s2], $0x80, $0x38;
	[tilespmem:$0x1FE80] =	vst v63  }
0x62: {  	_ =	swait.ge @!p1 [sflag:s9], $0x4000  }
0x63: {  	s11 =	simm.s32 @!p4 $0x10;
	s2 =	simm.s32 @!p1 $0x80;
	[sflag:s9] =	ssyncset.done @!p1 $0x0  }
0x64: {  	s8 =	simm.s32 @!p1 $0x180;
	[sflag:s9] =	ssyncadd.s32 @!p1 $0xFFFFC000;
	s9 =	simm.s32 @!p1 $0x4600  }
0x65: {  	[spmem:s1] =	stream.indirect.scatter.add.f32 @!p1 [tilespmem:s9], [sflag:$0x11], $0x80, s8, s2, $0xb8;
	[tilespmem:$0x1FE80] =	vst v63  }
0x66: {  	_ =	swait.ge @!p4 [sflag:s11], $0x4000  }
0x67: {  	p3 =	sle.u32 s5, $0x3;
	[sflag:s11] =	ssyncset.done @!p4 $0x0  }
0x68: {  	s2 =	simm.s32 @!p3 $0x4;
	[sflag:s11] =	ssyncadd.s32 @!p4 $0xFFFFC000  }
0x69: {  	_ =	swait.ge @!p3 [sflag:s2], $0x80  }
0x6a: {  	[sflag:s2] =	ssyncset.done @!p3 $0x0  }
0x6b: {  	s8 =	simm.s32 @!p3 $0xA;
	[sflag:s2] =	ssyncadd.s32 @!p3 $0xFFFFFF80  }
0x6c: {  	s12 =	simm.s32 @!p3 $0x80;
	_ =	swait.ge @!p3 [sflag:s8], $0x80  }
0x6d: {  	s11 =	simm.s32 @!p3 $0x600;
	p4 =	sle.u32 s5, $0x6;
	[sflag:s8] =	ssyncset.done @!p3 $0x0  }
0x6e: {  	s9 =	sadd.s32 @!p4 $0x0, s4;
	s2 =	simm.s32 @!p3 $0x300;
	[sflag:s8] =	ssyncadd.s32 @!p3 $0xFFFFFF80  }
0x6f: {  	[tilespmem:s11], [sflag:$0xD] =	stream.indirect.gather @!p3 [hbm4b:s3+s12], $0x80, s2, s12, $0xb8;
	[tilespmem:$0x1FE80] =	vst v63  }
0x70: {  	s8 =	simm.s32 @!p4 $0x0;
	s2 =	sadd.s32 @!p4 $0x60, s9  }
0x71: {  	[tilespmem:s8], [sflag:$0x1] =	stream.linear.gather @!p4 [hbm4b:s2+s8], $0x80, $0x38;
	[tilespmem:$0x1FE80] =	vst v63  }
0x72: {  	s13 =	simm.s32 @!p2 $0xF;
	s2 =	sadd.s32 @!p4 $0x9CA0, s9;
	s9 =	simm.s32 @!p4 $0x80  }
0x73: {  	[tilespmem:s9], [sflag:$0x7] =	stream.linear.gather @!p4 [hbm4b:s2+s8], $0x80, $0x38;
	[tilespmem:$0x1FE80] =	vst v63  }
0x74: {  	_ =	swait.ge @!p2 [sflag:s13], $0x4000  }
0x75: {  	[sflag:s13] =	ssyncset.done @!p2 $0x0  }
0x76: {  	s14 =	simm.s32 @!p1 $0x11;
	s2 =	simm.s32 @!p2 $0x280;
	[sflag:s13] =	ssyncadd.s32 @!p2 $0xFFFFC000  }
0x77: {  	[spmem:s1] =	stream.indirect.scatter.add.f32 @!p2 [tilespmem:s7], [sflag:$0x12], $0x80, s2, s10, $0xb8;
	[tilespmem:$0x1FE80] =	vst v63  }
0x78: {  	_ =	swait.ge @!p1 [sflag:s14], $0x4000  }
0x79: {  	p5 =	sle.u32 s5, $0x4;
	[sflag:s14] =	ssyncset.done @!p1 $0x0  }
0x7a: {  	s2 =	simm.s32 @!p5 $0x5;
	[sflag:s14] =	ssyncadd.s32 @!p1 $0xFFFFC000  }
0x7b: {  	_ =	swait.ge @!p5 [sflag:s2], $0x80  }
0x7c: {  	[sflag:s2] =	ssyncset.done @!p5 $0x0  }
0x7d: {  	s7 =	simm.s32 @!p5 $0xB;
	[sflag:s2] =	ssyncadd.s32 @!p5 $0xFFFFFF80  }
0x7e: {  	s13 =	simm.s32 @!p5 $0x80;
	_ =	swait.ge @!p5 [sflag:s7], $0x80  }
0x7f: {  	s10 =	simm.s32 @!p5 $0x4600;
	p1 =	sle.u32 s5, $0x7;
	[sflag:s7] =	ssyncset.done @!p5 $0x0  }
0x80: {  	s14 =	sadd.s32 @!p1 $0x0, s4;
	s2 =	simm.s32 @!p5 $0x400;
	[sflag:s7] =	ssyncadd.s32 @!p5 $0xFFFFFF80  }
0x81: {  	[tilespmem:s10], [sflag:$0xE] =	stream.indirect.gather @!p5 [hbm4b:s3+s13], $0x80, s2, s13, $0xb8;
	[tilespmem:$0x1FE80] =	vst v63  }
0x82: {  	s15 =	simm.s32 @!p1 $0x100;
	s7 =	sadd.s32 @!p1 $0x70, s14;
	s2 =	simm.s32 @!p1 $0x0  }
0x83: {  	[tilespmem:s15], [sflag:$0x2] =	stream.linear.gather @!p1 [hbm4b:s7+s2], $0x80, $0x38;
	[tilespmem:$0x1FE80] =	vst v63  }
0x84: {  	s16 =	simm.s32 @!p3 $0xD;
	s7 =	sadd.s32 @!p1 $0x9CB0, s14;
	s14 =	simm.s32 @!p1 $0x180  }
0x85: {  	[tilespmem:s14], [sflag:$0x8] =	stream.linear.gather @!p1 [hbm4b:s7+s2], $0x80, $0x38;
	[tilespmem:$0x1FE80] =	vst v63  }
0x86: {  	_ =	swait.ge @!p3 [sflag:s16], $0x4000  }
0x87: {  	[sflag:s16] =	ssyncset.done @!p3 $0x0  }
0x88: {  	s2 =	simm.s32 @!p3 $0x380;
	s7 =	simm.s32 @!p2 $0x12;
	[sflag:s16] =	ssyncadd.s32 @!p3 $0xFFFFC000  }
0x89: {  	[spmem:s1] =	stream.indirect.scatter.add.f32 @!p3 [tilespmem:s11], [sflag:$0x10], $0x80, s2, s12, $0xb8;
	[tilespmem:$0x1FE80] =	vst v63  }
0x8a: {  	_ =	swait.ge @!p2 [sflag:s7], $0x4000  }
0x8b: {  	[sflag:s7] =	ssyncset.done @!p2 $0x0  }
0x8c: {  	s2 =	simm.s32 @!p0 $0x6;
	[sflag:s7] =	ssyncadd.s32 @!p2 $0xFFFFC000  }
0x8d: {  	_ =	swait.ge @!p0 [sflag:s2], $0x80  }
0x8e: {  	[sflag:s2] =	ssyncset.done @!p0 $0x0  }
0x8f: {  	s7 =	simm.s32 @!p0 $0xC;
	[sflag:s2] =	ssyncadd.s32 @!p0 $0xFFFFFF80  }
0x90: {  	_ =	swait.ge @!p0 [sflag:s7], $0x80  }
0x91: {  	s11 =	simm.s32 @!p0 $0x80;
	p2 =	sle.u32 s5, $0x8;
	[sflag:s7] =	ssyncset.done @!p0 $0x0  }
0x92: {  	s12 =	sadd.s32 @!p2 $0x0, s4;
	s2 =	simm.s32 @!p0 $0x8600;
	[sflag:s7] =	ssyncadd.s32 @!p0 $0xFFFFFF80  }
0x93: {  	[tilespmem:s2], [sflag:$0xF] =	stream.indirect.gather @!p0 [hbm4b:s3+s11], $0x80, s0, s11, $0xb8;
	[tilespmem:$0x1FE80] =	vst v63  }
0x94: {  	s14 =	sadd.s32 @!p2 $0x80, s12;
	s7 =	simm.s32 @!p2 $0x0;
	s0 =	simm.s32 @!p2 $0x200  }
0x95: {  	[tilespmem:s0], [sflag:$0x3] =	stream.linear.gather @!p2 [hbm4b:s14+s7], $0x80, $0x38;
	[tilespmem:$0x1FE80] =	vst v63  }
0x96: {  	s0 =	sadd.s32 @!p2 $0x9CC0, s12;
	s12 =	simm.s32 @!p2 $0x280;
	s14 =	simm.s32 @!p5 $0xE  }
0x97: {  	[tilespmem:s12], [sflag:$0x9] =	stream.linear.gather @!p2 [hbm4b:s0+s7], $0x80, $0x38;
	[tilespmem:$0x1FE80] =	vst v63  }
0x98: {  	_ =	swait.ge @!p5 [sflag:s14], $0x4000  }
0x99: {  	[sflag:s14] =	ssyncset.done @!p5 $0x0  }
0x9a: {  	s0 =	simm.s32 @!p5 $0x480;
	s7 =	simm.s32 @!p3 $0x10;
	[sflag:s14] =	ssyncadd.s32 @!p5 $0xFFFFC000  }
0x9b: {  	[spmem:s1] =	stream.indirect.scatter.add.f32 @!p5 [tilespmem:s10], [sflag:$0x11], $0x80, s0, s13, $0xb8;
	[tilespmem:$0x1FE80] =	vst v63  }
0x9c: {  	_ =	swait.ge @!p3 [sflag:s7], $0x4000  }
0x9d: {  	[sflag:s7] =	ssyncset.done @!p3 $0x0  }
0x9e: {  	s0 =	simm.s32 @!p4 $0x1;
	[sflag:s7] =	ssyncadd.s32 @!p3 $0xFFFFC000  }
0x9f: {  	_ =	swait.ge @!p4 [sflag:s0], $0x80  }
0xa0: {  	[sflag:s0] =	ssyncset.done @!p4 $0x0  }
0xa1: {  	s7 =	simm.s32 @!p4 $0x7;
	[sflag:s0] =	ssyncadd.s32 @!p4 $0xFFFFFF80  }
0xa2: {  	_ =	swait.ge @!p4 [sflag:s7], $0x80  }
0xa3: {  	p2 =	sle.u32 s5, $0x9;
	[sflag:s7] =	ssyncset.done @!p4 $0x0  }
0xa4: {  	s10 =	sadd.s32 @!p2 $0x0, s4;
	s0 =	simm.s32 @!p4 $0x600;
	[sflag:s7] =	ssyncadd.s32 @!p4 $0xFFFFFF80  }
0xa5: {  	[tilespmem:s0], [sflag:$0xD] =	stream.indirect.gather @!p4 [hbm4b:s3+s9], $0x80, s8, s9, $0xb8;
	[tilespmem:$0x1FE80] =	vst v63  }
0xa6: {  	s7 =	simm.s32 @!p2 $0x300;
	s0 =	sadd.s32 @!p2 $0x90, s10;
	s8 =	simm.s32 @!p2 $0x0  }
0xa7: {  	[tilespmem:s7], [sflag:$0x4] =	stream.linear.gather @!p2 [hbm4b:s0+s8], $0x80, $0x38;
	[tilespmem:$0x1FE80] =	vst v63  }
0xa8: {  	s9 =	simm.s32 @!p0 $0xF;
	s0 =	simm.s32 @!p2 $0x380;
	s7 =	sadd.s32 @!p2 $0x9CD0, s10  }
0xa9: {  	[tilespmem:s0], [sflag:$0xA] =	stream.linear.gather @!p2 [hbm4b:s7+s8], $0x80, $0x38;
	[tilespmem:$0x1FE80] =	vst v63  }
0xaa: {  	_ =	swait.ge @!p0 [sflag:s9], $0x4000  }
0xab: {  	[sflag:s9] =	ssyncset.done @!p0 $0x0  }
0xac: {  	s0 =	simm.s32 @!p5 $0x11;
	[sflag:s9] =	ssyncadd.s32 @!p0 $0xFFFFC000  }
0xad: {  	[spmem:s1] =	stream.indirect.scatter.add.f32 @!p0 [tilespmem:s2], [sflag:$0x12], $0x80, s6, s11, $0xb8;
	[tilespmem:$0x1FE80] =	vst v63  }
0xae: {  	_ =	swait.ge @!p5 [sflag:s0], $0x4000  }
0xaf: {  	s17 =	simm.s32 $0xC0;
	s19 =	simm.s32 $0x8;
	[sflag:s0] =	ssyncset.done @!p5 $0x0  }
0xb0: {  	s20 =	simm.s32 $0x10;
	s2 =	simm.s32 @!p1 $0x2;
	[sflag:s0] =	ssyncadd.s32 @!p5 $0xFFFFC000  }
0xb1: {  	s22 =	simm.s32 $0xF;
	s16 =	simm.s32 $0x6;
	_ =	swait.ge @!p1 [sflag:s2], $0x80  }
0xb2: {  	s12 =	simm.s32 $0xA;
	s14 =	simm.s32 $0x9;
	[sflag:s2] =	ssyncset.done @!p1 $0x0  }
0xb3: {  	s13 =	simm.s32 $0xD;
	s0 =	simm.s32 @!p1 $0x8;
	[sflag:s2] =	ssyncadd.s32 @!p1 $0xFFFFFF80  }
0xb4: {  	s8 =	simm.s32 $0x60;
	p2 =	sle.u32 s5, $0xA;
	_ =	swait.ge @!p1 [sflag:s0], $0x80  }
0xb5: {  	s7 =	sadd.s32 @!p2 $0x0, s4;
	s18 =	simm.s32 @!p2 $0x400;
	[sflag:s0] =	ssyncset.done @!p1 $0x0  }
0xb6: {  	s6 =	simm.s32 @!p1 $0x4600;
	s2 =	simm.s32 @!p1 $0x80;
	[sflag:s0] =	ssyncadd.s32 @!p1 $0xFFFFFF80  }
0xb7: {  	[tilespmem:s6], [sflag:$0xE] =	stream.indirect.gather @!p1 [hbm4b:s3+s2], $0x80, s15, s2, $0xb8;
	[tilespmem:$0x1FE80] =	vst v63  }
0xb8: {  	s11 =	simm.s32 $0xE;
	s0 =	simm.s32 @!p2 $0x0;
	s2 =	sadd.s32 @!p2 $0xA0, s7  }
0xb9: {  	s6 =	sadd.s32 @!p2 $0x9CE0, s7;
	s7 =	simm.s32 @!p2 $0x480;
	s15 =	simm.s32 $0x6  }
.LBB2_2:
0xba: {  	[tilespmem:s18], [sflag:$0x5] =	stream.linear.gather @!p2 [hbm4b:s2+s0], $0x80, $0x38;
	[tilespmem:$0x1FE80] =	vst v63  }
0xbb: {  	[dreg:$0x6] =	wrdreg s20;
	s1 =	smov.u32 s17;
	p0 =	sge.u32 s16, s5  }
0xbc: {  	[dreg:$0x5] =	wrdreg s1;
	s20 =	simm.s32 @!p0 $0xD  }
0xbd: {  	[tilespmem:s7], [sflag:$0xB] =	stream.linear.gather @!p2 [hbm4b:s6+s0], $0x80, $0x38;
	[tilespmem:$0x1FE80] =	vst v63  }
0xbe: {  	p1 =	seq.s32 s8, $0x0;
	_ =	swait.ge @!p0 [sflag:s20], $0x4000  }
0xbf: {  	p3 =	sgt.u32 @!p1 s16, s5;
	[sflag:s20] =	ssyncset.done @!p0 $0x0  }
0xc0: {  	s0 =	simm.s32 @!p0 $0x80;
	p1 =	por p3, p1;
	[sflag:s20] =	ssyncadd.s32 @!p0 $0xFFFFC000  }
0xc1: {  	s7 =	simm.s32 @!p0 $0x600;
	s6 =	simm.s32 @!p1 $0x12;
	s9 =	rddreg [dreg:$0x1]  }
0xc2: {  	[spmem:s9] =	stream.indirect.scatter.add.f32 @!p0 [tilespmem:s7], [sflag:$0x10], $0x80, s0, s0, $0xb8;
	[tilespmem:$0x1FE80] =	vst v63  }
0xc3: {  	_ =	swait.ge @!p1 [sflag:s6], $0x4000  }
0xc4: {  	p3 =	sge.u32 s19, s5;
	[sflag:s6] =	ssyncset.done @!p1 $0x0  }
0xc5: {  	s19 =	simm.s32 @!p3 $0x3;
	[sflag:s6] =	ssyncadd.s32 @!p1 $0xFFFFC000  }
0xc6: {  	s29 =	sadd.s32 $0x1, s16;
	_ =	swait.ge @!p3 [sflag:s19], $0x80  }
0xc7: {  	s21 =	sadd.s32 $0x5, s16;
	p5 =	sge.u32 s29, s5;
	[sflag:s19] =	ssyncset.done @!p3 $0x0  }
0xc8: {  	p2 =	sge.u32 s21, s5;
	s25 =	simm.s32 @!p3 $0x9;
	[sflag:s19] =	ssyncadd.s32 @!p3 $0xFFFFFF80  }
0xc9: {  	s26 =	simm.s32 @!p3 $0x80;
	s16 =	simm.s32 @!p3 $0x200;
	_ =	swait.ge @!p3 [sflag:s25], $0x80  }
0xca: {  	s0 =	simm.s32 @!p3 $0x8600;
	[sflag:s25] =	ssyncset.done @!p3 $0x0;
	s10 =	rddreg [dreg:$0x4]  }
0xcb: {  	s23 =	rddreg [dreg:$0x3];
	s19 =	sadd.s32 @!p2 s8, s10;
	[sflag:s25] =	ssyncadd.s32 @!p3 $0xFFFFFF80  }
0xcc: {  	[tilespmem:s0], [sflag:$0xF] =	stream.indirect.gather @!p3 [hbm4b:s23+s26], $0x80, s16, s26, $0xb8;
	[tilespmem:$0x1FE80] =	vst v63  }
0xcd: {  	s28 =	simm.s32 @!p2 $0x0;
	s6 =	simm.s32 @!p2 $0x500;
	s21 =	sadd.s32 @!p2 $0x50, s19  }
0xce: {  	[tilespmem:s6], [sflag:$0x6] =	stream.linear.gather @!p2 [hbm4b:s21+s28], $0x80, $0x38;
	[tilespmem:$0x1FE80] =	vst v63  }
0xcf: {  	s29 =	simm.s32 @!p5 $0xE;
	s19 =	sadd.s32 @!p2 $0x9C90, s19;
	s21 =	simm.s32 @!p2 $0x580  }
0xd0: {  	[tilespmem:s21], [sflag:$0xC] =	stream.linear.gather @!p2 [hbm4b:s19+s28], $0x80, $0x38;
	[tilespmem:$0x1FE80] =	vst v63  }
0xd1: {  	_ =	swait.ge @!p5 [sflag:s29], $0x4000  }
0xd2: {  	s30 =	simm.s32 @!p0 $0x10;
	s3 =	simm.s32 @!p5 $0x180;
	[sflag:s29] =	ssyncset.done @!p5 $0x0  }
0xd3: {  	s2 =	simm.s32 @!p5 $0x4600;
	s28 =	simm.s32 @!p5 $0x80;
	[sflag:s29] =	ssyncadd.s32 @!p5 $0xFFFFC000  }
0xd4: {  	[spmem:s9] =	stream.indirect.scatter.add.f32 @!p5 [tilespmem:s2], [sflag:$0x11], $0x80, s3, s28, $0xb8;
	[tilespmem:$0x1FE80] =	vst v63  }
0xd5: {  	_ =	swait.ge @!p0 [sflag:s30], $0x4000  }
0xd6: {  	p4 =	sge.u32 s14, s5;
	[sflag:s30] =	ssyncset.done @!p0 $0x0  }
0xd7: {  	s2 =	simm.s32 @!p4 $0x4;
	[sflag:s30] =	ssyncadd.s32 @!p0 $0xFFFFC000  }
0xd8: {  	_ =	swait.ge @!p4 [sflag:s2], $0x80  }
0xd9: {  	[sflag:s2] =	ssyncset.done @!p4 $0x0  }
0xda: {  	s15 =	sadd.s32 $0x6, s15;
	s3 =	simm.s32 @!p4 $0xA;
	[sflag:s2] =	ssyncadd.s32 @!p4 $0xFFFFFF80  }
0xdb: {  	p6 =	sge.u32 s15, s5;
	_ =	swait.ge @!p4 [sflag:s3], $0x80  }
0xdc: {  	s7 =	simm.s32 @!p4 $0x80;
	s29 =	simm.s32 @!p4 $0x300;
	[sflag:s3] =	ssyncset.done @!p4 $0x0  }
0xdd: {  	s30 =	sadd.s32 @!p6 s8, s10;
	s2 =	simm.s32 @!p4 $0x600;
	[sflag:s3] =	ssyncadd.s32 @!p4 $0xFFFFFF80  }
0xde: {  	[tilespmem:s2], [sflag:$0xD] =	stream.indirect.gather @!p4 [hbm4b:s23+s7], $0x80, s29, s7, $0xb8;
	[tilespmem:$0x1FE80] =	vst v63  }
0xdf: {  	s28 =	simm.s32 @!p6 $0x0;
	s3 =	sadd.s32 @!p6 $0x60, s30  }
0xe0: {  	[tilespmem:s28], [sflag:$0x1] =	stream.linear.gather @!p6 [hbm4b:s3+s28], $0x80, $0x38;
	[tilespmem:$0x1FE80] =	vst v63  }
0xe1: {  	s30 =	sadd.s32 @!p6 $0x9CA0, s30;
	s29 =	simm.s32 @!p6 $0x80;
	s3 =	simm.s32 @!p3 $0xF  }
0xe2: {  	[tilespmem:s29], [sflag:$0x7] =	stream.linear.gather @!p6 [hbm4b:s30+s28], $0x80, $0x38;
	[tilespmem:$0x1FE80] =	vst v63  }
0xe3: {  	s1 =	sadd.s32 $0x2, s15;
	_ =	swait.ge @!p3 [sflag:s3], $0x4000  }
0xe4: {  	s19 =	smov.u32 s1;
	[sflag:s3] =	ssyncset.done @!p3 $0x0  }
0xe5: {  	s1 =	simm.s32 @!p5 $0x11;
	s30 =	simm.s32 @!p3 $0x280;
	[sflag:s3] =	ssyncadd.s32 @!p3 $0xFFFFC000  }
0xe6: {  	[spmem:s9] =	stream.indirect.scatter.add.f32 @!p3 [tilespmem:s0], [sflag:$0x12], $0x80, s30, s26, $0xb8;
	[tilespmem:$0x1FE80] =	vst v63  }
0xe7: {  	_ =	swait.ge @!p5 [sflag:s1], $0x4000  }
0xe8: {  	p0 =	sge.u32 s12, s5;
	[sflag:s1] =	ssyncset.done @!p5 $0x0  }
0xe9: {  	s0 =	simm.s32 @!p0 $0x5;
	[sflag:s1] =	ssyncadd.s32 @!p5 $0xFFFFC000  }
0xea: {  	_ =	swait.ge @!p0 [sflag:s0], $0x80  }
0xeb: {  	s4 =	sadd.s32 $0x3, s15;
	s24 =	sadd.s32 $0x4, s15;
	[sflag:s0] =	ssyncset.done @!p0 $0x0  }
0xec: {  	s14 =	smov.u32 s4;
	s1 =	simm.s32 @!p0 $0xB;
	[sflag:s0] =	ssyncadd.s32 @!p0 $0xFFFFFF80  }
0xed: {  	s12 =	smov.u32 s24;
	s3 =	simm.s32 @!p0 $0x400;
	_ =	swait.ge @!p0 [sflag:s1], $0x80  }
0xee: {  	s26 =	simm.s32 @!p0 $0x80;
	p5 =	sge.u32 s13, s5;
	[sflag:s1] =	ssyncset.done @!p0 $0x0  }
0xef: {  	s13 =	sadd.s32 @!p5 s8, s10;
	s0 =	simm.s32 @!p0 $0x4600;
	[sflag:s1] =	ssyncadd.s32 @!p0 $0xFFFFFF80  }
0xf0: {  	[tilespmem:s0], [sflag:$0xE] =	stream.indirect.gather @!p0 [hbm4b:s23+s26], $0x80, s3, s26, $0xb8;
	[tilespmem:$0x1FE80] =	vst v63  }
0xf1: {  	s24 =	simm.s32 @!p5 $0x100;
	s30 =	simm.s32 @!p5 $0x0;
	s1 =	sadd.s32 @!p5 $0x70, s13  }
0xf2: {  	[tilespmem:s24], [sflag:$0x2] =	stream.linear.gather @!p5 [hbm4b:s1+s30], $0x80, $0x38;
	[tilespmem:$0x1FE80] =	vst v63  }
0xf3: {  	s4 =	sadd.s32 @!p5 $0x9CB0, s13;
	s3 =	simm.s32 @!p4 $0xD;
	s1 =	simm.s32 @!p5 $0x180  }
0xf4: {  	[tilespmem:s1], [sflag:$0x8] =	stream.linear.gather @!p5 [hbm4b:s4+s30], $0x80, $0x38;
	[tilespmem:$0x1FE80] =	vst v63  }
0xf5: {  	_ =	swait.ge @!p4 [sflag:s3], $0x4000  }
0xf6: {  	[sflag:s3] =	ssyncset.done @!p4 $0x0  }
0xf7: {  	s1 =	simm.s32 @!p4 $0x380;
	s4 =	simm.s32 @!p3 $0x12;
	[sflag:s3] =	ssyncadd.s32 @!p4 $0xFFFFC000  }
0xf8: {  	[spmem:s9] =	stream.indirect.scatter.add.f32 @!p4 [tilespmem:s2], [sflag:$0x10], $0x80, s1, s7, $0xb8;
	[tilespmem:$0x1FE80] =	vst v63  }
0xf9: {  	_ =	swait.ge @!p3 [sflag:s4], $0x4000  }
0xfa: {  	[sflag:s4] =	ssyncset.done @!p3 $0x0  }
0xfb: {  	s1 =	simm.s32 @!p2 $0x6;
	[sflag:s4] =	ssyncadd.s32 @!p3 $0xFFFFC000  }
0xfc: {  	_ =	swait.ge @!p2 [sflag:s1], $0x80  }
0xfd: {  	[sflag:s1] =	ssyncset.done @!p2 $0x0  }
0xfe: {  	s3 =	simm.s32 @!p2 $0xC;
	[sflag:s1] =	ssyncadd.s32 @!p2 $0xFFFFFF80  }
0xff: {  	_ =	swait.ge @!p2 [sflag:s3], $0x80  }
0x100: {  	s2 =	simm.s32 @!p2 $0x8600;
	p3 =	sge.u32 s11, s5;
	[sflag:s3] =	ssyncset.done @!p2 $0x0  }
0x101: {  	s7 =	simm.s32 @!p2 $0x80;
	s4 =	sadd.s32 @!p3 s8, s10;
	[sflag:s3] =	ssyncadd.s32 @!p2 $0xFFFFFF80  }
0x102: {  	[tilespmem:s2], [sflag:$0xF] =	stream.indirect.gather @!p2 [hbm4b:s23+s7], $0x80, s6, s7, $0xb8;
	[tilespmem:$0x1FE80] =	vst v63  }
0x103: {  	s30 =	simm.s32 @!p3 $0x0;
	s1 =	simm.s32 @!p3 $0x200;
	s3 =	sadd.s32 @!p3 $0x80, s4  }
0x104: {  	[tilespmem:s1], [sflag:$0x3] =	stream.linear.gather @!p3 [hbm4b:s3+s30], $0x80, $0x38;
	[tilespmem:$0x1FE80] =	vst v63  }
0x105: {  	s4 =	sadd.s32 @!p3 $0x9CC0, s4;
	s1 =	simm.s32 @!p3 $0x280;
	s3 =	simm.s32 @!p0 $0xE  }
0x106: {  	[tilespmem:s1], [sflag:$0x9] =	stream.linear.gather @!p3 [hbm4b:s4+s30], $0x80, $0x38;
	[tilespmem:$0x1FE80] =	vst v63  }
0x107: {  	_ =	swait.ge @!p0 [sflag:s3], $0x4000  }
0x108: {  	[sflag:s3] =	ssyncset.done @!p0 $0x0  }
0x109: {  	s1 =	simm.s32 @!p0 $0x480;
	s4 =	simm.s32 @!p4 $0x10;
	[sflag:s3] =	ssyncadd.s32 @!p0 $0xFFFFC000  }
0x10a: {  	[spmem:s9] =	stream.indirect.scatter.add.f32 @!p0 [tilespmem:s0], [sflag:$0x11], $0x80, s1, s26, $0xb8;
	[tilespmem:$0x1FE80] =	vst v63  }
0x10b: {  	_ =	swait.ge @!p4 [sflag:s4], $0x4000  }
0x10c: {  	[sflag:s4] =	ssyncset.done @!p4 $0x0  }
0x10d: {  	s0 =	simm.s32 @!p6 $0x1;
	[sflag:s4] =	ssyncadd.s32 @!p4 $0xFFFFC000  }
0x10e: {  	_ =	swait.ge @!p6 [sflag:s0], $0x80  }
0x10f: {  	[sflag:s0] =	ssyncset.done @!p6 $0x0  }
0x110: {  	s1 =	simm.s32 @!p6 $0x7;
	[sflag:s0] =	ssyncadd.s32 @!p6 $0xFFFFFF80  }
0x111: {  	s18 =	smov.u32 s22;
	_ =	swait.ge @!p6 [sflag:s1], $0x80  }
0x112: {  	p3 =	sge.u32 s18, s5;
	[sflag:s1] =	ssyncset.done @!p6 $0x0  }
0x113: {  	s3 =	sadd.s32 @!p3 s8, s10;
	s0 =	simm.s32 @!p6 $0x600;
	[sflag:s1] =	ssyncadd.s32 @!p6 $0xFFFFFF80  }
0x114: {  	[tilespmem:s0], [sflag:$0xD] =	stream.indirect.gather @!p6 [hbm4b:s23+s29], $0x80, s28, s29, $0xb8;
	[tilespmem:$0x1FE80] =	vst v63  }
0x115: {  	s6 =	simm.s32 @!p3 $0x300;
	s1 =	sadd.s32 @!p3 $0x90, s3;
	s0 =	simm.s32 @!p3 $0x0  }
0x116: {  	[tilespmem:s6], [sflag:$0x4] =	stream.linear.gather @!p3 [hbm4b:s1+s0], $0x80, $0x38;
	[tilespmem:$0x1FE80] =	vst v63  }
0x117: {  	s4 =	simm.s32 @!p3 $0x380;
	s3 =	sadd.s32 @!p3 $0x9CD0, s3;
	s1 =	simm.s32 @!p2 $0xF  }
0x118: {  	[tilespmem:s4], [sflag:$0xA] =	stream.linear.gather @!p3 [hbm4b:s3+s0], $0x80, $0x38;
	[tilespmem:$0x1FE80] =	vst v63  }
0x119: {  	s17 =	sadd.s32 $0x60, s17;
	s31 =	sadd.s32 $0x7, s15;
	_ =	swait.ge @!p2 [sflag:s1], $0x4000  }
0x11a: {  	s22 =	sadd.s32 $0x8, s15;
	s20 =	sadd.s32 $0x9, s15;
	[sflag:s1] =	ssyncset.done @!p2 $0x0  }
0x11b: {  	p1 =	sne.s32 s17, $0x540;
	s0 =	simm.s32 @!p0 $0x11;
	[sflag:s1] =	ssyncadd.s32 @!p2 $0xFFFFC000  }
0x11c: {  	[spmem:s9] =	stream.indirect.scatter.add.f32 @!p2 [tilespmem:s2], [sflag:$0x12], $0x80, s21, s7, $0xb8;
	[tilespmem:$0x1FE80] =	vst v63  }
0x11d: {  	s25 =	sadd.s32 $0xA, s15;
	s16 =	smov.u32 s15;
	_ =	swait.ge @!p0 [sflag:s0], $0x4000  }
0x11e: {  	s13 =	smov.u32 s31;
	s11 =	smov.u32 s22;
	[sflag:s0] =	ssyncset.done @!p0 $0x0  }
0x11f: {  	s22 =	smov.u32 s20;
	s1 =	simm.s32 @!p5 $0x2;
	[sflag:s0] =	ssyncadd.s32 @!p0 $0xFFFFC000  }
0x120: {  	s20 =	smov.u32 s25;
	s3 =	simm.s32 @!p5 $0x4600;
	_ =	swait.ge @!p5 [sflag:s1], $0x80  }
0x121: {  	s0 =	simm.s32 @!p5 $0x8;
	[sflag:s1] =	ssyncset.done @!p5 $0x0;
	s30 =	rddreg [dreg:$0x6]  }
0x122: {  	[sflag:s1] =	ssyncadd.s32 @!p5 $0xFFFFFF80;
	p2 =	sge.u32 s30, s5;
	s1 =	simm.s32 @!p5 $0x80  }
.Ltmp0:
0x123: {  	_ =	swait.ge @!p5 [sflag:s0], $0x80;
	s4 =	sadd.s32 @!p2 s8, s10;
	(pc) =	sbr.rel @p1 .LBB2_2-.Ltmp0, $4  }
0x124: {  	s18 =	simm.s32 @!p2 $0x400;
	s7 =	simm.s32 @!p2 $0x480;
	[sflag:s0] =	ssyncset.done @!p5 $0x0  }
0x125: {  	s31 =	rddreg [dreg:$0x5];
	s2 =	sadd.s32 @!p2 $0xA0, s4;
	s6 =	sadd.s32 @!p2 $0x9CE0, s4  }
0x126: {  	s8 =	smov.u32 s31;
	[sflag:s0] =	ssyncadd.s32 @!p5 $0xFFFFFF80;
	s0 =	simm.s32 @!p2 $0x0  }
0x127: {  	[tilespmem:s3], [sflag:$0xE] =	stream.indirect.gather @!p5 [hbm4b:s23+s1], $0x80, s24, s1, $0xb8;
	[tilespmem:$0x1FE80] =	vst v63  }
0x128: {  	[tilespmem:s18], [sflag:$0x5] =	stream.linear.gather @!p2 [hbm4b:s2+s0], $0x80, $0x38;
	[tilespmem:$0x1FE80] =	vst v63  }
0x129: {  	p3 =	sge.u32 s16, s5  }
0x12a: {  	s1 =	simm.s32 @!p3 $0xD  }
0x12b: {  	[tilespmem:s7], [sflag:$0xB] =	stream.linear.gather @!p2 [hbm4b:s6+s0], $0x80, $0x38;
	[tilespmem:$0x1FE80] =	vst v63  }
0x12c: {  	p0 =	seq.s32 s8, $0x0;
	_ =	swait.ge @!p3 [sflag:s1], $0x4000  }
0x12d: {  	p1 =	sgt.u32 @!p0 s16, s5;
	[sflag:s1] =	ssyncset.done @!p3 $0x0  }
0x12e: {  	s0 =	simm.s32 @!p3 $0x80;
	p0 =	por p1, p0;
	[sflag:s1] =	ssyncadd.s32 @!p3 $0xFFFFC000  }
0x12f: {  	s2 =	simm.s32 @!p0 $0x12;
	s1 =	simm.s32 @!p3 $0x600;
	s9 =	rddreg [dreg:$0x1]  }
0x130: {  	[spmem:s9] =	stream.indirect.scatter.add.f32 @!p3 [tilespmem:s1], [sflag:$0x10], $0x80, s0, s0, $0xb8;
	[tilespmem:$0x1FE80] =	vst v63  }
0x131: {  	_ =	swait.ge @!p0 [sflag:s2], $0x4000  }
0x132: {  	p1 =	sge.u32 s19, s5;
	[sflag:s2] =	ssyncset.done @!p0 $0x0  }
0x133: {  	s0 =	simm.s32 @!p1 $0x3;
	[sflag:s2] =	ssyncadd.s32 @!p0 $0xFFFFC000  }
0x134: {  	s3 =	sadd.s32 $0x1, s16;
	_ =	swait.ge @!p1 [sflag:s0], $0x80  }
0x135: {  	s26 =	sadd.s32 $0x5, s16;
	p4 =	sge.u32 s3, s5;
	[sflag:s0] =	ssyncset.done @!p1 $0x0  }
0x136: {  	s4 =	simm.s32 @!p1 $0x8600;
	s2 =	simm.s32 @!p1 $0x9;
	[sflag:s0] =	ssyncadd.s32 @!p1 $0xFFFFFF80  }
0x137: {  	s3 =	simm.s32 @!p1 $0x80;
	p0 =	sge.u32 s26, s5;
	_ =	swait.ge @!p1 [sflag:s2], $0x80  }
0x138: {  	s0 =	simm.s32 @!p1 $0x200;
	[sflag:s2] =	ssyncset.done @!p1 $0x0;
	s10 =	rddreg [dreg:$0x4]  }
0x139: {  	s17 =	rddreg [dreg:$0x3];
	s1 =	sadd.s32 @!p0 s8, s10;
	[sflag:s2] =	ssyncadd.s32 @!p1 $0xFFFFFF80  }
0x13a: {  	[tilespmem:s4], [sflag:$0xF] =	stream.indirect.gather @!p1 [hbm4b:s17+s3], $0x80, s0, s3, $0xb8;
	[tilespmem:$0x1FE80] =	vst v63  }
0x13b: {  	s2 =	simm.s32 @!p0 $0x0;
	s0 =	simm.s32 @!p0 $0x500;
	s6 =	sadd.s32 @!p0 $0x50, s1  }
0x13c: {  	[tilespmem:s0], [sflag:$0x6] =	stream.linear.gather @!p0 [hbm4b:s6+s2], $0x80, $0x38;
	[tilespmem:$0x1FE80] =	vst v63  }
0x13d: {  	s7 =	simm.s32 @!p4 $0xE;
	s1 =	sadd.s32 @!p0 $0x9C90, s1;
	s6 =	simm.s32 @!p0 $0x580  }
0x13e: {  	[tilespmem:s6], [sflag:$0xC] =	stream.linear.gather @!p0 [hbm4b:s1+s2], $0x80, $0x38;
	[tilespmem:$0x1FE80] =	vst v63  }
0x13f: {  	_ =	swait.ge @!p4 [sflag:s7], $0x4000  }
0x140: {  	s16 =	simm.s32 @!p3 $0x10;
	s1 =	simm.s32 @!p4 $0x80;
	[sflag:s7] =	ssyncset.done @!p4 $0x0  }
0x141: {  	s2 =	simm.s32 @!p4 $0x180;
	[sflag:s7] =	ssyncadd.s32 @!p4 $0xFFFFC000;
	s7 =	simm.s32 @!p4 $0x4600  }
0x142: {  	[spmem:s9] =	stream.indirect.scatter.add.f32 @!p4 [tilespmem:s7], [sflag:$0x11], $0x80, s2, s1, $0xb8;
	[tilespmem:$0x1FE80] =	vst v63  }
0x143: {  	_ =	swait.ge @!p3 [sflag:s16], $0x4000  }
0x144: {  	p2 =	sge.u32 s14, s5;
	[sflag:s16] =	ssyncset.done @!p3 $0x0  }
0x145: {  	s1 =	simm.s32 @!p2 $0x4;
	[sflag:s16] =	ssyncadd.s32 @!p3 $0xFFFFC000  }
0x146: {  	_ =	swait.ge @!p2 [sflag:s1], $0x80  }
0x147: {  	[sflag:s1] =	ssyncset.done @!p2 $0x0  }
0x148: {  	s2 =	simm.s32 @!p2 $0xA;
	[sflag:s1] =	ssyncadd.s32 @!p2 $0xFFFFFF80  }
0x149: {  	s28 =	sadd.s32 $0x6, s15;
	s7 =	simm.s32 @!p2 $0x300;
	_ =	swait.ge @!p2 [sflag:s2], $0x80  }
0x14a: {  	s16 =	simm.s32 @!p2 $0x600;
	p3 =	sge.u32 s28, s5;
	[sflag:s2] =	ssyncset.done @!p2 $0x0  }
0x14b: {  	s15 =	sadd.s32 @!p3 s8, s10;
	s1 =	simm.s32 @!p2 $0x80;
	[sflag:s2] =	ssyncadd.s32 @!p2 $0xFFFFFF80  }
0x14c: {  	[tilespmem:s16], [sflag:$0xD] =	stream.indirect.gather @!p2 [hbm4b:s17+s1], $0x80, s7, s1, $0xb8;
	[tilespmem:$0x1FE80] =	vst v63  }
0x14d: {  	s14 =	simm.s32 @!p3 $0x0;
	s2 =	sadd.s32 @!p3 $0x60, s15  }
0x14e: {  	[tilespmem:s14], [sflag:$0x1] =	stream.linear.gather @!p3 [hbm4b:s2+s14], $0x80, $0x38;
	[tilespmem:$0x1FE80] =	vst v63  }
0x14f: {  	s7 =	simm.s32 @!p1 $0xF;
	s2 =	sadd.s32 @!p3 $0x9CA0, s15;
	s15 =	simm.s32 @!p3 $0x80  }
0x150: {  	[tilespmem:s15], [sflag:$0x7] =	stream.linear.gather @!p3 [hbm4b:s2+s14], $0x80, $0x38;
	[tilespmem:$0x1FE80] =	vst v63  }
0x151: {  	_ =	swait.ge @!p1 [sflag:s7], $0x4000  }
0x152: {  	[sflag:s7] =	ssyncset.done @!p1 $0x0  }
0x153: {  	s2 =	simm.s32 @!p1 $0x280;
	[sflag:s7] =	ssyncadd.s32 @!p1 $0xFFFFC000;
	s7 =	simm.s32 @!p4 $0x11  }
0x154: {  	[spmem:s9] =	stream.indirect.scatter.add.f32 @!p1 [tilespmem:s4], [sflag:$0x12], $0x80, s2, s3, $0xb8;
	[tilespmem:$0x1FE80] =	vst v63  }
0x155: {  	_ =	swait.ge @!p4 [sflag:s7], $0x4000  }
0x156: {  	p5 =	sge.u32 s12, s5;
	[sflag:s7] =	ssyncset.done @!p4 $0x0  }
0x157: {  	s2 =	simm.s32 @!p5 $0x5;
	[sflag:s7] =	ssyncadd.s32 @!p4 $0xFFFFC000  }
0x158: {  	_ =	swait.ge @!p5 [sflag:s2], $0x80  }
0x159: {  	[sflag:s2] =	ssyncset.done @!p5 $0x0  }
0x15a: {  	s3 =	simm.s32 @!p5 $0xB;
	[sflag:s2] =	ssyncadd.s32 @!p5 $0xFFFFFF80  }
0x15b: {  	s4 =	simm.s32 @!p5 $0x4600;
	_ =	swait.ge @!p5 [sflag:s3], $0x80  }
0x15c: {  	p4 =	sge.u32 s13, s5;
	s7 =	simm.s32 @!p5 $0x80;
	[sflag:s3] =	ssyncset.done @!p5 $0x0  }
0x15d: {  	s13 =	sadd.s32 @!p4 s8, s10;
	s2 =	simm.s32 @!p5 $0x400;
	[sflag:s3] =	ssyncadd.s32 @!p5 $0xFFFFFF80  }
0x15e: {  	[tilespmem:s4], [sflag:$0xE] =	stream.indirect.gather @!p5 [hbm4b:s17+s7], $0x80, s2, s7, $0xb8;
	[tilespmem:$0x1FE80] =	vst v63  }
0x15f: {  	s12 =	simm.s32 @!p4 $0x100;
	s3 =	sadd.s32 @!p4 $0x70, s13;
	s2 =	simm.s32 @!p4 $0x0  }
0x160: {  	[tilespmem:s12], [sflag:$0x2] =	stream.linear.gather @!p4 [hbm4b:s3+s2], $0x80, $0x38;
	[tilespmem:$0x1FE80] =	vst v63  }
0x161: {  	s3 =	sadd.s32 @!p4 $0x9CB0, s13;
	s13 =	simm.s32 @!p4 $0x180  }
0x162: {  	[tilespmem:s13], [sflag:$0x8] =	stream.linear.gather @!p4 [hbm4b:s3+s2], $0x80, $0x38;
	[tilespmem:$0x1FE80] =	vst v63  }
0x163: {  	s2 =	simm.s32 @!p2 $0xD  }
0x164: {  	_ =	swait.ge @!p2 [sflag:s2], $0x4000  }
0x165: {  	[sflag:s2] =	ssyncset.done @!p2 $0x0  }
0x166: {  	s3 =	simm.s32 @!p2 $0x380;
	[sflag:s2] =	ssyncadd.s32 @!p2 $0xFFFFC000;
	s2 =	simm.s32 @!p1 $0x12  }
0x167: {  	[spmem:s9] =	stream.indirect.scatter.add.f32 @!p2 [tilespmem:s16], [sflag:$0x10], $0x80, s3, s1, $0xb8;
	[tilespmem:$0x1FE80] =	vst v63  }
0x168: {  	_ =	swait.ge @!p1 [sflag:s2], $0x4000  }
0x169: {  	[sflag:s2] =	ssyncset.done @!p1 $0x0  }
0x16a: {  	s1 =	simm.s32 @!p0 $0x6;
	[sflag:s2] =	ssyncadd.s32 @!p1 $0xFFFFC000  }
0x16b: {  	_ =	swait.ge @!p0 [sflag:s1], $0x80  }
0x16c: {  	[sflag:s1] =	ssyncset.done @!p0 $0x0  }
0x16d: {  	s2 =	simm.s32 @!p0 $0xC;
	[sflag:s1] =	ssyncadd.s32 @!p0 $0xFFFFFF80  }
0x16e: {  	_ =	swait.ge @!p0 [sflag:s2], $0x80  }
0x16f: {  	s3 =	simm.s32 @!p0 $0x80;
	p1 =	sge.u32 s11, s5;
	[sflag:s2] =	ssyncset.done @!p0 $0x0  }
0x170: {  	s11 =	sadd.s32 @!p1 s8, s10;
	s1 =	simm.s32 @!p0 $0x8600;
	[sflag:s2] =	ssyncadd.s32 @!p0 $0xFFFFFF80  }
0x171: {  	[tilespmem:s1], [sflag:$0xF] =	stream.indirect.gather @!p0 [hbm4b:s17+s3], $0x80, s0, s3, $0xb8;
	[tilespmem:$0x1FE80] =	vst v63  }
0x172: {  	s13 =	sadd.s32 @!p1 $0x80, s11;
	s2 =	simm.s32 @!p1 $0x0;
	s0 =	simm.s32 @!p1 $0x200  }
0x173: {  	[tilespmem:s0], [sflag:$0x3] =	stream.linear.gather @!p1 [hbm4b:s13+s2], $0x80, $0x38;
	[tilespmem:$0x1FE80] =	vst v63  }
0x174: {  	s0 =	sadd.s32 @!p1 $0x9CC0, s11;
	s11 =	simm.s32 @!p1 $0x280  }
0x175: {  	[tilespmem:s11], [sflag:$0x9] =	stream.linear.gather @!p1 [hbm4b:s0+s2], $0x80, $0x38;
	[tilespmem:$0x1FE80] =	vst v63  }
0x176: {  	s0 =	simm.s32 @!p5 $0xE  }
0x177: {  	_ =	swait.ge @!p5 [sflag:s0], $0x4000  }
0x178: {  	[sflag:s0] =	ssyncset.done @!p5 $0x0  }
0x179: {  	[sflag:s0] =	ssyncadd.s32 @!p5 $0xFFFFC000;
	s0 =	simm.s32 @!p5 $0x480  }
0x17a: {  	[spmem:s9] =	stream.indirect.scatter.add.f32 @!p5 [tilespmem:s4], [sflag:$0x11], $0x80, s0, s7, $0xb8;
	[tilespmem:$0x1FE80] =	vst v63  }
0x17b: {  	s0 =	simm.s32 @!p2 $0x10  }
0x17c: {  	_ =	swait.ge @!p2 [sflag:s0], $0x4000  }
0x17d: {  	[sflag:s0] =	ssyncset.done @!p2 $0x0  }
0x17e: {  	[sflag:s0] =	ssyncadd.s32 @!p2 $0xFFFFC000;
	s0 =	simm.s32 @!p3 $0x1  }
0x17f: {  	_ =	swait.ge @!p3 [sflag:s0], $0x80  }
0x180: {  	[sflag:s0] =	ssyncset.done @!p3 $0x0  }
0x181: {  	[sflag:s0] =	ssyncadd.s32 @!p3 $0xFFFFFF80;
	s0 =	simm.s32 @!p3 $0x7  }
0x182: {  	_ =	swait.ge @!p3 [sflag:s0], $0x80  }
0x183: {  	p1 =	sge.u32 s22, s5;
	[sflag:s0] =	ssyncset.done @!p3 $0x0  }
0x184: {  	s2 =	simm.s32 @!p3 $0x600;
	[sflag:s0] =	ssyncadd.s32 @!p3 $0xFFFFFF80;
	s0 =	sadd.s32 @!p1 s8, s10  }
0x185: {  	[tilespmem:s2], [sflag:$0xD] =	stream.indirect.gather @!p3 [hbm4b:s17+s15], $0x80, s14, s15, $0xb8;
	[tilespmem:$0x1FE80] =	vst v63  }
0x186: {  	s4 =	simm.s32 @!p1 $0x300;
	s7 =	simm.s32 @!p1 $0x0;
	s2 =	sadd.s32 @!p1 $0x90, s0  }
0x187: {  	[tilespmem:s4], [sflag:$0x4] =	stream.linear.gather @!p1 [hbm4b:s2+s7], $0x80, $0x38;
	[tilespmem:$0x1FE80] =	vst v63  }
0x188: {  	s0 =	sadd.s32 @!p1 $0x9CD0, s0;
	s2 =	simm.s32 @!p1 $0x380  }
0x189: {  	[tilespmem:s2], [sflag:$0xA] =	stream.linear.gather @!p1 [hbm4b:s0+s7], $0x80, $0x38;
	[tilespmem:$0x1FE80] =	vst v63  }
0x18a: {  	s0 =	simm.s32 @!p0 $0xF  }
0x18b: {  	_ =	swait.ge @!p0 [sflag:s0], $0x4000  }
0x18c: {  	[sflag:s0] =	ssyncset.done @!p0 $0x0  }
0x18d: {  	[sflag:s0] =	ssyncadd.s32 @!p0 $0xFFFFC000;
	s0 =	simm.s32 @!p5 $0x11  }
0x18e: {  	[spmem:s9] =	stream.indirect.scatter.add.f32 @!p0 [tilespmem:s1], [sflag:$0x12], $0x80, s6, s3, $0xb8;
	[tilespmem:$0x1FE80] =	vst v63  }
0x18f: {  	_ =	swait.ge @!p5 [sflag:s0], $0x4000  }
0x190: {  	[sflag:s0] =	ssyncset.done @!p5 $0x0  }
0x191: {  	[sflag:s0] =	ssyncadd.s32 @!p5 $0xFFFFC000;
	s0 =	simm.s32 @!p4 $0x2  }
0x192: {  	_ =	swait.ge @!p4 [sflag:s0], $0x80  }
0x193: {  	[sflag:s0] =	ssyncset.done @!p4 $0x0  }
0x194: {  	[sflag:s0] =	ssyncadd.s32 @!p4 $0xFFFFFF80;
	s0 =	simm.s32 @!p4 $0x8  }
0x195: {  	_ =	swait.ge @!p4 [sflag:s0], $0x80  }
0x196: {  	p0 =	sge.u32 s20, s5;
	s1 =	simm.s32 @!p4 $0x80;
	[sflag:s0] =	ssyncset.done @!p4 $0x0  }
0x197: {  	s2 =	sadd.s32 @!p0 s8, s10;
	[sflag:s0] =	ssyncadd.s32 @!p4 $0xFFFFFF80;
	s0 =	simm.s32 @!p4 $0x4600  }
0x198: {  	[tilespmem:s0], [sflag:$0xE] =	stream.indirect.gather @!p4 [hbm4b:s17+s1], $0x80, s12, s1, $0xb8;
	[tilespmem:$0x1FE80] =	vst v63  }
0x199: {  	s3 =	simm.s32 @!p0 $0x0;
	s0 =	sadd.s32 @!p0 $0xA0, s2;
	s1 =	simm.s32 @!p0 $0x400  }
0x19a: {  	[tilespmem:s1], [sflag:$0x5] =	stream.linear.gather @!p0 [hbm4b:s0+s3], $0x80, $0x38;
	[tilespmem:$0x1FE80] =	vst v63  }
0x19b: {  	s0 =	sadd.s32 @!p0 $0x9CE0, s2;
	s1 =	simm.s32 @!p0 $0x480  }
0x19c: {  	[tilespmem:s1], [sflag:$0xB] =	stream.linear.gather @!p0 [hbm4b:s0+s3], $0x80, $0x38;
	[tilespmem:$0x1FE80] =	vst v63  }
0x19d: {  	[bflag:$0x0] =	sbarrier.arrive $0xFFFF  }
0x19e: {  	s29 =	sld [smem:$0x7FD];
	_ =	sdelay $0x2  }
0x19f: {  	s1 =	rddreg [dreg:$0x16];
	p1 =	seq.s32 s29, $0x1  }
0x1a0: {  	s2 =	rddreg [dreg:$0x19];
	s0 =	simm.s32 @p1 $0x1FD3  }
0x1a1: {  	[hbm:s1], [sflag:s0] =	dma.local @p1 [spmem:s2], $0x2080  }
0x1a2: {  	s0 =	simm.s32 @p1 $0x13  }
0x1a3: {  	_ =	swait.ge @p1 [sflag:s0], $0x2080  }
0x1a4: {  	s1 =	rddreg [dreg:$0x1a]  }
0x1a5: {  	[sflag:s0] =	ssyncset.done @p1 $0x0;
	s2 =	rddreg [dreg:$0x1b]  }
0x1a6: {  	[sflag:s0] =	ssyncadd.s32 @p1 $0xFFFFDF80;
	s0 =	rddreg [dreg:$0x15]  }
0x1a7: {  	[hbm:s0], [sflag:s1] =	dma.local @!p1 [spmem:s2], $0x2780  }
0x1a8: {  	s0 =	simm.s32 @!p1 $0x13  }
0x1a9: {  	_ =	swait.ge @!p1 [sflag:s0], $0x2780  }
0x1aa: {  	s30 =	rddreg [dreg:$0x18]  }
0x1ab: {  	s31 =	rddreg [dreg:$0x17];
	s2 =	sadd.s32 $0x1, s30  }
0x1ac: {  	p0 =	sne.s32 s2, s31  }
.Ltmp1:
0x1ad: {  	_ = 	snop;
	(pc) =	sbr.rel @p0 .LBB2_1-.Ltmp1, $3  }
0x1ae: {  	_ =	sdelay $0x1  }
0x1af: {  	[sflag:s0] =	ssyncset.done @!p1 $0x0  }
0x1b0: {  	[sflag:s0] =	ssyncadd.s32 @!p1 $0xFFFFD880  }
0x1b1: {  	_ =	sfence.sel $0x180000  }
0x1b2: {  	[bflag:$0x0] =	sbarrier.arrive $0xFFFF  }
0x1b3: {  	_ =	strace $0x9000004A  }
0x1b4: {  	s0 =	stileid.u32;
	[bflag:$0x2] =	sbarrier.arrive $0xFFFF  }
0x1b5: {  	p0 =	sne.s32 s0, $0x0;
	s0 =	rddreg [dreg:$0x2]  }
0x1b6: {  	s0 =	sadd.s32 @!p0 $0x100000, s0  }
0x1b7: {  	[sflag:s0] =	ssyncadd.tile.s32 @!p0 $0x1;
	_ =	shalt  }
.Lfunc_end2:
_tile_overlayer_lowered:
.L_overlay_start_2:
0x1b8: {  	(tag) =	ssettag $0x2  }
0x1b9: {  	s0 =	rddreg [dreg:$0x0];
	s2 =	stileid.u32  }
0x1ba: {  	s1 =	rddreg [dreg:$0x1];
	p0 =	sne.s32 s2, $0x0  }
0x1bb: {  	s3 =	rddreg [dreg:$0x2];
	[bflag:$0x3] =	sbarrier.arrive $0xFFFF;
	s2 =	simm.s32 @!p0 $0x1C13  }
0x1bc: {  	[timem:s3], [sflag:s2] =	dma.local @!p0 [hbm:s0], s1  }
0x1bd: {  	s0 =	simm.s32 @!p0 $0x13  }
0x1be: {  	_ =	swait.ge @!p0 [sflag:s0], s1  }
0x1bf: {  	s1 =	ssub.s32 @!p0 $0x0, s1;
	[sflag:s0] =	ssyncset.done @!p0 $0x0  }
0x1c0: {  	[sflag:s0] =	ssyncadd.s32 @!p0 s1  }
0x1c1: {  	[bflag:$0x3] =	sbarrier.arrive $0xFFFF  }
0x1c2: {  	_ =	shalt  }

// kernel: kernel.14.cloned.1.call-start
scs
__scs_entry_jumppad:
0x0: {  	(pc) =	sbr.rel $0x88, $3  }
0x1: {  	(tag) =	ssettag $0x0;
	lr =	simm.s32 $0x1  }
0x2: {  	[smem:$0x3F93] =	sst lr;
	_ =	strace $0xD0000000  }
0x3: {  	_ = 	snop  }
0x4: {  	_ = 	snop  }
0x5: {  	_ = 	snop  }
0x6: {  	_ = 	snop  }
0x7: {  	_ = 	snop  }
__scs_overlays_trampoline_lowered:
0x8: {  	[smem:$0x3FA2] =	sst s0  }
0x9: {  	[smem:$0x3FA3] =	sst s1  }
0xa: {  	[smem:$0x3FA4] =	sst s2  }
0xb: {  	[smem:$0x3FA5] =	sst s3  }
0xc: {  	[smem:$0x3FA6] =	sst s4  }
0xd: {  	[smem:$0x3FA7] =	sst s5  }
0xe: {  	[smem:$0x3FA8] =	sst s6  }
0xf: {  	[smem:$0x3FA9] =	sst s7  }
0x10: {  	[smem:$0x3FAA] =	sst s8  }
0x11: {  	[smem:$0x3FAB] =	sst s9;
	s0 =	simm.s32 @!p0 $0x0  }
0x12: {  	s1 =	sld [smem:$0x3F91];
	s0 =	simm.s32 @p0 $0x1  }
0x13: {  	[smem:$0x3FAC] =	sst s0;
	s0 =	simm.s32 @!p1 $0x0  }
0x14: {  	s2 =	sld [smem:$0x3F90];
	s0 =	simm.s32 @p1 $0x1  }
0x15: {  	[smem:$0x3FAD] =	sst s0;
	s0 =	simm.s32 @!p2 $0x0  }
0x16: {  	s3 =	sld [smem:$0x3FDB];
	s0 =	simm.s32 @p2 $0x1  }
0x17: {  	s4 =	simm.s32 $0x1BF5;
	[smem:$0x3FAF] =	sst s0  }
0x18: {  	s0 =	sld [smem:$0x3F92];
	_ =	swait.ge [sflag:s4], $0x0  }
0x19: {  	s7 =	sld [smem:$0x3F93]  }
0x1a: {  	s8 =	sadd.s32 $0xFFFFE003, lr  }
0x1b: {  	s9 =	sadd.s32 $0xFFFFFEF7, lr;
	s5 =	simm.s32 $0xFFFFFFFF;
	p2 =	slt.u32 s8, $0xFFFFF086  }
0x1c: {  	p1 =	slt.u32 s9, $0xF7A;
	s5 =	simm.s32 @!p2 $0x0  }
0x1d: {  	s5 =	simm.s32 @p1 $0x1;
	p0 =	seq.s32 s7, s2  }
0x1e: {  	s7 =	smul.u32 @!p0 $0xF7A, s2;
	p2 =	seq.s32 @!p0 s5, $0x0  }
0x1f: {  	s9 =	smul.u32 $0xF7A, s1;
	s8 =	simm.s32 @!p0 $0x1BF5;
	p2 =	por !p2, p0  }
0x20: {  	[sflag:s8] =	ssyncset.s32 @!p0 $0xFFFFF086;
	s6 =	sadd.s32 @!p0 s3, s7;
	s7 =	simm.s32 @!p0 $0x108  }
0x21: {  	s3 =	sadd.s32 s3, s9;
	s6 =	sadd.s32 @!p0 $0x88, s6;
	s7 =	simm.s32 @p2 $0x1082  }
0x22: {  	[simem:s7], [sflag:s8] =	dma.local @!p0 [hbm:s6], $0xF7A  }
0x23: {  	s9 =	sor.u32 $0xD0000000, s2;
	s6 =	simm.s32 $0x108;
	_ =	swait.ge @!p0 [sflag:s8], $0x0  }
0x24: {  	s3 =	sadd.s32 $0x88, s3;
	s6 =	simm.s32 @!p1 $0x1082;
	[sflag:s4] =	ssyncset.s32 $0xFFFFF086  }
0x25: {  	[simem:s6], [sflag:s4] =	dma.local [hbm:s3], $0xF7A  }
0x26: {  	[smem:$0x3F93] =	sst s1;
	(tag) =	ssettag s2;
	_ =	strace s9  }
0x27: {  	s1 =	sld [smem:$0x3FA3]  }
0x28: {  	s2 =	sld [smem:$0x3FA4]  }
0x29: {  	s4 =	sld [smem:$0x3FA6]  }
0x2a: {  	p0 =	seq.s32 s5, $0x0;
	s5 =	sld [smem:$0x3FA7]  }
0x2b: {  	s6 =	sld [smem:$0x3FA8]  }
0x2c: {  	s7 =	sld [smem:$0x3FA9]  }
0x2d: {  	s3 =	simm.s32 $0x108;
	s8 =	sld [smem:$0x3FAA]  }
0x2e: {  	s3 =	simm.s32 @!p0 $0x1082;
	s9 =	sld [smem:$0x3FAB]  }
0x2f: {  	lr =	sadd.s32 s0, s3;
	s0 =	sld [smem:$0x3FA2]  }
0x30: {  	s3 =	sld [smem:$0x3FA5]  }
0x31: {  	[smem:$0x3FAE] =	sst s10  }
0x32: {  	s10 =	sld [smem:$0x3FAC];
	_ =	sdelay $0x3  }
0x33: {  	p0 =	seq.s32 s10, $0x1;
	s10 =	sld [smem:$0x3FAE];
	_ =	sdelay $0x3  }
0x34: {  	[smem:$0x3FAE] =	sst s10  }
0x35: {  	s10 =	sld [smem:$0x3FAD];
	_ =	sdelay $0x3  }
0x36: {  	p1 =	seq.s32 s10, $0x1;
	s10 =	sld [smem:$0x3FAE];
	_ =	sdelay $0x3  }
0x37: {  	[smem:$0x3FAE] =	sst s10  }
0x38: {  	s10 =	sld [smem:$0x3FAF]  }
0x39: {  	_ = 	snop;
	(pc) =	sbr.ind lr, $3  }
0x3a: {  	_ = 	snop  }
0x3b: {  	_ = 	snop  }
0x3c: {  	p2 =	seq.s32 s10, $0x1;
	s10 =	sld [smem:$0x3FAE]  }
0x3d: {  	_ =	shalt  }
0x3e: {  	_ =	shalt  }
0x3f: {  	_ =	shalt  }
0x40: {  	_ =	shalt  }
0x41: {  	_ =	shalt  }
0x42: {  	_ =	shalt  }
0x43: {  	_ =	shalt  }
0x44: {  	_ =	shalt  }
0x45: {  	_ =	shalt  }
0x46: {  	_ =	shalt  }
0x47: {  	_ =	shalt  }
0x48: {  	_ =	shalt  }
0x49: {  	_ =	shalt  }
0x4a: {  	_ =	shalt  }
0x4b: {  	_ =	shalt  }
0x4c: {  	_ =	shalt  }
0x4d: {  	_ =	shalt  }
0x4e: {  	_ =	shalt  }
0x4f: {  	_ =	shalt  }
0x50: {  	_ =	shalt  }
0x51: {  	_ =	shalt  }
0x52: {  	_ =	shalt  }
0x53: {  	_ =	shalt  }
0x54: {  	_ =	shalt  }
0x55: {  	_ =	shalt  }
0x56: {  	_ =	shalt  }
0x57: {  	_ =	shalt  }
0x58: {  	_ =	shalt  }
0x59: {  	_ =	shalt  }
0x5a: {  	_ =	shalt  }
0x5b: {  	_ =	shalt  }
0x5c: {  	_ =	shalt  }
0x5d: {  	_ =	shalt  }
0x5e: {  	_ =	shalt  }
0x5f: {  	_ =	shalt  }
0x60: {  	_ =	shalt  }
0x61: {  	_ =	shalt  }
0x62: {  	_ =	shalt  }
0x63: {  	_ =	shalt  }
0x64: {  	_ =	shalt  }
0x65: {  	_ =	shalt  }
0x66: {  	_ =	shalt  }
0x67: {  	_ =	shalt  }
0x68: {  	_ =	shalt  }
0x69: {  	_ =	shalt  }
0x6a: {  	_ =	shalt  }
0x6b: {  	_ =	shalt  }
0x6c: {  	_ =	shalt  }
0x6d: {  	_ =	shalt  }
0x6e: {  	_ =	shalt  }
0x6f: {  	_ =	shalt  }
0x70: {  	_ =	shalt  }
0x71: {  	_ =	shalt  }
0x72: {  	_ =	shalt  }
0x73: {  	_ =	shalt  }
0x74: {  	_ =	shalt  }
0x75: {  	_ =	shalt  }
0x76: {  	_ =	shalt  }
0x77: {  	_ =	shalt  }
0x78: {  	_ =	shalt  }
0x79: {  	_ =	shalt  }
0x7a: {  	_ =	shalt  }
0x7b: {  	_ =	shalt  }
0x7c: {  	_ =	shalt  }
0x7d: {  	_ =	shalt  }
0x7e: {  	_ =	shalt  }
0x7f: {  	_ =	shalt  }
0x80: {  	_ =	shalt  }
0x81: {  	_ =	shalt  }
0x82: {  	_ =	shalt  }
0x83: {  	_ =	shalt  }
0x84: {  	_ =	shalt  }
0x85: {  	_ =	shalt  }
0x86: {  	_ =	shalt  }
0x87: {  	_ =	shalt  }
.Lfunc_end0:
.L_simem_size_0:
called_computation.2_lowered:
.L_overlay_start_0:
0x88: {  	s2 =	sld [smem:$0x3FD9]  }
0x89: {  	s3 =	sld [smem:$0x3FFE];
	_ =	sdelay $0x1  }
0x8a: {  	s1 =	srdreg.scid  }
0x8b: {  	s0 =	sand.u32 $0x1, s1  }
0x8c: {  	s16 =	sshll.u32 s0, $0xA;
	s2 =	sadd.s32 s3, s2  }
0x8d: {  	s2 =	sadd.s32 s2, s16  }
0x8e: {  	[smem:$0x3FBA] =	sst s2  }
0x8f: {  	_ = 	snop  }
0x90: {  	(tm) =	ssettm $0x1  }
0x91: {  	s17 =	sld [smem:$0x3FFB];
	_ =	sdelay $0x3  }
0x92: {  	_ =	strace s17  }
0x93: {  	s2 =	sld [smem:$0x3FFC];
	_ =	sdelay $0x3  }
0x94: {  	_ =	strace s2  }
0x95: {  	s2 =	sld [smem:$0x3FFD];
	_ =	sdelay $0x3  }
0x96: {  	_ =	strace s2  }
0x97: {  	_ =	strace $0x8FFFFFFF  }
0x98: {  	s18 =	sld [smem:$0x3FDB];
	_ =	sdelay $0x1  }
0x99: {  	s19 =	simm.s32 $_scs_section_size  }
0x9a: {  	s4 =	simm.s32 $_size__tile_overlayer_lowered;
	s5 =	simm.s32 $_tile_overlayer_lowered  }
0x9b: {  	s22 =	simm.s32 $0x1BFF;
	s21 =	sshll.u32 s5, $0x1;
	s2 =	sadd.s32 s19, s18  }
0x9c: {  	s6 =	simm.s32 $0x0;
	s20 =	sshll.u32 s4, $0x1;
	s4 =	sadd.s32 s21, s2  }
0x9d: {  	[timem:s6], [sflag:s22] =	dma.local [hbm:s4], s20  }
0x9e: {  	_ =	swait.ge [sflag:s22], s20  }
0x9f: {  	s3 =	ssub.s32 $0x0, s20;
	[sflag:s22] =	ssyncset.done $0x0  }
0xa0: {  	[sflag:s22] =	ssyncadd.s32 s3;
	_ =	sdelay $0x1  }
0xa1: {  	s23 =	simm.s32 $0x1B8B  }
0xa2: {  	_ =	swait.ge [sflag:s23], $0x1  }
0xa3: {  	[sflag:s23] =	ssyncset.done $0x0  }
0xa4: {  	s25 =	simm.s32 $0x1B8E;
	s24 =	sld [smem:$0x3FFE];
	[sflag:s23] =	ssyncadd.s32 $0xFFFFFFFF  }
0xa5: {  	s26 =	simm.s32 $execute0_lowered;
	[smem:$0x3FD2] =	sst s25  }
0xa6: {  	s4 =	sshll.u32 s26, $0x1;
	_ =	strace $0x8000004C;
	[dreg:$0x1] =	wrdreg $0xFFFFFFFF  }
0xa7: {  	s28 =	simm.s32 $_size_execute0_lowered;
	s2 =	sadd.s32 s2, s4;
	[dreg:$0x0] =	wrdreg $0x0  }
0xa8: {  	s4 =	sshll.u32 s28, $0x1;
	[dreg:$0x2] =	wrdreg s2  }
0xa9: {  	[dreg:$0x3] =	wrdreg s4  }
0xaa: {  	[dreg:$0x4] =	wrdreg $0xC0  }
0xab: {  	_ =	task [dreg:s6], $0x5FFFF  }
0xac: {  	[dreg:$0x1] =	wrdreg $0xFFFFFFFF  }
0xad: {  	[dreg:$0x0] =	wrdreg $0x60  }
0xae: {  	[dreg:$0x2] =	wrdreg s24  }
0xaf: {  	[dreg:$0x3] =	wrdreg $0xC6000  }
0xb0: {  	[dreg:$0x4] =	wrdreg $0x9  }
0xb1: {  	_ =	task.clear_ibuf [dreg:s6], $0x5FFFF;
	_ =	strace $0x9000004C  }
0xb2: {  	s29 =	simm.s32 $0x9;
	_ =	strace $0x8000004E  }
0xb3: {  	_ =	swait.ge [sflag:s29], $0x1  }
0xb4: {  	[sflag:s29] =	ssyncadd.s32 $0xFFFFFFFF  }
0xb5: {  	_ =	strace $0x9000004E  }
0xb6: {  	_ =	sfence  }
0xb7: {  	s30 =	sld [smem:$0x0];
	_ =	sdelay $0x2  }
0xb8: {  	s31 =	sshll.u32 s1, $0xD;
	s1 =	sshrl.u32 s1, $0x2  }
0xb9: {  	s3 =	sand.u32 $0x4000, s31;
	s1 =	sadd.s32 s1, s30  }
0xba: {  	s0 =	sor.u32 s3, s0;
	s1 =	sshll.u32 s1, $0x11  }
0xbb: {  	s0 =	sor.u32 s1, s0  }
0xbc: {  	s0 =	sadd.s32 $0x8F2B, s0  }
0xbd: {  	[sflag:s0] =	ssyncadd.remote.s32 $0x1  }
0xbe: {  	_ =	sfence.sel $0xFFFF  }
0xbf: {  	[dreg:$0x0] =	wrdreg $0xFFFFFFFF;
	(pc) =	sbr.abs _section_cstart, $3  }
0xc0: {  	[dreg:$0x1] =	wrdreg $0xFFFFFFFF  }
0xc1: {  	_ =	task.clear_ibuf [dreg:s6], $0x2FFFF;
	_ =	strace $0x9FFFFFFF  }
0xc2: {  	(tm) =	ssettm $0x7FFFFFFF  }
0xc3: {  	_ =	shalt  }
tec
execute0_lowered:
.L_overlay_start_1:
0x0: {  	(tag) =	ssettag $0x1  }
0x1: {  	s0 =	rddreg [dreg:$0x0]  }
0x2: {  	s1 =	rddreg [dreg:$0x1]  }
0x3: {  	s2 =	srdreg.scid;
	s5 =	simm.s32 $0x0;
	s3 =	stileid.u32  }
0x4: {  	s2 =	sand.u32 $0x1, s2;
	[smem:$0x7FF] =	sst s5;
	s6 =	smul.u32 $0x13C00, s3  }
0x5: {  	s12 =	sadd.s32 $0x30000, s0;
	s8 =	sadd.s32 $0x1C600, s0;
	s10 =	sadd.s32 $0x7E400, s0  }
0x6: {  	s4 =	sshll.u32 s2, $0x4;
	_ =	strace $0x8000004D;
	[dreg:$0x3] =	wrdreg s12  }
0x7: {  	s22 =	smul.u32 $0x138800, s2;
	s11 =	sor.u32 s3, s4;
	s9 =	sshrl.u32 s6, $0x3  }
0x8: {  	s23 =	sadd.s32 s6, s1;
	s1 =	sadd.s32 $0x128400, s1;
	s7 =	smul.u32 $0x4F, s11  }
0x9: {  	s5 =	smul.u32 $0x2780, s11;
	s9 =	sadd.s32 s9, s0;
	[dreg:$0x11] =	wrdreg s23  }
0xa: {  	s11 =	ssub.s32 $0x2, s2;
	[dreg:$0x13] =	wrdreg s1;
	s0 =	sadd.s32 $0x7C280, s0  }
0xb: {  	s25 =	sadd.s32 s6, s22;
	s26 =	sshrl.u32 s22, $0x3;
	s12 =	sshrl.u32 s11, $0x1  }
0xc: {  	s24 =	sadd.s32 $0x57200, s9;
	[dreg:$0x14] =	wrdreg s0;
	s0 =	sshrl.u32 s25, $0x3  }
0xd: {  	s13 =	sshrl.u32 s5, $0x3;
	[dreg:$0x12] =	wrdreg s24;
	s0 =	sadd.s32 s10, s0  }
0xe: {  	s28 =	sadd.s32 s10, s26;
	s13 =	sadd.s32 s8, s13;
	[dreg:$0x15] =	wrdreg s0  }
0xf: {  	s11 =	ssub.s32 s11, s12;
	s0 =	sadd.s32 $0x25080, s28;
	[dreg:$0x7] =	wrdreg s13  }
0x10: {  	s30 =	smax.u32 s11, $0x1;
	[dreg:$0x16] =	wrdreg s0  }
0x11: {  	s14 =	sadd.s32 $0x9C40, s13;
	[dreg:$0x17] =	wrdreg s30  }
0x12: {  	s15 =	sadd.s32 $0x10, s13;
	[dreg:$0x8] =	wrdreg s14  }
0x13: {  	s16 =	sadd.s32 $0x9C50, s13;
	[dreg:$0x9] =	wrdreg s15  }
0x14: {  	s17 =	sadd.s32 $0x20, s13;
	[dreg:$0xa] =	wrdreg s16  }
0x15: {  	s18 =	sadd.s32 $0x9C60, s13;
	[dreg:$0xb] =	wrdreg s17  }
0x16: {  	s2 =	smul.u32 $0x4F00, s2;
	s19 =	sadd.s32 $0x30, s13;
	[dreg:$0xc] =	wrdreg s18  }
0x17: {  	s29 =	smul.u32 $0x4F0, s3;
	s20 =	sadd.s32 $0x9C70, s13;
	[dreg:$0xd] =	wrdreg s19  }
0x18: {  	s31 =	sadd.s32 s2, s8;
	s21 =	sadd.s32 $0x40, s13;
	[dreg:$0xe] =	wrdreg s20  }
0x19: {  	p1 =	seq.s32 s3, $0xF;
	s0 =	sadd.s32 s29, s31;
	[dreg:$0xf] =	wrdreg s21  }
0x1a: {  	s4 =	sadd.s32 $0x9C80, s13;
	[dreg:$0x4] =	wrdreg s0;
	s0 =	simm.s32 @!p1 $0x0  }
0x1b: {  	s7 =	ssub.s32 $0x9C4, s7;
	[dreg:$0x10] =	wrdreg s4;
	s0 =	simm.s32 @p1 $0x1  }
0x1c: {  	s2 =	simm.s32 $0x0;
	s5 =	smin.u32 s7, $0x4F;
	[smem:$0x7FD] =	sst s0  }
.LBB2_1:
0x1d: {  	[dreg:$0x18] =	wrdreg s2  }
0x1e: {  	s0 =	simm.s32 $0x0;
	s1 =	rddreg [dreg:$0x7]  }
0x1f: {  	[tilespmem:s0], [sflag:$0x1] =	stream.linear.gather [hbm4b:s1+s0], $0x80, $0x38;
	[tilespmem:$0x1FE80] =	vst v63  }
0x20: {  	s9 =	rddreg [dreg:$0x8];
	s10 =	simm.s32 $0x80  }
0x21: {  	[tilespmem:s10], [sflag:$0x7] =	stream.linear.gather [hbm4b:s9+s0], $0x80, $0x38;
	[tilespmem:$0x1FE80] =	vst v63  }
0x22: {  	s11 =	rddreg [dreg:$0x9];
	s4 =	simm.s32 $0x100  }
0x23: {  	[tilespmem:s4], [sflag:$0x2] =	stream.linear.gather [hbm4b:s11+s0], $0x80, $0x38;
	[tilespmem:$0x1FE80] =	vst v63  }
0x24: {  	s12 =	rddreg [dreg:$0xa];
	s3 =	simm.s32 $0x180  }
0x25: {  	[tilespmem:s3], [sflag:$0x8] =	stream.linear.gather [hbm4b:s12+s0], $0x80, $0x38;
	[tilespmem:$0x1FE80] =	vst v63  }
0x26: {  	s13 =	rddreg [dreg:$0xb];
	s14 =	simm.s32 $0x200  }
0x27: {  	[tilespmem:s14], [sflag:$0x3] =	stream.linear.gather [hbm4b:s13+s0], $0x80, $0x38;
	[tilespmem:$0x1FE80] =	vst v63  }
0x28: {  	s15 =	rddreg [dreg:$0xc];
	s16 =	simm.s32 $0x280  }
0x29: {  	[tilespmem:s16], [sflag:$0x9] =	stream.linear.gather [hbm4b:s15+s0], $0x80, $0x38;
	[tilespmem:$0x1FE80] =	vst v63  }
0x2a: {  	s17 =	rddreg [dreg:$0xd];
	s18 =	simm.s32 $0x300  }
0x2b: {  	[tilespmem:s18], [sflag:$0x4] =	stream.linear.gather [hbm4b:s17+s0], $0x80, $0x38;
	[tilespmem:$0x1FE80] =	vst v63  }
0x2c: {  	s19 =	rddreg [dreg:$0xe];
	s20 =	simm.s32 $0x380  }
0x2d: {  	[tilespmem:s20], [sflag:$0xA] =	stream.linear.gather [hbm4b:s19+s0], $0x80, $0x38;
	[tilespmem:$0x1FE80] =	vst v63  }
0x2e: {  	s21 =	rddreg [dreg:$0xf];
	s22 =	simm.s32 $0x400  }
0x2f: {  	[tilespmem:s22], [sflag:$0x5] =	stream.linear.gather [hbm4b:s21+s0], $0x80, $0x38;
	[tilespmem:$0x1FE80] =	vst v63  }
0x30: {  	s23 =	rddreg [dreg:$0x10];
	s24 =	simm.s32 $0x480;
	s25 =	simm.s32 $0x1  }
0x31: {  	[tilespmem:s24], [sflag:$0xB] =	stream.linear.gather [hbm4b:s23+s0], $0x80, $0x38;
	[tilespmem:$0x1FE80] =	vst v63  }
0x32: {  	_ =	swait.ge [sflag:s25], $0x80  }
0x33: {  	[sflag:s25] =	ssyncset.done $0x0  }
0x34: {  	s26 =	simm.s32 $0x7;
	[sflag:s25] =	ssyncadd.s32 $0xFFFFFF80  }
0x35: {  	_ =	swait.ge [sflag:s26], $0x80  }
0x36: {  	s28 =	simm.s32 $0x600;
	[sflag:s26] =	ssyncset.done $0x0  }
0x37: {  	s29 =	simm.s32 $0x2;
	s3 =	rddreg [dreg:$0x3];
	[sflag:s26] =	ssyncadd.s32 $0xFFFFFF80  }
0x38: {  	[tilespmem:s28], [sflag:$0xD] =	stream.indirect.gather [hbm4b:s3+s10], $0x80, s0, s10, $0xb8;
	[tilespmem:$0x1FE80] =	vst v63  }
0x39: {  	_ =	swait.ge [sflag:s29], $0x80  }
0x3a: {  	[sflag:s29] =	ssyncset.done $0x0  }
0x3b: {  	s30 =	simm.s32 $0x8;
	[sflag:s29] =	ssyncadd.s32 $0xFFFFFF80  }
0x3c: {  	_ =	swait.ge [sflag:s30], $0x80  }
0x3d: {  	s31 =	simm.s32 $0x4600;
	[sflag:s30] =	ssyncset.done $0x0;
	s0 =	rddreg [dreg:$0x13]  }
0x3e: {  	s1 =	rddreg [dreg:$0x14];
	[sflag:s30] =	ssyncadd.s32 $0xFFFFFF80;
	s2 =	sshrl.u32 @p1 s0, $0x3  }
0x3f: {  	[tilespmem:s31], [sflag:$0xE] =	stream.indirect.gather [hbm4b:s3+s10], $0x80, s4, s10, $0xb8;
	[tilespmem:$0x1FE80] =	vst v63  }
0x40: {  	s0 =	simm.s32 @p1 $0x1FD3;
	[dreg:$0x19] =	wrdreg s2  }
0x41: {  	[spmem:s2], [sflag:s0] =	dma.local @p1 [hbm:s1], $0x2080  }
0x42: {  	s0 =	simm.s32 @p1 $0x13  }
0x43: {  	s1 =	stileid.u32;
	_ =	swait.ge @p1 [sflag:s0], $0x2080  }
0x44: {  	s2 =	sshll.u32 @!p1 s1, $0x6;
	[sflag:s0] =	ssyncset.done @p1 $0x0  }
0x45: {  	s1 =	sor.u32 @!p1 $0x1C13, s2;
	[sflag:s0] =	ssyncadd.s32 @p1 $0xFFFFDF80;
	s0 =	rddreg [dreg:$0x11]  }
0x46: {  	[dreg:$0x1a] =	wrdreg s1  }
0x47: {  	s2 =	sshrl.u32 @!p1 s0, $0x3;
	s0 =	rddreg [dreg:$0x12]  }
0x48: {  	[dreg:$0x1b] =	wrdreg s2  }
0x49: {  	[spmem:s2], [sflag:s1] =	dma.local @!p1 [hbm:s0], $0x2780  }
0x4a: {  	s0 =	simm.s32 @!p1 $0x13  }
0x4b: {  	_ =	swait.ge @!p1 [sflag:s0], $0x2780  }
0x4c: {  	[sflag:s0] =	ssyncset.done @!p1 $0x0  }
0x4d: {  	p4 =	sle.u32 s5, $0x0;
	[sflag:s0] =	ssyncadd.s32 @!p1 $0xFFFFD880  }
0x4e: {  	s0 =	simm.s32 @!p4 $0xD;
	[bflag:$0x0] =	sbarrier.arrive $0xFFFF  }
0x4f: {  	p0 =	por $0x1, $0x1;
	_ =	swait.ge @!p4 [sflag:s0], $0x4000  }
0x50: {  	p1 =	slt.u32 @!p0 s5, $0x0;
	[sflag:s0] =	ssyncset.done @!p4 $0x0  }
0x51: {  	s2 =	simm.s32 @!p4 $0x80;
	p0 =	por p1, p0;
	[sflag:s0] =	ssyncadd.s32 @!p4 $0xFFFFC000  }
0x52: {  	s6 =	simm.s32 @!p0 $0x12;
	s0 =	simm.s32 @!p4 $0x600;
	s1 =	rddreg [dreg:$0x1]  }
0x53: {  	[spmem:s1] =	stream.indirect.scatter.add.f32 @!p4 [tilespmem:s0], [sflag:$0x10], $0x80, s2, s2, $0xb8;
	[tilespmem:$0x1FE80] =	vst v63  }
0x54: {  	_ =	swait.ge @!p0 [sflag:s6], $0x4000  }
0x55: {  	p2 =	sle.u32 s5, $0x2;
	[sflag:s6] =	ssyncset.done @!p0 $0x0  }
0x56: {  	s0 =	simm.s32 @!p2 $0x3;
	[sflag:s6] =	ssyncadd.s32 @!p0 $0xFFFFC000  }
0x57: {  	_ =	swait.ge @!p2 [sflag:s0], $0x80  }
0x58: {  	[sflag:s0] =	ssyncset.done @!p2 $0x0  }
0x59: {  	s7 =	simm.s32 @!p2 $0x8600;
	s2 =	simm.s32 @!p2 $0x9;
	[sflag:s0] =	ssyncadd.s32 @!p2 $0xFFFFFF80  }
0x5a: {  	s10 =	simm.s32 @!p2 $0x80;
	p1 =	sle.u32 s5, $0x1;
	_ =	swait.ge @!p2 [sflag:s2], $0x80  }
0x5b: {  	p0 =	sle.u32 s5, $0x5;
	[sflag:s2] =	ssyncset.done @!p2 $0x0;
	s4 =	rddreg [dreg:$0x4]  }
0x5c: {  	s0 =	simm.s32 @!p2 $0x200;
	s6 =	sadd.s32 @!p0 $0x0, s4;
	[sflag:s2] =	ssyncadd.s32 @!p2 $0xFFFFFF80  }
0x5d: {  	[tilespmem:s7], [sflag:$0xF] =	stream.indirect.gather @!p2 [hbm4b:s3+s10], $0x80, s0, s10, $0xb8;
	[tilespmem:$0x1FE80] =	vst v63  }
0x5e: {  	s2 =	simm.s32 @!p0 $0x0;
	s0 =	simm.s32 @!p0 $0x500;
	s8 =	sadd.s32 @!p0 $0x50, s6  }
0x5f: {  	[tilespmem:s0], [sflag:$0x6] =	stream.linear.gather @!p0 [hbm4b:s8+s2], $0x80, $0x38;
	[tilespmem:$0x1FE80] =	vst v63  }
0x60: {  	s9 =	simm.s32 @!p1 $0xE;
	s8 =	sadd.s32 @!p0 $0x9C90, s6;
	s6 =	simm.s32 @!p0 $0x580  }
0x61: {  	[tilespmem:s6], [sflag:$0xC] =	stream.linear.gather @!p0 [hbm4b:s8+s2], $0x80, $0x38;
	[tilespmem:$0x1FE80] =	vst v63  }
0x62: {  	_ =	swait.ge @!p1 [sflag:s9], $0x4000  }
0x63: {  	s11 =	simm.s32 @!p4 $0x10;
	s2 =	simm.s32 @!p1 $0x80;
	[sflag:s9] =	ssyncset.done @!p1 $0x0  }
0x64: {  	s8 =	simm.s32 @!p1 $0x180;
	[sflag:s9] =	ssyncadd.s32 @!p1 $0xFFFFC000;
	s9 =	simm.s32 @!p1 $0x4600  }
0x65: {  	[spmem:s1] =	stream.indirect.scatter.add.f32 @!p1 [tilespmem:s9], [sflag:$0x11], $0x80, s8, s2, $0xb8;
	[tilespmem:$0x1FE80] =	vst v63  }
0x66: {  	_ =	swait.ge @!p4 [sflag:s11], $0x4000  }
0x67: {  	p3 =	sle.u32 s5, $0x3;
	[sflag:s11] =	ssyncset.done @!p4 $0x0  }
0x68: {  	s2 =	simm.s32 @!p3 $0x4;
	[sflag:s11] =	ssyncadd.s32 @!p4 $0xFFFFC000  }
0x69: {  	_ =	swait.ge @!p3 [sflag:s2], $0x80  }
0x6a: {  	[sflag:s2] =	ssyncset.done @!p3 $0x0  }
0x6b: {  	s8 =	simm.s32 @!p3 $0xA;
	[sflag:s2] =	ssyncadd.s32 @!p3 $0xFFFFFF80  }
0x6c: {  	s12 =	simm.s32 @!p3 $0x80;
	_ =	swait.ge @!p3 [sflag:s8], $0x80  }
0x6d: {  	s11 =	simm.s32 @!p3 $0x600;
	p4 =	sle.u32 s5, $0x6;
	[sflag:s8] =	ssyncset.done @!p3 $0x0  }
0x6e: {  	s9 =	sadd.s32 @!p4 $0x0, s4;
	s2 =	simm.s32 @!p3 $0x300;
	[sflag:s8] =	ssyncadd.s32 @!p3 $0xFFFFFF80  }
0x6f: {  	[tilespmem:s11], [sflag:$0xD] =	stream.indirect.gather @!p3 [hbm4b:s3+s12], $0x80, s2, s12, $0xb8;
	[tilespmem:$0x1FE80] =	vst v63  }
0x70: {  	s8 =	simm.s32 @!p4 $0x0;
	s2 =	sadd.s32 @!p4 $0x60, s9  }
0x71: {  	[tilespmem:s8], [sflag:$0x1] =	stream.linear.gather @!p4 [hbm4b:s2+s8], $0x80, $0x38;
	[tilespmem:$0x1FE80] =	vst v63  }
0x72: {  	s13 =	simm.s32 @!p2 $0xF;
	s2 =	sadd.s32 @!p4 $0x9CA0, s9;
	s9 =	simm.s32 @!p4 $0x80  }
0x73: {  	[tilespmem:s9], [sflag:$0x7] =	stream.linear.gather @!p4 [hbm4b:s2+s8], $0x80, $0x38;
	[tilespmem:$0x1FE80] =	vst v63  }
0x74: {  	_ =	swait.ge @!p2 [sflag:s13], $0x4000  }
0x75: {  	[sflag:s13] =	ssyncset.done @!p2 $0x0  }
0x76: {  	s14 =	simm.s32 @!p1 $0x11;
	s2 =	simm.s32 @!p2 $0x280;
	[sflag:s13] =	ssyncadd.s32 @!p2 $0xFFFFC000  }
0x77: {  	[spmem:s1] =	stream.indirect.scatter.add.f32 @!p2 [tilespmem:s7], [sflag:$0x12], $0x80, s2, s10, $0xb8;
	[tilespmem:$0x1FE80] =	vst v63  }
0x78: {  	_ =	swait.ge @!p1 [sflag:s14], $0x4000  }
0x79: {  	p5 =	sle.u32 s5, $0x4;
	[sflag:s14] =	ssyncset.done @!p1 $0x0  }
0x7a: {  	s2 =	simm.s32 @!p5 $0x5;
	[sflag:s14] =	ssyncadd.s32 @!p1 $0xFFFFC000  }
0x7b: {  	_ =	swait.ge @!p5 [sflag:s2], $0x80  }
0x7c: {  	[sflag:s2] =	ssyncset.done @!p5 $0x0  }
0x7d: {  	s7 =	simm.s32 @!p5 $0xB;
	[sflag:s2] =	ssyncadd.s32 @!p5 $0xFFFFFF80  }
0x7e: {  	s13 =	simm.s32 @!p5 $0x80;
	_ =	swait.ge @!p5 [sflag:s7], $0x80  }
0x7f: {  	s10 =	simm.s32 @!p5 $0x4600;
	p1 =	sle.u32 s5, $0x7;
	[sflag:s7] =	ssyncset.done @!p5 $0x0  }
0x80: {  	s14 =	sadd.s32 @!p1 $0x0, s4;
	s2 =	simm.s32 @!p5 $0x400;
	[sflag:s7] =	ssyncadd.s32 @!p5 $0xFFFFFF80  }
0x81: {  	[tilespmem:s10], [sflag:$0xE] =	stream.indirect.gather @!p5 [hbm4b:s3+s13], $0x80, s2, s13, $0xb8;
	[tilespmem:$0x1FE80] =	vst v63  }
0x82: {  	s15 =	simm.s32 @!p1 $0x100;
	s7 =	sadd.s32 @!p1 $0x70, s14;
	s2 =	simm.s32 @!p1 $0x0  }
0x83: {  	[tilespmem:s15], [sflag:$0x2] =	stream.linear.gather @!p1 [hbm4b:s7+s2], $0x80, $0x38;
	[tilespmem:$0x1FE80] =	vst v63  }
0x84: {  	s16 =	simm.s32 @!p3 $0xD;
	s7 =	sadd.s32 @!p1 $0x9CB0, s14;
	s14 =	simm.s32 @!p1 $0x180  }
0x85: {  	[tilespmem:s14], [sflag:$0x8] =	stream.linear.gather @!p1 [hbm4b:s7+s2], $0x80, $0x38;
	[tilespmem:$0x1FE80] =	vst v63  }
0x86: {  	_ =	swait.ge @!p3 [sflag:s16], $0x4000  }
0x87: {  	[sflag:s16] =	ssyncset.done @!p3 $0x0  }
0x88: {  	s2 =	simm.s32 @!p3 $0x380;
	s7 =	simm.s32 @!p2 $0x12;
	[sflag:s16] =	ssyncadd.s32 @!p3 $0xFFFFC000  }
0x89: {  	[spmem:s1] =	stream.indirect.scatter.add.f32 @!p3 [tilespmem:s11], [sflag:$0x10], $0x80, s2, s12, $0xb8;
	[tilespmem:$0x1FE80] =	vst v63  }
0x8a: {  	_ =	swait.ge @!p2 [sflag:s7], $0x4000  }
0x8b: {  	[sflag:s7] =	ssyncset.done @!p2 $0x0  }
0x8c: {  	s2 =	simm.s32 @!p0 $0x6;
	[sflag:s7] =	ssyncadd.s32 @!p2 $0xFFFFC000  }
0x8d: {  	_ =	swait.ge @!p0 [sflag:s2], $0x80  }
0x8e: {  	[sflag:s2] =	ssyncset.done @!p0 $0x0  }
0x8f: {  	s7 =	simm.s32 @!p0 $0xC;
	[sflag:s2] =	ssyncadd.s32 @!p0 $0xFFFFFF80  }
0x90: {  	_ =	swait.ge @!p0 [sflag:s7], $0x80  }
0x91: {  	s11 =	simm.s32 @!p0 $0x80;
	p2 =	sle.u32 s5, $0x8;
	[sflag:s7] =	ssyncset.done @!p0 $0x0  }
0x92: {  	s12 =	sadd.s32 @!p2 $0x0, s4;
	s2 =	simm.s32 @!p0 $0x8600;
	[sflag:s7] =	ssyncadd.s32 @!p0 $0xFFFFFF80  }
0x93: {  	[tilespmem:s2], [sflag:$0xF] =	stream.indirect.gather @!p0 [hbm4b:s3+s11], $0x80, s0, s11, $0xb8;
	[tilespmem:$0x1FE80] =	vst v63  }
0x94: {  	s14 =	sadd.s32 @!p2 $0x80, s12;
	s7 =	simm.s32 @!p2 $0x0;
	s0 =	simm.s32 @!p2 $0x200  }
0x95: {  	[tilespmem:s0], [sflag:$0x3] =	stream.linear.gather @!p2 [hbm4b:s14+s7], $0x80, $0x38;
	[tilespmem:$0x1FE80] =	vst v63  }
0x96: {  	s0 =	sadd.s32 @!p2 $0x9CC0, s12;
	s12 =	simm.s32 @!p2 $0x280;
	s14 =	simm.s32 @!p5 $0xE  }
0x97: {  	[tilespmem:s12], [sflag:$0x9] =	stream.linear.gather @!p2 [hbm4b:s0+s7], $0x80, $0x38;
	[tilespmem:$0x1FE80] =	vst v63  }
0x98: {  	_ =	swait.ge @!p5 [sflag:s14], $0x4000  }
0x99: {  	[sflag:s14] =	ssyncset.done @!p5 $0x0  }
0x9a: {  	s0 =	simm.s32 @!p5 $0x480;
	s7 =	simm.s32 @!p3 $0x10;
	[sflag:s14] =	ssyncadd.s32 @!p5 $0xFFFFC000  }
0x9b: {  	[spmem:s1] =	stream.indirect.scatter.add.f32 @!p5 [tilespmem:s10], [sflag:$0x11], $0x80, s0, s13, $0xb8;
	[tilespmem:$0x1FE80] =	vst v63  }
0x9c: {  	_ =	swait.ge @!p3 [sflag:s7], $0x4000  }
0x9d: {  	[sflag:s7] =	ssyncset.done @!p3 $0x0  }
0x9e: {  	s0 =	simm.s32 @!p4 $0x1;
	[sflag:s7] =	ssyncadd.s32 @!p3 $0xFFFFC000  }
0x9f: {  	_ =	swait.ge @!p4 [sflag:s0], $0x80  }
0xa0: {  	[sflag:s0] =	ssyncset.done @!p4 $0x0  }
0xa1: {  	s7 =	simm.s32 @!p4 $0x7;
	[sflag:s0] =	ssyncadd.s32 @!p4 $0xFFFFFF80  }
0xa2: {  	_ =	swait.ge @!p4 [sflag:s7], $0x80  }
0xa3: {  	p2 =	sle.u32 s5, $0x9;
	[sflag:s7] =	ssyncset.done @!p4 $0x0  }
0xa4: {  	s10 =	sadd.s32 @!p2 $0x0, s4;
	s0 =	simm.s32 @!p4 $0x600;
	[sflag:s7] =	ssyncadd.s32 @!p4 $0xFFFFFF80  }
0xa5: {  	[tilespmem:s0], [sflag:$0xD] =	stream.indirect.gather @!p4 [hbm4b:s3+s9], $0x80, s8, s9, $0xb8;
	[tilespmem:$0x1FE80] =	vst v63  }
0xa6: {  	s7 =	simm.s32 @!p2 $0x300;
	s0 =	sadd.s32 @!p2 $0x90, s10;
	s8 =	simm.s32 @!p2 $0x0  }
0xa7: {  	[tilespmem:s7], [sflag:$0x4] =	stream.linear.gather @!p2 [hbm4b:s0+s8], $0x80, $0x38;
	[tilespmem:$0x1FE80] =	vst v63  }
0xa8: {  	s9 =	simm.s32 @!p0 $0xF;
	s0 =	simm.s32 @!p2 $0x380;
	s7 =	sadd.s32 @!p2 $0x9CD0, s10  }
0xa9: {  	[tilespmem:s0], [sflag:$0xA] =	stream.linear.gather @!p2 [hbm4b:s7+s8], $0x80, $0x38;
	[tilespmem:$0x1FE80] =	vst v63  }
0xaa: {  	_ =	swait.ge @!p0 [sflag:s9], $0x4000  }
0xab: {  	[sflag:s9] =	ssyncset.done @!p0 $0x0  }
0xac: {  	s0 =	simm.s32 @!p5 $0x11;
	[sflag:s9] =	ssyncadd.s32 @!p0 $0xFFFFC000  }
0xad: {  	[spmem:s1] =	stream.indirect.scatter.add.f32 @!p0 [tilespmem:s2], [sflag:$0x12], $0x80, s6, s11, $0xb8;
	[tilespmem:$0x1FE80] =	vst v63  }
0xae: {  	_ =	swait.ge @!p5 [sflag:s0], $0x4000  }
0xaf: {  	s17 =	simm.s32 $0xC0;
	s19 =	simm.s32 $0x8;
	[sflag:s0] =	ssyncset.done @!p5 $0x0  }
0xb0: {  	s20 =	simm.s32 $0x10;
	s2 =	simm.s32 @!p1 $0x2;
	[sflag:s0] =	ssyncadd.s32 @!p5 $0xFFFFC000  }
0xb1: {  	s22 =	simm.s32 $0xF;
	s16 =	simm.s32 $0x6;
	_ =	swait.ge @!p1 [sflag:s2], $0x80  }
0xb2: {  	s12 =	simm.s32 $0xA;
	s14 =	simm.s32 $0x9;
	[sflag:s2] =	ssyncset.done @!p1 $0x0  }
0xb3: {  	s13 =	simm.s32 $0xD;
	s0 =	simm.s32 @!p1 $0x8;
	[sflag:s2] =	ssyncadd.s32 @!p1 $0xFFFFFF80  }
0xb4: {  	s8 =	simm.s32 $0x60;
	p2 =	sle.u32 s5, $0xA;
	_ =	swait.ge @!p1 [sflag:s0], $0x80  }
0xb5: {  	s7 =	sadd.s32 @!p2 $0x0, s4;
	s18 =	simm.s32 @!p2 $0x400;
	[sflag:s0] =	ssyncset.done @!p1 $0x0  }
0xb6: {  	s6 =	simm.s32 @!p1 $0x4600;
	s2 =	simm.s32 @!p1 $0x80;
	[sflag:s0] =	ssyncadd.s32 @!p1 $0xFFFFFF80  }
0xb7: {  	[tilespmem:s6], [sflag:$0xE] =	stream.indirect.gather @!p1 [hbm4b:s3+s2], $0x80, s15, s2, $0xb8;
	[tilespmem:$0x1FE80] =	vst v63  }
0xb8: {  	s11 =	simm.s32 $0xE;
	s0 =	simm.s32 @!p2 $0x0;
	s2 =	sadd.s32 @!p2 $0xA0, s7  }
0xb9: {  	s6 =	sadd.s32 @!p2 $0x9CE0, s7;
	s7 =	simm.s32 @!p2 $0x480;
	s15 =	simm.s32 $0x6  }
.LBB2_2:
0xba: {  	[tilespmem:s18], [sflag:$0x5] =	stream.linear.gather @!p2 [hbm4b:s2+s0], $0x80, $0x38;
	[tilespmem:$0x1FE80] =	vst v63  }
0xbb: {  	[dreg:$0x6] =	wrdreg s20;
	s1 =	smov.u32 s17;
	p0 =	sge.u32 s16, s5  }
0xbc: {  	[dreg:$0x5] =	wrdreg s1;
	s20 =	simm.s32 @!p0 $0xD  }
0xbd: {  	[tilespmem:s7], [sflag:$0xB] =	stream.linear.gather @!p2 [hbm4b:s6+s0], $0x80, $0x38;
	[tilespmem:$0x1FE80] =	vst v63  }
0xbe: {  	p1 =	seq.s32 s8, $0x0;
	_ =	swait.ge @!p0 [sflag:s20], $0x4000  }
0xbf: {  	p3 =	sgt.u32 @!p1 s16, s5;
	[sflag:s20] =	ssyncset.done @!p0 $0x0  }
0xc0: {  	s0 =	simm.s32 @!p0 $0x80;
	p1 =	por p3, p1;
	[sflag:s20] =	ssyncadd.s32 @!p0 $0xFFFFC000  }
0xc1: {  	s7 =	simm.s32 @!p0 $0x600;
	s6 =	simm.s32 @!p1 $0x12;
	s9 =	rddreg [dreg:$0x1]  }
0xc2: {  	[spmem:s9] =	stream.indirect.scatter.add.f32 @!p0 [tilespmem:s7], [sflag:$0x10], $0x80, s0, s0, $0xb8;
	[tilespmem:$0x1FE80] =	vst v63  }
0xc3: {  	_ =	swait.ge @!p1 [sflag:s6], $0x4000  }
0xc4: {  	p3 =	sge.u32 s19, s5;
	[sflag:s6] =	ssyncset.done @!p1 $0x0  }
0xc5: {  	s19 =	simm.s32 @!p3 $0x3;
	[sflag:s6] =	ssyncadd.s32 @!p1 $0xFFFFC000  }
0xc6: {  	s29 =	sadd.s32 $0x1, s16;
	_ =	swait.ge @!p3 [sflag:s19], $0x80  }
0xc7: {  	s21 =	sadd.s32 $0x5, s16;
	p5 =	sge.u32 s29, s5;
	[sflag:s19] =	ssyncset.done @!p3 $0x0  }
0xc8: {  	p2 =	sge.u32 s21, s5;
	s25 =	simm.s32 @!p3 $0x9;
	[sflag:s19] =	ssyncadd.s32 @!p3 $0xFFFFFF80  }
0xc9: {  	s26 =	simm.s32 @!p3 $0x80;
	s16 =	simm.s32 @!p3 $0x200;
	_ =	swait.ge @!p3 [sflag:s25], $0x80  }
0xca: {  	s0 =	simm.s32 @!p3 $0x8600;
	[sflag:s25] =	ssyncset.done @!p3 $0x0;
	s10 =	rddreg [dreg:$0x4]  }
0xcb: {  	s23 =	rddreg [dreg:$0x3];
	s19 =	sadd.s32 @!p2 s8, s10;
	[sflag:s25] =	ssyncadd.s32 @!p3 $0xFFFFFF80  }
0xcc: {  	[tilespmem:s0], [sflag:$0xF] =	stream.indirect.gather @!p3 [hbm4b:s23+s26], $0x80, s16, s26, $0xb8;
	[tilespmem:$0x1FE80] =	vst v63  }
0xcd: {  	s28 =	simm.s32 @!p2 $0x0;
	s6 =	simm.s32 @!p2 $0x500;
	s21 =	sadd.s32 @!p2 $0x50, s19  }
0xce: {  	[tilespmem:s6], [sflag:$0x6] =	stream.linear.gather @!p2 [hbm4b:s21+s28], $0x80, $0x38;
	[tilespmem:$0x1FE80] =	vst v63  }
0xcf: {  	s29 =	simm.s32 @!p5 $0xE;
	s19 =	sadd.s32 @!p2 $0x9C90, s19;
	s21 =	simm.s32 @!p2 $0x580  }
0xd0: {  	[tilespmem:s21], [sflag:$0xC] =	stream.linear.gather @!p2 [hbm4b:s19+s28], $0x80, $0x38;
	[tilespmem:$0x1FE80] =	vst v63  }
0xd1: {  	_ =	swait.ge @!p5 [sflag:s29], $0x4000  }
0xd2: {  	s30 =	simm.s32 @!p0 $0x10;
	s3 =	simm.s32 @!p5 $0x180;
	[sflag:s29] =	ssyncset.done @!p5 $0x0  }
0xd3: {  	s2 =	simm.s32 @!p5 $0x4600;
	s28 =	simm.s32 @!p5 $0x80;
	[sflag:s29] =	ssyncadd.s32 @!p5 $0xFFFFC000  }
0xd4: {  	[spmem:s9] =	stream.indirect.scatter.add.f32 @!p5 [tilespmem:s2], [sflag:$0x11], $0x80, s3, s28, $0xb8;
	[tilespmem:$0x1FE80] =	vst v63  }
0xd5: {  	_ =	swait.ge @!p0 [sflag:s30], $0x4000  }
0xd6: {  	p4 =	sge.u32 s14, s5;
	[sflag:s30] =	ssyncset.done @!p0 $0x0  }
0xd7: {  	s2 =	simm.s32 @!p4 $0x4;
	[sflag:s30] =	ssyncadd.s32 @!p0 $0xFFFFC000  }
0xd8: {  	_ =	swait.ge @!p4 [sflag:s2], $0x80  }
0xd9: {  	[sflag:s2] =	ssyncset.done @!p4 $0x0  }
0xda: {  	s15 =	sadd.s32 $0x6, s15;
	s3 =	simm.s32 @!p4 $0xA;
	[sflag:s2] =	ssyncadd.s32 @!p4 $0xFFFFFF80  }
0xdb: {  	p6 =	sge.u32 s15, s5;
	_ =	swait.ge @!p4 [sflag:s3], $0x80  }
0xdc: {  	s7 =	simm.s32 @!p4 $0x80;
	s29 =	simm.s32 @!p4 $0x300;
	[sflag:s3] =	ssyncset.done @!p4 $0x0  }
0xdd: {  	s30 =	sadd.s32 @!p6 s8, s10;
	s2 =	simm.s32 @!p4 $0x600;
	[sflag:s3] =	ssyncadd.s32 @!p4 $0xFFFFFF80  }
0xde: {  	[tilespmem:s2], [sflag:$0xD] =	stream.indirect.gather @!p4 [hbm4b:s23+s7], $0x80, s29, s7, $0xb8;
	[tilespmem:$0x1FE80] =	vst v63  }
0xdf: {  	s28 =	simm.s32 @!p6 $0x0;
	s3 =	sadd.s32 @!p6 $0x60, s30  }
0xe0: {  	[tilespmem:s28], [sflag:$0x1] =	stream.linear.gather @!p6 [hbm4b:s3+s28], $0x80, $0x38;
	[tilespmem:$0x1FE80] =	vst v63  }
0xe1: {  	s30 =	sadd.s32 @!p6 $0x9CA0, s30;
	s29 =	simm.s32 @!p6 $0x80;
	s3 =	simm.s32 @!p3 $0xF  }
0xe2: {  	[tilespmem:s29], [sflag:$0x7] =	stream.linear.gather @!p6 [hbm4b:s30+s28], $0x80, $0x38;
	[tilespmem:$0x1FE80] =	vst v63  }
0xe3: {  	s1 =	sadd.s32 $0x2, s15;
	_ =	swait.ge @!p3 [sflag:s3], $0x4000  }
0xe4: {  	s19 =	smov.u32 s1;
	[sflag:s3] =	ssyncset.done @!p3 $0x0  }
0xe5: {  	s1 =	simm.s32 @!p5 $0x11;
	s30 =	simm.s32 @!p3 $0x280;
	[sflag:s3] =	ssyncadd.s32 @!p3 $0xFFFFC000  }
0xe6: {  	[spmem:s9] =	stream.indirect.scatter.add.f32 @!p3 [tilespmem:s0], [sflag:$0x12], $0x80, s30, s26, $0xb8;
	[tilespmem:$0x1FE80] =	vst v63  }
0xe7: {  	_ =	swait.ge @!p5 [sflag:s1], $0x4000  }
0xe8: {  	p0 =	sge.u32 s12, s5;
	[sflag:s1] =	ssyncset.done @!p5 $0x0  }
0xe9: {  	s0 =	simm.s32 @!p0 $0x5;
	[sflag:s1] =	ssyncadd.s32 @!p5 $0xFFFFC000  }
0xea: {  	_ =	swait.ge @!p0 [sflag:s0], $0x80  }
0xeb: {  	s4 =	sadd.s32 $0x3, s15;
	s24 =	sadd.s32 $0x4, s15;
	[sflag:s0] =	ssyncset.done @!p0 $0x0  }
0xec: {  	s14 =	smov.u32 s4;
	s1 =	simm.s32 @!p0 $0xB;
	[sflag:s0] =	ssyncadd.s32 @!p0 $0xFFFFFF80  }
0xed: {  	s12 =	smov.u32 s24;
	s3 =	simm.s32 @!p0 $0x400;
	_ =	swait.ge @!p0 [sflag:s1], $0x80  }
0xee: {  	s26 =	simm.s32 @!p0 $0x80;
	p5 =	sge.u32 s13, s5;
	[sflag:s1] =	ssyncset.done @!p0 $0x0  }
0xef: {  	s13 =	sadd.s32 @!p5 s8, s10;
	s0 =	simm.s32 @!p0 $0x4600;
	[sflag:s1] =	ssyncadd.s32 @!p0 $0xFFFFFF80  }
0xf0: {  	[tilespmem:s0], [sflag:$0xE] =	stream.indirect.gather @!p0 [hbm4b:s23+s26], $0x80, s3, s26, $0xb8;
	[tilespmem:$0x1FE80] =	vst v63  }
0xf1: {  	s24 =	simm.s32 @!p5 $0x100;
	s30 =	simm.s32 @!p5 $0x0;
	s1 =	sadd.s32 @!p5 $0x70, s13  }
0xf2: {  	[tilespmem:s24], [sflag:$0x2] =	stream.linear.gather @!p5 [hbm4b:s1+s30], $0x80, $0x38;
	[tilespmem:$0x1FE80] =	vst v63  }
0xf3: {  	s4 =	sadd.s32 @!p5 $0x9CB0, s13;
	s3 =	simm.s32 @!p4 $0xD;
	s1 =	simm.s32 @!p5 $0x180  }
0xf4: {  	[tilespmem:s1], [sflag:$0x8] =	stream.linear.gather @!p5 [hbm4b:s4+s30], $0x80, $0x38;
	[tilespmem:$0x1FE80] =	vst v63  }
0xf5: {  	_ =	swait.ge @!p4 [sflag:s3], $0x4000  }
0xf6: {  	[sflag:s3] =	ssyncset.done @!p4 $0x0  }
0xf7: {  	s1 =	simm.s32 @!p4 $0x380;
	s4 =	simm.s32 @!p3 $0x12;
	[sflag:s3] =	ssyncadd.s32 @!p4 $0xFFFFC000  }
0xf8: {  	[spmem:s9] =	stream.indirect.scatter.add.f32 @!p4 [tilespmem:s2], [sflag:$0x10], $0x80, s1, s7, $0xb8;
	[tilespmem:$0x1FE80] =	vst v63  }
0xf9: {  	_ =	swait.ge @!p3 [sflag:s4], $0x4000  }
0xfa: {  	[sflag:s4] =	ssyncset.done @!p3 $0x0  }
0xfb: {  	s1 =	simm.s32 @!p2 $0x6;
	[sflag:s4] =	ssyncadd.s32 @!p3 $0xFFFFC000  }
0xfc: {  	_ =	swait.ge @!p2 [sflag:s1], $0x80  }
0xfd: {  	[sflag:s1] =	ssyncset.done @!p2 $0x0  }
0xfe: {  	s3 =	simm.s32 @!p2 $0xC;
	[sflag:s1] =	ssyncadd.s32 @!p2 $0xFFFFFF80  }
0xff: {  	_ =	swait.ge @!p2 [sflag:s3], $0x80  }
0x100: {  	s2 =	simm.s32 @!p2 $0x8600;
	p3 =	sge.u32 s11, s5;
	[sflag:s3] =	ssyncset.done @!p2 $0x0  }
0x101: {  	s7 =	simm.s32 @!p2 $0x80;
	s4 =	sadd.s32 @!p3 s8, s10;
	[sflag:s3] =	ssyncadd.s32 @!p2 $0xFFFFFF80  }
0x102: {  	[tilespmem:s2], [sflag:$0xF] =	stream.indirect.gather @!p2 [hbm4b:s23+s7], $0x80, s6, s7, $0xb8;
	[tilespmem:$0x1FE80] =	vst v63  }
0x103: {  	s30 =	simm.s32 @!p3 $0x0;
	s1 =	simm.s32 @!p3 $0x200;
	s3 =	sadd.s32 @!p3 $0x80, s4  }
0x104: {  	[tilespmem:s1], [sflag:$0x3] =	stream.linear.gather @!p3 [hbm4b:s3+s30], $0x80, $0x38;
	[tilespmem:$0x1FE80] =	vst v63  }
0x105: {  	s4 =	sadd.s32 @!p3 $0x9CC0, s4;
	s1 =	simm.s32 @!p3 $0x280;
	s3 =	simm.s32 @!p0 $0xE  }
0x106: {  	[tilespmem:s1], [sflag:$0x9] =	stream.linear.gather @!p3 [hbm4b:s4+s30], $0x80, $0x38;
	[tilespmem:$0x1FE80] =	vst v63  }
0x107: {  	_ =	swait.ge @!p0 [sflag:s3], $0x4000  }
0x108: {  	[sflag:s3] =	ssyncset.done @!p0 $0x0  }
0x109: {  	s1 =	simm.s32 @!p0 $0x480;
	s4 =	simm.s32 @!p4 $0x10;
	[sflag:s3] =	ssyncadd.s32 @!p0 $0xFFFFC000  }
0x10a: {  	[spmem:s9] =	stream.indirect.scatter.add.f32 @!p0 [tilespmem:s0], [sflag:$0x11], $0x80, s1, s26, $0xb8;
	[tilespmem:$0x1FE80] =	vst v63  }
0x10b: {  	_ =	swait.ge @!p4 [sflag:s4], $0x4000  }
0x10c: {  	[sflag:s4] =	ssyncset.done @!p4 $0x0  }
0x10d: {  	s0 =	simm.s32 @!p6 $0x1;
	[sflag:s4] =	ssyncadd.s32 @!p4 $0xFFFFC000  }
0x10e: {  	_ =	swait.ge @!p6 [sflag:s0], $0x80  }
0x10f: {  	[sflag:s0] =	ssyncset.done @!p6 $0x0  }
0x110: {  	s1 =	simm.s32 @!p6 $0x7;
	[sflag:s0] =	ssyncadd.s32 @!p6 $0xFFFFFF80  }
0x111: {  	s18 =	smov.u32 s22;
	_ =	swait.ge @!p6 [sflag:s1], $0x80  }
0x112: {  	p3 =	sge.u32 s18, s5;
	[sflag:s1] =	ssyncset.done @!p6 $0x0  }
0x113: {  	s3 =	sadd.s32 @!p3 s8, s10;
	s0 =	simm.s32 @!p6 $0x600;
	[sflag:s1] =	ssyncadd.s32 @!p6 $0xFFFFFF80  }
0x114: {  	[tilespmem:s0], [sflag:$0xD] =	stream.indirect.gather @!p6 [hbm4b:s23+s29], $0x80, s28, s29, $0xb8;
	[tilespmem:$0x1FE80] =	vst v63  }
0x115: {  	s6 =	simm.s32 @!p3 $0x300;
	s1 =	sadd.s32 @!p3 $0x90, s3;
	s0 =	simm.s32 @!p3 $0x0  }
0x116: {  	[tilespmem:s6], [sflag:$0x4] =	stream.linear.gather @!p3 [hbm4b:s1+s0], $0x80, $0x38;
	[tilespmem:$0x1FE80] =	vst v63  }
0x117: {  	s4 =	simm.s32 @!p3 $0x380;
	s3 =	sadd.s32 @!p3 $0x9CD0, s3;
	s1 =	simm.s32 @!p2 $0xF  }
0x118: {  	[tilespmem:s4], [sflag:$0xA] =	stream.linear.gather @!p3 [hbm4b:s3+s0], $0x80, $0x38;
	[tilespmem:$0x1FE80] =	vst v63  }
0x119: {  	s17 =	sadd.s32 $0x60, s17;
	s31 =	sadd.s32 $0x7, s15;
	_ =	swait.ge @!p2 [sflag:s1], $0x4000  }
0x11a: {  	s22 =	sadd.s32 $0x8, s15;
	s20 =	sadd.s32 $0x9, s15;
	[sflag:s1] =	ssyncset.done @!p2 $0x0  }
0x11b: {  	p1 =	sne.s32 s17, $0x540;
	s0 =	simm.s32 @!p0 $0x11;
	[sflag:s1] =	ssyncadd.s32 @!p2 $0xFFFFC000  }
0x11c: {  	[spmem:s9] =	stream.indirect.scatter.add.f32 @!p2 [tilespmem:s2], [sflag:$0x12], $0x80, s21, s7, $0xb8;
	[tilespmem:$0x1FE80] =	vst v63  }
0x11d: {  	s25 =	sadd.s32 $0xA, s15;
	s16 =	smov.u32 s15;
	_ =	swait.ge @!p0 [sflag:s0], $0x4000  }
0x11e: {  	s13 =	smov.u32 s31;
	s11 =	smov.u32 s22;
	[sflag:s0] =	ssyncset.done @!p0 $0x0  }
0x11f: {  	s22 =	smov.u32 s20;
	s1 =	simm.s32 @!p5 $0x2;
	[sflag:s0] =	ssyncadd.s32 @!p0 $0xFFFFC000  }
0x120: {  	s20 =	smov.u32 s25;
	s3 =	simm.s32 @!p5 $0x4600;
	_ =	swait.ge @!p5 [sflag:s1], $0x80  }
0x121: {  	s0 =	simm.s32 @!p5 $0x8;
	[sflag:s1] =	ssyncset.done @!p5 $0x0;
	s30 =	rddreg [dreg:$0x6]  }
0x122: {  	[sflag:s1] =	ssyncadd.s32 @!p5 $0xFFFFFF80;
	p2 =	sge.u32 s30, s5;
	s1 =	simm.s32 @!p5 $0x80  }
.Ltmp0:
0x123: {  	_ =	swait.ge @!p5 [sflag:s0], $0x80;
	s4 =	sadd.s32 @!p2 s8, s10;
	(pc) =	sbr.rel @p1 .LBB2_2-.Ltmp0, $4  }
0x124: {  	s18 =	simm.s32 @!p2 $0x400;
	s7 =	simm.s32 @!p2 $0x480;
	[sflag:s0] =	ssyncset.done @!p5 $0x0  }
0x125: {  	s31 =	rddreg [dreg:$0x5];
	s2 =	sadd.s32 @!p2 $0xA0, s4;
	s6 =	sadd.s32 @!p2 $0x9CE0, s4  }
0x126: {  	s8 =	smov.u32 s31;
	[sflag:s0] =	ssyncadd.s32 @!p5 $0xFFFFFF80;
	s0 =	simm.s32 @!p2 $0x0  }
0x127: {  	[tilespmem:s3], [sflag:$0xE] =	stream.indirect.gather @!p5 [hbm4b:s23+s1], $0x80, s24, s1, $0xb8;
	[tilespmem:$0x1FE80] =	vst v63  }
0x128: {  	[tilespmem:s18], [sflag:$0x5] =	stream.linear.gather @!p2 [hbm4b:s2+s0], $0x80, $0x38;
	[tilespmem:$0x1FE80] =	vst v63  }
0x129: {  	p3 =	sge.u32 s16, s5  }
0x12a: {  	s1 =	simm.s32 @!p3 $0xD  }
0x12b: {  	[tilespmem:s7], [sflag:$0xB] =	stream.linear.gather @!p2 [hbm4b:s6+s0], $0x80, $0x38;
	[tilespmem:$0x1FE80] =	vst v63  }
0x12c: {  	p0 =	seq.s32 s8, $0x0;
	_ =	swait.ge @!p3 [sflag:s1], $0x4000  }
0x12d: {  	p1 =	sgt.u32 @!p0 s16, s5;
	[sflag:s1] =	ssyncset.done @!p3 $0x0  }
0x12e: {  	s0 =	simm.s32 @!p3 $0x80;
	p0 =	por p1, p0;
	[sflag:s1] =	ssyncadd.s32 @!p3 $0xFFFFC000  }
0x12f: {  	s2 =	simm.s32 @!p0 $0x12;
	s1 =	simm.s32 @!p3 $0x600;
	s9 =	rddreg [dreg:$0x1]  }
0x130: {  	[spmem:s9] =	stream.indirect.scatter.add.f32 @!p3 [tilespmem:s1], [sflag:$0x10], $0x80, s0, s0, $0xb8;
	[tilespmem:$0x1FE80] =	vst v63  }
0x131: {  	_ =	swait.ge @!p0 [sflag:s2], $0x4000  }
0x132: {  	p1 =	sge.u32 s19, s5;
	[sflag:s2] =	ssyncset.done @!p0 $0x0  }
0x133: {  	s0 =	simm.s32 @!p1 $0x3;
	[sflag:s2] =	ssyncadd.s32 @!p0 $0xFFFFC000  }
0x134: {  	s3 =	sadd.s32 $0x1, s16;
	_ =	swait.ge @!p1 [sflag:s0], $0x80  }
0x135: {  	s26 =	sadd.s32 $0x5, s16;
	p4 =	sge.u32 s3, s5;
	[sflag:s0] =	ssyncset.done @!p1 $0x0  }
0x136: {  	s4 =	simm.s32 @!p1 $0x8600;
	s2 =	simm.s32 @!p1 $0x9;
	[sflag:s0] =	ssyncadd.s32 @!p1 $0xFFFFFF80  }
0x137: {  	s3 =	simm.s32 @!p1 $0x80;
	p0 =	sge.u32 s26, s5;
	_ =	swait.ge @!p1 [sflag:s2], $0x80  }
0x138: {  	s0 =	simm.s32 @!p1 $0x200;
	[sflag:s2] =	ssyncset.done @!p1 $0x0;
	s10 =	rddreg [dreg:$0x4]  }
0x139: {  	s17 =	rddreg [dreg:$0x3];
	s1 =	sadd.s32 @!p0 s8, s10;
	[sflag:s2] =	ssyncadd.s32 @!p1 $0xFFFFFF80  }
0x13a: {  	[tilespmem:s4], [sflag:$0xF] =	stream.indirect.gather @!p1 [hbm4b:s17+s3], $0x80, s0, s3, $0xb8;
	[tilespmem:$0x1FE80] =	vst v63  }
0x13b: {  	s2 =	simm.s32 @!p0 $0x0;
	s0 =	simm.s32 @!p0 $0x500;
	s6 =	sadd.s32 @!p0 $0x50, s1  }
0x13c: {  	[tilespmem:s0], [sflag:$0x6] =	stream.linear.gather @!p0 [hbm4b:s6+s2], $0x80, $0x38;
	[tilespmem:$0x1FE80] =	vst v63  }
0x13d: {  	s7 =	simm.s32 @!p4 $0xE;
	s1 =	sadd.s32 @!p0 $0x9C90, s1;
	s6 =	simm.s32 @!p0 $0x580  }
0x13e: {  	[tilespmem:s6], [sflag:$0xC] =	stream.linear.gather @!p0 [hbm4b:s1+s2], $0x80, $0x38;
	[tilespmem:$0x1FE80] =	vst v63  }
0x13f: {  	_ =	swait.ge @!p4 [sflag:s7], $0x4000  }
0x140: {  	s16 =	simm.s32 @!p3 $0x10;
	s1 =	simm.s32 @!p4 $0x80;
	[sflag:s7] =	ssyncset.done @!p4 $0x0  }
0x141: {  	s2 =	simm.s32 @!p4 $0x180;
	[sflag:s7] =	ssyncadd.s32 @!p4 $0xFFFFC000;
	s7 =	simm.s32 @!p4 $0x4600  }
0x142: {  	[spmem:s9] =	stream.indirect.scatter.add.f32 @!p4 [tilespmem:s7], [sflag:$0x11], $0x80, s2, s1, $0xb8;
	[tilespmem:$0x1FE80] =	vst v63  }
0x143: {  	_ =	swait.ge @!p3 [sflag:s16], $0x4000  }
0x144: {  	p2 =	sge.u32 s14, s5;
	[sflag:s16] =	ssyncset.done @!p3 $0x0  }
0x145: {  	s1 =	simm.s32 @!p2 $0x4;
	[sflag:s16] =	ssyncadd.s32 @!p3 $0xFFFFC000  }
0x146: {  	_ =	swait.ge @!p2 [sflag:s1], $0x80  }
0x147: {  	[sflag:s1] =	ssyncset.done @!p2 $0x0  }
0x148: {  	s2 =	simm.s32 @!p2 $0xA;
	[sflag:s1] =	ssyncadd.s32 @!p2 $0xFFFFFF80  }
0x149: {  	s28 =	sadd.s32 $0x6, s15;
	s7 =	simm.s32 @!p2 $0x300;
	_ =	swait.ge @!p2 [sflag:s2], $0x80  }
0x14a: {  	s16 =	simm.s32 @!p2 $0x600;
	p3 =	sge.u32 s28, s5;
	[sflag:s2] =	ssyncset.done @!p2 $0x0  }
0x14b: {  	s15 =	sadd.s32 @!p3 s8, s10;
	s1 =	simm.s32 @!p2 $0x80;
	[sflag:s2] =	ssyncadd.s32 @!p2 $0xFFFFFF80  }
0x14c: {  	[tilespmem:s16], [sflag:$0xD] =	stream.indirect.gather @!p2 [hbm4b:s17+s1], $0x80, s7, s1, $0xb8;
	[tilespmem:$0x1FE80] =	vst v63  }
0x14d: {  	s14 =	simm.s32 @!p3 $0x0;
	s2 =	sadd.s32 @!p3 $0x60, s15  }
0x14e: {  	[tilespmem:s14], [sflag:$0x1] =	stream.linear.gather @!p3 [hbm4b:s2+s14], $0x80, $0x38;
	[tilespmem:$0x1FE80] =	vst v63  }
0x14f: {  	s7 =	simm.s32 @!p1 $0xF;
	s2 =	sadd.s32 @!p3 $0x9CA0, s15;
	s15 =	simm.s32 @!p3 $0x80  }
0x150: {  	[tilespmem:s15], [sflag:$0x7] =	stream.linear.gather @!p3 [hbm4b:s2+s14], $0x80, $0x38;
	[tilespmem:$0x1FE80] =	vst v63  }
0x151: {  	_ =	swait.ge @!p1 [sflag:s7], $0x4000  }
0x152: {  	[sflag:s7] =	ssyncset.done @!p1 $0x0  }
0x153: {  	s2 =	simm.s32 @!p1 $0x280;
	[sflag:s7] =	ssyncadd.s32 @!p1 $0xFFFFC000;
	s7 =	simm.s32 @!p4 $0x11  }
0x154: {  	[spmem:s9] =	stream.indirect.scatter.add.f32 @!p1 [tilespmem:s4], [sflag:$0x12], $0x80, s2, s3, $0xb8;
	[tilespmem:$0x1FE80] =	vst v63  }
0x155: {  	_ =	swait.ge @!p4 [sflag:s7], $0x4000  }
0x156: {  	p5 =	sge.u32 s12, s5;
	[sflag:s7] =	ssyncset.done @!p4 $0x0  }
0x157: {  	s2 =	simm.s32 @!p5 $0x5;
	[sflag:s7] =	ssyncadd.s32 @!p4 $0xFFFFC000  }
0x158: {  	_ =	swait.ge @!p5 [sflag:s2], $0x80  }
0x159: {  	[sflag:s2] =	ssyncset.done @!p5 $0x0  }
0x15a: {  	s3 =	simm.s32 @!p5 $0xB;
	[sflag:s2] =	ssyncadd.s32 @!p5 $0xFFFFFF80  }
0x15b: {  	s4 =	simm.s32 @!p5 $0x4600;
	_ =	swait.ge @!p5 [sflag:s3], $0x80  }
0x15c: {  	p4 =	sge.u32 s13, s5;
	s7 =	simm.s32 @!p5 $0x80;
	[sflag:s3] =	ssyncset.done @!p5 $0x0  }
0x15d: {  	s13 =	sadd.s32 @!p4 s8, s10;
	s2 =	simm.s32 @!p5 $0x400;
	[sflag:s3] =	ssyncadd.s32 @!p5 $0xFFFFFF80  }
0x15e: {  	[tilespmem:s4], [sflag:$0xE] =	stream.indirect.gather @!p5 [hbm4b:s17+s7], $0x80, s2, s7, $0xb8;
	[tilespmem:$0x1FE80] =	vst v63  }
0x15f: {  	s12 =	simm.s32 @!p4 $0x100;
	s3 =	sadd.s32 @!p4 $0x70, s13;
	s2 =	simm.s32 @!p4 $0x0  }
0x160: {  	[tilespmem:s12], [sflag:$0x2] =	stream.linear.gather @!p4 [hbm4b:s3+s2], $0x80, $0x38;
	[tilespmem:$0x1FE80] =	vst v63  }
0x161: {  	s3 =	sadd.s32 @!p4 $0x9CB0, s13;
	s13 =	simm.s32 @!p4 $0x180  }
0x162: {  	[tilespmem:s13], [sflag:$0x8] =	stream.linear.gather @!p4 [hbm4b:s3+s2], $0x80, $0x38;
	[tilespmem:$0x1FE80] =	vst v63  }
0x163: {  	s2 =	simm.s32 @!p2 $0xD  }
0x164: {  	_ =	swait.ge @!p2 [sflag:s2], $0x4000  }
0x165: {  	[sflag:s2] =	ssyncset.done @!p2 $0x0  }
0x166: {  	s3 =	simm.s32 @!p2 $0x380;
	[sflag:s2] =	ssyncadd.s32 @!p2 $0xFFFFC000;
	s2 =	simm.s32 @!p1 $0x12  }
0x167: {  	[spmem:s9] =	stream.indirect.scatter.add.f32 @!p2 [tilespmem:s16], [sflag:$0x10], $0x80, s3, s1, $0xb8;
	[tilespmem:$0x1FE80] =	vst v63  }
0x168: {  	_ =	swait.ge @!p1 [sflag:s2], $0x4000  }
0x169: {  	[sflag:s2] =	ssyncset.done @!p1 $0x0  }
0x16a: {  	s1 =	simm.s32 @!p0 $0x6;
	[sflag:s2] =	ssyncadd.s32 @!p1 $0xFFFFC000  }
0x16b: {  	_ =	swait.ge @!p0 [sflag:s1], $0x80  }
0x16c: {  	[sflag:s1] =	ssyncset.done @!p0 $0x0  }
0x16d: {  	s2 =	simm.s32 @!p0 $0xC;
	[sflag:s1] =	ssyncadd.s32 @!p0 $0xFFFFFF80  }
0x16e: {  	_ =	swait.ge @!p0 [sflag:s2], $0x80  }
0x16f: {  	s3 =	simm.s32 @!p0 $0x80;
	p1 =	sge.u32 s11, s5;
	[sflag:s2] =	ssyncset.done @!p0 $0x0  }
0x170: {  	s11 =	sadd.s32 @!p1 s8, s10;
	s1 =	simm.s32 @!p0 $0x8600;
	[sflag:s2] =	ssyncadd.s32 @!p0 $0xFFFFFF80  }
0x171: {  	[tilespmem:s1], [sflag:$0xF] =	stream.indirect.gather @!p0 [hbm4b:s17+s3], $0x80, s0, s3, $0xb8;
	[tilespmem:$0x1FE80] =	vst v63  }
0x172: {  	s13 =	sadd.s32 @!p1 $0x80, s11;
	s2 =	simm.s32 @!p1 $0x0;
	s0 =	simm.s32 @!p1 $0x200  }
0x173: {  	[tilespmem:s0], [sflag:$0x3] =	stream.linear.gather @!p1 [hbm4b:s13+s2], $0x80, $0x38;
	[tilespmem:$0x1FE80] =	vst v63  }
0x174: {  	s0 =	sadd.s32 @!p1 $0x9CC0, s11;
	s11 =	simm.s32 @!p1 $0x280  }
0x175: {  	[tilespmem:s11], [sflag:$0x9] =	stream.linear.gather @!p1 [hbm4b:s0+s2], $0x80, $0x38;
	[tilespmem:$0x1FE80] =	vst v63  }
0x176: {  	s0 =	simm.s32 @!p5 $0xE  }
0x177: {  	_ =	swait.ge @!p5 [sflag:s0], $0x4000  }
0x178: {  	[sflag:s0] =	ssyncset.done @!p5 $0x0  }
0x179: {  	[sflag:s0] =	ssyncadd.s32 @!p5 $0xFFFFC000;
	s0 =	simm.s32 @!p5 $0x480  }
0x17a: {  	[spmem:s9] =	stream.indirect.scatter.add.f32 @!p5 [tilespmem:s4], [sflag:$0x11], $0x80, s0, s7, $0xb8;
	[tilespmem:$0x1FE80] =	vst v63  }
0x17b: {  	s0 =	simm.s32 @!p2 $0x10  }
0x17c: {  	_ =	swait.ge @!p2 [sflag:s0], $0x4000  }
0x17d: {  	[sflag:s0] =	ssyncset.done @!p2 $0x0  }
0x17e: {  	[sflag:s0] =	ssyncadd.s32 @!p2 $0xFFFFC000;
	s0 =	simm.s32 @!p3 $0x1  }
0x17f: {  	_ =	swait.ge @!p3 [sflag:s0], $0x80  }
0x180: {  	[sflag:s0] =	ssyncset.done @!p3 $0x0  }
0x181: {  	[sflag:s0] =	ssyncadd.s32 @!p3 $0xFFFFFF80;
	s0 =	simm.s32 @!p3 $0x7  }
0x182: {  	_ =	swait.ge @!p3 [sflag:s0], $0x80  }
0x183: {  	p1 =	sge.u32 s22, s5;
	[sflag:s0] =	ssyncset.done @!p3 $0x0  }
0x184: {  	s2 =	simm.s32 @!p3 $0x600;
	[sflag:s0] =	ssyncadd.s32 @!p3 $0xFFFFFF80;
	s0 =	sadd.s32 @!p1 s8, s10  }
0x185: {  	[tilespmem:s2], [sflag:$0xD] =	stream.indirect.gather @!p3 [hbm4b:s17+s15], $0x80, s14, s15, $0xb8;
	[tilespmem:$0x1FE80] =	vst v63  }
0x186: {  	s4 =	simm.s32 @!p1 $0x300;
	s7 =	simm.s32 @!p1 $0x0;
	s2 =	sadd.s32 @!p1 $0x90, s0  }
0x187: {  	[tilespmem:s4], [sflag:$0x4] =	stream.linear.gather @!p1 [hbm4b:s2+s7], $0x80, $0x38;
	[tilespmem:$0x1FE80] =	vst v63  }
0x188: {  	s0 =	sadd.s32 @!p1 $0x9CD0, s0;
	s2 =	simm.s32 @!p1 $0x380  }
0x189: {  	[tilespmem:s2], [sflag:$0xA] =	stream.linear.gather @!p1 [hbm4b:s0+s7], $0x80, $0x38;
	[tilespmem:$0x1FE80] =	vst v63  }
0x18a: {  	s0 =	simm.s32 @!p0 $0xF  }
0x18b: {  	_ =	swait.ge @!p0 [sflag:s0], $0x4000  }
0x18c: {  	[sflag:s0] =	ssyncset.done @!p0 $0x0  }
0x18d: {  	[sflag:s0] =	ssyncadd.s32 @!p0 $0xFFFFC000;
	s0 =	simm.s32 @!p5 $0x11  }
0x18e: {  	[spmem:s9] =	stream.indirect.scatter.add.f32 @!p0 [tilespmem:s1], [sflag:$0x12], $0x80, s6, s3, $0xb8;
	[tilespmem:$0x1FE80] =	vst v63  }
0x18f: {  	_ =	swait.ge @!p5 [sflag:s0], $0x4000  }
0x190: {  	[sflag:s0] =	ssyncset.done @!p5 $0x0  }
0x191: {  	[sflag:s0] =	ssyncadd.s32 @!p5 $0xFFFFC000;
	s0 =	simm.s32 @!p4 $0x2  }
0x192: {  	_ =	swait.ge @!p4 [sflag:s0], $0x80  }
0x193: {  	[sflag:s0] =	ssyncset.done @!p4 $0x0  }
0x194: {  	[sflag:s0] =	ssyncadd.s32 @!p4 $0xFFFFFF80;
	s0 =	simm.s32 @!p4 $0x8  }
0x195: {  	_ =	swait.ge @!p4 [sflag:s0], $0x80  }
0x196: {  	p0 =	sge.u32 s20, s5;
	s1 =	simm.s32 @!p4 $0x80;
	[sflag:s0] =	ssyncset.done @!p4 $0x0  }
0x197: {  	s2 =	sadd.s32 @!p0 s8, s10;
	[sflag:s0] =	ssyncadd.s32 @!p4 $0xFFFFFF80;
	s0 =	simm.s32 @!p4 $0x4600  }
0x198: {  	[tilespmem:s0], [sflag:$0xE] =	stream.indirect.gather @!p4 [hbm4b:s17+s1], $0x80, s12, s1, $0xb8;
	[tilespmem:$0x1FE80] =	vst v63  }
0x199: {  	s3 =	simm.s32 @!p0 $0x0;
	s0 =	sadd.s32 @!p0 $0xA0, s2;
	s1 =	simm.s32 @!p0 $0x400  }
0x19a: {  	[tilespmem:s1], [sflag:$0x5] =	stream.linear.gather @!p0 [hbm4b:s0+s3], $0x80, $0x38;
	[tilespmem:$0x1FE80] =	vst v63  }
0x19b: {  	s0 =	sadd.s32 @!p0 $0x9CE0, s2;
	s1 =	simm.s32 @!p0 $0x480  }
0x19c: {  	[tilespmem:s1], [sflag:$0xB] =	stream.linear.gather @!p0 [hbm4b:s0+s3], $0x80, $0x38;
	[tilespmem:$0x1FE80] =	vst v63  }
0x19d: {  	[bflag:$0x0] =	sbarrier.arrive $0xFFFF  }
0x19e: {  	s29 =	sld [smem:$0x7FD];
	_ =	sdelay $0x2  }
0x19f: {  	s1 =	rddreg [dreg:$0x16];
	p1 =	seq.s32 s29, $0x1  }
0x1a0: {  	s2 =	rddreg [dreg:$0x19];
	s0 =	simm.s32 @p1 $0x1FD3  }
0x1a1: {  	[hbm:s1], [sflag:s0] =	dma.local @p1 [spmem:s2], $0x2080  }
0x1a2: {  	s0 =	simm.s32 @p1 $0x13  }
0x1a3: {  	_ =	swait.ge @p1 [sflag:s0], $0x2080  }
0x1a4: {  	s1 =	rddreg [dreg:$0x1a]  }
0x1a5: {  	[sflag:s0] =	ssyncset.done @p1 $0x0;
	s2 =	rddreg [dreg:$0x1b]  }
0x1a6: {  	[sflag:s0] =	ssyncadd.s32 @p1 $0xFFFFDF80;
	s0 =	rddreg [dreg:$0x15]  }
0x1a7: {  	[hbm:s0], [sflag:s1] =	dma.local @!p1 [spmem:s2], $0x2780  }
0x1a8: {  	s0 =	simm.s32 @!p1 $0x13  }
0x1a9: {  	_ =	swait.ge @!p1 [sflag:s0], $0x2780  }
0x1aa: {  	s30 =	rddreg [dreg:$0x18]  }
0x1ab: {  	s31 =	rddreg [dreg:$0x17];
	s2 =	sadd.s32 $0x1, s30  }
0x1ac: {  	p0 =	sne.s32 s2, s31  }
.Ltmp1:
0x1ad: {  	_ = 	snop;
	(pc) =	sbr.rel @p0 .LBB2_1-.Ltmp1, $3  }
0x1ae: {  	_ =	sdelay $0x1  }
0x1af: {  	[sflag:s0] =	ssyncset.done @!p1 $0x0  }
0x1b0: {  	[sflag:s0] =	ssyncadd.s32 @!p1 $0xFFFFD880  }
0x1b1: {  	_ =	sfence.sel $0x180000  }
0x1b2: {  	[bflag:$0x0] =	sbarrier.arrive $0xFFFF  }
0x1b3: {  	_ =	strace $0x9000004D  }
0x1b4: {  	s0 =	stileid.u32;
	[bflag:$0x2] =	sbarrier.arrive $0xFFFF  }
0x1b5: {  	p0 =	sne.s32 s0, $0x0;
	s0 =	rddreg [dreg:$0x2]  }
0x1b6: {  	s0 =	sadd.s32 @!p0 $0x100000, s0  }
0x1b7: {  	[sflag:s0] =	ssyncadd.tile.s32 @!p0 $0x1;
	_ =	shalt  }
.Lfunc_end2:
_tile_overlayer_lowered:
.L_overlay_start_2:
0x1b8: {  	(tag) =	ssettag $0x2  }
0x1b9: {  	s0 =	rddreg [dreg:$0x0];
	s2 =	stileid.u32  }
0x1ba: {  	s1 =	rddreg [dreg:$0x1];
	p0 =	sne.s32 s2, $0x0  }
0x1bb: {  	s3 =	rddreg [dreg:$0x2];
	[bflag:$0x3] =	sbarrier.arrive $0xFFFF;
	s2 =	simm.s32 @!p0 $0x1C13  }
0x1bc: {  	[timem:s3], [sflag:s2] =	dma.local @!p0 [hbm:s0], s1  }
0x1bd: {  	s0 =	simm.s32 @!p0 $0x13  }
0x1be: {  	_ =	swait.ge @!p0 [sflag:s0], s1  }
0x1bf: {  	s1 =	ssub.s32 @!p0 $0x0, s1;
	[sflag:s0] =	ssyncset.done @!p0 $0x0  }
0x1c0: {  	[sflag:s0] =	ssyncadd.s32 @!p0 s1  }
0x1c1: {  	[bflag:$0x3] =	sbarrier.arrive $0xFFFF  }
0x1c2: {  	_ =	shalt  }

// kernel: kernel.8.cloned.1.call-start
scs
__scs_entry_jumppad:
0x0: {  	(pc) =	sbr.rel $0x88, $3  }
0x1: {  	(tag) =	ssettag $0x0;
	lr =	simm.s32 $0x1  }
0x2: {  	[smem:$0x3F93] =	sst lr;
	_ =	strace $0xD0000000  }
0x3: {  	_ = 	snop  }
0x4: {  	_ = 	snop  }
0x5: {  	_ = 	snop  }
0x6: {  	_ = 	snop  }
0x7: {  	_ = 	snop  }
__scs_overlays_trampoline_lowered:
0x8: {  	[smem:$0x3FA2] =	sst s0  }
0x9: {  	[smem:$0x3FA3] =	sst s1  }
0xa: {  	[smem:$0x3FA4] =	sst s2  }
0xb: {  	[smem:$0x3FA5] =	sst s3  }
0xc: {  	[smem:$0x3FA6] =	sst s4  }
0xd: {  	[smem:$0x3FA7] =	sst s5  }
0xe: {  	[smem:$0x3FA8] =	sst s6  }
0xf: {  	[smem:$0x3FA9] =	sst s7  }
0x10: {  	[smem:$0x3FAA] =	sst s8  }
0x11: {  	[smem:$0x3FAB] =	sst s9;
	s0 =	simm.s32 @!p0 $0x0  }
0x12: {  	s1 =	sld [smem:$0x3F91];
	s0 =	simm.s32 @p0 $0x1  }
0x13: {  	[smem:$0x3FAC] =	sst s0;
	s0 =	simm.s32 @!p1 $0x0  }
0x14: {  	s2 =	sld [smem:$0x3F90];
	s0 =	simm.s32 @p1 $0x1  }
0x15: {  	[smem:$0x3FAD] =	sst s0;
	s0 =	simm.s32 @!p2 $0x0  }
0x16: {  	s3 =	sld [smem:$0x3FDB];
	s0 =	simm.s32 @p2 $0x1  }
0x17: {  	s4 =	simm.s32 $0x1BF5;
	[smem:$0x3FAF] =	sst s0  }
0x18: {  	s0 =	sld [smem:$0x3F92];
	_ =	swait.ge [sflag:s4], $0x0  }
0x19: {  	s7 =	sld [smem:$0x3F93]  }
0x1a: {  	s8 =	sadd.s32 $0xFFFFE003, lr  }
0x1b: {  	s9 =	sadd.s32 $0xFFFFFEF7, lr;
	s5 =	simm.s32 $0xFFFFFFFF;
	p2 =	slt.u32 s8, $0xFFFFF086  }
0x1c: {  	p1 =	slt.u32 s9, $0xF7A;
	s5 =	simm.s32 @!p2 $0x0  }
0x1d: {  	s5 =	simm.s32 @p1 $0x1;
	p0 =	seq.s32 s7, s2  }
0x1e: {  	s7 =	smul.u32 @!p0 $0xF7A, s2;
	p2 =	seq.s32 @!p0 s5, $0x0  }
0x1f: {  	s9 =	smul.u32 $0xF7A, s1;
	s8 =	simm.s32 @!p0 $0x1BF5;
	p2 =	por !p2, p0  }
0x20: {  	[sflag:s8] =	ssyncset.s32 @!p0 $0xFFFFF086;
	s6 =	sadd.s32 @!p0 s3, s7;
	s7 =	simm.s32 @!p0 $0x108  }
0x21: {  	s3 =	sadd.s32 s3, s9;
	s6 =	sadd.s32 @!p0 $0x88, s6;
	s7 =	simm.s32 @p2 $0x1082  }
0x22: {  	[simem:s7], [sflag:s8] =	dma.local @!p0 [hbm:s6], $0xF7A  }
0x23: {  	s9 =	sor.u32 $0xD0000000, s2;
	s6 =	simm.s32 $0x108;
	_ =	swait.ge @!p0 [sflag:s8], $0x0  }
0x24: {  	s3 =	sadd.s32 $0x88, s3;
	s6 =	simm.s32 @!p1 $0x1082;
	[sflag:s4] =	ssyncset.s32 $0xFFFFF086  }
0x25: {  	[simem:s6], [sflag:s4] =	dma.local [hbm:s3], $0xF7A  }
0x26: {  	[smem:$0x3F93] =	sst s1;
	(tag) =	ssettag s2;
	_ =	strace s9  }
0x27: {  	s1 =	sld [smem:$0x3FA3]  }
0x28: {  	s2 =	sld [smem:$0x3FA4]  }
0x29: {  	s4 =	sld [smem:$0x3FA6]  }
0x2a: {  	p0 =	seq.s32 s5, $0x0;
	s5 =	sld [smem:$0x3FA7]  }
0x2b: {  	s6 =	sld [smem:$0x3FA8]  }
0x2c: {  	s7 =	sld [smem:$0x3FA9]  }
0x2d: {  	s3 =	simm.s32 $0x108;
	s8 =	sld [smem:$0x3FAA]  }
0x2e: {  	s3 =	simm.s32 @!p0 $0x1082;
	s9 =	sld [smem:$0x3FAB]  }
0x2f: {  	lr =	sadd.s32 s0, s3;
	s0 =	sld [smem:$0x3FA2]  }
0x30: {  	s3 =	sld [smem:$0x3FA5]  }
0x31: {  	[smem:$0x3FAE] =	sst s10  }
0x32: {  	s10 =	sld [smem:$0x3FAC];
	_ =	sdelay $0x3  }
0x33: {  	p0 =	seq.s32 s10, $0x1;
	s10 =	sld [smem:$0x3FAE];
	_ =	sdelay $0x3  }
0x34: {  	[smem:$0x3FAE] =	sst s10  }
0x35: {  	s10 =	sld [smem:$0x3FAD];
	_ =	sdelay $0x3  }
0x36: {  	p1 =	seq.s32 s10, $0x1;
	s10 =	sld [smem:$0x3FAE];
	_ =	sdelay $0x3  }
0x37: {  	[smem:$0x3FAE] =	sst s10  }
0x38: {  	s10 =	sld [smem:$0x3FAF]  }
0x39: {  	_ = 	snop;
	(pc) =	sbr.ind lr, $3  }
0x3a: {  	_ = 	snop  }
0x3b: {  	_ = 	snop  }
0x3c: {  	p2 =	seq.s32 s10, $0x1;
	s10 =	sld [smem:$0x3FAE]  }
0x3d: {  	_ =	shalt  }
0x3e: {  	_ =	shalt  }
0x3f: {  	_ =	shalt  }
0x40: {  	_ =	shalt  }
0x41: {  	_ =	shalt  }
0x42: {  	_ =	shalt  }
0x43: {  	_ =	shalt  }
0x44: {  	_ =	shalt  }
0x45: {  	_ =	shalt  }
0x46: {  	_ =	shalt  }
0x47: {  	_ =	shalt  }
0x48: {  	_ =	shalt  }
0x49: {  	_ =	shalt  }
0x4a: {  	_ =	shalt  }
0x4b: {  	_ =	shalt  }
0x4c: {  	_ =	shalt  }
0x4d: {  	_ =	shalt  }
0x4e: {  	_ =	shalt  }
0x4f: {  	_ =	shalt  }
0x50: {  	_ =	shalt  }
0x51: {  	_ =	shalt  }
0x52: {  	_ =	shalt  }
0x53: {  	_ =	shalt  }
0x54: {  	_ =	shalt  }
0x55: {  	_ =	shalt  }
0x56: {  	_ =	shalt  }
0x57: {  	_ =	shalt  }
0x58: {  	_ =	shalt  }
0x59: {  	_ =	shalt  }
0x5a: {  	_ =	shalt  }
0x5b: {  	_ =	shalt  }
0x5c: {  	_ =	shalt  }
0x5d: {  	_ =	shalt  }
0x5e: {  	_ =	shalt  }
0x5f: {  	_ =	shalt  }
0x60: {  	_ =	shalt  }
0x61: {  	_ =	shalt  }
0x62: {  	_ =	shalt  }
0x63: {  	_ =	shalt  }
0x64: {  	_ =	shalt  }
0x65: {  	_ =	shalt  }
0x66: {  	_ =	shalt  }
0x67: {  	_ =	shalt  }
0x68: {  	_ =	shalt  }
0x69: {  	_ =	shalt  }
0x6a: {  	_ =	shalt  }
0x6b: {  	_ =	shalt  }
0x6c: {  	_ =	shalt  }
0x6d: {  	_ =	shalt  }
0x6e: {  	_ =	shalt  }
0x6f: {  	_ =	shalt  }
0x70: {  	_ =	shalt  }
0x71: {  	_ =	shalt  }
0x72: {  	_ =	shalt  }
0x73: {  	_ =	shalt  }
0x74: {  	_ =	shalt  }
0x75: {  	_ =	shalt  }
0x76: {  	_ =	shalt  }
0x77: {  	_ =	shalt  }
0x78: {  	_ =	shalt  }
0x79: {  	_ =	shalt  }
0x7a: {  	_ =	shalt  }
0x7b: {  	_ =	shalt  }
0x7c: {  	_ =	shalt  }
0x7d: {  	_ =	shalt  }
0x7e: {  	_ =	shalt  }
0x7f: {  	_ =	shalt  }
0x80: {  	_ =	shalt  }
0x81: {  	_ =	shalt  }
0x82: {  	_ =	shalt  }
0x83: {  	_ =	shalt  }
0x84: {  	_ =	shalt  }
0x85: {  	_ =	shalt  }
0x86: {  	_ =	shalt  }
0x87: {  	_ =	shalt  }
.Lfunc_end0:
.L_simem_size_0:
called_computation_lowered:
.L_overlay_start_0:
0x88: {  	s2 =	sld [smem:$0x3FD9]  }
0x89: {  	s3 =	sld [smem:$0x3FFE];
	_ =	sdelay $0x1  }
0x8a: {  	s1 =	srdreg.scid  }
0x8b: {  	s0 =	sand.u32 $0x1, s1  }
0x8c: {  	s17 =	sshll.u32 s0, $0xA;
	s2 =	sadd.s32 s3, s2  }
0x8d: {  	s2 =	sadd.s32 s2, s17  }
0x8e: {  	[smem:$0x3FBA] =	sst s2  }
0x8f: {  	_ = 	snop  }
0x90: {  	s2 =	sld [smem:$0x3FD0];
	(tm) =	ssettm $0x1  }
0x91: {  	s18 =	sld [smem:$0x3FFB];
	_ =	sdelay $0x3  }
0x92: {  	_ =	strace s18  }
0x93: {  	s3 =	sld [smem:$0x3FFC];
	_ =	sdelay $0x3  }
0x94: {  	_ =	strace s3  }
0x95: {  	s3 =	sld [smem:$0x3FFD];
	_ =	sdelay $0x3  }
0x96: {  	_ =	strace s3  }
0x97: {  	_ =	strace $0x8FFFFFFF  }
0x98: {  	s19 =	sld [smem:$0x3FDB];
	_ =	sdelay $0x1  }
0x99: {  	s4 =	simm.s32 $_scs_section_size  }
0x9a: {  	s5 =	simm.s32 $_size__tile_overlayer_lowered;
	s6 =	simm.s32 $_tile_overlayer_lowered  }
0x9b: {  	s22 =	simm.s32 $0x1BFF;
	s21 =	sshll.u32 s6, $0x1;
	s3 =	sadd.s32 s4, s19  }
0x9c: {  	s7 =	simm.s32 $0x0;
	s20 =	sshll.u32 s5, $0x1;
	s5 =	sadd.s32 s21, s3  }
0x9d: {  	[timem:s7], [sflag:s22] =	dma.local [hbm:s5], s20  }
0x9e: {  	_ =	swait.ge [sflag:s22], s20  }
0x9f: {  	s4 =	ssub.s32 $0x0, s20;
	[sflag:s22] =	ssyncset.done $0x0  }
0xa0: {  	[sflag:s22] =	ssyncadd.s32 s4;
	_ =	sdelay $0x1  }
0xa1: {  	s23 =	simm.s32 $0x1B8B  }
0xa2: {  	_ =	swait.ge [sflag:s23], $0x1  }
0xa3: {  	[sflag:s23] =	ssyncset.done $0x0  }
0xa4: {  	s25 =	simm.s32 $0x1B8E;
	s24 =	sld [smem:$0x3FFE];
	[sflag:s23] =	ssyncadd.s32 $0xFFFFFFFF  }
0xa5: {  	s26 =	simm.s32 $execute0_lowered;
	[smem:$0x3FD2] =	sst s25  }
0xa6: {  	s5 =	sshll.u32 s26, $0x1;
	_ =	strace $0x80000046;
	[dreg:$0x1] =	wrdreg $0xFFFFFFFF  }
0xa7: {  	s28 =	simm.s32 $_size_execute0_lowered;
	s3 =	sadd.s32 s3, s5;
	[dreg:$0x0] =	wrdreg $0x0  }
0xa8: {  	s5 =	sshll.u32 s28, $0x1;
	[dreg:$0x2] =	wrdreg s3  }
0xa9: {  	[dreg:$0x3] =	wrdreg s5  }
0xaa: {  	[dreg:$0x4] =	wrdreg $0xC0  }
0xab: {  	_ =	task [dreg:s7], $0x5FFFF  }
0xac: {  	[dreg:$0x1] =	wrdreg $0xFFFFFFFF  }
0xad: {  	[dreg:$0x0] =	wrdreg $0x60  }
0xae: {  	[dreg:$0x2] =	wrdreg s24  }
0xaf: {  	[dreg:$0x3] =	wrdreg s2  }
0xb0: {  	[dreg:$0x4] =	wrdreg $0x2F800  }
0xb1: {  	[dreg:$0x5] =	wrdreg $0x9  }
0xb2: {  	_ =	task.clear_ibuf [dreg:s7], $0x6FFFF;
	_ =	strace $0x90000046  }
0xb3: {  	s29 =	simm.s32 $0x9;
	_ =	strace $0x80000048  }
0xb4: {  	_ =	swait.ge [sflag:s29], $0x1  }
0xb5: {  	[sflag:s29] =	ssyncadd.s32 $0xFFFFFFFF  }
0xb6: {  	_ =	strace $0x90000048  }
0xb7: {  	_ =	sfence  }
0xb8: {  	s30 =	sld [smem:$0x0];
	_ =	sdelay $0x2  }
0xb9: {  	s31 =	sshll.u32 s1, $0xD;
	s1 =	sshrl.u32 s1, $0x2  }
0xba: {  	s3 =	sand.u32 $0x4000, s31;
	s1 =	sadd.s32 s1, s30  }
0xbb: {  	s0 =	sor.u32 s3, s0;
	s1 =	sshll.u32 s1, $0x11  }
0xbc: {  	s0 =	sor.u32 s1, s0  }
0xbd: {  	s0 =	sadd.s32 $0x8F2B, s0  }
0xbe: {  	[sflag:s0] =	ssyncadd.remote.s32 $0x1  }
0xbf: {  	_ =	sfence.sel $0xFFFF  }
0xc0: {  	[dreg:$0x0] =	wrdreg $0xFFFFFFFF;
	(pc) =	sbr.abs _section_cstart, $3  }
0xc1: {  	[dreg:$0x1] =	wrdreg $0xFFFFFFFF  }
0xc2: {  	_ =	task.clear_ibuf [dreg:s7], $0x2FFFF;
	_ =	strace $0x9FFFFFFF  }
0xc3: {  	(tm) =	ssettm $0x7FFFFFFF  }
tec
execute0_lowered:
.L_overlay_start_1:
0x0: {  	(tag) =	ssettag $0x1  }
0x1: {  	s8 =	rddreg [dreg:$0x0]  }
0x2: {  	s10 =	rddreg [dreg:$0x1]  }
0x3: {  	s2 =	rddreg [dreg:$0x2]  }
0x4: {  	s0 =	rddreg [dreg:$0x3];
	s3 =	simm.s32 $0x0;
	s1 =	stileid.u32  }
0x5: {  	s4 =	srdreg.scid;
	s16 =	simm.s32 $0x2780;
	s17 =	simm.s32 $0x0  }
0x6: {  	[smem:$0x7FF] =	sst s3;
	s9 =	smul.u32 $0x2780, s1;
	s6 =	sand.u32 $0x1, s4  }
0x7: {  	p0 =	seq.s32 s1, $0xF;
	_ =	strace $0x80000047;
	s4 =	sshll.u32 s6, $0x4  }
0x8: {  	s7 =	ssub.s32 $0x2, s6;
	s30 =	smul.u32 $0x27100, s6;
	s5 =	sshrl.u32 s9, $0x3  }
0x9: {  	s11 =	sor.u32 s1, s4;
	s28 =	sshrl.u32 s7, $0x1;
	s4 =	sadd.s32 $0x1C400, s8  }
0xa: {  	s15 =	sadd.s32 s9, s2;
	s12 =	sadd.s32 s5, s8;
	s13 =	smul.u32 $0xFFFFFFB1, s11  }
0xb: {  	s14 =	ssub.s32 s7, s28;
	s29 =	smul.u32 $0x2780, s11;
	s7 =	sadd.s32 $0x1BE10, s8  }
0xc: {  	s9 =	sadd.s32 s9, s30;
	s11 =	sshrl.u32 s30, $0x3;
	s6 =	sadd.s32 $0x17400, s12  }
0xd: {  	s12 =	sadd.s32 $0x25080, s2;
	s9 =	sshrl.u32 s9, $0x3;
	s5 =	sadd.s32 $0x9C4, s13  }
0xe: {  	s31 =	sshrl.u32 s29, $0x3;
	s9 =	sadd.s32 s10, s9;
	s10 =	sadd.s32 s10, s11  }
0xf: {  	s11 =	smax.u32 s14, $0x1;
	s13 =	sshll.u32 @!p0 s1, $0x6;
	s12 =	sshrl.u32 @p0 s12, $0x3  }
0x10: {  	s14 =	sshrl.u32 @!p0 s15, $0x3;
	s15 =	simm.s32 $0x2;
	s8 =	sadd.s32 s8, s31  }
0x11: {  	s10 =	sadd.s32 $0x4A10, s10;
	s13 =	sor.u32 @!p0 $0x1C02, s13;
	s8 =	sadd.s32 $0xD600, s8  }
.LBB2_1:
0x12: {  	s18 =	simm.s32 @p0 $0x1FC2  }
0x13: {  	[spmem:s12], [sflag:s18] =	dma.local @p0 [hbm:s7], $0x410  }
0x14: {  	s18 =	simm.s32 @p0 $0x2  }
0x15: {  	_ =	swait.ge @p0 [sflag:s18], $0x410  }
0x16: {  	[sflag:s18] =	ssyncset.done @p0 $0x0  }
0x17: {  	[sflag:s18] =	ssyncadd.s32 @p0 $0xFFFFFBF0;
	s18 =	simm.s32 @!p0 $0x2  }
0x18: {  	[spmem:s14], [sflag:s13] =	dma.local @!p0 [hbm:s6], $0x4F0  }
0x19: {  	_ =	swait.ge @!p0 [sflag:s18], $0x4F0  }
0x1a: {  	[sflag:s18] =	ssyncset.done @!p0 $0x0  }
0x1b: {  	[sflag:s18] =	ssyncadd.s32 @!p0 $0xFFFFFB10  }
0x1c: {  	[tilespmem:s3], [sflag:$0x2] =	stream.linear.gather [hbm4b:s8+s3], $0x2780, $0x38;
	[tilespmem:$0x5690] =	vst v63  }
0x1d: {  	_ =	swait.ge [sflag:s15], $0x2780  }
0x1e: {  	[sflag:s15] =	ssyncset.done $0x0  }
0x1f: {  	[sflag:s15] =	ssyncadd.s32 $0xFFFFD880  }
0x20: {  	[tilespmem:s16], [sflag:$0x2] =	stream.linear.gather [hbm4b:s4+s3], $0x800, $0x38;
	[tilespmem:$0x5690] =	vst v63  }
0x21: {  	_ =	swait.ge [sflag:s15], $0x800  }
0x22: {  	[sflag:s15] =	ssyncset.done $0x0  }
0x23: {  	[sflag:s15] =	ssyncadd.s32 $0xFFFFF800  }
0x24: {  	s19 =	simm.s32 $0x0;
	s18 =	simm.s32 $0x0;
	[bflag:$0x0] =	sbarrier.arrive $0xFFFF  }
.LBB2_2:
0x25: {  	p1 =	sle.u32 s5, s19  }
0x26: {  	s19 =	sadd.s32 $0x1, s19;
	s20 =	simm.s32 @!p1 $0x80;
	s21 =	simm.s32 @!p1 $0x2780  }
0x27: {  	[spmem:s2] =	stream.indirect.scatter.add.f32 @!p1 [tilespmem:s21], [sflag:$0x1], $0x10, s18, s20, $0xb8;
	[tilespmem:$0x5690] =	vst v63  }
0x28: {  	p1 =	sne.s32 s19, $0x4F  }
.Ltmp0:
0x29: {  	_ = 	snop;
	(pc) =	sbr.rel @p1 .LBB2_2-.Ltmp0, $2  }
0x2a: {  	_ =	sdelay $0x2  }
0x2b: {  	s18 =	sadd.s32 $0x80, s18  }
0x2c: {  	p1 =	sle.u32 s5, $0x0  }
0x2d: {  	s19 =	simm.s32 @!p1 $0x1  }
0x2e: {  	_ =	swait.ge @!p1 [sflag:s19], $0x800  }
0x2f: {  	s18 =	simm.s32 $0x1;
	[sflag:s19] =	ssyncset.done @!p1 $0x0  }
.LBB2_4:
0x30: {  	[sflag:s19] =	ssyncadd.s32 @!p1 $0xFFFFF800;
	s19 =	smov.u32 s18;
	s18 =	sadd.s32 $0x1, s18  }
0x31: {  	p2 =	sne.s32 s18, $0x4F  }
.Ltmp1:
0x32: {  	(pc) =	sbr.rel @p2 .LBB2_4-.Ltmp1, $4  }
0x33: {  	p1 =	sle.u32 s5, s19  }
0x34: {  	s19 =	simm.s32 @!p1 $0x1  }
0x35: {  	_ =	swait.ge @!p1 [sflag:s19], $0x800  }
0x36: {  	[sflag:s19] =	ssyncset.done @!p1 $0x0  }
0x37: {  	[sflag:s19] =	ssyncadd.s32 @!p1 $0xFFFFF800  }
0x38: {  	s18 =	simm.s32 @p0 $0x1FC2;
	[bflag:$0x0] =	sbarrier.arrive $0xFFFF  }
0x39: {  	[hbm:s10], [sflag:s18] =	dma.local @p0 [spmem:s12], $0x410  }
0x3a: {  	s18 =	simm.s32 @p0 $0x2  }
0x3b: {  	s17 =	sadd.s32 $0x1, s17;
	_ =	swait.ge @p0 [sflag:s18], $0x410  }
0x3c: {  	p1 =	sne.s32 s17, s11;
	[sflag:s18] =	ssyncset.done @p0 $0x0  }
.Ltmp2:
0x3d: {  	[sflag:s18] =	ssyncadd.s32 @p0 $0xFFFFFBF0;
	s18 =	simm.s32 @!p0 $0x2;
	(pc) =	sbr.rel @p1 .LBB2_1-.Ltmp2, $4  }
0x3e: {  	[hbm:s9], [sflag:s13] =	dma.local @!p0 [spmem:s14], $0x4F0  }
0x3f: {  	_ =	swait.ge @!p0 [sflag:s18], $0x4F0  }
0x40: {  	[sflag:s18] =	ssyncset.done @!p0 $0x0  }
0x41: {  	[sflag:s18] =	ssyncadd.s32 @!p0 $0xFFFFFB10  }
0x42: {  	_ =	sfence.sel $0x180000  }
0x43: {  	[bflag:$0x0] =	sbarrier.arrive $0xFFFF  }
0x44: {  	p0 =	sne.s32 s1, $0x0;
	_ =	strace $0x90000047  }
0x45: {  	s0 =	sadd.s32 @!p0 $0x100000, s0;
	[bflag:$0x2] =	sbarrier.arrive $0xFFFF  }
0x46: {  	[sflag:s0] =	ssyncadd.tile.s32 @!p0 $0x1;
	_ =	shalt  }
.Lfunc_end2:
_tile_overlayer_lowered:
.L_overlay_start_2:
0x47: {  	(tag) =	ssettag $0x2  }
0x48: {  	s0 =	rddreg [dreg:$0x0];
	s2 =	stileid.u32  }
0x49: {  	s1 =	rddreg [dreg:$0x1];
	p0 =	sne.s32 s2, $0x0  }
0x4a: {  	s3 =	rddreg [dreg:$0x2];
	[bflag:$0x3] =	sbarrier.arrive $0xFFFF;
	s2 =	simm.s32 @!p0 $0x1C02  }
0x4b: {  	[timem:s3], [sflag:s2] =	dma.local @!p0 [hbm:s0], s1  }
0x4c: {  	s0 =	simm.s32 @!p0 $0x2  }
0x4d: {  	_ =	swait.ge @!p0 [sflag:s0], s1  }
0x4e: {  	s1 =	ssub.s32 @!p0 $0x0, s1;
	[sflag:s0] =	ssyncset.done @!p0 $0x0  }
0x4f: {  	[sflag:s0] =	ssyncadd.s32 @!p0 s1  }
0x50: {  	[bflag:$0x3] =	sbarrier.arrive $0xFFFF  }
0x51: {  	_ =	shalt  }

</sc_bundles>
